<compile_context>
chip_gen: v7x
topology: tpu7x:2x2x1
jax: 0.10.2.dev20260603
libtpu: 0.0.44.dev20260713+nightly
codegen_flags: <defaults>
</compile_context>

<pallas_src>
import jax
import jax.numpy as jnp
from jax import lax
from jax.experimental import pallas as pl
from jax.experimental.pallas import tpu as pltpu
from jax.experimental.pallas import tpu_sc as plsc

B = 16384
DIM = 32
NI = 5
NC = 2
NS = 16
NW = NC * NS
BPW = B // NW
CHUNK = 128
UCH = BPW // CHUNK
ICH = BPW * NI // CHUNK
GROUPS = BPW // 16


def _sc_body(uid_hbm, ids_hbm, utab_hbm, itab_hbm, s_hbm, d0_hbm,
             uidx_v, iidx_v, urows_v, irows_v, s_v, d0_v, sem):
    wid = lax.axis_index("s") * NC + lax.axis_index("c")
    base = wid * BPW

    pltpu.sync_copy(uid_hbm.at[pl.ds(base, BPW)], uidx_v)
    pltpu.sync_copy(ids_hbm.at[pl.ds(base * NI, BPW * NI)], iidx_v)

    copies = []
    for c in range(UCH):
        copies.append(pltpu.async_copy(
            utab_hbm.at[uidx_v.at[pl.ds(c * CHUNK, CHUNK)]],
            urows_v.at[pl.ds(c * CHUNK, CHUNK)], sem))
    for c in range(ICH):
        copies.append(pltpu.async_copy(
            itab_hbm.at[iidx_v.at[pl.ds(c * CHUNK, CHUNK)]],
            irows_v.at[pl.ds(c * CHUNK, CHUNK)], sem))
    for cp in copies:
        cp.wait()

    iota16 = lax.broadcasted_iota(jnp.int32, (16,), 0)
    perms = [jnp.bitwise_xor(iota16, o) for o in (1, 2, 4, 8)]
    masks = [(iota16 & o) == 0 for o in (1, 2, 4, 8)]

    def lane_sums(vregs):
        for st in range(4):
            perm, mask = perms[st], masks[st]
            nxt = []
            for k in range(len(vregs) // 2):
                a, b = vregs[2 * k], vregs[2 * k + 1]
                sa = a + a.at[perm].get(mode="promise_in_bounds")
                sb = b + b.at[perm].get(mode="promise_in_bounds")
                nxt.append(jnp.where(mask, sa, sb))
            vregs = nxt
        return vregs[0]

    def group(g, carry):
        u0 = []
        u1 = []
        for r in range(16):
            row = g * 16 + r
            u0.append(urows_v[row, pl.ds(0, 16)])
            u1.append(urows_v[row, pl.ds(16, 16)])
        dots = []
        for j in range(NI):
            prods = []
            for r in range(16):
                irow = (g * 16 + r) * NI + j
                i0 = irows_v[irow, pl.ds(0, 16)]
                i1 = irows_v[irow, pl.ds(16, 16)]
                prods.append(u0[r] * i0 + u1[r] * i1)
            dots.append(lane_sums(prods))
        ssum = jnp.exp(dots[0])
        for j in range(1, NI):
            ssum = ssum + jnp.exp(dots[j])
        s_v[pl.ds(g * 16, 16)] = ssum
        d0_v[pl.ds(g * 16, 16)] = dots[0]
        return carry

    lax.fori_loop(0, GROUPS, group, 0)

    pltpu.sync_copy(s_v, s_hbm.at[pl.ds(base, BPW)])
    pltpu.sync_copy(d0_v, d0_hbm.at[pl.ds(base, BPW)])


_sc_call = pl.kernel(
    _sc_body,
    mesh=plsc.VectorSubcoreMesh(core_axis_name="c", subcore_axis_name="s"),
    compiler_params=pltpu.CompilerParams(use_tc_tiling_on_sc=False),
    out_type=[
        jax.ShapeDtypeStruct((B,), jnp.float32),
        jax.ShapeDtypeStruct((B,), jnp.float32),
    ],
    scratch_types=[
        pltpu.VMEM((BPW,), jnp.int32),
        pltpu.VMEM((BPW * NI,), jnp.int32),
        pltpu.VMEM((BPW, DIM), jnp.float32),
        pltpu.VMEM((BPW * NI, DIM), jnp.float32),
        pltpu.VMEM((BPW,), jnp.float32),
        pltpu.VMEM((BPW,), jnp.float32),
        pltpu.SemaphoreType.DMA,
    ],
)


def _tc_loss_body(s_ref, d0_ref, out_ref):
    out_ref[0, 0] = (jnp.sum(jnp.log(s_ref[:])) - jnp.sum(d0_ref[:])) / B


_tc_loss = pl.pallas_call(
    _tc_loss_body,
    out_shape=jax.ShapeDtypeStruct((1, 1), jnp.float32),
    out_specs=pl.BlockSpec(memory_space=pltpu.SMEM),
)


def kernel(userid, itemid, user_feature, item_feature, neg_sample,
           user_table, item_table):
    uid = userid.reshape(B).astype(jnp.int32)
    ids = jnp.concatenate(
        [itemid.astype(jnp.int32), neg_sample.astype(jnp.int32)], axis=1
    ).reshape(B * NI)
    s, d0 = _sc_call(uid, ids, user_table, item_table)
    loss = _tc_loss(s.reshape(B // CHUNK, CHUNK), d0.reshape(B // CHUNK, CHUNK))
    return loss[0, 0]

# --- scband reference (transcript-rebuilt; emitter-appended) ---
"""Pipeline reference for scband-dssmmodel-30545807409796 (READ-ONLY COPY).

The authoritative reference and input builder live on the scoring server;
editing this copy changes nothing except your own understanding.
"""

import jax, jax.numpy as jnp
import numpy as np

USER_NUM = 1000000
ITEM_NUM = 1000000
DIM = 32
B = 16384
NEG = 4

def setup_inputs(seed: int = 0) -> dict:
    key = jax.random.key(seed)
    k1, k2, k3, k4, k5, k6, k7 = jax.random.split(key, 7)
    userid = jax.random.randint(k1, (B, 1), 0, USER_NUM, dtype=jnp.int64 if jax.config.jax_enable_x64 else jnp.int32)
    itemid = jax.random.randint(k2, (B, 1), 0, ITEM_NUM, dtype=jnp.int64 if jax.config.jax_enable_x64 else jnp.int32)
    neg_sample = jax.random.randint(k3, (B, NEG), 0, ITEM_NUM, dtype=jnp.int64 if jax.config.jax_enable_x64 else jnp.int32)
    user_feature = jax.random.normal(k4, (B, 16), dtype=jnp.float32)
    item_feature = jax.random.normal(k5, (B, 16), dtype=jnp.float32)
    user_table = jax.random.normal(k6, (USER_NUM, DIM), dtype=jnp.float32) * 0.01
    item_table = jax.random.normal(k7, (ITEM_NUM, DIM), dtype=jnp.float32) * 0.01
    return {"userid": userid, "itemid": itemid, "user_feature": user_feature, "item_feature": item_feature, "neg_sample": neg_sample, "user_table": user_table, "item_table": item_table}

def reference(userid, itemid, user_feature, item_feature, neg_sample, user_table, item_table):
    # DSSMModel.forward with data_type='random' -> RandomNegLoss, loss_fn_type='SS'
    # user_feature/item_feature are carried in the batch dict but unused (no towers defined)
    user_emb = jnp.take(user_table, userid, axis=0)      # [B, 1, d]
    item_emb = jnp.take(item_table, itemid, axis=0)      # [B, 1, d]
    neg_emb = jnp.take(item_table, neg_sample, axis=0)   # [B, NEG, d]
    cat_item_emb = jnp.concatenate([item_emb, neg_emb], axis=1)          # [B, 1+NEG, d]
    dot_product = jnp.matmul(user_emb, jnp.swapaxes(cat_item_emb, 1, 2)) # [B, 1, 1+NEG]
    dot_product = jnp.squeeze(dot_product, axis=1)                        # [B, 1+NEG]
    b = dot_product.shape[0]
    dot_product = jnp.exp(dot_product)
    dot_sum = jnp.sum(dot_product, axis=-1, keepdims=True)
    dot_product = dot_product / dot_sum
    loss = -jnp.sum(jnp.log(dot_product[:, 0]))
    loss = loss / b
    return loss

if False:  # reference __main__ guard neutralized (emitter)
    out = reference(**setup_inputs())
    print(out)

if __name__ == "__main__":
    import jax
    _d = setup_inputs()
    print(jax.jit(kernel)(*tuple(_d.values())))

</pallas_src>

<mosaic_0001>
#map = affine_map<(d0, d1) -> (0)>
#map1 = affine_map<(d0, d1) -> (0, 0)>
module attributes {stable_mosaic.version = 14 : i64} {
  func.func @_sc_body(%arg0: i32, %arg1: i32, %arg2: memref<16384xi32, #tpu.memory_space<hbm>>, %arg3: memref<81920xi32, #tpu.memory_space<hbm>>, %arg4: memref<1000000x32xf32, #tpu.memory_space<hbm>>, %arg5: memref<1000000x32xf32, #tpu.memory_space<hbm>>, %arg6: memref<16384xf32, #tpu.memory_space<hbm>>, %arg7: memref<16384xf32, #tpu.memory_space<hbm>>, %arg8: memref<512xi32, #tpu.memory_space<vmem>>, %arg9: memref<2560xi32, #tpu.memory_space<vmem>>, %arg10: memref<512x32xf32, #tpu.memory_space<vmem>>, %arg11: memref<2560x32xf32, #tpu.memory_space<vmem>>, %arg12: memref<512xf32, #tpu.memory_space<vmem>>, %arg13: memref<512xf32, #tpu.memory_space<vmem>>, %arg14: memref<!tpu.dma_semaphore, #tpu.memory_space<semaphore_mem>>) attributes {dimension_semantics = [#tpu.dimension_semantics<core_parallel>, #tpu.dimension_semantics<subcore_parallel>], iteration_bounds = array<i64: 2, 16>, scalar_prefetch = 0 : i64, scratch_operands = 7 : i64, tpu.core_type = #tpu.core_type<sc_vector_subcore>, window_params = [{transform_indices = #map}, {transform_indices = #map}, {transform_indices = #map1}, {transform_indices = #map1}, {transform_indices = #map}, {transform_indices = #map}]} {
    %mul3A = arith.constant 2 : i32
    %mul3A_0 = arith.muli %arg1, %mul3A : i32
    %add3A = arith.addi %mul3A_0, %arg0 : i32
    %mul3A_1 = arith.constant 512 : i32
    %mul3A_2 = arith.muli %add3A, %mul3A_1 : i32
    "tpu.region"() ({
      %run_scoped3A = tpu.sem_alloc : memref<!tpu.dma_semaphore, #tpu.memory_space<semaphore_mem>>
      %dma_start3A_425 = tpu.memref_slice %arg2[%mul3A_2] : memref<16384xi32, #tpu.memory_space<hbm>> -> memref<512xi32, #tpu.memory_space<hbm>>
      %dma_start3A_426 = tpu.memref_slice %arg2[%mul3A_2] : memref<16384xi32, #tpu.memory_space<hbm>> -> memref<512xi32, #tpu.memory_space<hbm>>
      tpu.enqueue_dma source(%dma_start3A_426 : memref<512xi32, #tpu.memory_space<hbm>>) target(%arg8 : memref<512xi32, #tpu.memory_space<vmem>>) target_semaphore(%run_scoped3A : memref<!tpu.dma_semaphore, #tpu.memory_space<semaphore_mem>>)
      %dma_wait3A_427 = tpu.memref_slice %arg2[%mul3A_2] : memref<16384xi32, #tpu.memory_space<hbm>> -> memref<512xi32, #tpu.memory_space<hbm>>
      %dma_wait3A_428 = tpu.memref_slice %arg2[%mul3A_2] : memref<16384xi32, #tpu.memory_space<hbm>> -> memref<512xi32, #tpu.memory_space<hbm>>
      tpu.wait_dma2 semaphore(%run_scoped3A : memref<!tpu.dma_semaphore, #tpu.memory_space<semaphore_mem>>) src(%dma_wait3A_428 : memref<512xi32, #tpu.memory_space<hbm>>) dst(%arg8 : memref<512xi32, #tpu.memory_space<vmem>>)
      tpu.yield
    }) : () -> ()
    %mul3A_3 = arith.constant 5 : i32
    %mul3A_4 = arith.muli %mul3A_2, %mul3A_3 : i32
    "tpu.region"() ({
      %run_scoped3A = tpu.sem_alloc : memref<!tpu.dma_semaphore, #tpu.memory_space<semaphore_mem>>
      %dma_start3A_425 = tpu.memref_slice %arg3[%mul3A_4] : memref<81920xi32, #tpu.memory_space<hbm>> -> memref<2560xi32, #tpu.memory_space<hbm>>
      %dma_start3A_426 = tpu.memref_slice %arg3[%mul3A_4] : memref<81920xi32, #tpu.memory_space<hbm>> -> memref<2560xi32, #tpu.memory_space<hbm>>
      tpu.enqueue_dma source(%dma_start3A_426 : memref<2560xi32, #tpu.memory_space<hbm>>) target(%arg9 : memref<2560xi32, #tpu.memory_space<vmem>>) target_semaphore(%run_scoped3A : memref<!tpu.dma_semaphore, #tpu.memory_space<semaphore_mem>>)
      %dma_wait3A_427 = tpu.memref_slice %arg3[%mul3A_4] : memref<81920xi32, #tpu.memory_space<hbm>> -> memref<2560xi32, #tpu.memory_space<hbm>>
      %dma_wait3A_428 = tpu.memref_slice %arg3[%mul3A_4] : memref<81920xi32, #tpu.memory_space<hbm>> -> memref<2560xi32, #tpu.memory_space<hbm>>
      tpu.wait_dma2 semaphore(%run_scoped3A : memref<!tpu.dma_semaphore, #tpu.memory_space<semaphore_mem>>) src(%dma_wait3A_428 : memref<2560xi32, #tpu.memory_space<hbm>>) dst(%arg9 : memref<2560xi32, #tpu.memory_space<vmem>>)
      tpu.yield
    }) : () -> ()
    %dma_start3A = arith.constant 0 : i32
    %dma_start3A_5 = arith.constant 0 : i32
    %dma_start3A_6 = tpu.memref_slice %arg10[%dma_start3A, %dma_start3A_5] : memref<512x32xf32, #tpu.memory_space<vmem>> -> memref<128x32xf32, #tpu.memory_space<vmem>>
    %dma_start3A_7 = arith.constant 0 : i32
    %dma_start3A_8 = tpu.memref_slice %arg8[%dma_start3A_7] : memref<512xi32, #tpu.memory_space<vmem>> -> memref<128xi32, #tpu.memory_space<vmem>>
    %dma_start3A_9 = arith.constant 0 : i32
    %dma_start3A_10 = arith.constant 0 : i32
    %dma_start3A_11 = tpu.memref_slice %arg4[%dma_start3A_9, %dma_start3A_10] : memref<1000000x32xf32, #tpu.memory_space<hbm>> -> memref<1000000x32xf32, #tpu.memory_space<hbm>>
    tpu.enqueue_indirect_dma source(%dma_start3A_11 : memref<1000000x32xf32, #tpu.memory_space<hbm>>) target(%dma_start3A_6 : memref<128x32xf32, #tpu.memory_space<vmem>>) offsets(%dma_start3A_8 : memref<128xi32, #tpu.memory_space<vmem>>) semaphore(%arg14 : memref<!tpu.dma_semaphore, #tpu.memory_space<semaphore_mem>>)
    %dma_start3A_12 = arith.constant 128 : i32
    %dma_start3A_13 = arith.constant 0 : i32
    %dma_start3A_14 = tpu.memref_slice %arg10[%dma_start3A_12, %dma_start3A_13] : memref<512x32xf32, #tpu.memory_space<vmem>> -> memref<128x32xf32, #tpu.memory_space<vmem>>
    %dma_start3A_15 = arith.constant 128 : i32
    %dma_start3A_16 = tpu.memref_slice %arg8[%dma_start3A_15] : memref<512xi32, #tpu.memory_space<vmem>> -> memref<128xi32, #tpu.memory_space<vmem>>
    %dma_start3A_17 = arith.constant 0 : i32
    %dma_start3A_18 = arith.constant 0 : i32
    %dma_start3A_19 = tpu.memref_slice %arg4[%dma_start3A_17, %dma_start3A_18] : memref<1000000x32xf32, #tpu.memory_space<hbm>> -> memref<1000000x32xf32, #tpu.memory_space<hbm>>
    tpu.enqueue_indirect_dma source(%dma_start3A_19 : memref<1000000x32xf32, #tpu.memory_space<hbm>>) target(%dma_start3A_14 : memref<128x32xf32, #tpu.memory_space<vmem>>) offsets(%dma_start3A_16 : memref<128xi32, #tpu.memory_space<vmem>>) semaphore(%arg14 : memref<!tpu.dma_semaphore, #tpu.memory_space<semaphore_mem>>)
    %dma_start3A_20 = arith.constant 256 : i32
    %dma_start3A_21 = arith.constant 0 : i32
    %dma_start3A_22 = tpu.memref_slice %arg10[%dma_start3A_20, %dma_start3A_21] : memref<512x32xf32, #tpu.memory_space<vmem>> -> memref<128x32xf32, #tpu.memory_space<vmem>>
    %dma_start3A_23 = arith.constant 256 : i32
    %dma_start3A_24 = tpu.memref_slice %arg8[%dma_start3A_23] : memref<512xi32, #tpu.memory_space<vmem>> -> memref<128xi32, #tpu.memory_space<vmem>>
    %dma_start3A_25 = arith.constant 0 : i32
    %dma_start3A_26 = arith.constant 0 : i32
    %dma_start3A_27 = tpu.memref_slice %arg4[%dma_start3A_25, %dma_start3A_26] : memref<1000000x32xf32, #tpu.memory_space<hbm>> -> memref<1000000x32xf32, #tpu.memory_space<hbm>>
    tpu.enqueue_indirect_dma source(%dma_start3A_27 : memref<1000000x32xf32, #tpu.memory_space<hbm>>) target(%dma_start3A_22 : memref<128x32xf32, #tpu.memory_space<vmem>>) offsets(%dma_start3A_24 : memref<128xi32, #tpu.memory_space<vmem>>) semaphore(%arg14 : memref<!tpu.dma_semaphore, #tpu.memory_space<semaphore_mem>>)
    %dma_start3A_28 = arith.constant 384 : i32
    %dma_start3A_29 = arith.constant 0 : i32
    %dma_start3A_30 = tpu.memref_slice %arg10[%dma_start3A_28, %dma_start3A_29] : memref<512x32xf32, #tpu.memory_space<vmem>> -> memref<128x32xf32, #tpu.memory_space<vmem>>
    %dma_start3A_31 = arith.constant 384 : i32
    %dma_start3A_32 = tpu.memref_slice %arg8[%dma_start3A_31] : memref<512xi32, #tpu.memory_space<vmem>> -> memref<128xi32, #tpu.memory_space<vmem>>
    %dma_start3A_33 = arith.constant 0 : i32
    %dma_start3A_34 = arith.constant 0 : i32
    %dma_start3A_35 = tpu.memref_slice %arg4[%dma_start3A_33, %dma_start3A_34] : memref<1000000x32xf32, #tpu.memory_space<hbm>> -> memref<1000000x32xf32, #tpu.memory_space<hbm>>
    tpu.enqueue_indirect_dma source(%dma_start3A_35 : memref<1000000x32xf32, #tpu.memory_space<hbm>>) target(%dma_start3A_30 : memref<128x32xf32, #tpu.memory_space<vmem>>) offsets(%dma_start3A_32 : memref<128xi32, #tpu.memory_space<vmem>>) semaphore(%arg14 : memref<!tpu.dma_semaphore, #tpu.memory_space<semaphore_mem>>)
    %dma_start3A_36 = arith.constant 0 : i32
    %dma_start3A_37 = arith.constant 0 : i32
    %dma_start3A_38 = tpu.memref_slice %arg11[%dma_start3A_36, %dma_start3A_37] : memref<2560x32xf32, #tpu.memory_space<vmem>> -> memref<128x32xf32, #tpu.memory_space<vmem>>
    %dma_start3A_39 = arith.constant 0 : i32
    %dma_start3A_40 = tpu.memref_slice %arg9[%dma_start3A_39] : memref<2560xi32, #tpu.memory_space<vmem>> -> memref<128xi32, #tpu.memory_space<vmem>>
    %dma_start3A_41 = arith.constant 0 : i32
    %dma_start3A_42 = arith.constant 0 : i32
    %dma_start3A_43 = tpu.memref_slice %arg5[%dma_start3A_41, %dma_start3A_42] : memref<1000000x32xf32, #tpu.memory_space<hbm>> -> memref<1000000x32xf32, #tpu.memory_space<hbm>>
    tpu.enqueue_indirect_dma source(%dma_start3A_43 : memref<1000000x32xf32, #tpu.memory_space<hbm>>) target(%dma_start3A_38 : memref<128x32xf32, #tpu.memory_space<vmem>>) offsets(%dma_start3A_40 : memref<128xi32, #tpu.memory_space<vmem>>) semaphore(%arg14 : memref<!tpu.dma_semaphore, #tpu.memory_space<semaphore_mem>>)
    %dma_start3A_44 = arith.constant 128 : i32
    %dma_start3A_45 = arith.constant 0 : i32
    %dma_start3A_46 = tpu.memref_slice %arg11[%dma_start3A_44, %dma_start3A_45] : memref<2560x32xf32, #tpu.memory_space<vmem>> -> memref<128x32xf32, #tpu.memory_space<vmem>>
    %dma_start3A_47 = arith.constant 128 : i32
    %dma_start3A_48 = tpu.memref_slice %arg9[%dma_start3A_47] : memref<2560xi32, #tpu.memory_space<vmem>> -> memref<128xi32, #tpu.memory_space<vmem>>
    %dma_start3A_49 = arith.constant 0 : i32
    %dma_start3A_50 = arith.constant 0 : i32
    %dma_start3A_51 = tpu.memref_slice %arg5[%dma_start3A_49, %dma_start3A_50] : memref<1000000x32xf32, #tpu.memory_space<hbm>> -> memref<1000000x32xf32, #tpu.memory_space<hbm>>
    tpu.enqueue_indirect_dma source(%dma_start3A_51 : memref<1000000x32xf32, #tpu.memory_space<hbm>>) target(%dma_start3A_46 : memref<128x32xf32, #tpu.memory_space<vmem>>) offsets(%dma_start3A_48 : memref<128xi32, #tpu.memory_space<vmem>>) semaphore(%arg14 : memref<!tpu.dma_semaphore, #tpu.memory_space<semaphore_mem>>)
    %dma_start3A_52 = arith.constant 256 : i32
    %dma_start3A_53 = arith.constant 0 : i32
    %dma_start3A_54 = tpu.memref_slice %arg11[%dma_start3A_52, %dma_start3A_53] : memref<2560x32xf32, #tpu.memory_space<vmem>> -> memref<128x32xf32, #tpu.memory_space<vmem>>
    %dma_start3A_55 = arith.constant 256 : i32
    %dma_start3A_56 = tpu.memref_slice %arg9[%dma_start3A_55] : memref<2560xi32, #tpu.memory_space<vmem>> -> memref<128xi32, #tpu.memory_space<vmem>>
    %dma_start3A_57 = arith.constant 0 : i32
    %dma_start3A_58 = arith.constant 0 : i32
    %dma_start3A_59 = tpu.memref_slice %arg5[%dma_start3A_57, %dma_start3A_58] : memref<1000000x32xf32, #tpu.memory_space<hbm>> -> memref<1000000x32xf32, #tpu.memory_space<hbm>>
    tpu.enqueue_indirect_dma source(%dma_start3A_59 : memref<1000000x32xf32, #tpu.memory_space<hbm>>) target(%dma_start3A_54 : memref<128x32xf32, #tpu.memory_space<vmem>>) offsets(%dma_start3A_56 : memref<128xi32, #tpu.memory_space<vmem>>) semaphore(%arg14 : memref<!tpu.dma_semaphore, #tpu.memory_space<semaphore_mem>>)
    %dma_start3A_60 = arith.constant 384 : i32
    %dma_start3A_61 = arith.constant 0 : i32
    %dma_start3A_62 = tpu.memref_slice %arg11[%dma_start3A_60, %dma_start3A_61] : memref<2560x32xf32, #tpu.memory_space<vmem>> -> memref<128x32xf32, #tpu.memory_space<vmem>>
    %dma_start3A_63 = arith.constant 384 : i32
    %dma_start3A_64 = tpu.memref_slice %arg9[%dma_start3A_63] : memref<2560xi32, #tpu.memory_space<vmem>> -> memref<128xi32, #tpu.memory_space<vmem>>
    %dma_start3A_65 = arith.constant 0 : i32
    %dma_start3A_66 = arith.constant 0 : i32
    %dma_start3A_67 = tpu.memref_slice %arg5[%dma_start3A_65, %dma_start3A_66] : memref<1000000x32xf32, #tpu.memory_space<hbm>> -> memref<1000000x32xf32, #tpu.memory_space<hbm>>
    tpu.enqueue_indirect_dma source(%dma_start3A_67 : memref<1000000x32xf32, #tpu.memory_space<hbm>>) target(%dma_start3A_62 : memref<128x32xf32, #tpu.memory_space<vmem>>) offsets(%dma_start3A_64 : memref<128xi32, #tpu.memory_space<vmem>>) semaphore(%arg14 : memref<!tpu.dma_semaphore, #tpu.memory_space<semaphore_mem>>)
    %dma_start3A_68 = arith.constant 512 : i32
    %dma_start3A_69 = arith.constant 0 : i32
    %dma_start3A_70 = tpu.memref_slice %arg11[%dma_start3A_68, %dma_start3A_69] : memref<2560x32xf32, #tpu.memory_space<vmem>> -> memref<128x32xf32, #tpu.memory_space<vmem>>
    %dma_start3A_71 = arith.constant 512 : i32
    %dma_start3A_72 = tpu.memref_slice %arg9[%dma_start3A_71] : memref<2560xi32, #tpu.memory_space<vmem>> -> memref<128xi32, #tpu.memory_space<vmem>>
    %dma_start3A_73 = arith.constant 0 : i32
    %dma_start3A_74 = arith.constant 0 : i32
    %dma_start3A_75 = tpu.memref_slice %arg5[%dma_start3A_73, %dma_start3A_74] : memref<1000000x32xf32, #tpu.memory_space<hbm>> -> memref<1000000x32xf32, #tpu.memory_space<hbm>>
    tpu.enqueue_indirect_dma source(%dma_start3A_75 : memref<1000000x32xf32, #tpu.memory_space<hbm>>) target(%dma_start3A_70 : memref<128x32xf32, #tpu.memory_space<vmem>>) offsets(%dma_start3A_72 : memref<128xi32, #tpu.memory_space<vmem>>) semaphore(%arg14 : memref<!tpu.dma_semaphore, #tpu.memory_space<semaphore_mem>>)
    %dma_start3A_76 = arith.constant 640 : i32
    %dma_start3A_77 = arith.constant 0 : i32
    %dma_start3A_78 = tpu.memref_slice %arg11[%dma_start3A_76, %dma_start3A_77] : memref<2560x32xf32, #tpu.memory_space<vmem>> -> memref<128x32xf32, #tpu.memory_space<vmem>>
    %dma_start3A_79 = arith.constant 640 : i32
    %dma_start3A_80 = tpu.memref_slice %arg9[%dma_start3A_79] : memref<2560xi32, #tpu.memory_space<vmem>> -> memref<128xi32, #tpu.memory_space<vmem>>
    %dma_start3A_81 = arith.constant 0 : i32
    %dma_start3A_82 = arith.constant 0 : i32
    %dma_start3A_83 = tpu.memref_slice %arg5[%dma_start3A_81, %dma_start3A_82] : memref<1000000x32xf32, #tpu.memory_space<hbm>> -> memref<1000000x32xf32, #tpu.memory_space<hbm>>
    tpu.enqueue_indirect_dma source(%dma_start3A_83 : memref<1000000x32xf32, #tpu.memory_space<hbm>>) target(%dma_start3A_78 : memref<128x32xf32, #tpu.memory_space<vmem>>) offsets(%dma_start3A_80 : memref<128xi32, #tpu.memory_space<vmem>>) semaphore(%arg14 : memref<!tpu.dma_semaphore, #tpu.memory_space<semaphore_mem>>)
    %dma_start3A_84 = arith.constant 768 : i32
    %dma_start3A_85 = arith.constant 0 : i32
    %dma_start3A_86 = tpu.memref_slice %arg11[%dma_start3A_84, %dma_start3A_85] : memref<2560x32xf32, #tpu.memory_space<vmem>> -> memref<128x32xf32, #tpu.memory_space<vmem>>
    %dma_start3A_87 = arith.constant 768 : i32
    %dma_start3A_88 = tpu.memref_slice %arg9[%dma_start3A_87] : memref<2560xi32, #tpu.memory_space<vmem>> -> memref<128xi32, #tpu.memory_space<vmem>>
    %dma_start3A_89 = arith.constant 0 : i32
    %dma_start3A_90 = arith.constant 0 : i32
    %dma_start3A_91 = tpu.memref_slice %arg5[%dma_start3A_89, %dma_start3A_90] : memref<1000000x32xf32, #tpu.memory_space<hbm>> -> memref<1000000x32xf32, #tpu.memory_space<hbm>>
    tpu.enqueue_indirect_dma source(%dma_start3A_91 : memref<1000000x32xf32, #tpu.memory_space<hbm>>) target(%dma_start3A_86 : memref<128x32xf32, #tpu.memory_space<vmem>>) offsets(%dma_start3A_88 : memref<128xi32, #tpu.memory_space<vmem>>) semaphore(%arg14 : memref<!tpu.dma_semaphore, #tpu.memory_space<semaphore_mem>>)
    %dma_start3A_92 = arith.constant 896 : i32
    %dma_start3A_93 = arith.constant 0 : i32
    %dma_start3A_94 = tpu.memref_slice %arg11[%dma_start3A_92, %dma_start3A_93] : memref<2560x32xf32, #tpu.memory_space<vmem>> -> memref<128x32xf32, #tpu.memory_space<vmem>>
    %dma_start3A_95 = arith.constant 896 : i32
    %dma_start3A_96 = tpu.memref_slice %arg9[%dma_start3A_95] : memref<2560xi32, #tpu.memory_space<vmem>> -> memref<128xi32, #tpu.memory_space<vmem>>
    %dma_start3A_97 = arith.constant 0 : i32
    %dma_start3A_98 = arith.constant 0 : i32
    %dma_start3A_99 = tpu.memref_slice %arg5[%dma_start3A_97, %dma_start3A_98] : memref<1000000x32xf32, #tpu.memory_space<hbm>> -> memref<1000000x32xf32, #tpu.memory_space<hbm>>
    tpu.enqueue_indirect_dma source(%dma_start3A_99 : memref<1000000x32xf32, #tpu.memory_space<hbm>>) target(%dma_start3A_94 : memref<128x32xf32, #tpu.memory_space<vmem>>) offsets(%dma_start3A_96 : memref<128xi32, #tpu.memory_space<vmem>>) semaphore(%arg14 : memref<!tpu.dma_semaphore, #tpu.memory_space<semaphore_mem>>)
    %dma_start3A_100 = arith.constant 1024 : i32
    %dma_start3A_101 = arith.constant 0 : i32
    %dma_start3A_102 = tpu.memref_slice %arg11[%dma_start3A_100, %dma_start3A_101] : memref<2560x32xf32, #tpu.memory_space<vmem>> -> memref<128x32xf32, #tpu.memory_space<vmem>>
    %dma_start3A_103 = arith.constant 1024 : i32
    %dma_start3A_104 = tpu.memref_slice %arg9[%dma_start3A_103] : memref<2560xi32, #tpu.memory_space<vmem>> -> memref<128xi32, #tpu.memory_space<vmem>>
    %dma_start3A_105 = arith.constant 0 : i32
    %dma_start3A_106 = arith.constant 0 : i32
    %dma_start3A_107 = tpu.memref_slice %arg5[%dma_start3A_105, %dma_start3A_106] : memref<1000000x32xf32, #tpu.memory_space<hbm>> -> memref<1000000x32xf32, #tpu.memory_space<hbm>>
    tpu.enqueue_indirect_dma source(%dma_start3A_107 : memref<1000000x32xf32, #tpu.memory_space<hbm>>) target(%dma_start3A_102 : memref<128x32xf32, #tpu.memory_space<vmem>>) offsets(%dma_start3A_104 : memref<128xi32, #tpu.memory_space<vmem>>) semaphore(%arg14 : memref<!tpu.dma_semaphore, #tpu.memory_space<semaphore_mem>>)
    %dma_start3A_108 = arith.constant 1152 : i32
    %dma_start3A_109 = arith.constant 0 : i32
    %dma_start3A_110 = tpu.memref_slice %arg11[%dma_start3A_108, %dma_start3A_109] : memref<2560x32xf32, #tpu.memory_space<vmem>> -> memref<128x32xf32, #tpu.memory_space<vmem>>
    %dma_start3A_111 = arith.constant 1152 : i32
    %dma_start3A_112 = tpu.memref_slice %arg9[%dma_start3A_111] : memref<2560xi32, #tpu.memory_space<vmem>> -> memref<128xi32, #tpu.memory_space<vmem>>
    %dma_start3A_113 = arith.constant 0 : i32
    %dma_start3A_114 = arith.constant 0 : i32
    %dma_start3A_115 = tpu.memref_slice %arg5[%dma_start3A_113, %dma_start3A_114] : memref<1000000x32xf32, #tpu.memory_space<hbm>> -> memref<1000000x32xf32, #tpu.memory_space<hbm>>
    tpu.enqueue_indirect_dma source(%dma_start3A_115 : memref<1000000x32xf32, #tpu.memory_space<hbm>>) target(%dma_start3A_110 : memref<128x32xf32, #tpu.memory_space<vmem>>) offsets(%dma_start3A_112 : memref<128xi32, #tpu.memory_space<vmem>>) semaphore(%arg14 : memref<!tpu.dma_semaphore, #tpu.memory_space<semaphore_mem>>)
    %dma_start3A_116 = arith.constant 1280 : i32
    %dma_start3A_117 = arith.constant 0 : i32
    %dma_start3A_118 = tpu.memref_slice %arg11[%dma_start3A_116, %dma_start3A_117] : memref<2560x32xf32, #tpu.memory_space<vmem>> -> memref<128x32xf32, #tpu.memory_space<vmem>>
    %dma_start3A_119 = arith.constant 1280 : i32
    %dma_start3A_120 = tpu.memref_slice %arg9[%dma_start3A_119] : memref<2560xi32, #tpu.memory_space<vmem>> -> memref<128xi32, #tpu.memory_space<vmem>>
    %dma_start3A_121 = arith.constant 0 : i32
    %dma_start3A_122 = arith.constant 0 : i32
    %dma_start3A_123 = tpu.memref_slice %arg5[%dma_start3A_121, %dma_start3A_122] : memref<1000000x32xf32, #tpu.memory_space<hbm>> -> memref<1000000x32xf32, #tpu.memory_space<hbm>>
    tpu.enqueue_indirect_dma source(%dma_start3A_123 : memref<1000000x32xf32, #tpu.memory_space<hbm>>) target(%dma_start3A_118 : memref<128x32xf32, #tpu.memory_space<vmem>>) offsets(%dma_start3A_120 : memref<128xi32, #tpu.memory_space<vmem>>) semaphore(%arg14 : memref<!tpu.dma_semaphore, #tpu.memory_space<semaphore_mem>>)
    %dma_start3A_124 = arith.constant 1408 : i32
    %dma_start3A_125 = arith.constant 0 : i32
    %dma_start3A_126 = tpu.memref_slice %arg11[%dma_start3A_124, %dma_start3A_125] : memref<2560x32xf32, #tpu.memory_space<vmem>> -> memref<128x32xf32, #tpu.memory_space<vmem>>
    %dma_start3A_127 = arith.constant 1408 : i32
    %dma_start3A_128 = tpu.memref_slice %arg9[%dma_start3A_127] : memref<2560xi32, #tpu.memory_space<vmem>> -> memref<128xi32, #tpu.memory_space<vmem>>
    %dma_start3A_129 = arith.constant 0 : i32
    %dma_start3A_130 = arith.constant 0 : i32
    %dma_start3A_131 = tpu.memref_slice %arg5[%dma_start3A_129, %dma_start3A_130] : memref<1000000x32xf32, #tpu.memory_space<hbm>> -> memref<1000000x32xf32, #tpu.memory_space<hbm>>
    tpu.enqueue_indirect_dma source(%dma_start3A_131 : memref<1000000x32xf32, #tpu.memory_space<hbm>>) target(%dma_start3A_126 : memref<128x32xf32, #tpu.memory_space<vmem>>) offsets(%dma_start3A_128 : memref<128xi32, #tpu.memory_space<vmem>>) semaphore(%arg14 : memref<!tpu.dma_semaphore, #tpu.memory_space<semaphore_mem>>)
    %dma_start3A_132 = arith.constant 1536 : i32
    %dma_start3A_133 = arith.constant 0 : i32
    %dma_start3A_134 = tpu.memref_slice %arg11[%dma_start3A_132, %dma_start3A_133] : memref<2560x32xf32, #tpu.memory_space<vmem>> -> memref<128x32xf32, #tpu.memory_space<vmem>>
    %dma_start3A_135 = arith.constant 1536 : i32
    %dma_start3A_136 = tpu.memref_slice %arg9[%dma_start3A_135] : memref<2560xi32, #tpu.memory_space<vmem>> -> memref<128xi32, #tpu.memory_space<vmem>>
    %dma_start3A_137 = arith.constant 0 : i32
    %dma_start3A_138 = arith.constant 0 : i32
    %dma_start3A_139 = tpu.memref_slice %arg5[%dma_start3A_137, %dma_start3A_138] : memref<1000000x32xf32, #tpu.memory_space<hbm>> -> memref<1000000x32xf32, #tpu.memory_space<hbm>>
    tpu.enqueue_indirect_dma source(%dma_start3A_139 : memref<1000000x32xf32, #tpu.memory_space<hbm>>) target(%dma_start3A_134 : memref<128x32xf32, #tpu.memory_space<vmem>>) offsets(%dma_start3A_136 : memref<128xi32, #tpu.memory_space<vmem>>) semaphore(%arg14 : memref<!tpu.dma_semaphore, #tpu.memory_space<semaphore_mem>>)
    %dma_start3A_140 = arith.constant 1664 : i32
    %dma_start3A_141 = arith.constant 0 : i32
    %dma_start3A_142 = tpu.memref_slice %arg11[%dma_start3A_140, %dma_start3A_141] : memref<2560x32xf32, #tpu.memory_space<vmem>> -> memref<128x32xf32, #tpu.memory_space<vmem>>
    %dma_start3A_143 = arith.constant 1664 : i32
    %dma_start3A_144 = tpu.memref_slice %arg9[%dma_start3A_143] : memref<2560xi32, #tpu.memory_space<vmem>> -> memref<128xi32, #tpu.memory_space<vmem>>
    %dma_start3A_145 = arith.constant 0 : i32
    %dma_start3A_146 = arith.constant 0 : i32
    %dma_start3A_147 = tpu.memref_slice %arg5[%dma_start3A_145, %dma_start3A_146] : memref<1000000x32xf32, #tpu.memory_space<hbm>> -> memref<1000000x32xf32, #tpu.memory_space<hbm>>
    tpu.enqueue_indirect_dma source(%dma_start3A_147 : memref<1000000x32xf32, #tpu.memory_space<hbm>>) target(%dma_start3A_142 : memref<128x32xf32, #tpu.memory_space<vmem>>) offsets(%dma_start3A_144 : memref<128xi32, #tpu.memory_space<vmem>>) semaphore(%arg14 : memref<!tpu.dma_semaphore, #tpu.memory_space<semaphore_mem>>)
    %dma_start3A_148 = arith.constant 1792 : i32
    %dma_start3A_149 = arith.constant 0 : i32
    %dma_start3A_150 = tpu.memref_slice %arg11[%dma_start3A_148, %dma_start3A_149] : memref<2560x32xf32, #tpu.memory_space<vmem>> -> memref<128x32xf32, #tpu.memory_space<vmem>>
    %dma_start3A_151 = arith.constant 1792 : i32
    %dma_start3A_152 = tpu.memref_slice %arg9[%dma_start3A_151] : memref<2560xi32, #tpu.memory_space<vmem>> -> memref<128xi32, #tpu.memory_space<vmem>>
    %dma_start3A_153 = arith.constant 0 : i32
    %dma_start3A_154 = arith.constant 0 : i32
    %dma_start3A_155 = tpu.memref_slice %arg5[%dma_start3A_153, %dma_start3A_154] : memref<1000000x32xf32, #tpu.memory_space<hbm>> -> memref<1000000x32xf32, #tpu.memory_space<hbm>>
    tpu.enqueue_indirect_dma source(%dma_start3A_155 : memref<1000000x32xf32, #tpu.memory_space<hbm>>) target(%dma_start3A_150 : memref<128x32xf32, #tpu.memory_space<vmem>>) offsets(%dma_start3A_152 : memref<128xi32, #tpu.memory_space<vmem>>) semaphore(%arg14 : memref<!tpu.dma_semaphore, #tpu.memory_space<semaphore_mem>>)
    %dma_start3A_156 = arith.constant 1920 : i32
    %dma_start3A_157 = arith.constant 0 : i32
    %dma_start3A_158 = tpu.memref_slice %arg11[%dma_start3A_156, %dma_start3A_157] : memref<2560x32xf32, #tpu.memory_space<vmem>> -> memref<128x32xf32, #tpu.memory_space<vmem>>
    %dma_start3A_159 = arith.constant 1920 : i32
    %dma_start3A_160 = tpu.memref_slice %arg9[%dma_start3A_159] : memref<2560xi32, #tpu.memory_space<vmem>> -> memref<128xi32, #tpu.memory_space<vmem>>
    %dma_start3A_161 = arith.constant 0 : i32
    %dma_start3A_162 = arith.constant 0 : i32
    %dma_start3A_163 = tpu.memref_slice %arg5[%dma_start3A_161, %dma_start3A_162] : memref<1000000x32xf32, #tpu.memory_space<hbm>> -> memref<1000000x32xf32, #tpu.memory_space<hbm>>
    tpu.enqueue_indirect_dma source(%dma_start3A_163 : memref<1000000x32xf32, #tpu.memory_space<hbm>>) target(%dma_start3A_158 : memref<128x32xf32, #tpu.memory_space<vmem>>) offsets(%dma_start3A_160 : memref<128xi32, #tpu.memory_space<vmem>>) semaphore(%arg14 : memref<!tpu.dma_semaphore, #tpu.memory_space<semaphore_mem>>)
    %dma_start3A_164 = arith.constant 2048 : i32
    %dma_start3A_165 = arith.constant 0 : i32
    %dma_start3A_166 = tpu.memref_slice %arg11[%dma_start3A_164, %dma_start3A_165] : memref<2560x32xf32, #tpu.memory_space<vmem>> -> memref<128x32xf32, #tpu.memory_space<vmem>>
    %dma_start3A_167 = arith.constant 2048 : i32
    %dma_start3A_168 = tpu.memref_slice %arg9[%dma_start3A_167] : memref<2560xi32, #tpu.memory_space<vmem>> -> memref<128xi32, #tpu.memory_space<vmem>>
    %dma_start3A_169 = arith.constant 0 : i32
    %dma_start3A_170 = arith.constant 0 : i32
    %dma_start3A_171 = tpu.memref_slice %arg5[%dma_start3A_169, %dma_start3A_170] : memref<1000000x32xf32, #tpu.memory_space<hbm>> -> memref<1000000x32xf32, #tpu.memory_space<hbm>>
    tpu.enqueue_indirect_dma source(%dma_start3A_171 : memref<1000000x32xf32, #tpu.memory_space<hbm>>) target(%dma_start3A_166 : memref<128x32xf32, #tpu.memory_space<vmem>>) offsets(%dma_start3A_168 : memref<128xi32, #tpu.memory_space<vmem>>) semaphore(%arg14 : memref<!tpu.dma_semaphore, #tpu.memory_space<semaphore_mem>>)
    %dma_start3A_172 = arith.constant 2176 : i32
    %dma_start3A_173 = arith.constant 0 : i32
    %dma_start3A_174 = tpu.memref_slice %arg11[%dma_start3A_172, %dma_start3A_173] : memref<2560x32xf32, #tpu.memory_space<vmem>> -> memref<128x32xf32, #tpu.memory_space<vmem>>
    %dma_start3A_175 = arith.constant 2176 : i32
    %dma_start3A_176 = tpu.memref_slice %arg9[%dma_start3A_175] : memref<2560xi32, #tpu.memory_space<vmem>> -> memref<128xi32, #tpu.memory_space<vmem>>
    %dma_start3A_177 = arith.constant 0 : i32
    %dma_start3A_178 = arith.constant 0 : i32
    %dma_start3A_179 = tpu.memref_slice %arg5[%dma_start3A_177, %dma_start3A_178] : memref<1000000x32xf32, #tpu.memory_space<hbm>> -> memref<1000000x32xf32, #tpu.memory_space<hbm>>
    tpu.enqueue_indirect_dma source(%dma_start3A_179 : memref<1000000x32xf32, #tpu.memory_space<hbm>>) target(%dma_start3A_174 : memref<128x32xf32, #tpu.memory_space<vmem>>) offsets(%dma_start3A_176 : memref<128xi32, #tpu.memory_space<vmem>>) semaphore(%arg14 : memref<!tpu.dma_semaphore, #tpu.memory_space<semaphore_mem>>)
    %dma_start3A_180 = arith.constant 2304 : i32
    %dma_start3A_181 = arith.constant 0 : i32
    %dma_start3A_182 = tpu.memref_slice %arg11[%dma_start3A_180, %dma_start3A_181] : memref<2560x32xf32, #tpu.memory_space<vmem>> -> memref<128x32xf32, #tpu.memory_space<vmem>>
    %dma_start3A_183 = arith.constant 2304 : i32
    %dma_start3A_184 = tpu.memref_slice %arg9[%dma_start3A_183] : memref<2560xi32, #tpu.memory_space<vmem>> -> memref<128xi32, #tpu.memory_space<vmem>>
    %dma_start3A_185 = arith.constant 0 : i32
    %dma_start3A_186 = arith.constant 0 : i32
    %dma_start3A_187 = tpu.memref_slice %arg5[%dma_start3A_185, %dma_start3A_186] : memref<1000000x32xf32, #tpu.memory_space<hbm>> -> memref<1000000x32xf32, #tpu.memory_space<hbm>>
    tpu.enqueue_indirect_dma source(%dma_start3A_187 : memref<1000000x32xf32, #tpu.memory_space<hbm>>) target(%dma_start3A_182 : memref<128x32xf32, #tpu.memory_space<vmem>>) offsets(%dma_start3A_184 : memref<128xi32, #tpu.memory_space<vmem>>) semaphore(%arg14 : memref<!tpu.dma_semaphore, #tpu.memory_space<semaphore_mem>>)
    %dma_start3A_188 = arith.constant 2432 : i32
    %dma_start3A_189 = arith.constant 0 : i32
    %dma_start3A_190 = tpu.memref_slice %arg11[%dma_start3A_188, %dma_start3A_189] : memref<2560x32xf32, #tpu.memory_space<vmem>> -> memref<128x32xf32, #tpu.memory_space<vmem>>
    %dma_start3A_191 = arith.constant 2432 : i32
    %dma_start3A_192 = tpu.memref_slice %arg9[%dma_start3A_191] : memref<2560xi32, #tpu.memory_space<vmem>> -> memref<128xi32, #tpu.memory_space<vmem>>
    %dma_start3A_193 = arith.constant 0 : i32
    %dma_start3A_194 = arith.constant 0 : i32
    %dma_start3A_195 = tpu.memref_slice %arg5[%dma_start3A_193, %dma_start3A_194] : memref<1000000x32xf32, #tpu.memory_space<hbm>> -> memref<1000000x32xf32, #tpu.memory_space<hbm>>
    tpu.enqueue_indirect_dma source(%dma_start3A_195 : memref<1000000x32xf32, #tpu.memory_space<hbm>>) target(%dma_start3A_190 : memref<128x32xf32, #tpu.memory_space<vmem>>) offsets(%dma_start3A_192 : memref<128xi32, #tpu.memory_space<vmem>>) semaphore(%arg14 : memref<!tpu.dma_semaphore, #tpu.memory_space<semaphore_mem>>)
    %dma_wait3A = arith.constant 0 : i32
    %dma_wait3A_196 = arith.constant 0 : i32
    %dma_wait3A_197 = tpu.memref_slice %arg10[%dma_wait3A, %dma_wait3A_196] : memref<512x32xf32, #tpu.memory_space<vmem>> -> memref<128x32xf32, #tpu.memory_space<vmem>>
    %dma_wait3A_198 = arith.constant 0 : i32
    %dma_wait3A_199 = tpu.memref_slice %arg8[%dma_wait3A_198] : memref<512xi32, #tpu.memory_space<vmem>> -> memref<128xi32, #tpu.memory_space<vmem>>
    %dma_wait3A_200 = arith.constant 0 : i32
    %dma_wait3A_201 = arith.constant 0 : i32
    %dma_wait3A_202 = tpu.memref_slice %arg4[%dma_wait3A_200, %dma_wait3A_201] : memref<1000000x32xf32, #tpu.memory_space<hbm>> -> memref<1000000x32xf32, #tpu.memory_space<hbm>>
    tpu.wait_indirect_dma semaphore(%arg14 : memref<!tpu.dma_semaphore, #tpu.memory_space<semaphore_mem>>) src(%dma_wait3A_202 : memref<1000000x32xf32, #tpu.memory_space<hbm>>) dst(%dma_wait3A_197 : memref<128x32xf32, #tpu.memory_space<vmem>>)
    %dma_wait3A_203 = arith.constant 128 : i32
    %dma_wait3A_204 = arith.constant 0 : i32
    %dma_wait3A_205 = tpu.memref_slice %arg10[%dma_wait3A_203, %dma_wait3A_204] : memref<512x32xf32, #tpu.memory_space<vmem>> -> memref<128x32xf32, #tpu.memory_space<vmem>>
    %dma_wait3A_206 = arith.constant 128 : i32
    %dma_wait3A_207 = tpu.memref_slice %arg8[%dma_wait3A_206] : memref<512xi32, #tpu.memory_space<vmem>> -> memref<128xi32, #tpu.memory_space<vmem>>
    %dma_wait3A_208 = arith.constant 0 : i32
    %dma_wait3A_209 = arith.constant 0 : i32
    %dma_wait3A_210 = tpu.memref_slice %arg4[%dma_wait3A_208, %dma_wait3A_209] : memref<1000000x32xf32, #tpu.memory_space<hbm>> -> memref<1000000x32xf32, #tpu.memory_space<hbm>>
    tpu.wait_indirect_dma semaphore(%arg14 : memref<!tpu.dma_semaphore, #tpu.memory_space<semaphore_mem>>) src(%dma_wait3A_210 : memref<1000000x32xf32, #tpu.memory_space<hbm>>) dst(%dma_wait3A_205 : memref<128x32xf32, #tpu.memory_space<vmem>>)
    %dma_wait3A_211 = arith.constant 256 : i32
    %dma_wait3A_212 = arith.constant 0 : i32
    %dma_wait3A_213 = tpu.memref_slice %arg10[%dma_wait3A_211, %dma_wait3A_212] : memref<512x32xf32, #tpu.memory_space<vmem>> -> memref<128x32xf32, #tpu.memory_space<vmem>>
    %dma_wait3A_214 = arith.constant 256 : i32
    %dma_wait3A_215 = tpu.memref_slice %arg8[%dma_wait3A_214] : memref<512xi32, #tpu.memory_space<vmem>> -> memref<128xi32, #tpu.memory_space<vmem>>
    %dma_wait3A_216 = arith.constant 0 : i32
    %dma_wait3A_217 = arith.constant 0 : i32
    %dma_wait3A_218 = tpu.memref_slice %arg4[%dma_wait3A_216, %dma_wait3A_217] : memref<1000000x32xf32, #tpu.memory_space<hbm>> -> memref<1000000x32xf32, #tpu.memory_space<hbm>>
    tpu.wait_indirect_dma semaphore(%arg14 : memref<!tpu.dma_semaphore, #tpu.memory_space<semaphore_mem>>) src(%dma_wait3A_218 : memref<1000000x32xf32, #tpu.memory_space<hbm>>) dst(%dma_wait3A_213 : memref<128x32xf32, #tpu.memory_space<vmem>>)
    %dma_wait3A_219 = arith.constant 384 : i32
    %dma_wait3A_220 = arith.constant 0 : i32
    %dma_wait3A_221 = tpu.memref_slice %arg10[%dma_wait3A_219, %dma_wait3A_220] : memref<512x32xf32, #tpu.memory_space<vmem>> -> memref<128x32xf32, #tpu.memory_space<vmem>>
    %dma_wait3A_222 = arith.constant 384 : i32
    %dma_wait3A_223 = tpu.memref_slice %arg8[%dma_wait3A_222] : memref<512xi32, #tpu.memory_space<vmem>> -> memref<128xi32, #tpu.memory_space<vmem>>
    %dma_wait3A_224 = arith.constant 0 : i32
    %dma_wait3A_225 = arith.constant 0 : i32
    %dma_wait3A_226 = tpu.memref_slice %arg4[%dma_wait3A_224, %dma_wait3A_225] : memref<1000000x32xf32, #tpu.memory_space<hbm>> -> memref<1000000x32xf32, #tpu.memory_space<hbm>>
    tpu.wait_indirect_dma semaphore(%arg14 : memref<!tpu.dma_semaphore, #tpu.memory_space<semaphore_mem>>) src(%dma_wait3A_226 : memref<1000000x32xf32, #tpu.memory_space<hbm>>) dst(%dma_wait3A_221 : memref<128x32xf32, #tpu.memory_space<vmem>>)
    %dma_wait3A_227 = arith.constant 0 : i32
    %dma_wait3A_228 = arith.constant 0 : i32
    %dma_wait3A_229 = tpu.memref_slice %arg11[%dma_wait3A_227, %dma_wait3A_228] : memref<2560x32xf32, #tpu.memory_space<vmem>> -> memref<128x32xf32, #tpu.memory_space<vmem>>
    %dma_wait3A_230 = arith.constant 0 : i32
    %dma_wait3A_231 = tpu.memref_slice %arg9[%dma_wait3A_230] : memref<2560xi32, #tpu.memory_space<vmem>> -> memref<128xi32, #tpu.memory_space<vmem>>
    %dma_wait3A_232 = arith.constant 0 : i32
    %dma_wait3A_233 = arith.constant 0 : i32
    %dma_wait3A_234 = tpu.memref_slice %arg5[%dma_wait3A_232, %dma_wait3A_233] : memref<1000000x32xf32, #tpu.memory_space<hbm>> -> memref<1000000x32xf32, #tpu.memory_space<hbm>>
    tpu.wait_indirect_dma semaphore(%arg14 : memref<!tpu.dma_semaphore, #tpu.memory_space<semaphore_mem>>) src(%dma_wait3A_234 : memref<1000000x32xf32, #tpu.memory_space<hbm>>) dst(%dma_wait3A_229 : memref<128x32xf32, #tpu.memory_space<vmem>>)
    %dma_wait3A_235 = arith.constant 128 : i32
    %dma_wait3A_236 = arith.constant 0 : i32
    %dma_wait3A_237 = tpu.memref_slice %arg11[%dma_wait3A_235, %dma_wait3A_236] : memref<2560x32xf32, #tpu.memory_space<vmem>> -> memref<128x32xf32, #tpu.memory_space<vmem>>
    %dma_wait3A_238 = arith.constant 128 : i32
    %dma_wait3A_239 = tpu.memref_slice %arg9[%dma_wait3A_238] : memref<2560xi32, #tpu.memory_space<vmem>> -> memref<128xi32, #tpu.memory_space<vmem>>
    %dma_wait3A_240 = arith.constant 0 : i32
    %dma_wait3A_241 = arith.constant 0 : i32
    %dma_wait3A_242 = tpu.memref_slice %arg5[%dma_wait3A_240, %dma_wait3A_241] : memref<1000000x32xf32, #tpu.memory_space<hbm>> -> memref<1000000x32xf32, #tpu.memory_space<hbm>>
    tpu.wait_indirect_dma semaphore(%arg14 : memref<!tpu.dma_semaphore, #tpu.memory_space<semaphore_mem>>) src(%dma_wait3A_242 : memref<1000000x32xf32, #tpu.memory_space<hbm>>) dst(%dma_wait3A_237 : memref<128x32xf32, #tpu.memory_space<vmem>>)
    %dma_wait3A_243 = arith.constant 256 : i32
    %dma_wait3A_244 = arith.constant 0 : i32
    %dma_wait3A_245 = tpu.memref_slice %arg11[%dma_wait3A_243, %dma_wait3A_244] : memref<2560x32xf32, #tpu.memory_space<vmem>> -> memref<128x32xf32, #tpu.memory_space<vmem>>
    %dma_wait3A_246 = arith.constant 256 : i32
    %dma_wait3A_247 = tpu.memref_slice %arg9[%dma_wait3A_246] : memref<2560xi32, #tpu.memory_space<vmem>> -> memref<128xi32, #tpu.memory_space<vmem>>
    %dma_wait3A_248 = arith.constant 0 : i32
    %dma_wait3A_249 = arith.constant 0 : i32
    %dma_wait3A_250 = tpu.memref_slice %arg5[%dma_wait3A_248, %dma_wait3A_249] : memref<1000000x32xf32, #tpu.memory_space<hbm>> -> memref<1000000x32xf32, #tpu.memory_space<hbm>>
    tpu.wait_indirect_dma semaphore(%arg14 : memref<!tpu.dma_semaphore, #tpu.memory_space<semaphore_mem>>) src(%dma_wait3A_250 : memref<1000000x32xf32, #tpu.memory_space<hbm>>) dst(%dma_wait3A_245 : memref<128x32xf32, #tpu.memory_space<vmem>>)
    %dma_wait3A_251 = arith.constant 384 : i32
    %dma_wait3A_252 = arith.constant 0 : i32
    %dma_wait3A_253 = tpu.memref_slice %arg11[%dma_wait3A_251, %dma_wait3A_252] : memref<2560x32xf32, #tpu.memory_space<vmem>> -> memref<128x32xf32, #tpu.memory_space<vmem>>
    %dma_wait3A_254 = arith.constant 384 : i32
    %dma_wait3A_255 = tpu.memref_slice %arg9[%dma_wait3A_254] : memref<2560xi32, #tpu.memory_space<vmem>> -> memref<128xi32, #tpu.memory_space<vmem>>
    %dma_wait3A_256 = arith.constant 0 : i32
    %dma_wait3A_257 = arith.constant 0 : i32
    %dma_wait3A_258 = tpu.memref_slice %arg5[%dma_wait3A_256, %dma_wait3A_257] : memref<1000000x32xf32, #tpu.memory_space<hbm>> -> memref<1000000x32xf32, #tpu.memory_space<hbm>>
    tpu.wait_indirect_dma semaphore(%arg14 : memref<!tpu.dma_semaphore, #tpu.memory_space<semaphore_mem>>) src(%dma_wait3A_258 : memref<1000000x32xf32, #tpu.memory_space<hbm>>) dst(%dma_wait3A_253 : memref<128x32xf32, #tpu.memory_space<vmem>>)
    %dma_wait3A_259 = arith.constant 512 : i32
    %dma_wait3A_260 = arith.constant 0 : i32
    %dma_wait3A_261 = tpu.memref_slice %arg11[%dma_wait3A_259, %dma_wait3A_260] : memref<2560x32xf32, #tpu.memory_space<vmem>> -> memref<128x32xf32, #tpu.memory_space<vmem>>
    %dma_wait3A_262 = arith.constant 512 : i32
    %dma_wait3A_263 = tpu.memref_slice %arg9[%dma_wait3A_262] : memref<2560xi32, #tpu.memory_space<vmem>> -> memref<128xi32, #tpu.memory_space<vmem>>
    %dma_wait3A_264 = arith.constant 0 : i32
    %dma_wait3A_265 = arith.constant 0 : i32
    %dma_wait3A_266 = tpu.memref_slice %arg5[%dma_wait3A_264, %dma_wait3A_265] : memref<1000000x32xf32, #tpu.memory_space<hbm>> -> memref<1000000x32xf32, #tpu.memory_space<hbm>>
    tpu.wait_indirect_dma semaphore(%arg14 : memref<!tpu.dma_semaphore, #tpu.memory_space<semaphore_mem>>) src(%dma_wait3A_266 : memref<1000000x32xf32, #tpu.memory_space<hbm>>) dst(%dma_wait3A_261 : memref<128x32xf32, #tpu.memory_space<vmem>>)
    %dma_wait3A_267 = arith.constant 640 : i32
    %dma_wait3A_268 = arith.constant 0 : i32
    %dma_wait3A_269 = tpu.memref_slice %arg11[%dma_wait3A_267, %dma_wait3A_268] : memref<2560x32xf32, #tpu.memory_space<vmem>> -> memref<128x32xf32, #tpu.memory_space<vmem>>
    %dma_wait3A_270 = arith.constant 640 : i32
    %dma_wait3A_271 = tpu.memref_slice %arg9[%dma_wait3A_270] : memref<2560xi32, #tpu.memory_space<vmem>> -> memref<128xi32, #tpu.memory_space<vmem>>
    %dma_wait3A_272 = arith.constant 0 : i32
    %dma_wait3A_273 = arith.constant 0 : i32
    %dma_wait3A_274 = tpu.memref_slice %arg5[%dma_wait3A_272, %dma_wait3A_273] : memref<1000000x32xf32, #tpu.memory_space<hbm>> -> memref<1000000x32xf32, #tpu.memory_space<hbm>>
    tpu.wait_indirect_dma semaphore(%arg14 : memref<!tpu.dma_semaphore, #tpu.memory_space<semaphore_mem>>) src(%dma_wait3A_274 : memref<1000000x32xf32, #tpu.memory_space<hbm>>) dst(%dma_wait3A_269 : memref<128x32xf32, #tpu.memory_space<vmem>>)
    %dma_wait3A_275 = arith.constant 768 : i32
    %dma_wait3A_276 = arith.constant 0 : i32
    %dma_wait3A_277 = tpu.memref_slice %arg11[%dma_wait3A_275, %dma_wait3A_276] : memref<2560x32xf32, #tpu.memory_space<vmem>> -> memref<128x32xf32, #tpu.memory_space<vmem>>
    %dma_wait3A_278 = arith.constant 768 : i32
    %dma_wait3A_279 = tpu.memref_slice %arg9[%dma_wait3A_278] : memref<2560xi32, #tpu.memory_space<vmem>> -> memref<128xi32, #tpu.memory_space<vmem>>
    %dma_wait3A_280 = arith.constant 0 : i32
    %dma_wait3A_281 = arith.constant 0 : i32
    %dma_wait3A_282 = tpu.memref_slice %arg5[%dma_wait3A_280, %dma_wait3A_281] : memref<1000000x32xf32, #tpu.memory_space<hbm>> -> memref<1000000x32xf32, #tpu.memory_space<hbm>>
    tpu.wait_indirect_dma semaphore(%arg14 : memref<!tpu.dma_semaphore, #tpu.memory_space<semaphore_mem>>) src(%dma_wait3A_282 : memref<1000000x32xf32, #tpu.memory_space<hbm>>) dst(%dma_wait3A_277 : memref<128x32xf32, #tpu.memory_space<vmem>>)
    %dma_wait3A_283 = arith.constant 896 : i32
    %dma_wait3A_284 = arith.constant 0 : i32
    %dma_wait3A_285 = tpu.memref_slice %arg11[%dma_wait3A_283, %dma_wait3A_284] : memref<2560x32xf32, #tpu.memory_space<vmem>> -> memref<128x32xf32, #tpu.memory_space<vmem>>
    %dma_wait3A_286 = arith.constant 896 : i32
    %dma_wait3A_287 = tpu.memref_slice %arg9[%dma_wait3A_286] : memref<2560xi32, #tpu.memory_space<vmem>> -> memref<128xi32, #tpu.memory_space<vmem>>
    %dma_wait3A_288 = arith.constant 0 : i32
    %dma_wait3A_289 = arith.constant 0 : i32
    %dma_wait3A_290 = tpu.memref_slice %arg5[%dma_wait3A_288, %dma_wait3A_289] : memref<1000000x32xf32, #tpu.memory_space<hbm>> -> memref<1000000x32xf32, #tpu.memory_space<hbm>>
    tpu.wait_indirect_dma semaphore(%arg14 : memref<!tpu.dma_semaphore, #tpu.memory_space<semaphore_mem>>) src(%dma_wait3A_290 : memref<1000000x32xf32, #tpu.memory_space<hbm>>) dst(%dma_wait3A_285 : memref<128x32xf32, #tpu.memory_space<vmem>>)
    %dma_wait3A_291 = arith.constant 1024 : i32
    %dma_wait3A_292 = arith.constant 0 : i32
    %dma_wait3A_293 = tpu.memref_slice %arg11[%dma_wait3A_291, %dma_wait3A_292] : memref<2560x32xf32, #tpu.memory_space<vmem>> -> memref<128x32xf32, #tpu.memory_space<vmem>>
    %dma_wait3A_294 = arith.constant 1024 : i32
    %dma_wait3A_295 = tpu.memref_slice %arg9[%dma_wait3A_294] : memref<2560xi32, #tpu.memory_space<vmem>> -> memref<128xi32, #tpu.memory_space<vmem>>
    %dma_wait3A_296 = arith.constant 0 : i32
    %dma_wait3A_297 = arith.constant 0 : i32
    %dma_wait3A_298 = tpu.memref_slice %arg5[%dma_wait3A_296, %dma_wait3A_297] : memref<1000000x32xf32, #tpu.memory_space<hbm>> -> memref<1000000x32xf32, #tpu.memory_space<hbm>>
    tpu.wait_indirect_dma semaphore(%arg14 : memref<!tpu.dma_semaphore, #tpu.memory_space<semaphore_mem>>) src(%dma_wait3A_298 : memref<1000000x32xf32, #tpu.memory_space<hbm>>) dst(%dma_wait3A_293 : memref<128x32xf32, #tpu.memory_space<vmem>>)
    %dma_wait3A_299 = arith.constant 1152 : i32
    %dma_wait3A_300 = arith.constant 0 : i32
    %dma_wait3A_301 = tpu.memref_slice %arg11[%dma_wait3A_299, %dma_wait3A_300] : memref<2560x32xf32, #tpu.memory_space<vmem>> -> memref<128x32xf32, #tpu.memory_space<vmem>>
    %dma_wait3A_302 = arith.constant 1152 : i32
    %dma_wait3A_303 = tpu.memref_slice %arg9[%dma_wait3A_302] : memref<2560xi32, #tpu.memory_space<vmem>> -> memref<128xi32, #tpu.memory_space<vmem>>
    %dma_wait3A_304 = arith.constant 0 : i32
    %dma_wait3A_305 = arith.constant 0 : i32
    %dma_wait3A_306 = tpu.memref_slice %arg5[%dma_wait3A_304, %dma_wait3A_305] : memref<1000000x32xf32, #tpu.memory_space<hbm>> -> memref<1000000x32xf32, #tpu.memory_space<hbm>>
    tpu.wait_indirect_dma semaphore(%arg14 : memref<!tpu.dma_semaphore, #tpu.memory_space<semaphore_mem>>) src(%dma_wait3A_306 : memref<1000000x32xf32, #tpu.memory_space<hbm>>) dst(%dma_wait3A_301 : memref<128x32xf32, #tpu.memory_space<vmem>>)
    %dma_wait3A_307 = arith.constant 1280 : i32
    %dma_wait3A_308 = arith.constant 0 : i32
    %dma_wait3A_309 = tpu.memref_slice %arg11[%dma_wait3A_307, %dma_wait3A_308] : memref<2560x32xf32, #tpu.memory_space<vmem>> -> memref<128x32xf32, #tpu.memory_space<vmem>>
    %dma_wait3A_310 = arith.constant 1280 : i32
    %dma_wait3A_311 = tpu.memref_slice %arg9[%dma_wait3A_310] : memref<2560xi32, #tpu.memory_space<vmem>> -> memref<128xi32, #tpu.memory_space<vmem>>
    %dma_wait3A_312 = arith.constant 0 : i32
    %dma_wait3A_313 = arith.constant 0 : i32
    %dma_wait3A_314 = tpu.memref_slice %arg5[%dma_wait3A_312, %dma_wait3A_313] : memref<1000000x32xf32, #tpu.memory_space<hbm>> -> memref<1000000x32xf32, #tpu.memory_space<hbm>>
    tpu.wait_indirect_dma semaphore(%arg14 : memref<!tpu.dma_semaphore, #tpu.memory_space<semaphore_mem>>) src(%dma_wait3A_314 : memref<1000000x32xf32, #tpu.memory_space<hbm>>) dst(%dma_wait3A_309 : memref<128x32xf32, #tpu.memory_space<vmem>>)
    %dma_wait3A_315 = arith.constant 1408 : i32
    %dma_wait3A_316 = arith.constant 0 : i32
    %dma_wait3A_317 = tpu.memref_slice %arg11[%dma_wait3A_315, %dma_wait3A_316] : memref<2560x32xf32, #tpu.memory_space<vmem>> -> memref<128x32xf32, #tpu.memory_space<vmem>>
    %dma_wait3A_318 = arith.constant 1408 : i32
    %dma_wait3A_319 = tpu.memref_slice %arg9[%dma_wait3A_318] : memref<2560xi32, #tpu.memory_space<vmem>> -> memref<128xi32, #tpu.memory_space<vmem>>
    %dma_wait3A_320 = arith.constant 0 : i32
    %dma_wait3A_321 = arith.constant 0 : i32
    %dma_wait3A_322 = tpu.memref_slice %arg5[%dma_wait3A_320, %dma_wait3A_321] : memref<1000000x32xf32, #tpu.memory_space<hbm>> -> memref<1000000x32xf32, #tpu.memory_space<hbm>>
    tpu.wait_indirect_dma semaphore(%arg14 : memref<!tpu.dma_semaphore, #tpu.memory_space<semaphore_mem>>) src(%dma_wait3A_322 : memref<1000000x32xf32, #tpu.memory_space<hbm>>) dst(%dma_wait3A_317 : memref<128x32xf32, #tpu.memory_space<vmem>>)
    %dma_wait3A_323 = arith.constant 1536 : i32
    %dma_wait3A_324 = arith.constant 0 : i32
    %dma_wait3A_325 = tpu.memref_slice %arg11[%dma_wait3A_323, %dma_wait3A_324] : memref<2560x32xf32, #tpu.memory_space<vmem>> -> memref<128x32xf32, #tpu.memory_space<vmem>>
    %dma_wait3A_326 = arith.constant 1536 : i32
    %dma_wait3A_327 = tpu.memref_slice %arg9[%dma_wait3A_326] : memref<2560xi32, #tpu.memory_space<vmem>> -> memref<128xi32, #tpu.memory_space<vmem>>
    %dma_wait3A_328 = arith.constant 0 : i32
    %dma_wait3A_329 = arith.constant 0 : i32
    %dma_wait3A_330 = tpu.memref_slice %arg5[%dma_wait3A_328, %dma_wait3A_329] : memref<1000000x32xf32, #tpu.memory_space<hbm>> -> memref<1000000x32xf32, #tpu.memory_space<hbm>>
    tpu.wait_indirect_dma semaphore(%arg14 : memref<!tpu.dma_semaphore, #tpu.memory_space<semaphore_mem>>) src(%dma_wait3A_330 : memref<1000000x32xf32, #tpu.memory_space<hbm>>) dst(%dma_wait3A_325 : memref<128x32xf32, #tpu.memory_space<vmem>>)
    %dma_wait3A_331 = arith.constant 1664 : i32
    %dma_wait3A_332 = arith.constant 0 : i32
    %dma_wait3A_333 = tpu.memref_slice %arg11[%dma_wait3A_331, %dma_wait3A_332] : memref<2560x32xf32, #tpu.memory_space<vmem>> -> memref<128x32xf32, #tpu.memory_space<vmem>>
    %dma_wait3A_334 = arith.constant 1664 : i32
    %dma_wait3A_335 = tpu.memref_slice %arg9[%dma_wait3A_334] : memref<2560xi32, #tpu.memory_space<vmem>> -> memref<128xi32, #tpu.memory_space<vmem>>
    %dma_wait3A_336 = arith.constant 0 : i32
    %dma_wait3A_337 = arith.constant 0 : i32
    %dma_wait3A_338 = tpu.memref_slice %arg5[%dma_wait3A_336, %dma_wait3A_337] : memref<1000000x32xf32, #tpu.memory_space<hbm>> -> memref<1000000x32xf32, #tpu.memory_space<hbm>>
    tpu.wait_indirect_dma semaphore(%arg14 : memref<!tpu.dma_semaphore, #tpu.memory_space<semaphore_mem>>) src(%dma_wait3A_338 : memref<1000000x32xf32, #tpu.memory_space<hbm>>) dst(%dma_wait3A_333 : memref<128x32xf32, #tpu.memory_space<vmem>>)
    %dma_wait3A_339 = arith.constant 1792 : i32
    %dma_wait3A_340 = arith.constant 0 : i32
    %dma_wait3A_341 = tpu.memref_slice %arg11[%dma_wait3A_339, %dma_wait3A_340] : memref<2560x32xf32, #tpu.memory_space<vmem>> -> memref<128x32xf32, #tpu.memory_space<vmem>>
    %dma_wait3A_342 = arith.constant 1792 : i32
    %dma_wait3A_343 = tpu.memref_slice %arg9[%dma_wait3A_342] : memref<2560xi32, #tpu.memory_space<vmem>> -> memref<128xi32, #tpu.memory_space<vmem>>
    %dma_wait3A_344 = arith.constant 0 : i32
    %dma_wait3A_345 = arith.constant 0 : i32
    %dma_wait3A_346 = tpu.memref_slice %arg5[%dma_wait3A_344, %dma_wait3A_345] : memref<1000000x32xf32, #tpu.memory_space<hbm>> -> memref<1000000x32xf32, #tpu.memory_space<hbm>>
    tpu.wait_indirect_dma semaphore(%arg14 : memref<!tpu.dma_semaphore, #tpu.memory_space<semaphore_mem>>) src(%dma_wait3A_346 : memref<1000000x32xf32, #tpu.memory_space<hbm>>) dst(%dma_wait3A_341 : memref<128x32xf32, #tpu.memory_space<vmem>>)
    %dma_wait3A_347 = arith.constant 1920 : i32
    %dma_wait3A_348 = arith.constant 0 : i32
    %dma_wait3A_349 = tpu.memref_slice %arg11[%dma_wait3A_347, %dma_wait3A_348] : memref<2560x32xf32, #tpu.memory_space<vmem>> -> memref<128x32xf32, #tpu.memory_space<vmem>>
    %dma_wait3A_350 = arith.constant 1920 : i32
    %dma_wait3A_351 = tpu.memref_slice %arg9[%dma_wait3A_350] : memref<2560xi32, #tpu.memory_space<vmem>> -> memref<128xi32, #tpu.memory_space<vmem>>
    %dma_wait3A_352 = arith.constant 0 : i32
    %dma_wait3A_353 = arith.constant 0 : i32
    %dma_wait3A_354 = tpu.memref_slice %arg5[%dma_wait3A_352, %dma_wait3A_353] : memref<1000000x32xf32, #tpu.memory_space<hbm>> -> memref<1000000x32xf32, #tpu.memory_space<hbm>>
    tpu.wait_indirect_dma semaphore(%arg14 : memref<!tpu.dma_semaphore, #tpu.memory_space<semaphore_mem>>) src(%dma_wait3A_354 : memref<1000000x32xf32, #tpu.memory_space<hbm>>) dst(%dma_wait3A_349 : memref<128x32xf32, #tpu.memory_space<vmem>>)
    %dma_wait3A_355 = arith.constant 2048 : i32
    %dma_wait3A_356 = arith.constant 0 : i32
    %dma_wait3A_357 = tpu.memref_slice %arg11[%dma_wait3A_355, %dma_wait3A_356] : memref<2560x32xf32, #tpu.memory_space<vmem>> -> memref<128x32xf32, #tpu.memory_space<vmem>>
    %dma_wait3A_358 = arith.constant 2048 : i32
    %dma_wait3A_359 = tpu.memref_slice %arg9[%dma_wait3A_358] : memref<2560xi32, #tpu.memory_space<vmem>> -> memref<128xi32, #tpu.memory_space<vmem>>
    %dma_wait3A_360 = arith.constant 0 : i32
    %dma_wait3A_361 = arith.constant 0 : i32
    %dma_wait3A_362 = tpu.memref_slice %arg5[%dma_wait3A_360, %dma_wait3A_361] : memref<1000000x32xf32, #tpu.memory_space<hbm>> -> memref<1000000x32xf32, #tpu.memory_space<hbm>>
    tpu.wait_indirect_dma semaphore(%arg14 : memref<!tpu.dma_semaphore, #tpu.memory_space<semaphore_mem>>) src(%dma_wait3A_362 : memref<1000000x32xf32, #tpu.memory_space<hbm>>) dst(%dma_wait3A_357 : memref<128x32xf32, #tpu.memory_space<vmem>>)
    %dma_wait3A_363 = arith.constant 2176 : i32
    %dma_wait3A_364 = arith.constant 0 : i32
    %dma_wait3A_365 = tpu.memref_slice %arg11[%dma_wait3A_363, %dma_wait3A_364] : memref<2560x32xf32, #tpu.memory_space<vmem>> -> memref<128x32xf32, #tpu.memory_space<vmem>>
    %dma_wait3A_366 = arith.constant 2176 : i32
    %dma_wait3A_367 = tpu.memref_slice %arg9[%dma_wait3A_366] : memref<2560xi32, #tpu.memory_space<vmem>> -> memref<128xi32, #tpu.memory_space<vmem>>
    %dma_wait3A_368 = arith.constant 0 : i32
    %dma_wait3A_369 = arith.constant 0 : i32
    %dma_wait3A_370 = tpu.memref_slice %arg5[%dma_wait3A_368, %dma_wait3A_369] : memref<1000000x32xf32, #tpu.memory_space<hbm>> -> memref<1000000x32xf32, #tpu.memory_space<hbm>>
    tpu.wait_indirect_dma semaphore(%arg14 : memref<!tpu.dma_semaphore, #tpu.memory_space<semaphore_mem>>) src(%dma_wait3A_370 : memref<1000000x32xf32, #tpu.memory_space<hbm>>) dst(%dma_wait3A_365 : memref<128x32xf32, #tpu.memory_space<vmem>>)
    %dma_wait3A_371 = arith.constant 2304 : i32
    %dma_wait3A_372 = arith.constant 0 : i32
    %dma_wait3A_373 = tpu.memref_slice %arg11[%dma_wait3A_371, %dma_wait3A_372] : memref<2560x32xf32, #tpu.memory_space<vmem>> -> memref<128x32xf32, #tpu.memory_space<vmem>>
    %dma_wait3A_374 = arith.constant 2304 : i32
    %dma_wait3A_375 = tpu.memref_slice %arg9[%dma_wait3A_374] : memref<2560xi32, #tpu.memory_space<vmem>> -> memref<128xi32, #tpu.memory_space<vmem>>
    %dma_wait3A_376 = arith.constant 0 : i32
    %dma_wait3A_377 = arith.constant 0 : i32
    %dma_wait3A_378 = tpu.memref_slice %arg5[%dma_wait3A_376, %dma_wait3A_377] : memref<1000000x32xf32, #tpu.memory_space<hbm>> -> memref<1000000x32xf32, #tpu.memory_space<hbm>>
    tpu.wait_indirect_dma semaphore(%arg14 : memref<!tpu.dma_semaphore, #tpu.memory_space<semaphore_mem>>) src(%dma_wait3A_378 : memref<1000000x32xf32, #tpu.memory_space<hbm>>) dst(%dma_wait3A_373 : memref<128x32xf32, #tpu.memory_space<vmem>>)
    %dma_wait3A_379 = arith.constant 2432 : i32
    %dma_wait3A_380 = arith.constant 0 : i32
    %dma_wait3A_381 = tpu.memref_slice %arg11[%dma_wait3A_379, %dma_wait3A_380] : memref<2560x32xf32, #tpu.memory_space<vmem>> -> memref<128x32xf32, #tpu.memory_space<vmem>>
    %dma_wait3A_382 = arith.constant 2432 : i32
    %dma_wait3A_383 = tpu.memref_slice %arg9[%dma_wait3A_382] : memref<2560xi32, #tpu.memory_space<vmem>> -> memref<128xi32, #tpu.memory_space<vmem>>
    %dma_wait3A_384 = arith.constant 0 : i32
    %dma_wait3A_385 = arith.constant 0 : i32
    %dma_wait3A_386 = tpu.memref_slice %arg5[%dma_wait3A_384, %dma_wait3A_385] : memref<1000000x32xf32, #tpu.memory_space<hbm>> -> memref<1000000x32xf32, #tpu.memory_space<hbm>>
    tpu.wait_indirect_dma semaphore(%arg14 : memref<!tpu.dma_semaphore, #tpu.memory_space<semaphore_mem>>) src(%dma_wait3A_386 : memref<1000000x32xf32, #tpu.memory_space<hbm>>) dst(%dma_wait3A_381 : memref<128x32xf32, #tpu.memory_space<vmem>>)
    %iota3A = tpu.iota {dimensions = array<i32: 0>} : vector<16xi32>
    %xor3A = arith.constant 1 : i32
    %xor3A_387 = vector.broadcast %xor3A : i32 to vector<16xi32>
    %xor3A_388 = arith.xori %iota3A, %xor3A_387 : vector<16xi32>
    %xor3A_389 = arith.constant 2 : i32
    %xor3A_390 = vector.broadcast %xor3A_389 : i32 to vector<16xi32>
    %xor3A_391 = arith.xori %iota3A, %xor3A_390 : vector<16xi32>
    %xor3A_392 = arith.constant 4 : i32
    %xor3A_393 = vector.broadcast %xor3A_392 : i32 to vector<16xi32>
    %xor3A_394 = arith.xori %iota3A, %xor3A_393 : vector<16xi32>
    %xor3A_395 = arith.constant 8 : i32
    %xor3A_396 = vector.broadcast %xor3A_395 : i32 to vector<16xi32>
    %xor3A_397 = arith.xori %iota3A, %xor3A_396 : vector<16xi32>
    %and3A = arith.constant 1 : i32
    %and3A_398 = vector.broadcast %and3A : i32 to vector<16xi32>
    %and3A_399 = arith.andi %iota3A, %and3A_398 : vector<16xi32>
    %eq3A = arith.constant 0 : i32
    %eq3A_400 = vector.broadcast %eq3A : i32 to vector<16xi32>
    %eq3A_401 = arith.cmpi eq, %and3A_399, %eq3A_400 : vector<16xi32>
    %and3A_402 = arith.constant 2 : i32
    %and3A_403 = vector.broadcast %and3A_402 : i32 to vector<16xi32>
    %and3A_404 = arith.andi %iota3A, %and3A_403 : vector<16xi32>
    %eq3A_405 = arith.constant 0 : i32
    %eq3A_406 = vector.broadcast %eq3A_405 : i32 to vector<16xi32>
    %eq3A_407 = arith.cmpi eq, %and3A_404, %eq3A_406 : vector<16xi32>
    %and3A_408 = arith.constant 4 : i32
    %and3A_409 = vector.broadcast %and3A_408 : i32 to vector<16xi32>
    %and3A_410 = arith.andi %iota3A, %and3A_409 : vector<16xi32>
    %eq3A_411 = arith.constant 0 : i32
    %eq3A_412 = vector.broadcast %eq3A_411 : i32 to vector<16xi32>
    %eq3A_413 = arith.cmpi eq, %and3A_410, %eq3A_412 : vector<16xi32>
    %and3A_414 = arith.constant 8 : i32
    %and3A_415 = vector.broadcast %and3A_414 : i32 to vector<16xi32>
    %and3A_416 = arith.andi %iota3A, %and3A_415 : vector<16xi32>
    %eq3A_417 = arith.constant 0 : i32
    %eq3A_418 = vector.broadcast %eq3A_417 : i32 to vector<16xi32>
    %eq3A_419 = arith.cmpi eq, %and3A_416, %eq3A_418 : vector<16xi32>
    %scan3A = arith.constant 0 : i32
    %scan3A_420 = arith.constant 0 : i32
    %scan3A_421 = arith.constant 32 : i32
    %scan3A_422 = arith.addi %scan3A_420, %scan3A_421 : i32
    %scan3A_423 = arith.constant 1 : i32
    scf.for %scan3A_425 = %scan3A_420 to %scan3A_422 step %scan3A_423  : i32 {
      %mul3A_426 = arith.constant 16 : i32
      %mul3A_427 = arith.muli %scan3A_425, %mul3A_426 : i32
      %add3A_428 = arith.constant 0 : i32
      %add3A_429 = arith.addi %mul3A_427, %add3A_428 : i32
      %get3A = arith.index_cast %add3A_429 : i32 to index
      %get3A_430 = arith.constant 0 : index
      %get3A_431 = tpu.vector_load %arg10[%get3A, %get3A_430] {strides = array<i32>} : memref<512x32xf32, #tpu.memory_space<vmem>>, vector<1x16xf32>,
      %get3A_432 = vector.shape_cast %get3A_431 : vector<1x16xf32> to vector<16xf32>
      %get3A_433 = arith.index_cast %add3A_429 : i32 to index
      %get3A_434 = arith.constant 16 : index
      %get3A_435 = tpu.vector_load %arg10[%get3A_433, %get3A_434] {strides = array<i32>} : memref<512x32xf32, #tpu.memory_space<vmem>>, vector<1x16xf32>,
      %get3A_436 = vector.shape_cast %get3A_435 : vector<1x16xf32> to vector<16xf32>
      %mul3A_437 = arith.constant 16 : i32
      %mul3A_438 = arith.muli %scan3A_425, %mul3A_437 : i32
      %add3A_439 = arith.constant 1 : i32
      %add3A_440 = arith.addi %mul3A_438, %add3A_439 : i32
      %get3A_441 = arith.index_cast %add3A_440 : i32 to index
      %get3A_442 = arith.constant 0 : index
      %get3A_443 = tpu.vector_load %arg10[%get3A_441, %get3A_442] {strides = array<i32>} : memref<512x32xf32, #tpu.memory_space<vmem>>, vector<1x16xf32>,
      %get3A_444 = vector.shape_cast %get3A_443 : vector<1x16xf32> to vector<16xf32>
      %get3A_445 = arith.index_cast %add3A_440 : i32 to index
      %get3A_446 = arith.constant 16 : index
      %get3A_447 = tpu.vector_load %arg10[%get3A_445, %get3A_446] {strides = array<i32>} : memref<512x32xf32, #tpu.memory_space<vmem>>, vector<1x16xf32>,
      %get3A_448 = vector.shape_cast %get3A_447 : vector<1x16xf32> to vector<16xf32>
      %mul3A_449 = arith.constant 16 : i32
      %mul3A_450 = arith.muli %scan3A_425, %mul3A_449 : i32
      %add3A_451 = arith.constant 2 : i32
      %add3A_452 = arith.addi %mul3A_450, %add3A_451 : i32
      %get3A_453 = arith.index_cast %add3A_452 : i32 to index
      %get3A_454 = arith.constant 0 : index
      %get3A_455 = tpu.vector_load %arg10[%get3A_453, %get3A_454] {strides = array<i32>} : memref<512x32xf32, #tpu.memory_space<vmem>>, vector<1x16xf32>,
      %get3A_456 = vector.shape_cast %get3A_455 : vector<1x16xf32> to vector<16xf32>
      %get3A_457 = arith.index_cast %add3A_452 : i32 to index
      %get3A_458 = arith.constant 16 : index
      %get3A_459 = tpu.vector_load %arg10[%get3A_457, %get3A_458] {strides = array<i32>} : memref<512x32xf32, #tpu.memory_space<vmem>>, vector<1x16xf32>,
      %get3A_460 = vector.shape_cast %get3A_459 : vector<1x16xf32> to vector<16xf32>
      %mul3A_461 = arith.constant 16 : i32
      %mul3A_462 = arith.muli %scan3A_425, %mul3A_461 : i32
      %add3A_463 = arith.constant 3 : i32
      %add3A_464 = arith.addi %mul3A_462, %add3A_463 : i32
      %get3A_465 = arith.index_cast %add3A_464 : i32 to index
      %get3A_466 = arith.constant 0 : index
      %get3A_467 = tpu.vector_load %arg10[%get3A_465, %get3A_466] {strides = array<i32>} : memref<512x32xf32, #tpu.memory_space<vmem>>, vector<1x16xf32>,
      %get3A_468 = vector.shape_cast %get3A_467 : vector<1x16xf32> to vector<16xf32>
      %get3A_469 = arith.index_cast %add3A_464 : i32 to index
      %get3A_470 = arith.constant 16 : index
      %get3A_471 = tpu.vector_load %arg10[%get3A_469, %get3A_470] {strides = array<i32>} : memref<512x32xf32, #tpu.memory_space<vmem>>, vector<1x16xf32>,
      %get3A_472 = vector.shape_cast %get3A_471 : vector<1x16xf32> to vector<16xf32>
      %mul3A_473 = arith.constant 16 : i32
      %mul3A_474 = arith.muli %scan3A_425, %mul3A_473 : i32
      %add3A_475 = arith.constant 4 : i32
      %add3A_476 = arith.addi %mul3A_474, %add3A_475 : i32
      %get3A_477 = arith.index_cast %add3A_476 : i32 to index
      %get3A_478 = arith.constant 0 : index
      %get3A_479 = tpu.vector_load %arg10[%get3A_477, %get3A_478] {strides = array<i32>} : memref<512x32xf32, #tpu.memory_space<vmem>>, vector<1x16xf32>,
      %get3A_480 = vector.shape_cast %get3A_479 : vector<1x16xf32> to vector<16xf32>
      %get3A_481 = arith.index_cast %add3A_476 : i32 to index
      %get3A_482 = arith.constant 16 : index
      %get3A_483 = tpu.vector_load %arg10[%get3A_481, %get3A_482] {strides = array<i32>} : memref<512x32xf32, #tpu.memory_space<vmem>>, vector<1x16xf32>,
      %get3A_484 = vector.shape_cast %get3A_483 : vector<1x16xf32> to vector<16xf32>
      %mul3A_485 = arith.constant 16 : i32
      %mul3A_486 = arith.muli %scan3A_425, %mul3A_485 : i32
      %add3A_487 = arith.constant 5 : i32
      %add3A_488 = arith.addi %mul3A_486, %add3A_487 : i32
      %get3A_489 = arith.index_cast %add3A_488 : i32 to index
      %get3A_490 = arith.constant 0 : index
      %get3A_491 = tpu.vector_load %arg10[%get3A_489, %get3A_490] {strides = array<i32>} : memref<512x32xf32, #tpu.memory_space<vmem>>, vector<1x16xf32>,
      %get3A_492 = vector.shape_cast %get3A_491 : vector<1x16xf32> to vector<16xf32>
      %get3A_493 = arith.index_cast %add3A_488 : i32 to index
      %get3A_494 = arith.constant 16 : index
      %get3A_495 = tpu.vector_load %arg10[%get3A_493, %get3A_494] {strides = array<i32>} : memref<512x32xf32, #tpu.memory_space<vmem>>, vector<1x16xf32>,
      %get3A_496 = vector.shape_cast %get3A_495 : vector<1x16xf32> to vector<16xf32>
      %mul3A_497 = arith.constant 16 : i32
      %mul3A_498 = arith.muli %scan3A_425, %mul3A_497 : i32
      %add3A_499 = arith.constant 6 : i32
      %add3A_500 = arith.addi %mul3A_498, %add3A_499 : i32
      %get3A_501 = arith.index_cast %add3A_500 : i32 to index
      %get3A_502 = arith.constant 0 : index
      %get3A_503 = tpu.vector_load %arg10[%get3A_501, %get3A_502] {strides = array<i32>} : memref<512x32xf32, #tpu.memory_space<vmem>>, vector<1x16xf32>,
      %get3A_504 = vector.shape_cast %get3A_503 : vector<1x16xf32> to vector<16xf32>
      %get3A_505 = arith.index_cast %add3A_500 : i32 to index
      %get3A_506 = arith.constant 16 : index
      %get3A_507 = tpu.vector_load %arg10[%get3A_505, %get3A_506] {strides = array<i32>} : memref<512x32xf32, #tpu.memory_space<vmem>>, vector<1x16xf32>,
      %get3A_508 = vector.shape_cast %get3A_507 : vector<1x16xf32> to vector<16xf32>
      %mul3A_509 = arith.constant 16 : i32
      %mul3A_510 = arith.muli %scan3A_425, %mul3A_509 : i32
      %add3A_511 = arith.constant 7 : i32
      %add3A_512 = arith.addi %mul3A_510, %add3A_511 : i32
      %get3A_513 = arith.index_cast %add3A_512 : i32 to index
      %get3A_514 = arith.constant 0 : index
      %get3A_515 = tpu.vector_load %arg10[%get3A_513, %get3A_514] {strides = array<i32>} : memref<512x32xf32, #tpu.memory_space<vmem>>, vector<1x16xf32>,
      %get3A_516 = vector.shape_cast %get3A_515 : vector<1x16xf32> to vector<16xf32>
      %get3A_517 = arith.index_cast %add3A_512 : i32 to index
      %get3A_518 = arith.constant 16 : index
      %get3A_519 = tpu.vector_load %arg10[%get3A_517, %get3A_518] {strides = array<i32>} : memref<512x32xf32, #tpu.memory_space<vmem>>, vector<1x16xf32>,
      %get3A_520 = vector.shape_cast %get3A_519 : vector<1x16xf32> to vector<16xf32>
      %mul3A_521 = arith.constant 16 : i32
      %mul3A_522 = arith.muli %scan3A_425, %mul3A_521 : i32
      %add3A_523 = arith.constant 8 : i32
      %add3A_524 = arith.addi %mul3A_522, %add3A_523 : i32
      %get3A_525 = arith.index_cast %add3A_524 : i32 to index
      %get3A_526 = arith.constant 0 : index
      %get3A_527 = tpu.vector_load %arg10[%get3A_525, %get3A_526] {strides = array<i32>} : memref<512x32xf32, #tpu.memory_space<vmem>>, vector<1x16xf32>,
      %get3A_528 = vector.shape_cast %get3A_527 : vector<1x16xf32> to vector<16xf32>
      %get3A_529 = arith.index_cast %add3A_524 : i32 to index
      %get3A_530 = arith.constant 16 : index
      %get3A_531 = tpu.vector_load %arg10[%get3A_529, %get3A_530] {strides = array<i32>} : memref<512x32xf32, #tpu.memory_space<vmem>>, vector<1x16xf32>,
      %get3A_532 = vector.shape_cast %get3A_531 : vector<1x16xf32> to vector<16xf32>
      %mul3A_533 = arith.constant 16 : i32
      %mul3A_534 = arith.muli %scan3A_425, %mul3A_533 : i32
      %add3A_535 = arith.constant 9 : i32
      %add3A_536 = arith.addi %mul3A_534, %add3A_535 : i32
      %get3A_537 = arith.index_cast %add3A_536 : i32 to index
      %get3A_538 = arith.constant 0 : index
      %get3A_539 = tpu.vector_load %arg10[%get3A_537, %get3A_538] {strides = array<i32>} : memref<512x32xf32, #tpu.memory_space<vmem>>, vector<1x16xf32>,
      %get3A_540 = vector.shape_cast %get3A_539 : vector<1x16xf32> to vector<16xf32>
      %get3A_541 = arith.index_cast %add3A_536 : i32 to index
      %get3A_542 = arith.constant 16 : index
      %get3A_543 = tpu.vector_load %arg10[%get3A_541, %get3A_542] {strides = array<i32>} : memref<512x32xf32, #tpu.memory_space<vmem>>, vector<1x16xf32>,
      %get3A_544 = vector.shape_cast %get3A_543 : vector<1x16xf32> to vector<16xf32>
      %mul3A_545 = arith.constant 16 : i32
      %mul3A_546 = arith.muli %scan3A_425, %mul3A_545 : i32
      %add3A_547 = arith.constant 10 : i32
      %add3A_548 = arith.addi %mul3A_546, %add3A_547 : i32
      %get3A_549 = arith.index_cast %add3A_548 : i32 to index
      %get3A_550 = arith.constant 0 : index
      %get3A_551 = tpu.vector_load %arg10[%get3A_549, %get3A_550] {strides = array<i32>} : memref<512x32xf32, #tpu.memory_space<vmem>>, vector<1x16xf32>,
      %get3A_552 = vector.shape_cast %get3A_551 : vector<1x16xf32> to vector<16xf32>
      %get3A_553 = arith.index_cast %add3A_548 : i32 to index
      %get3A_554 = arith.constant 16 : index
      %get3A_555 = tpu.vector_load %arg10[%get3A_553, %get3A_554] {strides = array<i32>} : memref<512x32xf32, #tpu.memory_space<vmem>>, vector<1x16xf32>,
      %get3A_556 = vector.shape_cast %get3A_555 : vector<1x16xf32> to vector<16xf32>
      %mul3A_557 = arith.constant 16 : i32
      %mul3A_558 = arith.muli %scan3A_425, %mul3A_557 : i32
      %add3A_559 = arith.constant 11 : i32
      %add3A_560 = arith.addi %mul3A_558, %add3A_559 : i32
      %get3A_561 = arith.index_cast %add3A_560 : i32 to index
      %get3A_562 = arith.constant 0 : index
      %get3A_563 = tpu.vector_load %arg10[%get3A_561, %get3A_562] {strides = array<i32>} : memref<512x32xf32, #tpu.memory_space<vmem>>, vector<1x16xf32>,
      %get3A_564 = vector.shape_cast %get3A_563 : vector<1x16xf32> to vector<16xf32>
      %get3A_565 = arith.index_cast %add3A_560 : i32 to index
      %get3A_566 = arith.constant 16 : index
      %get3A_567 = tpu.vector_load %arg10[%get3A_565, %get3A_566] {strides = array<i32>} : memref<512x32xf32, #tpu.memory_space<vmem>>, vector<1x16xf32>,
      %get3A_568 = vector.shape_cast %get3A_567 : vector<1x16xf32> to vector<16xf32>
      %mul3A_569 = arith.constant 16 : i32
      %mul3A_570 = arith.muli %scan3A_425, %mul3A_569 : i32
      %add3A_571 = arith.constant 12 : i32
      %add3A_572 = arith.addi %mul3A_570, %add3A_571 : i32
      %get3A_573 = arith.index_cast %add3A_572 : i32 to index
      %get3A_574 = arith.constant 0 : index
      %get3A_575 = tpu.vector_load %arg10[%get3A_573, %get3A_574] {strides = array<i32>} : memref<512x32xf32, #tpu.memory_space<vmem>>, vector<1x16xf32>,
      %get3A_576 = vector.shape_cast %get3A_575 : vector<1x16xf32> to vector<16xf32>
      %get3A_577 = arith.index_cast %add3A_572 : i32 to index
      %get3A_578 = arith.constant 16 : index
      %get3A_579 = tpu.vector_load %arg10[%get3A_577, %get3A_578] {strides = array<i32>} : memref<512x32xf32, #tpu.memory_space<vmem>>, vector<1x16xf32>,
      %get3A_580 = vector.shape_cast %get3A_579 : vector<1x16xf32> to vector<16xf32>
      %mul3A_581 = arith.constant 16 : i32
      %mul3A_582 = arith.muli %scan3A_425, %mul3A_581 : i32
      %add3A_583 = arith.constant 13 : i32
      %add3A_584 = arith.addi %mul3A_582, %add3A_583 : i32
      %get3A_585 = arith.index_cast %add3A_584 : i32 to index
      %get3A_586 = arith.constant 0 : index
      %get3A_587 = tpu.vector_load %arg10[%get3A_585, %get3A_586] {strides = array<i32>} : memref<512x32xf32, #tpu.memory_space<vmem>>, vector<1x16xf32>,
      %get3A_588 = vector.shape_cast %get3A_587 : vector<1x16xf32> to vector<16xf32>
      %get3A_589 = arith.index_cast %add3A_584 : i32 to index
      %get3A_590 = arith.constant 16 : index
      %get3A_591 = tpu.vector_load %arg10[%get3A_589, %get3A_590] {strides = array<i32>} : memref<512x32xf32, #tpu.memory_space<vmem>>, vector<1x16xf32>,
      %get3A_592 = vector.shape_cast %get3A_591 : vector<1x16xf32> to vector<16xf32>
      %mul3A_593 = arith.constant 16 : i32
      %mul3A_594 = arith.muli %scan3A_425, %mul3A_593 : i32
      %add3A_595 = arith.constant 14 : i32
      %add3A_596 = arith.addi %mul3A_594, %add3A_595 : i32
      %get3A_597 = arith.index_cast %add3A_596 : i32 to index
      %get3A_598 = arith.constant 0 : index
      %get3A_599 = tpu.vector_load %arg10[%get3A_597, %get3A_598] {strides = array<i32>} : memref<512x32xf32, #tpu.memory_space<vmem>>, vector<1x16xf32>,
      %get3A_600 = vector.shape_cast %get3A_599 : vector<1x16xf32> to vector<16xf32>
      %get3A_601 = arith.index_cast %add3A_596 : i32 to index
      %get3A_602 = arith.constant 16 : index
      %get3A_603 = tpu.vector_load %arg10[%get3A_601, %get3A_602] {strides = array<i32>} : memref<512x32xf32, #tpu.memory_space<vmem>>, vector<1x16xf32>,
      %get3A_604 = vector.shape_cast %get3A_603 : vector<1x16xf32> to vector<16xf32>
      %mul3A_605 = arith.constant 16 : i32
      %mul3A_606 = arith.muli %scan3A_425, %mul3A_605 : i32
      %add3A_607 = arith.constant 15 : i32
      %add3A_608 = arith.addi %mul3A_606, %add3A_607 : i32
      %get3A_609 = arith.index_cast %add3A_608 : i32 to index
      %get3A_610 = arith.constant 0 : index
      %get3A_611 = tpu.vector_load %arg10[%get3A_609, %get3A_610] {strides = array<i32>} : memref<512x32xf32, #tpu.memory_space<vmem>>, vector<1x16xf32>,
      %get3A_612 = vector.shape_cast %get3A_611 : vector<1x16xf32> to vector<16xf32>
      %get3A_613 = arith.index_cast %add3A_608 : i32 to index
      %get3A_614 = arith.constant 16 : index
      %get3A_615 = tpu.vector_load %arg10[%get3A_613, %get3A_614] {strides = array<i32>} : memref<512x32xf32, #tpu.memory_space<vmem>>, vector<1x16xf32>,
      %get3A_616 = vector.shape_cast %get3A_615 : vector<1x16xf32> to vector<16xf32>
      %mul3A_617 = arith.constant 16 : i32
      %mul3A_618 = arith.muli %scan3A_425, %mul3A_617 : i32
      %add3A_619 = arith.constant 0 : i32
      %add3A_620 = arith.addi %mul3A_618, %add3A_619 : i32
      %mul3A_621 = arith.constant 5 : i32
      %mul3A_622 = arith.muli %add3A_620, %mul3A_621 : i32
      %add3A_623 = arith.constant 0 : i32
      %add3A_624 = arith.addi %mul3A_622, %add3A_623 : i32
      %get3A_625 = arith.index_cast %add3A_624 : i32 to index
      %get3A_626 = arith.constant 0 : index
      %get3A_627 = tpu.vector_load %arg11[%get3A_625, %get3A_626] {strides = array<i32>} : memref<2560x32xf32, #tpu.memory_space<vmem>>, vector<1x16xf32>,
      %get3A_628 = vector.shape_cast %get3A_627 : vector<1x16xf32> to vector<16xf32>
      %get3A_629 = arith.index_cast %add3A_624 : i32 to index
      %get3A_630 = arith.constant 16 : index
      %get3A_631 = tpu.vector_load %arg11[%get3A_629, %get3A_630] {strides = array<i32>} : memref<2560x32xf32, #tpu.memory_space<vmem>>, vector<1x16xf32>,
      %get3A_632 = vector.shape_cast %get3A_631 : vector<1x16xf32> to vector<16xf32>
      %mul3A_633 = arith.mulf %get3A_432, %get3A_628 : vector<16xf32>
      %mul3A_634 = arith.mulf %get3A_436, %get3A_632 : vector<16xf32>
      %add3A_635 = arith.addf %mul3A_633, %mul3A_634 : vector<16xf32>
      %mul3A_636 = arith.constant 16 : i32
      %mul3A_637 = arith.muli %scan3A_425, %mul3A_636 : i32
      %add3A_638 = arith.constant 1 : i32
      %add3A_639 = arith.addi %mul3A_637, %add3A_638 : i32
      %mul3A_640 = arith.constant 5 : i32
      %mul3A_641 = arith.muli %add3A_639, %mul3A_640 : i32
      %add3A_642 = arith.constant 0 : i32
      %add3A_643 = arith.addi %mul3A_641, %add3A_642 : i32
      %get3A_644 = arith.index_cast %add3A_643 : i32 to index
      %get3A_645 = arith.constant 0 : index
      %get3A_646 = tpu.vector_load %arg11[%get3A_644, %get3A_645] {strides = array<i32>} : memref<2560x32xf32, #tpu.memory_space<vmem>>, vector<1x16xf32>,
      %get3A_647 = vector.shape_cast %get3A_646 : vector<1x16xf32> to vector<16xf32>
      %get3A_648 = arith.index_cast %add3A_643 : i32 to index
      %get3A_649 = arith.constant 16 : index
      %get3A_650 = tpu.vector_load %arg11[%get3A_648, %get3A_649] {strides = array<i32>} : memref<2560x32xf32, #tpu.memory_space<vmem>>, vector<1x16xf32>,
      %get3A_651 = vector.shape_cast %get3A_650 : vector<1x16xf32> to vector<16xf32>
      %mul3A_652 = arith.mulf %get3A_444, %get3A_647 : vector<16xf32>
      %mul3A_653 = arith.mulf %get3A_448, %get3A_651 : vector<16xf32>
      %add3A_654 = arith.addf %mul3A_652, %mul3A_653 : vector<16xf32>
      %mul3A_655 = arith.constant 16 : i32
      %mul3A_656 = arith.muli %scan3A_425, %mul3A_655 : i32
      %add3A_657 = arith.constant 2 : i32
      %add3A_658 = arith.addi %mul3A_656, %add3A_657 : i32
      %mul3A_659 = arith.constant 5 : i32
      %mul3A_660 = arith.muli %add3A_658, %mul3A_659 : i32
      %add3A_661 = arith.constant 0 : i32
      %add3A_662 = arith.addi %mul3A_660, %add3A_661 : i32
      %get3A_663 = arith.index_cast %add3A_662 : i32 to index
      %get3A_664 = arith.constant 0 : index
      %get3A_665 = tpu.vector_load %arg11[%get3A_663, %get3A_664] {strides = array<i32>} : memref<2560x32xf32, #tpu.memory_space<vmem>>, vector<1x16xf32>,
      %get3A_666 = vector.shape_cast %get3A_665 : vector<1x16xf32> to vector<16xf32>
      %get3A_667 = arith.index_cast %add3A_662 : i32 to index
      %get3A_668 = arith.constant 16 : index
      %get3A_669 = tpu.vector_load %arg11[%get3A_667, %get3A_668] {strides = array<i32>} : memref<2560x32xf32, #tpu.memory_space<vmem>>, vector<1x16xf32>,
      %get3A_670 = vector.shape_cast %get3A_669 : vector<1x16xf32> to vector<16xf32>
      %mul3A_671 = arith.mulf %get3A_456, %get3A_666 : vector<16xf32>
      %mul3A_672 = arith.mulf %get3A_460, %get3A_670 : vector<16xf32>
      %add3A_673 = arith.addf %mul3A_671, %mul3A_672 : vector<16xf32>
      %mul3A_674 = arith.constant 16 : i32
      %mul3A_675 = arith.muli %scan3A_425, %mul3A_674 : i32
      %add3A_676 = arith.constant 3 : i32
      %add3A_677 = arith.addi %mul3A_675, %add3A_676 : i32
      %mul3A_678 = arith.constant 5 : i32
      %mul3A_679 = arith.muli %add3A_677, %mul3A_678 : i32
      %add3A_680 = arith.constant 0 : i32
      %add3A_681 = arith.addi %mul3A_679, %add3A_680 : i32
      %get3A_682 = arith.index_cast %add3A_681 : i32 to index
      %get3A_683 = arith.constant 0 : index
      %get3A_684 = tpu.vector_load %arg11[%get3A_682, %get3A_683] {strides = array<i32>} : memref<2560x32xf32, #tpu.memory_space<vmem>>, vector<1x16xf32>,
      %get3A_685 = vector.shape_cast %get3A_684 : vector<1x16xf32> to vector<16xf32>
      %get3A_686 = arith.index_cast %add3A_681 : i32 to index
      %get3A_687 = arith.constant 16 : index
      %get3A_688 = tpu.vector_load %arg11[%get3A_686, %get3A_687] {strides = array<i32>} : memref<2560x32xf32, #tpu.memory_space<vmem>>, vector<1x16xf32>,
      %get3A_689 = vector.shape_cast %get3A_688 : vector<1x16xf32> to vector<16xf32>
      %mul3A_690 = arith.mulf %get3A_468, %get3A_685 : vector<16xf32>
      %mul3A_691 = arith.mulf %get3A_472, %get3A_689 : vector<16xf32>
      %add3A_692 = arith.addf %mul3A_690, %mul3A_691 : vector<16xf32>
      %mul3A_693 = arith.constant 16 : i32
      %mul3A_694 = arith.muli %scan3A_425, %mul3A_693 : i32
      %add3A_695 = arith.constant 4 : i32
      %add3A_696 = arith.addi %mul3A_694, %add3A_695 : i32
      %mul3A_697 = arith.constant 5 : i32
      %mul3A_698 = arith.muli %add3A_696, %mul3A_697 : i32
      %add3A_699 = arith.constant 0 : i32
      %add3A_700 = arith.addi %mul3A_698, %add3A_699 : i32
      %get3A_701 = arith.index_cast %add3A_700 : i32 to index
      %get3A_702 = arith.constant 0 : index
      %get3A_703 = tpu.vector_load %arg11[%get3A_701, %get3A_702] {strides = array<i32>} : memref<2560x32xf32, #tpu.memory_space<vmem>>, vector<1x16xf32>,
      %get3A_704 = vector.shape_cast %get3A_703 : vector<1x16xf32> to vector<16xf32>
      %get3A_705 = arith.index_cast %add3A_700 : i32 to index
      %get3A_706 = arith.constant 16 : index
      %get3A_707 = tpu.vector_load %arg11[%get3A_705, %get3A_706] {strides = array<i32>} : memref<2560x32xf32, #tpu.memory_space<vmem>>, vector<1x16xf32>,
      %get3A_708 = vector.shape_cast %get3A_707 : vector<1x16xf32> to vector<16xf32>
      %mul3A_709 = arith.mulf %get3A_480, %get3A_704 : vector<16xf32>
      %mul3A_710 = arith.mulf %get3A_484, %get3A_708 : vector<16xf32>
      %add3A_711 = arith.addf %mul3A_709, %mul3A_710 : vector<16xf32>
      %mul3A_712 = arith.constant 16 : i32
      %mul3A_713 = arith.muli %scan3A_425, %mul3A_712 : i32
      %add3A_714 = arith.constant 5 : i32
      %add3A_715 = arith.addi %mul3A_713, %add3A_714 : i32
      %mul3A_716 = arith.constant 5 : i32
      %mul3A_717 = arith.muli %add3A_715, %mul3A_716 : i32
      %add3A_718 = arith.constant 0 : i32
      %add3A_719 = arith.addi %mul3A_717, %add3A_718 : i32
      %get3A_720 = arith.index_cast %add3A_719 : i32 to index
      %get3A_721 = arith.constant 0 : index
      %get3A_722 = tpu.vector_load %arg11[%get3A_720, %get3A_721] {strides = array<i32>} : memref<2560x32xf32, #tpu.memory_space<vmem>>, vector<1x16xf32>,
      %get3A_723 = vector.shape_cast %get3A_722 : vector<1x16xf32> to vector<16xf32>
      %get3A_724 = arith.index_cast %add3A_719 : i32 to index
      %get3A_725 = arith.constant 16 : index
      %get3A_726 = tpu.vector_load %arg11[%get3A_724, %get3A_725] {strides = array<i32>} : memref<2560x32xf32, #tpu.memory_space<vmem>>, vector<1x16xf32>,
      %get3A_727 = vector.shape_cast %get3A_726 : vector<1x16xf32> to vector<16xf32>
      %mul3A_728 = arith.mulf %get3A_492, %get3A_723 : vector<16xf32>
      %mul3A_729 = arith.mulf %get3A_496, %get3A_727 : vector<16xf32>
      %add3A_730 = arith.addf %mul3A_728, %mul3A_729 : vector<16xf32>
      %mul3A_731 = arith.constant 16 : i32
      %mul3A_732 = arith.muli %scan3A_425, %mul3A_731 : i32
      %add3A_733 = arith.constant 6 : i32
      %add3A_734 = arith.addi %mul3A_732, %add3A_733 : i32
      %mul3A_735 = arith.constant 5 : i32
      %mul3A_736 = arith.muli %add3A_734, %mul3A_735 : i32
      %add3A_737 = arith.constant 0 : i32
      %add3A_738 = arith.addi %mul3A_736, %add3A_737 : i32
      %get3A_739 = arith.index_cast %add3A_738 : i32 to index
      %get3A_740 = arith.constant 0 : index
      %get3A_741 = tpu.vector_load %arg11[%get3A_739, %get3A_740] {strides = array<i32>} : memref<2560x32xf32, #tpu.memory_space<vmem>>, vector<1x16xf32>,
      %get3A_742 = vector.shape_cast %get3A_741 : vector<1x16xf32> to vector<16xf32>
      %get3A_743 = arith.index_cast %add3A_738 : i32 to index
      %get3A_744 = arith.constant 16 : index
      %get3A_745 = tpu.vector_load %arg11[%get3A_743, %get3A_744] {strides = array<i32>} : memref<2560x32xf32, #tpu.memory_space<vmem>>, vector<1x16xf32>,
      %get3A_746 = vector.shape_cast %get3A_745 : vector<1x16xf32> to vector<16xf32>
      %mul3A_747 = arith.mulf %get3A_504, %get3A_742 : vector<16xf32>
      %mul3A_748 = arith.mulf %get3A_508, %get3A_746 : vector<16xf32>
      %add3A_749 = arith.addf %mul3A_747, %mul3A_748 : vector<16xf32>
      %mul3A_750 = arith.constant 16 : i32
      %mul3A_751 = arith.muli %scan3A_425, %mul3A_750 : i32
      %add3A_752 = arith.constant 7 : i32
      %add3A_753 = arith.addi %mul3A_751, %add3A_752 : i32
      %mul3A_754 = arith.constant 5 : i32
      %mul3A_755 = arith.muli %add3A_753, %mul3A_754 : i32
      %add3A_756 = arith.constant 0 : i32
      %add3A_757 = arith.addi %mul3A_755, %add3A_756 : i32
      %get3A_758 = arith.index_cast %add3A_757 : i32 to index
      %get3A_759 = arith.constant 0 : index
      %get3A_760 = tpu.vector_load %arg11[%get3A_758, %get3A_759] {strides = array<i32>} : memref<2560x32xf32, #tpu.memory_space<vmem>>, vector<1x16xf32>,
      %get3A_761 = vector.shape_cast %get3A_760 : vector<1x16xf32> to vector<16xf32>
      %get3A_762 = arith.index_cast %add3A_757 : i32 to index
      %get3A_763 = arith.constant 16 : index
      %get3A_764 = tpu.vector_load %arg11[%get3A_762, %get3A_763] {strides = array<i32>} : memref<2560x32xf32, #tpu.memory_space<vmem>>, vector<1x16xf32>,
      %get3A_765 = vector.shape_cast %get3A_764 : vector<1x16xf32> to vector<16xf32>
      %mul3A_766 = arith.mulf %get3A_516, %get3A_761 : vector<16xf32>
      %mul3A_767 = arith.mulf %get3A_520, %get3A_765 : vector<16xf32>
      %add3A_768 = arith.addf %mul3A_766, %mul3A_767 : vector<16xf32>
      %mul3A_769 = arith.constant 16 : i32
      %mul3A_770 = arith.muli %scan3A_425, %mul3A_769 : i32
      %add3A_771 = arith.constant 8 : i32
      %add3A_772 = arith.addi %mul3A_770, %add3A_771 : i32
      %mul3A_773 = arith.constant 5 : i32
      %mul3A_774 = arith.muli %add3A_772, %mul3A_773 : i32
      %add3A_775 = arith.constant 0 : i32
      %add3A_776 = arith.addi %mul3A_774, %add3A_775 : i32
      %get3A_777 = arith.index_cast %add3A_776 : i32 to index
      %get3A_778 = arith.constant 0 : index
      %get3A_779 = tpu.vector_load %arg11[%get3A_777, %get3A_778] {strides = array<i32>} : memref<2560x32xf32, #tpu.memory_space<vmem>>, vector<1x16xf32>,
      %get3A_780 = vector.shape_cast %get3A_779 : vector<1x16xf32> to vector<16xf32>
      %get3A_781 = arith.index_cast %add3A_776 : i32 to index
      %get3A_782 = arith.constant 16 : index
      %get3A_783 = tpu.vector_load %arg11[%get3A_781, %get3A_782] {strides = array<i32>} : memref<2560x32xf32, #tpu.memory_space<vmem>>, vector<1x16xf32>,
      %get3A_784 = vector.shape_cast %get3A_783 : vector<1x16xf32> to vector<16xf32>
      %mul3A_785 = arith.mulf %get3A_528, %get3A_780 : vector<16xf32>
      %mul3A_786 = arith.mulf %get3A_532, %get3A_784 : vector<16xf32>
      %add3A_787 = arith.addf %mul3A_785, %mul3A_786 : vector<16xf32>
      %mul3A_788 = arith.constant 16 : i32
      %mul3A_789 = arith.muli %scan3A_425, %mul3A_788 : i32
      %add3A_790 = arith.constant 9 : i32
      %add3A_791 = arith.addi %mul3A_789, %add3A_790 : i32
      %mul3A_792 = arith.constant 5 : i32
      %mul3A_793 = arith.muli %add3A_791, %mul3A_792 : i32
      %add3A_794 = arith.constant 0 : i32
      %add3A_795 = arith.addi %mul3A_793, %add3A_794 : i32
      %get3A_796 = arith.index_cast %add3A_795 : i32 to index
      %get3A_797 = arith.constant 0 : index
      %get3A_798 = tpu.vector_load %arg11[%get3A_796, %get3A_797] {strides = array<i32>} : memref<2560x32xf32, #tpu.memory_space<vmem>>, vector<1x16xf32>,
      %get3A_799 = vector.shape_cast %get3A_798 : vector<1x16xf32> to vector<16xf32>
      %get3A_800 = arith.index_cast %add3A_795 : i32 to index
      %get3A_801 = arith.constant 16 : index
      %get3A_802 = tpu.vector_load %arg11[%get3A_800, %get3A_801] {strides = array<i32>} : memref<2560x32xf32, #tpu.memory_space<vmem>>, vector<1x16xf32>,
      %get3A_803 = vector.shape_cast %get3A_802 : vector<1x16xf32> to vector<16xf32>
      %mul3A_804 = arith.mulf %get3A_540, %get3A_799 : vector<16xf32>
      %mul3A_805 = arith.mulf %get3A_544, %get3A_803 : vector<16xf32>
      %add3A_806 = arith.addf %mul3A_804, %mul3A_805 : vector<16xf32>
      %mul3A_807 = arith.constant 16 : i32
      %mul3A_808 = arith.muli %scan3A_425, %mul3A_807 : i32
      %add3A_809 = arith.constant 10 : i32
      %add3A_810 = arith.addi %mul3A_808, %add3A_809 : i32
      %mul3A_811 = arith.constant 5 : i32
      %mul3A_812 = arith.muli %add3A_810, %mul3A_811 : i32
      %add3A_813 = arith.constant 0 : i32
      %add3A_814 = arith.addi %mul3A_812, %add3A_813 : i32
      %get3A_815 = arith.index_cast %add3A_814 : i32 to index
      %get3A_816 = arith.constant 0 : index
      %get3A_817 = tpu.vector_load %arg11[%get3A_815, %get3A_816] {strides = array<i32>} : memref<2560x32xf32, #tpu.memory_space<vmem>>, vector<1x16xf32>,
      %get3A_818 = vector.shape_cast %get3A_817 : vector<1x16xf32> to vector<16xf32>
      %get3A_819 = arith.index_cast %add3A_814 : i32 to index
      %get3A_820 = arith.constant 16 : index
      %get3A_821 = tpu.vector_load %arg11[%get3A_819, %get3A_820] {strides = array<i32>} : memref<2560x32xf32, #tpu.memory_space<vmem>>, vector<1x16xf32>,
      %get3A_822 = vector.shape_cast %get3A_821 : vector<1x16xf32> to vector<16xf32>
      %mul3A_823 = arith.mulf %get3A_552, %get3A_818 : vector<16xf32>
      %mul3A_824 = arith.mulf %get3A_556, %get3A_822 : vector<16xf32>
      %add3A_825 = arith.addf %mul3A_823, %mul3A_824 : vector<16xf32>
      %mul3A_826 = arith.constant 16 : i32
      %mul3A_827 = arith.muli %scan3A_425, %mul3A_826 : i32
      %add3A_828 = arith.constant 11 : i32
      %add3A_829 = arith.addi %mul3A_827, %add3A_828 : i32
      %mul3A_830 = arith.constant 5 : i32
      %mul3A_831 = arith.muli %add3A_829, %mul3A_830 : i32
      %add3A_832 = arith.constant 0 : i32
      %add3A_833 = arith.addi %mul3A_831, %add3A_832 : i32
      %get3A_834 = arith.index_cast %add3A_833 : i32 to index
      %get3A_835 = arith.constant 0 : index
      %get3A_836 = tpu.vector_load %arg11[%get3A_834, %get3A_835] {strides = array<i32>} : memref<2560x32xf32, #tpu.memory_space<vmem>>, vector<1x16xf32>,
      %get3A_837 = vector.shape_cast %get3A_836 : vector<1x16xf32> to vector<16xf32>
      %get3A_838 = arith.index_cast %add3A_833 : i32 to index
      %get3A_839 = arith.constant 16 : index
      %get3A_840 = tpu.vector_load %arg11[%get3A_838, %get3A_839] {strides = array<i32>} : memref<2560x32xf32, #tpu.memory_space<vmem>>, vector<1x16xf32>,
      %get3A_841 = vector.shape_cast %get3A_840 : vector<1x16xf32> to vector<16xf32>
      %mul3A_842 = arith.mulf %get3A_564, %get3A_837 : vector<16xf32>
      %mul3A_843 = arith.mulf %get3A_568, %get3A_841 : vector<16xf32>
      %add3A_844 = arith.addf %mul3A_842, %mul3A_843 : vector<16xf32>
      %mul3A_845 = arith.constant 16 : i32
      %mul3A_846 = arith.muli %scan3A_425, %mul3A_845 : i32
      %add3A_847 = arith.constant 12 : i32
      %add3A_848 = arith.addi %mul3A_846, %add3A_847 : i32
      %mul3A_849 = arith.constant 5 : i32
      %mul3A_850 = arith.muli %add3A_848, %mul3A_849 : i32
      %add3A_851 = arith.constant 0 : i32
      %add3A_852 = arith.addi %mul3A_850, %add3A_851 : i32
      %get3A_853 = arith.index_cast %add3A_852 : i32 to index
      %get3A_854 = arith.constant 0 : index
      %get3A_855 = tpu.vector_load %arg11[%get3A_853, %get3A_854] {strides = array<i32>} : memref<2560x32xf32, #tpu.memory_space<vmem>>, vector<1x16xf32>,
      %get3A_856 = vector.shape_cast %get3A_855 : vector<1x16xf32> to vector<16xf32>
      %get3A_857 = arith.index_cast %add3A_852 : i32 to index
      %get3A_858 = arith.constant 16 : index
      %get3A_859 = tpu.vector_load %arg11[%get3A_857, %get3A_858] {strides = array<i32>} : memref<2560x32xf32, #tpu.memory_space<vmem>>, vector<1x16xf32>,
      %get3A_860 = vector.shape_cast %get3A_859 : vector<1x16xf32> to vector<16xf32>
      %mul3A_861 = arith.mulf %get3A_576, %get3A_856 : vector<16xf32>
      %mul3A_862 = arith.mulf %get3A_580, %get3A_860 : vector<16xf32>
      %add3A_863 = arith.addf %mul3A_861, %mul3A_862 : vector<16xf32>
      %mul3A_864 = arith.constant 16 : i32
      %mul3A_865 = arith.muli %scan3A_425, %mul3A_864 : i32
      %add3A_866 = arith.constant 13 : i32
      %add3A_867 = arith.addi %mul3A_865, %add3A_866 : i32
      %mul3A_868 = arith.constant 5 : i32
      %mul3A_869 = arith.muli %add3A_867, %mul3A_868 : i32
      %add3A_870 = arith.constant 0 : i32
      %add3A_871 = arith.addi %mul3A_869, %add3A_870 : i32
      %get3A_872 = arith.index_cast %add3A_871 : i32 to index
      %get3A_873 = arith.constant 0 : index
      %get3A_874 = tpu.vector_load %arg11[%get3A_872, %get3A_873] {strides = array<i32>} : memref<2560x32xf32, #tpu.memory_space<vmem>>, vector<1x16xf32>,
      %get3A_875 = vector.shape_cast %get3A_874 : vector<1x16xf32> to vector<16xf32>
      %get3A_876 = arith.index_cast %add3A_871 : i32 to index
      %get3A_877 = arith.constant 16 : index
      %get3A_878 = tpu.vector_load %arg11[%get3A_876, %get3A_877] {strides = array<i32>} : memref<2560x32xf32, #tpu.memory_space<vmem>>, vector<1x16xf32>,
      %get3A_879 = vector.shape_cast %get3A_878 : vector<1x16xf32> to vector<16xf32>
      %mul3A_880 = arith.mulf %get3A_588, %get3A_875 : vector<16xf32>
      %mul3A_881 = arith.mulf %get3A_592, %get3A_879 : vector<16xf32>
      %add3A_882 = arith.addf %mul3A_880, %mul3A_881 : vector<16xf32>
      %mul3A_883 = arith.constant 16 : i32
      %mul3A_884 = arith.muli %scan3A_425, %mul3A_883 : i32
      %add3A_885 = arith.constant 14 : i32
      %add3A_886 = arith.addi %mul3A_884, %add3A_885 : i32
      %mul3A_887 = arith.constant 5 : i32
      %mul3A_888 = arith.muli %add3A_886, %mul3A_887 : i32
      %add3A_889 = arith.constant 0 : i32
      %add3A_890 = arith.addi %mul3A_888, %add3A_889 : i32
      %get3A_891 = arith.index_cast %add3A_890 : i32 to index
      %get3A_892 = arith.constant 0 : index
      %get3A_893 = tpu.vector_load %arg11[%get3A_891, %get3A_892] {strides = array<i32>} : memref<2560x32xf32, #tpu.memory_space<vmem>>, vector<1x16xf32>,
      %get3A_894 = vector.shape_cast %get3A_893 : vector<1x16xf32> to vector<16xf32>
      %get3A_895 = arith.index_cast %add3A_890 : i32 to index
      %get3A_896 = arith.constant 16 : index
      %get3A_897 = tpu.vector_load %arg11[%get3A_895, %get3A_896] {strides = array<i32>} : memref<2560x32xf32, #tpu.memory_space<vmem>>, vector<1x16xf32>,
      %get3A_898 = vector.shape_cast %get3A_897 : vector<1x16xf32> to vector<16xf32>
      %mul3A_899 = arith.mulf %get3A_600, %get3A_894 : vector<16xf32>
      %mul3A_900 = arith.mulf %get3A_604, %get3A_898 : vector<16xf32>
      %add3A_901 = arith.addf %mul3A_899, %mul3A_900 : vector<16xf32>
      %mul3A_902 = arith.constant 16 : i32
      %mul3A_903 = arith.muli %scan3A_425, %mul3A_902 : i32
      %add3A_904 = arith.constant 15 : i32
      %add3A_905 = arith.addi %mul3A_903, %add3A_904 : i32
      %mul3A_906 = arith.constant 5 : i32
      %mul3A_907 = arith.muli %add3A_905, %mul3A_906 : i32
      %add3A_908 = arith.constant 0 : i32
      %add3A_909 = arith.addi %mul3A_907, %add3A_908 : i32
      %get3A_910 = arith.index_cast %add3A_909 : i32 to index
      %get3A_911 = arith.constant 0 : index
      %get3A_912 = tpu.vector_load %arg11[%get3A_910, %get3A_911] {strides = array<i32>} : memref<2560x32xf32, #tpu.memory_space<vmem>>, vector<1x16xf32>,
      %get3A_913 = vector.shape_cast %get3A_912 : vector<1x16xf32> to vector<16xf32>
      %get3A_914 = arith.index_cast %add3A_909 : i32 to index
      %get3A_915 = arith.constant 16 : index
      %get3A_916 = tpu.vector_load %arg11[%get3A_914, %get3A_915] {strides = array<i32>} : memref<2560x32xf32, #tpu.memory_space<vmem>>, vector<1x16xf32>,
      %get3A_917 = vector.shape_cast %get3A_916 : vector<1x16xf32> to vector<16xf32>
      %mul3A_918 = arith.mulf %get3A_612, %get3A_913 : vector<16xf32>
      %mul3A_919 = arith.mulf %get3A_616, %get3A_917 : vector<16xf32>
      %add3A_920 = arith.addf %mul3A_918, %mul3A_919 : vector<16xf32>
      %lt3A = arith.constant 0 : i32
      %lt3A_921 = vector.broadcast %lt3A : i32 to vector<16xi32>
      %lt3A_922 = arith.cmpi slt, %xor3A_388, %lt3A_921 : vector<16xi32>
      %add3A_923 = arith.constant 16 : i32
      %add3A_924 = vector.broadcast %add3A_923 : i32 to vector<16xi32>
      %add3A_925 = arith.addi %xor3A_388, %add3A_924 : vector<16xi32>
      %select_n3A = arith.select %lt3A_922, %add3A_925, %xor3A_388 : vector<16xi1>, vector<16xi32>
      %broadcast_in_dim3A = vector.shape_cast %select_n3A : vector<16xi32> to vector<16x1xi32>
      %gather3A = vector.shape_cast %broadcast_in_dim3A : vector<16x1xi32> to vector<16xi32>
      %gather3A_926 = tpu.dynamic_gather %add3A_635[%gather3A] in [0] : vector<16xf32>, vector<16xi32> -> vector<16xf32>
      %add3A_927 = arith.addf %add3A_635, %gather3A_926 : vector<16xf32>
      %lt3A_928 = arith.constant 0 : i32
      %lt3A_929 = vector.broadcast %lt3A_928 : i32 to vector<16xi32>
      %lt3A_930 = arith.cmpi slt, %xor3A_388, %lt3A_929 : vector<16xi32>
      %add3A_931 = arith.constant 16 : i32
      %add3A_932 = vector.broadcast %add3A_931 : i32 to vector<16xi32>
      %add3A_933 = arith.addi %xor3A_388, %add3A_932 : vector<16xi32>
      %select_n3A_934 = arith.select %lt3A_930, %add3A_933, %xor3A_388 : vector<16xi1>, vector<16xi32>
      %broadcast_in_dim3A_935 = vector.shape_cast %select_n3A_934 : vector<16xi32> to vector<16x1xi32>
      %gather3A_936 = vector.shape_cast %broadcast_in_dim3A_935 : vector<16x1xi32> to vector<16xi32>
      %gather3A_937 = tpu.dynamic_gather %add3A_654[%gather3A_936] in [0] : vector<16xf32>, vector<16xi32> -> vector<16xf32>
      %add3A_938 = arith.addf %add3A_654, %gather3A_937 : vector<16xf32>
      %select_n3A_939 = arith.select %eq3A_401, %add3A_927, %add3A_938 : vector<16xi1>, vector<16xf32>
      %lt3A_940 = arith.constant 0 : i32
      %lt3A_941 = vector.broadcast %lt3A_940 : i32 to vector<16xi32>
      %lt3A_942 = arith.cmpi slt, %xor3A_388, %lt3A_941 : vector<16xi32>
      %add3A_943 = arith.constant 16 : i32
      %add3A_944 = vector.broadcast %add3A_943 : i32 to vector<16xi32>
      %add3A_945 = arith.addi %xor3A_388, %add3A_944 : vector<16xi32>
      %select_n3A_946 = arith.select %lt3A_942, %add3A_945, %xor3A_388 : vector<16xi1>, vector<16xi32>
      %broadcast_in_dim3A_947 = vector.shape_cast %select_n3A_946 : vector<16xi32> to vector<16x1xi32>
      %gather3A_948 = vector.shape_cast %broadcast_in_dim3A_947 : vector<16x1xi32> to vector<16xi32>
      %gather3A_949 = tpu.dynamic_gather %add3A_673[%gather3A_948] in [0] : vector<16xf32>, vector<16xi32> -> vector<16xf32>
      %add3A_950 = arith.addf %add3A_673, %gather3A_949 : vector<16xf32>
      %lt3A_951 = arith.constant 0 : i32
      %lt3A_952 = vector.broadcast %lt3A_951 : i32 to vector<16xi32>
      %lt3A_953 = arith.cmpi slt, %xor3A_388, %lt3A_952 : vector<16xi32>
      %add3A_954 = arith.constant 16 : i32
      %add3A_955 = vector.broadcast %add3A_954 : i32 to vector<16xi32>
      %add3A_956 = arith.addi %xor3A_388, %add3A_955 : vector<16xi32>
      %select_n3A_957 = arith.select %lt3A_953, %add3A_956, %xor3A_388 : vector<16xi1>, vector<16xi32>
      %broadcast_in_dim3A_958 = vector.shape_cast %select_n3A_957 : vector<16xi32> to vector<16x1xi32>
      %gather3A_959 = vector.shape_cast %broadcast_in_dim3A_958 : vector<16x1xi32> to vector<16xi32>
      %gather3A_960 = tpu.dynamic_gather %add3A_692[%gather3A_959] in [0] : vector<16xf32>, vector<16xi32> -> vector<16xf32>
      %add3A_961 = arith.addf %add3A_692, %gather3A_960 : vector<16xf32>
      %select_n3A_962 = arith.select %eq3A_401, %add3A_950, %add3A_961 : vector<16xi1>, vector<16xf32>
      %lt3A_963 = arith.constant 0 : i32
      %lt3A_964 = vector.broadcast %lt3A_963 : i32 to vector<16xi32>
      %lt3A_965 = arith.cmpi slt, %xor3A_388, %lt3A_964 : vector<16xi32>
      %add3A_966 = arith.constant 16 : i32
      %add3A_967 = vector.broadcast %add3A_966 : i32 to vector<16xi32>
      %add3A_968 = arith.addi %xor3A_388, %add3A_967 : vector<16xi32>
      %select_n3A_969 = arith.select %lt3A_965, %add3A_968, %xor3A_388 : vector<16xi1>, vector<16xi32>
      %broadcast_in_dim3A_970 = vector.shape_cast %select_n3A_969 : vector<16xi32> to vector<16x1xi32>
      %gather3A_971 = vector.shape_cast %broadcast_in_dim3A_970 : vector<16x1xi32> to vector<16xi32>
      %gather3A_972 = tpu.dynamic_gather %add3A_711[%gather3A_971] in [0] : vector<16xf32>, vector<16xi32> -> vector<16xf32>
      %add3A_973 = arith.addf %add3A_711, %gather3A_972 : vector<16xf32>
      %lt3A_974 = arith.constant 0 : i32
      %lt3A_975 = vector.broadcast %lt3A_974 : i32 to vector<16xi32>
      %lt3A_976 = arith.cmpi slt, %xor3A_388, %lt3A_975 : vector<16xi32>
      %add3A_977 = arith.constant 16 : i32
      %add3A_978 = vector.broadcast %add3A_977 : i32 to vector<16xi32>
      %add3A_979 = arith.addi %xor3A_388, %add3A_978 : vector<16xi32>
      %select_n3A_980 = arith.select %lt3A_976, %add3A_979, %xor3A_388 : vector<16xi1>, vector<16xi32>
      %broadcast_in_dim3A_981 = vector.shape_cast %select_n3A_980 : vector<16xi32> to vector<16x1xi32>
      %gather3A_982 = vector.shape_cast %broadcast_in_dim3A_981 : vector<16x1xi32> to vector<16xi32>
      %gather3A_983 = tpu.dynamic_gather %add3A_730[%gather3A_982] in [0] : vector<16xf32>, vector<16xi32> -> vector<16xf32>
      %add3A_984 = arith.addf %add3A_730, %gather3A_983 : vector<16xf32>
      %select_n3A_985 = arith.select %eq3A_401, %add3A_973, %add3A_984 : vector<16xi1>, vector<16xf32>
      %lt3A_986 = arith.constant 0 : i32
      %lt3A_987 = vector.broadcast %lt3A_986 : i32 to vector<16xi32>
      %lt3A_988 = arith.cmpi slt, %xor3A_388, %lt3A_987 : vector<16xi32>
      %add3A_989 = arith.constant 16 : i32
      %add3A_990 = vector.broadcast %add3A_989 : i32 to vector<16xi32>
      %add3A_991 = arith.addi %xor3A_388, %add3A_990 : vector<16xi32>
      %select_n3A_992 = arith.select %lt3A_988, %add3A_991, %xor3A_388 : vector<16xi1>, vector<16xi32>
      %broadcast_in_dim3A_993 = vector.shape_cast %select_n3A_992 : vector<16xi32> to vector<16x1xi32>
      %gather3A_994 = vector.shape_cast %broadcast_in_dim3A_993 : vector<16x1xi32> to vector<16xi32>
      %gather3A_995 = tpu.dynamic_gather %add3A_749[%gather3A_994] in [0] : vector<16xf32>, vector<16xi32> -> vector<16xf32>
      %add3A_996 = arith.addf %add3A_749, %gather3A_995 : vector<16xf32>
      %lt3A_997 = arith.constant 0 : i32
      %lt3A_998 = vector.broadcast %lt3A_997 : i32 to vector<16xi32>
      %lt3A_999 = arith.cmpi slt, %xor3A_388, %lt3A_998 : vector<16xi32>
      %add3A_1000 = arith.constant 16 : i32
      %add3A_1001 = vector.broadcast %add3A_1000 : i32 to vector<16xi32>
      %add3A_1002 = arith.addi %xor3A_388, %add3A_1001 : vector<16xi32>
      %select_n3A_1003 = arith.select %lt3A_999, %add3A_1002, %xor3A_388 : vector<16xi1>, vector<16xi32>
      %broadcast_in_dim3A_1004 = vector.shape_cast %select_n3A_1003 : vector<16xi32> to vector<16x1xi32>
      %gather3A_1005 = vector.shape_cast %broadcast_in_dim3A_1004 : vector<16x1xi32> to vector<16xi32>
      %gather3A_1006 = tpu.dynamic_gather %add3A_768[%gather3A_1005] in [0] : vector<16xf32>, vector<16xi32> -> vector<16xf32>
      %add3A_1007 = arith.addf %add3A_768, %gather3A_1006 : vector<16xf32>
      %select_n3A_1008 = arith.select %eq3A_401, %add3A_996, %add3A_1007 : vector<16xi1>, vector<16xf32>
      %lt3A_1009 = arith.constant 0 : i32
      %lt3A_1010 = vector.broadcast %lt3A_1009 : i32 to vector<16xi32>
      %lt3A_1011 = arith.cmpi slt, %xor3A_388, %lt3A_1010 : vector<16xi32>
      %add3A_1012 = arith.constant 16 : i32
      %add3A_1013 = vector.broadcast %add3A_1012 : i32 to vector<16xi32>
      %add3A_1014 = arith.addi %xor3A_388, %add3A_1013 : vector<16xi32>
      %select_n3A_1015 = arith.select %lt3A_1011, %add3A_1014, %xor3A_388 : vector<16xi1>, vector<16xi32>
      %broadcast_in_dim3A_1016 = vector.shape_cast %select_n3A_1015 : vector<16xi32> to vector<16x1xi32>
      %gather3A_1017 = vector.shape_cast %broadcast_in_dim3A_1016 : vector<16x1xi32> to vector<16xi32>
      %gather3A_1018 = tpu.dynamic_gather %add3A_787[%gather3A_1017] in [0] : vector<16xf32>, vector<16xi32> -> vector<16xf32>
      %add3A_1019 = arith.addf %add3A_787, %gather3A_1018 : vector<16xf32>
      %lt3A_1020 = arith.constant 0 : i32
      %lt3A_1021 = vector.broadcast %lt3A_1020 : i32 to vector<16xi32>
      %lt3A_1022 = arith.cmpi slt, %xor3A_388, %lt3A_1021 : vector<16xi32>
      %add3A_1023 = arith.constant 16 : i32
      %add3A_1024 = vector.broadcast %add3A_1023 : i32 to vector<16xi32>
      %add3A_1025 = arith.addi %xor3A_388, %add3A_1024 : vector<16xi32>
      %select_n3A_1026 = arith.select %lt3A_1022, %add3A_1025, %xor3A_388 : vector<16xi1>, vector<16xi32>
      %broadcast_in_dim3A_1027 = vector.shape_cast %select_n3A_1026 : vector<16xi32> to vector<16x1xi32>
      %gather3A_1028 = vector.shape_cast %broadcast_in_dim3A_1027 : vector<16x1xi32> to vector<16xi32>
      %gather3A_1029 = tpu.dynamic_gather %add3A_806[%gather3A_1028] in [0] : vector<16xf32>, vector<16xi32> -> vector<16xf32>
      %add3A_1030 = arith.addf %add3A_806, %gather3A_1029 : vector<16xf32>
      %select_n3A_1031 = arith.select %eq3A_401, %add3A_1019, %add3A_1030 : vector<16xi1>, vector<16xf32>
      %lt3A_1032 = arith.constant 0 : i32
      %lt3A_1033 = vector.broadcast %lt3A_1032 : i32 to vector<16xi32>
      %lt3A_1034 = arith.cmpi slt, %xor3A_388, %lt3A_1033 : vector<16xi32>
      %add3A_1035 = arith.constant 16 : i32
      %add3A_1036 = vector.broadcast %add3A_1035 : i32 to vector<16xi32>
      %add3A_1037 = arith.addi %xor3A_388, %add3A_1036 : vector<16xi32>
      %select_n3A_1038 = arith.select %lt3A_1034, %add3A_1037, %xor3A_388 : vector<16xi1>, vector<16xi32>
      %broadcast_in_dim3A_1039 = vector.shape_cast %select_n3A_1038 : vector<16xi32> to vector<16x1xi32>
      %gather3A_1040 = vector.shape_cast %broadcast_in_dim3A_1039 : vector<16x1xi32> to vector<16xi32>
      %gather3A_1041 = tpu.dynamic_gather %add3A_825[%gather3A_1040] in [0] : vector<16xf32>, vector<16xi32> -> vector<16xf32>
      %add3A_1042 = arith.addf %add3A_825, %gather3A_1041 : vector<16xf32>
      %lt3A_1043 = arith.constant 0 : i32
      %lt3A_1044 = vector.broadcast %lt3A_1043 : i32 to vector<16xi32>
      %lt3A_1045 = arith.cmpi slt, %xor3A_388, %lt3A_1044 : vector<16xi32>
      %add3A_1046 = arith.constant 16 : i32
      %add3A_1047 = vector.broadcast %add3A_1046 : i32 to vector<16xi32>
      %add3A_1048 = arith.addi %xor3A_388, %add3A_1047 : vector<16xi32>
      %select_n3A_1049 = arith.select %lt3A_1045, %add3A_1048, %xor3A_388 : vector<16xi1>, vector<16xi32>
      %broadcast_in_dim3A_1050 = vector.shape_cast %select_n3A_1049 : vector<16xi32> to vector<16x1xi32>
      %gather3A_1051 = vector.shape_cast %broadcast_in_dim3A_1050 : vector<16x1xi32> to vector<16xi32>
      %gather3A_1052 = tpu.dynamic_gather %add3A_844[%gather3A_1051] in [0] : vector<16xf32>, vector<16xi32> -> vector<16xf32>
      %add3A_1053 = arith.addf %add3A_844, %gather3A_1052 : vector<16xf32>
      %select_n3A_1054 = arith.select %eq3A_401, %add3A_1042, %add3A_1053 : vector<16xi1>, vector<16xf32>
      %lt3A_1055 = arith.constant 0 : i32
      %lt3A_1056 = vector.broadcast %lt3A_1055 : i32 to vector<16xi32>
      %lt3A_1057 = arith.cmpi slt, %xor3A_388, %lt3A_1056 : vector<16xi32>
      %add3A_1058 = arith.constant 16 : i32
      %add3A_1059 = vector.broadcast %add3A_1058 : i32 to vector<16xi32>
      %add3A_1060 = arith.addi %xor3A_388, %add3A_1059 : vector<16xi32>
      %select_n3A_1061 = arith.select %lt3A_1057, %add3A_1060, %xor3A_388 : vector<16xi1>, vector<16xi32>
      %broadcast_in_dim3A_1062 = vector.shape_cast %select_n3A_1061 : vector<16xi32> to vector<16x1xi32>
      %gather3A_1063 = vector.shape_cast %broadcast_in_dim3A_1062 : vector<16x1xi32> to vector<16xi32>
      %gather3A_1064 = tpu.dynamic_gather %add3A_863[%gather3A_1063] in [0] : vector<16xf32>, vector<16xi32> -> vector<16xf32>
      %add3A_1065 = arith.addf %add3A_863, %gather3A_1064 : vector<16xf32>
      %lt3A_1066 = arith.constant 0 : i32
      %lt3A_1067 = vector.broadcast %lt3A_1066 : i32 to vector<16xi32>
      %lt3A_1068 = arith.cmpi slt, %xor3A_388, %lt3A_1067 : vector<16xi32>
      %add3A_1069 = arith.constant 16 : i32
      %add3A_1070 = vector.broadcast %add3A_1069 : i32 to vector<16xi32>
      %add3A_1071 = arith.addi %xor3A_388, %add3A_1070 : vector<16xi32>
      %select_n3A_1072 = arith.select %lt3A_1068, %add3A_1071, %xor3A_388 : vector<16xi1>, vector<16xi32>
      %broadcast_in_dim3A_1073 = vector.shape_cast %select_n3A_1072 : vector<16xi32> to vector<16x1xi32>
      %gather3A_1074 = vector.shape_cast %broadcast_in_dim3A_1073 : vector<16x1xi32> to vector<16xi32>
      %gather3A_1075 = tpu.dynamic_gather %add3A_882[%gather3A_1074] in [0] : vector<16xf32>, vector<16xi32> -> vector<16xf32>
      %add3A_1076 = arith.addf %add3A_882, %gather3A_1075 : vector<16xf32>
      %select_n3A_1077 = arith.select %eq3A_401, %add3A_1065, %add3A_1076 : vector<16xi1>, vector<16xf32>
      %lt3A_1078 = arith.constant 0 : i32
      %lt3A_1079 = vector.broadcast %lt3A_1078 : i32 to vector<16xi32>
      %lt3A_1080 = arith.cmpi slt, %xor3A_388, %lt3A_1079 : vector<16xi32>
      %add3A_1081 = arith.constant 16 : i32
      %add3A_1082 = vector.broadcast %add3A_1081 : i32 to vector<16xi32>
      %add3A_1083 = arith.addi %xor3A_388, %add3A_1082 : vector<16xi32>
      %select_n3A_1084 = arith.select %lt3A_1080, %add3A_1083, %xor3A_388 : vector<16xi1>, vector<16xi32>
      %broadcast_in_dim3A_1085 = vector.shape_cast %select_n3A_1084 : vector<16xi32> to vector<16x1xi32>
      %gather3A_1086 = vector.shape_cast %broadcast_in_dim3A_1085 : vector<16x1xi32> to vector<16xi32>
      %gather3A_1087 = tpu.dynamic_gather %add3A_901[%gather3A_1086] in [0] : vector<16xf32>, vector<16xi32> -> vector<16xf32>
      %add3A_1088 = arith.addf %add3A_901, %gather3A_1087 : vector<16xf32>
      %lt3A_1089 = arith.constant 0 : i32
      %lt3A_1090 = vector.broadcast %lt3A_1089 : i32 to vector<16xi32>
      %lt3A_1091 = arith.cmpi slt, %xor3A_388, %lt3A_1090 : vector<16xi32>
      %add3A_1092 = arith.constant 16 : i32
      %add3A_1093 = vector.broadcast %add3A_1092 : i32 to vector<16xi32>
      %add3A_1094 = arith.addi %xor3A_388, %add3A_1093 : vector<16xi32>
      %select_n3A_1095 = arith.select %lt3A_1091, %add3A_1094, %xor3A_388 : vector<16xi1>, vector<16xi32>
      %broadcast_in_dim3A_1096 = vector.shape_cast %select_n3A_1095 : vector<16xi32> to vector<16x1xi32>
      %gather3A_1097 = vector.shape_cast %broadcast_in_dim3A_1096 : vector<16x1xi32> to vector<16xi32>
      %gather3A_1098 = tpu.dynamic_gather %add3A_920[%gather3A_1097] in [0] : vector<16xf32>, vector<16xi32> -> vector<16xf32>
      %add3A_1099 = arith.addf %add3A_920, %gather3A_1098 : vector<16xf32>
      %select_n3A_1100 = arith.select %eq3A_401, %add3A_1088, %add3A_1099 : vector<16xi1>, vector<16xf32>
      %lt3A_1101 = arith.constant 0 : i32
      %lt3A_1102 = vector.broadcast %lt3A_1101 : i32 to vector<16xi32>
      %lt3A_1103 = arith.cmpi slt, %xor3A_391, %lt3A_1102 : vector<16xi32>
      %add3A_1104 = arith.constant 16 : i32
      %add3A_1105 = vector.broadcast %add3A_1104 : i32 to vector<16xi32>
      %add3A_1106 = arith.addi %xor3A_391, %add3A_1105 : vector<16xi32>
      %select_n3A_1107 = arith.select %lt3A_1103, %add3A_1106, %xor3A_391 : vector<16xi1>, vector<16xi32>
      %broadcast_in_dim3A_1108 = vector.shape_cast %select_n3A_1107 : vector<16xi32> to vector<16x1xi32>
      %gather3A_1109 = vector.shape_cast %broadcast_in_dim3A_1108 : vector<16x1xi32> to vector<16xi32>
      %gather3A_1110 = tpu.dynamic_gather %select_n3A_939[%gather3A_1109] in [0] : vector<16xf32>, vector<16xi32> -> vector<16xf32>
      %add3A_1111 = arith.addf %select_n3A_939, %gather3A_1110 : vector<16xf32>
      %lt3A_1112 = arith.constant 0 : i32
      %lt3A_1113 = vector.broadcast %lt3A_1112 : i32 to vector<16xi32>
      %lt3A_1114 = arith.cmpi slt, %xor3A_391, %lt3A_1113 : vector<16xi32>
      %add3A_1115 = arith.constant 16 : i32
      %add3A_1116 = vector.broadcast %add3A_1115 : i32 to vector<16xi32>
      %add3A_1117 = arith.addi %xor3A_391, %add3A_1116 : vector<16xi32>
      %select_n3A_1118 = arith.select %lt3A_1114, %add3A_1117, %xor3A_391 : vector<16xi1>, vector<16xi32>
      %broadcast_in_dim3A_1119 = vector.shape_cast %select_n3A_1118 : vector<16xi32> to vector<16x1xi32>
      %gather3A_1120 = vector.shape_cast %broadcast_in_dim3A_1119 : vector<16x1xi32> to vector<16xi32>
      %gather3A_1121 = tpu.dynamic_gather %select_n3A_962[%gather3A_1120] in [0] : vector<16xf32>, vector<16xi32> -> vector<16xf32>
      %add3A_1122 = arith.addf %select_n3A_962, %gather3A_1121 : vector<16xf32>
      %select_n3A_1123 = arith.select %eq3A_407, %add3A_1111, %add3A_1122 : vector<16xi1>, vector<16xf32>
      %lt3A_1124 = arith.constant 0 : i32
      %lt3A_1125 = vector.broadcast %lt3A_1124 : i32 to vector<16xi32>
      %lt3A_1126 = arith.cmpi slt, %xor3A_391, %lt3A_1125 : vector<16xi32>
      %add3A_1127 = arith.constant 16 : i32
      %add3A_1128 = vector.broadcast %add3A_1127 : i32 to vector<16xi32>
      %add3A_1129 = arith.addi %xor3A_391, %add3A_1128 : vector<16xi32>
      %select_n3A_1130 = arith.select %lt3A_1126, %add3A_1129, %xor3A_391 : vector<16xi1>, vector<16xi32>
      %broadcast_in_dim3A_1131 = vector.shape_cast %select_n3A_1130 : vector<16xi32> to vector<16x1xi32>
      %gather3A_1132 = vector.shape_cast %broadcast_in_dim3A_1131 : vector<16x1xi32> to vector<16xi32>
      %gather3A_1133 = tpu.dynamic_gather %select_n3A_985[%gather3A_1132] in [0] : vector<16xf32>, vector<16xi32> -> vector<16xf32>
      %add3A_1134 = arith.addf %select_n3A_985, %gather3A_1133 : vector<16xf32>
      %lt3A_1135 = arith.constant 0 : i32
      %lt3A_1136 = vector.broadcast %lt3A_1135 : i32 to vector<16xi32>
      %lt3A_1137 = arith.cmpi slt, %xor3A_391, %lt3A_1136 : vector<16xi32>
      %add3A_1138 = arith.constant 16 : i32
      %add3A_1139 = vector.broadcast %add3A_1138 : i32 to vector<16xi32>
      %add3A_1140 = arith.addi %xor3A_391, %add3A_1139 : vector<16xi32>
      %select_n3A_1141 = arith.select %lt3A_1137, %add3A_1140, %xor3A_391 : vector<16xi1>, vector<16xi32>
      %broadcast_in_dim3A_1142 = vector.shape_cast %select_n3A_1141 : vector<16xi32> to vector<16x1xi32>
      %gather3A_1143 = vector.shape_cast %broadcast_in_dim3A_1142 : vector<16x1xi32> to vector<16xi32>
      %gather3A_1144 = tpu.dynamic_gather %select_n3A_1008[%gather3A_1143] in [0] : vector<16xf32>, vector<16xi32> -> vector<16xf32>
      %add3A_1145 = arith.addf %select_n3A_1008, %gather3A_1144 : vector<16xf32>
      %select_n3A_1146 = arith.select %eq3A_407, %add3A_1134, %add3A_1145 : vector<16xi1>, vector<16xf32>
      %lt3A_1147 = arith.constant 0 : i32
      %lt3A_1148 = vector.broadcast %lt3A_1147 : i32 to vector<16xi32>
      %lt3A_1149 = arith.cmpi slt, %xor3A_391, %lt3A_1148 : vector<16xi32>
      %add3A_1150 = arith.constant 16 : i32
      %add3A_1151 = vector.broadcast %add3A_1150 : i32 to vector<16xi32>
      %add3A_1152 = arith.addi %xor3A_391, %add3A_1151 : vector<16xi32>
      %select_n3A_1153 = arith.select %lt3A_1149, %add3A_1152, %xor3A_391 : vector<16xi1>, vector<16xi32>
      %broadcast_in_dim3A_1154 = vector.shape_cast %select_n3A_1153 : vector<16xi32> to vector<16x1xi32>
      %gather3A_1155 = vector.shape_cast %broadcast_in_dim3A_1154 : vector<16x1xi32> to vector<16xi32>
      %gather3A_1156 = tpu.dynamic_gather %select_n3A_1031[%gather3A_1155] in [0] : vector<16xf32>, vector<16xi32> -> vector<16xf32>
      %add3A_1157 = arith.addf %select_n3A_1031, %gather3A_1156 : vector<16xf32>
      %lt3A_1158 = arith.constant 0 : i32
      %lt3A_1159 = vector.broadcast %lt3A_1158 : i32 to vector<16xi32>
      %lt3A_1160 = arith.cmpi slt, %xor3A_391, %lt3A_1159 : vector<16xi32>
      %add3A_1161 = arith.constant 16 : i32
      %add3A_1162 = vector.broadcast %add3A_1161 : i32 to vector<16xi32>
      %add3A_1163 = arith.addi %xor3A_391, %add3A_1162 : vector<16xi32>
      %select_n3A_1164 = arith.select %lt3A_1160, %add3A_1163, %xor3A_391 : vector<16xi1>, vector<16xi32>
      %broadcast_in_dim3A_1165 = vector.shape_cast %select_n3A_1164 : vector<16xi32> to vector<16x1xi32>
      %gather3A_1166 = vector.shape_cast %broadcast_in_dim3A_1165 : vector<16x1xi32> to vector<16xi32>
      %gather3A_1167 = tpu.dynamic_gather %select_n3A_1054[%gather3A_1166] in [0] : vector<16xf32>, vector<16xi32> -> vector<16xf32>
      %add3A_1168 = arith.addf %select_n3A_1054, %gather3A_1167 : vector<16xf32>
      %select_n3A_1169 = arith.select %eq3A_407, %add3A_1157, %add3A_1168 : vector<16xi1>, vector<16xf32>
      %lt3A_1170 = arith.constant 0 : i32
      %lt3A_1171 = vector.broadcast %lt3A_1170 : i32 to vector<16xi32>
      %lt3A_1172 = arith.cmpi slt, %xor3A_391, %lt3A_1171 : vector<16xi32>
      %add3A_1173 = arith.constant 16 : i32
      %add3A_1174 = vector.broadcast %add3A_1173 : i32 to vector<16xi32>
      %add3A_1175 = arith.addi %xor3A_391, %add3A_1174 : vector<16xi32>
      %select_n3A_1176 = arith.select %lt3A_1172, %add3A_1175, %xor3A_391 : vector<16xi1>, vector<16xi32>
      %broadcast_in_dim3A_1177 = vector.shape_cast %select_n3A_1176 : vector<16xi32> to vector<16x1xi32>
      %gather3A_1178 = vector.shape_cast %broadcast_in_dim3A_1177 : vector<16x1xi32> to vector<16xi32>
      %gather3A_1179 = tpu.dynamic_gather %select_n3A_1077[%gather3A_1178] in [0] : vector<16xf32>, vector<16xi32> -> vector<16xf32>
      %add3A_1180 = arith.addf %select_n3A_1077, %gather3A_1179 : vector<16xf32>
      %lt3A_1181 = arith.constant 0 : i32
      %lt3A_1182 = vector.broadcast %lt3A_1181 : i32 to vector<16xi32>
      %lt3A_1183 = arith.cmpi slt, %xor3A_391, %lt3A_1182 : vector<16xi32>
      %add3A_1184 = arith.constant 16 : i32
      %add3A_1185 = vector.broadcast %add3A_1184 : i32 to vector<16xi32>
      %add3A_1186 = arith.addi %xor3A_391, %add3A_1185 : vector<16xi32>
      %select_n3A_1187 = arith.select %lt3A_1183, %add3A_1186, %xor3A_391 : vector<16xi1>, vector<16xi32>
      %broadcast_in_dim3A_1188 = vector.shape_cast %select_n3A_1187 : vector<16xi32> to vector<16x1xi32>
      %gather3A_1189 = vector.shape_cast %broadcast_in_dim3A_1188 : vector<16x1xi32> to vector<16xi32>
      %gather3A_1190 = tpu.dynamic_gather %select_n3A_1100[%gather3A_1189] in [0] : vector<16xf32>, vector<16xi32> -> vector<16xf32>
      %add3A_1191 = arith.addf %select_n3A_1100, %gather3A_1190 : vector<16xf32>
      %select_n3A_1192 = arith.select %eq3A_407, %add3A_1180, %add3A_1191 : vector<16xi1>, vector<16xf32>
      %lt3A_1193 = arith.constant 0 : i32
      %lt3A_1194 = vector.broadcast %lt3A_1193 : i32 to vector<16xi32>
      %lt3A_1195 = arith.cmpi slt, %xor3A_394, %lt3A_1194 : vector<16xi32>
      %add3A_1196 = arith.constant 16 : i32
      %add3A_1197 = vector.broadcast %add3A_1196 : i32 to vector<16xi32>
      %add3A_1198 = arith.addi %xor3A_394, %add3A_1197 : vector<16xi32>
      %select_n3A_1199 = arith.select %lt3A_1195, %add3A_1198, %xor3A_394 : vector<16xi1>, vector<16xi32>
      %broadcast_in_dim3A_1200 = vector.shape_cast %select_n3A_1199 : vector<16xi32> to vector<16x1xi32>
      %gather3A_1201 = vector.shape_cast %broadcast_in_dim3A_1200 : vector<16x1xi32> to vector<16xi32>
      %gather3A_1202 = tpu.dynamic_gather %select_n3A_1123[%gather3A_1201] in [0] : vector<16xf32>, vector<16xi32> -> vector<16xf32>
      %add3A_1203 = arith.addf %select_n3A_1123, %gather3A_1202 : vector<16xf32>
      %lt3A_1204 = arith.constant 0 : i32
      %lt3A_1205 = vector.broadcast %lt3A_1204 : i32 to vector<16xi32>
      %lt3A_1206 = arith.cmpi slt, %xor3A_394, %lt3A_1205 : vector<16xi32>
      %add3A_1207 = arith.constant 16 : i32
      %add3A_1208 = vector.broadcast %add3A_1207 : i32 to vector<16xi32>
      %add3A_1209 = arith.addi %xor3A_394, %add3A_1208 : vector<16xi32>
      %select_n3A_1210 = arith.select %lt3A_1206, %add3A_1209, %xor3A_394 : vector<16xi1>, vector<16xi32>
      %broadcast_in_dim3A_1211 = vector.shape_cast %select_n3A_1210 : vector<16xi32> to vector<16x1xi32>
      %gather3A_1212 = vector.shape_cast %broadcast_in_dim3A_1211 : vector<16x1xi32> to vector<16xi32>
      %gather3A_1213 = tpu.dynamic_gather %select_n3A_1146[%gather3A_1212] in [0] : vector<16xf32>, vector<16xi32> -> vector<16xf32>
      %add3A_1214 = arith.addf %select_n3A_1146, %gather3A_1213 : vector<16xf32>
      %select_n3A_1215 = arith.select %eq3A_413, %add3A_1203, %add3A_1214 : vector<16xi1>, vector<16xf32>
      %lt3A_1216 = arith.constant 0 : i32
      %lt3A_1217 = vector.broadcast %lt3A_1216 : i32 to vector<16xi32>
      %lt3A_1218 = arith.cmpi slt, %xor3A_394, %lt3A_1217 : vector<16xi32>
      %add3A_1219 = arith.constant 16 : i32
      %add3A_1220 = vector.broadcast %add3A_1219 : i32 to vector<16xi32>
      %add3A_1221 = arith.addi %xor3A_394, %add3A_1220 : vector<16xi32>
      %select_n3A_1222 = arith.select %lt3A_1218, %add3A_1221, %xor3A_394 : vector<16xi1>, vector<16xi32>
      %broadcast_in_dim3A_1223 = vector.shape_cast %select_n3A_1222 : vector<16xi32> to vector<16x1xi32>
      %gather3A_1224 = vector.shape_cast %broadcast_in_dim3A_1223 : vector<16x1xi32> to vector<16xi32>
      %gather3A_1225 = tpu.dynamic_gather %select_n3A_1169[%gather3A_1224] in [0] : vector<16xf32>, vector<16xi32> -> vector<16xf32>
      %add3A_1226 = arith.addf %select_n3A_1169, %gather3A_1225 : vector<16xf32>
      %lt3A_1227 = arith.constant 0 : i32
      %lt3A_1228 = vector.broadcast %lt3A_1227 : i32 to vector<16xi32>
      %lt3A_1229 = arith.cmpi slt, %xor3A_394, %lt3A_1228 : vector<16xi32>
      %add3A_1230 = arith.constant 16 : i32
      %add3A_1231 = vector.broadcast %add3A_1230 : i32 to vector<16xi32>
      %add3A_1232 = arith.addi %xor3A_394, %add3A_1231 : vector<16xi32>
      %select_n3A_1233 = arith.select %lt3A_1229, %add3A_1232, %xor3A_394 : vector<16xi1>, vector<16xi32>
      %broadcast_in_dim3A_1234 = vector.shape_cast %select_n3A_1233 : vector<16xi32> to vector<16x1xi32>
      %gather3A_1235 = vector.shape_cast %broadcast_in_dim3A_1234 : vector<16x1xi32> to vector<16xi32>
      %gather3A_1236 = tpu.dynamic_gather %select_n3A_1192[%gather3A_1235] in [0] : vector<16xf32>, vector<16xi32> -> vector<16xf32>
      %add3A_1237 = arith.addf %select_n3A_1192, %gather3A_1236 : vector<16xf32>
      %select_n3A_1238 = arith.select %eq3A_413, %add3A_1226, %add3A_1237 : vector<16xi1>, vector<16xf32>
      %lt3A_1239 = arith.constant 0 : i32
      %lt3A_1240 = vector.broadcast %lt3A_1239 : i32 to vector<16xi32>
      %lt3A_1241 = arith.cmpi slt, %xor3A_397, %lt3A_1240 : vector<16xi32>
      %add3A_1242 = arith.constant 16 : i32
      %add3A_1243 = vector.broadcast %add3A_1242 : i32 to vector<16xi32>
      %add3A_1244 = arith.addi %xor3A_397, %add3A_1243 : vector<16xi32>
      %select_n3A_1245 = arith.select %lt3A_1241, %add3A_1244, %xor3A_397 : vector<16xi1>, vector<16xi32>
      %broadcast_in_dim3A_1246 = vector.shape_cast %select_n3A_1245 : vector<16xi32> to vector<16x1xi32>
      %gather3A_1247 = vector.shape_cast %broadcast_in_dim3A_1246 : vector<16x1xi32> to vector<16xi32>
      %gather3A_1248 = tpu.dynamic_gather %select_n3A_1215[%gather3A_1247] in [0] : vector<16xf32>, vector<16xi32> -> vector<16xf32>
      %add3A_1249 = arith.addf %select_n3A_1215, %gather3A_1248 : vector<16xf32>
      %lt3A_1250 = arith.constant 0 : i32
      %lt3A_1251 = vector.broadcast %lt3A_1250 : i32 to vector<16xi32>
      %lt3A_1252 = arith.cmpi slt, %xor3A_397, %lt3A_1251 : vector<16xi32>
      %add3A_1253 = arith.constant 16 : i32
      %add3A_1254 = vector.broadcast %add3A_1253 : i32 to vector<16xi32>
      %add3A_1255 = arith.addi %xor3A_397, %add3A_1254 : vector<16xi32>
      %select_n3A_1256 = arith.select %lt3A_1252, %add3A_1255, %xor3A_397 : vector<16xi1>, vector<16xi32>
      %broadcast_in_dim3A_1257 = vector.shape_cast %select_n3A_1256 : vector<16xi32> to vector<16x1xi32>
      %gather3A_1258 = vector.shape_cast %broadcast_in_dim3A_1257 : vector<16x1xi32> to vector<16xi32>
      %gather3A_1259 = tpu.dynamic_gather %select_n3A_1238[%gather3A_1258] in [0] : vector<16xf32>, vector<16xi32> -> vector<16xf32>
      %add3A_1260 = arith.addf %select_n3A_1238, %gather3A_1259 : vector<16xf32>
      %select_n3A_1261 = arith.select %eq3A_419, %add3A_1249, %add3A_1260 : vector<16xi1>, vector<16xf32>
      %mul3A_1262 = arith.constant 16 : i32
      %mul3A_1263 = arith.muli %scan3A_425, %mul3A_1262 : i32
      %add3A_1264 = arith.constant 0 : i32
      %add3A_1265 = arith.addi %mul3A_1263, %add3A_1264 : i32
      %mul3A_1266 = arith.constant 5 : i32
      %mul3A_1267 = arith.muli %add3A_1265, %mul3A_1266 : i32
      %add3A_1268 = arith.constant 1 : i32
      %add3A_1269 = arith.addi %mul3A_1267, %add3A_1268 : i32
      %get3A_1270 = arith.index_cast %add3A_1269 : i32 to index
      %get3A_1271 = arith.constant 0 : index
      %get3A_1272 = tpu.vector_load %arg11[%get3A_1270, %get3A_1271] {strides = array<i32>} : memref<2560x32xf32, #tpu.memory_space<vmem>>, vector<1x16xf32>,
      %get3A_1273 = vector.shape_cast %get3A_1272 : vector<1x16xf32> to vector<16xf32>
      %get3A_1274 = arith.index_cast %add3A_1269 : i32 to index
      %get3A_1275 = arith.constant 16 : index
      %get3A_1276 = tpu.vector_load %arg11[%get3A_1274, %get3A_1275] {strides = array<i32>} : memref<2560x32xf32, #tpu.memory_space<vmem>>, vector<1x16xf32>,
      %get3A_1277 = vector.shape_cast %get3A_1276 : vector<1x16xf32> to vector<16xf32>
      %mul3A_1278 = arith.mulf %get3A_432, %get3A_1273 : vector<16xf32>
      %mul3A_1279 = arith.mulf %get3A_436, %get3A_1277 : vector<16xf32>
      %add3A_1280 = arith.addf %mul3A_1278, %mul3A_1279 : vector<16xf32>
      %mul3A_1281 = arith.constant 16 : i32
      %mul3A_1282 = arith.muli %scan3A_425, %mul3A_1281 : i32
      %add3A_1283 = arith.constant 1 : i32
      %add3A_1284 = arith.addi %mul3A_1282, %add3A_1283 : i32
      %mul3A_1285 = arith.constant 5 : i32
      %mul3A_1286 = arith.muli %add3A_1284, %mul3A_1285 : i32
      %add3A_1287 = arith.constant 1 : i32
      %add3A_1288 = arith.addi %mul3A_1286, %add3A_1287 : i32
      %get3A_1289 = arith.index_cast %add3A_1288 : i32 to index
      %get3A_1290 = arith.constant 0 : index
      %get3A_1291 = tpu.vector_load %arg11[%get3A_1289, %get3A_1290] {strides = array<i32>} : memref<2560x32xf32, #tpu.memory_space<vmem>>, vector<1x16xf32>,
      %get3A_1292 = vector.shape_cast %get3A_1291 : vector<1x16xf32> to vector<16xf32>
      %get3A_1293 = arith.index_cast %add3A_1288 : i32 to index
      %get3A_1294 = arith.constant 16 : index
      %get3A_1295 = tpu.vector_load %arg11[%get3A_1293, %get3A_1294] {strides = array<i32>} : memref<2560x32xf32, #tpu.memory_space<vmem>>, vector<1x16xf32>,
      %get3A_1296 = vector.shape_cast %get3A_1295 : vector<1x16xf32> to vector<16xf32>
      %mul3A_1297 = arith.mulf %get3A_444, %get3A_1292 : vector<16xf32>
      %mul3A_1298 = arith.mulf %get3A_448, %get3A_1296 : vector<16xf32>
      %add3A_1299 = arith.addf %mul3A_1297, %mul3A_1298 : vector<16xf32>
      %mul3A_1300 = arith.constant 16 : i32
      %mul3A_1301 = arith.muli %scan3A_425, %mul3A_1300 : i32
      %add3A_1302 = arith.constant 2 : i32
      %add3A_1303 = arith.addi %mul3A_1301, %add3A_1302 : i32
      %mul3A_1304 = arith.constant 5 : i32
      %mul3A_1305 = arith.muli %add3A_1303, %mul3A_1304 : i32
      %add3A_1306 = arith.constant 1 : i32
      %add3A_1307 = arith.addi %mul3A_1305, %add3A_1306 : i32
      %get3A_1308 = arith.index_cast %add3A_1307 : i32 to index
      %get3A_1309 = arith.constant 0 : index
      %get3A_1310 = tpu.vector_load %arg11[%get3A_1308, %get3A_1309] {strides = array<i32>} : memref<2560x32xf32, #tpu.memory_space<vmem>>, vector<1x16xf32>,
      %get3A_1311 = vector.shape_cast %get3A_1310 : vector<1x16xf32> to vector<16xf32>
      %get3A_1312 = arith.index_cast %add3A_1307 : i32 to index
      %get3A_1313 = arith.constant 16 : index
      %get3A_1314 = tpu.vector_load %arg11[%get3A_1312, %get3A_1313] {strides = array<i32>} : memref<2560x32xf32, #tpu.memory_space<vmem>>, vector<1x16xf32>,
      %get3A_1315 = vector.shape_cast %get3A_1314 : vector<1x16xf32> to vector<16xf32>
      %mul3A_1316 = arith.mulf %get3A_456, %get3A_1311 : vector<16xf32>
      %mul3A_1317 = arith.mulf %get3A_460, %get3A_1315 : vector<16xf32>
      %add3A_1318 = arith.addf %mul3A_1316, %mul3A_1317 : vector<16xf32>
      %mul3A_1319 = arith.constant 16 : i32
      %mul3A_1320 = arith.muli %scan3A_425, %mul3A_1319 : i32
      %add3A_1321 = arith.constant 3 : i32
      %add3A_1322 = arith.addi %mul3A_1320, %add3A_1321 : i32
      %mul3A_1323 = arith.constant 5 : i32
      %mul3A_1324 = arith.muli %add3A_1322, %mul3A_1323 : i32
      %add3A_1325 = arith.constant 1 : i32
      %add3A_1326 = arith.addi %mul3A_1324, %add3A_1325 : i32
      %get3A_1327 = arith.index_cast %add3A_1326 : i32 to index
      %get3A_1328 = arith.constant 0 : index
      %get3A_1329 = tpu.vector_load %arg11[%get3A_1327, %get3A_1328] {strides = array<i32>} : memref<2560x32xf32, #tpu.memory_space<vmem>>, vector<1x16xf32>,
      %get3A_1330 = vector.shape_cast %get3A_1329 : vector<1x16xf32> to vector<16xf32>
      %get3A_1331 = arith.index_cast %add3A_1326 : i32 to index
      %get3A_1332 = arith.constant 16 : index
      %get3A_1333 = tpu.vector_load %arg11[%get3A_1331, %get3A_1332] {strides = array<i32>} : memref<2560x32xf32, #tpu.memory_space<vmem>>, vector<1x16xf32>,
      %get3A_1334 = vector.shape_cast %get3A_1333 : vector<1x16xf32> to vector<16xf32>
      %mul3A_1335 = arith.mulf %get3A_468, %get3A_1330 : vector<16xf32>
      %mul3A_1336 = arith.mulf %get3A_472, %get3A_1334 : vector<16xf32>
      %add3A_1337 = arith.addf %mul3A_1335, %mul3A_1336 : vector<16xf32>
      %mul3A_1338 = arith.constant 16 : i32
      %mul3A_1339 = arith.muli %scan3A_425, %mul3A_1338 : i32
      %add3A_1340 = arith.constant 4 : i32
      %add3A_1341 = arith.addi %mul3A_1339, %add3A_1340 : i32
      %mul3A_1342 = arith.constant 5 : i32
      %mul3A_1343 = arith.muli %add3A_1341, %mul3A_1342 : i32
      %add3A_1344 = arith.constant 1 : i32
      %add3A_1345 = arith.addi %mul3A_1343, %add3A_1344 : i32
      %get3A_1346 = arith.index_cast %add3A_1345 : i32 to index
      %get3A_1347 = arith.constant 0 : index
      %get3A_1348 = tpu.vector_load %arg11[%get3A_1346, %get3A_1347] {strides = array<i32>} : memref<2560x32xf32, #tpu.memory_space<vmem>>, vector<1x16xf32>,
      %get3A_1349 = vector.shape_cast %get3A_1348 : vector<1x16xf32> to vector<16xf32>
      %get3A_1350 = arith.index_cast %add3A_1345 : i32 to index
      %get3A_1351 = arith.constant 16 : index
      %get3A_1352 = tpu.vector_load %arg11[%get3A_1350, %get3A_1351] {strides = array<i32>} : memref<2560x32xf32, #tpu.memory_space<vmem>>, vector<1x16xf32>,
      %get3A_1353 = vector.shape_cast %get3A_1352 : vector<1x16xf32> to vector<16xf32>
      %mul3A_1354 = arith.mulf %get3A_480, %get3A_1349 : vector<16xf32>
      %mul3A_1355 = arith.mulf %get3A_484, %get3A_1353 : vector<16xf32>
      %add3A_1356 = arith.addf %mul3A_1354, %mul3A_1355 : vector<16xf32>
      %mul3A_1357 = arith.constant 16 : i32
      %mul3A_1358 = arith.muli %scan3A_425, %mul3A_1357 : i32
      %add3A_1359 = arith.constant 5 : i32
      %add3A_1360 = arith.addi %mul3A_1358, %add3A_1359 : i32
      %mul3A_1361 = arith.constant 5 : i32
      %mul3A_1362 = arith.muli %add3A_1360, %mul3A_1361 : i32
      %add3A_1363 = arith.constant 1 : i32
      %add3A_1364 = arith.addi %mul3A_1362, %add3A_1363 : i32
      %get3A_1365 = arith.index_cast %add3A_1364 : i32 to index
      %get3A_1366 = arith.constant 0 : index
      %get3A_1367 = tpu.vector_load %arg11[%get3A_1365, %get3A_1366] {strides = array<i32>} : memref<2560x32xf32, #tpu.memory_space<vmem>>, vector<1x16xf32>,
      %get3A_1368 = vector.shape_cast %get3A_1367 : vector<1x16xf32> to vector<16xf32>
      %get3A_1369 = arith.index_cast %add3A_1364 : i32 to index
      %get3A_1370 = arith.constant 16 : index
      %get3A_1371 = tpu.vector_load %arg11[%get3A_1369, %get3A_1370] {strides = array<i32>} : memref<2560x32xf32, #tpu.memory_space<vmem>>, vector<1x16xf32>,
      %get3A_1372 = vector.shape_cast %get3A_1371 : vector<1x16xf32> to vector<16xf32>
      %mul3A_1373 = arith.mulf %get3A_492, %get3A_1368 : vector<16xf32>
      %mul3A_1374 = arith.mulf %get3A_496, %get3A_1372 : vector<16xf32>
      %add3A_1375 = arith.addf %mul3A_1373, %mul3A_1374 : vector<16xf32>
      %mul3A_1376 = arith.constant 16 : i32
      %mul3A_1377 = arith.muli %scan3A_425, %mul3A_1376 : i32
      %add3A_1378 = arith.constant 6 : i32
      %add3A_1379 = arith.addi %mul3A_1377, %add3A_1378 : i32
      %mul3A_1380 = arith.constant 5 : i32
      %mul3A_1381 = arith.muli %add3A_1379, %mul3A_1380 : i32
      %add3A_1382 = arith.constant 1 : i32
      %add3A_1383 = arith.addi %mul3A_1381, %add3A_1382 : i32
      %get3A_1384 = arith.index_cast %add3A_1383 : i32 to index
      %get3A_1385 = arith.constant 0 : index
      %get3A_1386 = tpu.vector_load %arg11[%get3A_1384, %get3A_1385] {strides = array<i32>} : memref<2560x32xf32, #tpu.memory_space<vmem>>, vector<1x16xf32>,
      %get3A_1387 = vector.shape_cast %get3A_1386 : vector<1x16xf32> to vector<16xf32>
      %get3A_1388 = arith.index_cast %add3A_1383 : i32 to index
      %get3A_1389 = arith.constant 16 : index
      %get3A_1390 = tpu.vector_load %arg11[%get3A_1388, %get3A_1389] {strides = array<i32>} : memref<2560x32xf32, #tpu.memory_space<vmem>>, vector<1x16xf32>,
      %get3A_1391 = vector.shape_cast %get3A_1390 : vector<1x16xf32> to vector<16xf32>
      %mul3A_1392 = arith.mulf %get3A_504, %get3A_1387 : vector<16xf32>
      %mul3A_1393 = arith.mulf %get3A_508, %get3A_1391 : vector<16xf32>
      %add3A_1394 = arith.addf %mul3A_1392, %mul3A_1393 : vector<16xf32>
      %mul3A_1395 = arith.constant 16 : i32
      %mul3A_1396 = arith.muli %scan3A_425, %mul3A_1395 : i32
      %add3A_1397 = arith.constant 7 : i32
      %add3A_1398 = arith.addi %mul3A_1396, %add3A_1397 : i32
      %mul3A_1399 = arith.constant 5 : i32
      %mul3A_1400 = arith.muli %add3A_1398, %mul3A_1399 : i32
      %add3A_1401 = arith.constant 1 : i32
      %add3A_1402 = arith.addi %mul3A_1400, %add3A_1401 : i32
      %get3A_1403 = arith.index_cast %add3A_1402 : i32 to index
      %get3A_1404 = arith.constant 0 : index
      %get3A_1405 = tpu.vector_load %arg11[%get3A_1403, %get3A_1404] {strides = array<i32>} : memref<2560x32xf32, #tpu.memory_space<vmem>>, vector<1x16xf32>,
      %get3A_1406 = vector.shape_cast %get3A_1405 : vector<1x16xf32> to vector<16xf32>
      %get3A_1407 = arith.index_cast %add3A_1402 : i32 to index
      %get3A_1408 = arith.constant 16 : index
      %get3A_1409 = tpu.vector_load %arg11[%get3A_1407, %get3A_1408] {strides = array<i32>} : memref<2560x32xf32, #tpu.memory_space<vmem>>, vector<1x16xf32>,
      %get3A_1410 = vector.shape_cast %get3A_1409 : vector<1x16xf32> to vector<16xf32>
      %mul3A_1411 = arith.mulf %get3A_516, %get3A_1406 : vector<16xf32>
      %mul3A_1412 = arith.mulf %get3A_520, %get3A_1410 : vector<16xf32>
      %add3A_1413 = arith.addf %mul3A_1411, %mul3A_1412 : vector<16xf32>
      %mul3A_1414 = arith.constant 16 : i32
      %mul3A_1415 = arith.muli %scan3A_425, %mul3A_1414 : i32
      %add3A_1416 = arith.constant 8 : i32
      %add3A_1417 = arith.addi %mul3A_1415, %add3A_1416 : i32
      %mul3A_1418 = arith.constant 5 : i32
      %mul3A_1419 = arith.muli %add3A_1417, %mul3A_1418 : i32
      %add3A_1420 = arith.constant 1 : i32
      %add3A_1421 = arith.addi %mul3A_1419, %add3A_1420 : i32
      %get3A_1422 = arith.index_cast %add3A_1421 : i32 to index
      %get3A_1423 = arith.constant 0 : index
      %get3A_1424 = tpu.vector_load %arg11[%get3A_1422, %get3A_1423] {strides = array<i32>} : memref<2560x32xf32, #tpu.memory_space<vmem>>, vector<1x16xf32>,
      %get3A_1425 = vector.shape_cast %get3A_1424 : vector<1x16xf32> to vector<16xf32>
      %get3A_1426 = arith.index_cast %add3A_1421 : i32 to index
      %get3A_1427 = arith.constant 16 : index
      %get3A_1428 = tpu.vector_load %arg11[%get3A_1426, %get3A_1427] {strides = array<i32>} : memref<2560x32xf32, #tpu.memory_space<vmem>>, vector<1x16xf32>,
      %get3A_1429 = vector.shape_cast %get3A_1428 : vector<1x16xf32> to vector<16xf32>
      %mul3A_1430 = arith.mulf %get3A_528, %get3A_1425 : vector<16xf32>
      %mul3A_1431 = arith.mulf %get3A_532, %get3A_1429 : vector<16xf32>
      %add3A_1432 = arith.addf %mul3A_1430, %mul3A_1431 : vector<16xf32>
      %mul3A_1433 = arith.constant 16 : i32
      %mul3A_1434 = arith.muli %scan3A_425, %mul3A_1433 : i32
      %add3A_1435 = arith.constant 9 : i32
      %add3A_1436 = arith.addi %mul3A_1434, %add3A_1435 : i32
      %mul3A_1437 = arith.constant 5 : i32
      %mul3A_1438 = arith.muli %add3A_1436, %mul3A_1437 : i32
      %add3A_1439 = arith.constant 1 : i32
      %add3A_1440 = arith.addi %mul3A_1438, %add3A_1439 : i32
      %get3A_1441 = arith.index_cast %add3A_1440 : i32 to index
      %get3A_1442 = arith.constant 0 : index
      %get3A_1443 = tpu.vector_load %arg11[%get3A_1441, %get3A_1442] {strides = array<i32>} : memref<2560x32xf32, #tpu.memory_space<vmem>>, vector<1x16xf32>,
      %get3A_1444 = vector.shape_cast %get3A_1443 : vector<1x16xf32> to vector<16xf32>
      %get3A_1445 = arith.index_cast %add3A_1440 : i32 to index
      %get3A_1446 = arith.constant 16 : index
      %get3A_1447 = tpu.vector_load %arg11[%get3A_1445, %get3A_1446] {strides = array<i32>} : memref<2560x32xf32, #tpu.memory_space<vmem>>, vector<1x16xf32>,
      %get3A_1448 = vector.shape_cast %get3A_1447 : vector<1x16xf32> to vector<16xf32>
      %mul3A_1449 = arith.mulf %get3A_540, %get3A_1444 : vector<16xf32>
      %mul3A_1450 = arith.mulf %get3A_544, %get3A_1448 : vector<16xf32>
      %add3A_1451 = arith.addf %mul3A_1449, %mul3A_1450 : vector<16xf32>
      %mul3A_1452 = arith.constant 16 : i32
      %mul3A_1453 = arith.muli %scan3A_425, %mul3A_1452 : i32
      %add3A_1454 = arith.constant 10 : i32
      %add3A_1455 = arith.addi %mul3A_1453, %add3A_1454 : i32
      %mul3A_1456 = arith.constant 5 : i32
      %mul3A_1457 = arith.muli %add3A_1455, %mul3A_1456 : i32
      %add3A_1458 = arith.constant 1 : i32
      %add3A_1459 = arith.addi %mul3A_1457, %add3A_1458 : i32
      %get3A_1460 = arith.index_cast %add3A_1459 : i32 to index
      %get3A_1461 = arith.constant 0 : index
      %get3A_1462 = tpu.vector_load %arg11[%get3A_1460, %get3A_1461] {strides = array<i32>} : memref<2560x32xf32, #tpu.memory_space<vmem>>, vector<1x16xf32>,
      %get3A_1463 = vector.shape_cast %get3A_1462 : vector<1x16xf32> to vector<16xf32>
      %get3A_1464 = arith.index_cast %add3A_1459 : i32 to index
      %get3A_1465 = arith.constant 16 : index
      %get3A_1466 = tpu.vector_load %arg11[%get3A_1464, %get3A_1465] {strides = array<i32>} : memref<2560x32xf32, #tpu.memory_space<vmem>>, vector<1x16xf32>,
      %get3A_1467 = vector.shape_cast %get3A_1466 : vector<1x16xf32> to vector<16xf32>
      %mul3A_1468 = arith.mulf %get3A_552, %get3A_1463 : vector<16xf32>
      %mul3A_1469 = arith.mulf %get3A_556, %get3A_1467 : vector<16xf32>
      %add3A_1470 = arith.addf %mul3A_1468, %mul3A_1469 : vector<16xf32>
      %mul3A_1471 = arith.constant 16 : i32
      %mul3A_1472 = arith.muli %scan3A_425, %mul3A_1471 : i32
      %add3A_1473 = arith.constant 11 : i32
      %add3A_1474 = arith.addi %mul3A_1472, %add3A_1473 : i32
      %mul3A_1475 = arith.constant 5 : i32
      %mul3A_1476 = arith.muli %add3A_1474, %mul3A_1475 : i32
      %add3A_1477 = arith.constant 1 : i32
      %add3A_1478 = arith.addi %mul3A_1476, %add3A_1477 : i32
      %get3A_1479 = arith.index_cast %add3A_1478 : i32 to index
      %get3A_1480 = arith.constant 0 : index
      %get3A_1481 = tpu.vector_load %arg11[%get3A_1479, %get3A_1480] {strides = array<i32>} : memref<2560x32xf32, #tpu.memory_space<vmem>>, vector<1x16xf32>,
      %get3A_1482 = vector.shape_cast %get3A_1481 : vector<1x16xf32> to vector<16xf32>
      %get3A_1483 = arith.index_cast %add3A_1478 : i32 to index
      %get3A_1484 = arith.constant 16 : index
      %get3A_1485 = tpu.vector_load %arg11[%get3A_1483, %get3A_1484] {strides = array<i32>} : memref<2560x32xf32, #tpu.memory_space<vmem>>, vector<1x16xf32>,
      %get3A_1486 = vector.shape_cast %get3A_1485 : vector<1x16xf32> to vector<16xf32>
      %mul3A_1487 = arith.mulf %get3A_564, %get3A_1482 : vector<16xf32>
      %mul3A_1488 = arith.mulf %get3A_568, %get3A_1486 : vector<16xf32>
      %add3A_1489 = arith.addf %mul3A_1487, %mul3A_1488 : vector<16xf32>
      %mul3A_1490 = arith.constant 16 : i32
      %mul3A_1491 = arith.muli %scan3A_425, %mul3A_1490 : i32
      %add3A_1492 = arith.constant 12 : i32
      %add3A_1493 = arith.addi %mul3A_1491, %add3A_1492 : i32
      %mul3A_1494 = arith.constant 5 : i32
      %mul3A_1495 = arith.muli %add3A_1493, %mul3A_1494 : i32
      %add3A_1496 = arith.constant 1 : i32
      %add3A_1497 = arith.addi %mul3A_1495, %add3A_1496 : i32
      %get3A_1498 = arith.index_cast %add3A_1497 : i32 to index
      %get3A_1499 = arith.constant 0 : index
      %get3A_1500 = tpu.vector_load %arg11[%get3A_1498, %get3A_1499] {strides = array<i32>} : memref<2560x32xf32, #tpu.memory_space<vmem>>, vector<1x16xf32>,
      %get3A_1501 = vector.shape_cast %get3A_1500 : vector<1x16xf32> to vector<16xf32>
      %get3A_1502 = arith.index_cast %add3A_1497 : i32 to index
      %get3A_1503 = arith.constant 16 : index
      %get3A_1504 = tpu.vector_load %arg11[%get3A_1502, %get3A_1503] {strides = array<i32>} : memref<2560x32xf32, #tpu.memory_space<vmem>>, vector<1x16xf32>,
      %get3A_1505 = vector.shape_cast %get3A_1504 : vector<1x16xf32> to vector<16xf32>
      %mul3A_1506 = arith.mulf %get3A_576, %get3A_1501 : vector<16xf32>
      %mul3A_1507 = arith.mulf %get3A_580, %get3A_1505 : vector<16xf32>
      %add3A_1508 = arith.addf %mul3A_1506, %mul3A_1507 : vector<16xf32>
      %mul3A_1509 = arith.constant 16 : i32
      %mul3A_1510 = arith.muli %scan3A_425, %mul3A_1509 : i32
      %add3A_1511 = arith.constant 13 : i32
      %add3A_1512 = arith.addi %mul3A_1510, %add3A_1511 : i32
      %mul3A_1513 = arith.constant 5 : i32
      %mul3A_1514 = arith.muli %add3A_1512, %mul3A_1513 : i32
      %add3A_1515 = arith.constant 1 : i32
      %add3A_1516 = arith.addi %mul3A_1514, %add3A_1515 : i32
      %get3A_1517 = arith.index_cast %add3A_1516 : i32 to index
      %get3A_1518 = arith.constant 0 : index
      %get3A_1519 = tpu.vector_load %arg11[%get3A_1517, %get3A_1518] {strides = array<i32>} : memref<2560x32xf32, #tpu.memory_space<vmem>>, vector<1x16xf32>,
      %get3A_1520 = vector.shape_cast %get3A_1519 : vector<1x16xf32> to vector<16xf32>
      %get3A_1521 = arith.index_cast %add3A_1516 : i32 to index
      %get3A_1522 = arith.constant 16 : index
      %get3A_1523 = tpu.vector_load %arg11[%get3A_1521, %get3A_1522] {strides = array<i32>} : memref<2560x32xf32, #tpu.memory_space<vmem>>, vector<1x16xf32>,
      %get3A_1524 = vector.shape_cast %get3A_1523 : vector<1x16xf32> to vector<16xf32>
      %mul3A_1525 = arith.mulf %get3A_588, %get3A_1520 : vector<16xf32>
      %mul3A_1526 = arith.mulf %get3A_592, %get3A_1524 : vector<16xf32>
      %add3A_1527 = arith.addf %mul3A_1525, %mul3A_1526 : vector<16xf32>
      %mul3A_1528 = arith.constant 16 : i32
      %mul3A_1529 = arith.muli %scan3A_425, %mul3A_1528 : i32
      %add3A_1530 = arith.constant 14 : i32
      %add3A_1531 = arith.addi %mul3A_1529, %add3A_1530 : i32
      %mul3A_1532 = arith.constant 5 : i32
      %mul3A_1533 = arith.muli %add3A_1531, %mul3A_1532 : i32
      %add3A_1534 = arith.constant 1 : i32
      %add3A_1535 = arith.addi %mul3A_1533, %add3A_1534 : i32
      %get3A_1536 = arith.index_cast %add3A_1535 : i32 to index
      %get3A_1537 = arith.constant 0 : index
      %get3A_1538 = tpu.vector_load %arg11[%get3A_1536, %get3A_1537] {strides = array<i32>} : memref<2560x32xf32, #tpu.memory_space<vmem>>, vector<1x16xf32>,
      %get3A_1539 = vector.shape_cast %get3A_1538 : vector<1x16xf32> to vector<16xf32>
      %get3A_1540 = arith.index_cast %add3A_1535 : i32 to index
      %get3A_1541 = arith.constant 16 : index
      %get3A_1542 = tpu.vector_load %arg11[%get3A_1540, %get3A_1541] {strides = array<i32>} : memref<2560x32xf32, #tpu.memory_space<vmem>>, vector<1x16xf32>,
      %get3A_1543 = vector.shape_cast %get3A_1542 : vector<1x16xf32> to vector<16xf32>
      %mul3A_1544 = arith.mulf %get3A_600, %get3A_1539 : vector<16xf32>
      %mul3A_1545 = arith.mulf %get3A_604, %get3A_1543 : vector<16xf32>
      %add3A_1546 = arith.addf %mul3A_1544, %mul3A_1545 : vector<16xf32>
      %mul3A_1547 = arith.constant 16 : i32
      %mul3A_1548 = arith.muli %scan3A_425, %mul3A_1547 : i32
      %add3A_1549 = arith.constant 15 : i32
      %add3A_1550 = arith.addi %mul3A_1548, %add3A_1549 : i32
      %mul3A_1551 = arith.constant 5 : i32
      %mul3A_1552 = arith.muli %add3A_1550, %mul3A_1551 : i32
      %add3A_1553 = arith.constant 1 : i32
      %add3A_1554 = arith.addi %mul3A_1552, %add3A_1553 : i32
      %get3A_1555 = arith.index_cast %add3A_1554 : i32 to index
      %get3A_1556 = arith.constant 0 : index
      %get3A_1557 = tpu.vector_load %arg11[%get3A_1555, %get3A_1556] {strides = array<i32>} : memref<2560x32xf32, #tpu.memory_space<vmem>>, vector<1x16xf32>,
      %get3A_1558 = vector.shape_cast %get3A_1557 : vector<1x16xf32> to vector<16xf32>
      %get3A_1559 = arith.index_cast %add3A_1554 : i32 to index
      %get3A_1560 = arith.constant 16 : index
      %get3A_1561 = tpu.vector_load %arg11[%get3A_1559, %get3A_1560] {strides = array<i32>} : memref<2560x32xf32, #tpu.memory_space<vmem>>, vector<1x16xf32>,
      %get3A_1562 = vector.shape_cast %get3A_1561 : vector<1x16xf32> to vector<16xf32>
      %mul3A_1563 = arith.mulf %get3A_612, %get3A_1558 : vector<16xf32>
      %mul3A_1564 = arith.mulf %get3A_616, %get3A_1562 : vector<16xf32>
      %add3A_1565 = arith.addf %mul3A_1563, %mul3A_1564 : vector<16xf32>
      %lt3A_1566 = arith.constant 0 : i32
      %lt3A_1567 = vector.broadcast %lt3A_1566 : i32 to vector<16xi32>
      %lt3A_1568 = arith.cmpi slt, %xor3A_388, %lt3A_1567 : vector<16xi32>
      %add3A_1569 = arith.constant 16 : i32
      %add3A_1570 = vector.broadcast %add3A_1569 : i32 to vector<16xi32>
      %add3A_1571 = arith.addi %xor3A_388, %add3A_1570 : vector<16xi32>
      %select_n3A_1572 = arith.select %lt3A_1568, %add3A_1571, %xor3A_388 : vector<16xi1>, vector<16xi32>
      %broadcast_in_dim3A_1573 = vector.shape_cast %select_n3A_1572 : vector<16xi32> to vector<16x1xi32>
      %gather3A_1574 = vector.shape_cast %broadcast_in_dim3A_1573 : vector<16x1xi32> to vector<16xi32>
      %gather3A_1575 = tpu.dynamic_gather %add3A_1280[%gather3A_1574] in [0] : vector<16xf32>, vector<16xi32> -> vector<16xf32>
      %add3A_1576 = arith.addf %add3A_1280, %gather3A_1575 : vector<16xf32>
      %lt3A_1577 = arith.constant 0 : i32
      %lt3A_1578 = vector.broadcast %lt3A_1577 : i32 to vector<16xi32>
      %lt3A_1579 = arith.cmpi slt, %xor3A_388, %lt3A_1578 : vector<16xi32>
      %add3A_1580 = arith.constant 16 : i32
      %add3A_1581 = vector.broadcast %add3A_1580 : i32 to vector<16xi32>
      %add3A_1582 = arith.addi %xor3A_388, %add3A_1581 : vector<16xi32>
      %select_n3A_1583 = arith.select %lt3A_1579, %add3A_1582, %xor3A_388 : vector<16xi1>, vector<16xi32>
      %broadcast_in_dim3A_1584 = vector.shape_cast %select_n3A_1583 : vector<16xi32> to vector<16x1xi32>
      %gather3A_1585 = vector.shape_cast %broadcast_in_dim3A_1584 : vector<16x1xi32> to vector<16xi32>
      %gather3A_1586 = tpu.dynamic_gather %add3A_1299[%gather3A_1585] in [0] : vector<16xf32>, vector<16xi32> -> vector<16xf32>
      %add3A_1587 = arith.addf %add3A_1299, %gather3A_1586 : vector<16xf32>
      %select_n3A_1588 = arith.select %eq3A_401, %add3A_1576, %add3A_1587 : vector<16xi1>, vector<16xf32>
      %lt3A_1589 = arith.constant 0 : i32
      %lt3A_1590 = vector.broadcast %lt3A_1589 : i32 to vector<16xi32>
      %lt3A_1591 = arith.cmpi slt, %xor3A_388, %lt3A_1590 : vector<16xi32>
      %add3A_1592 = arith.constant 16 : i32
      %add3A_1593 = vector.broadcast %add3A_1592 : i32 to vector<16xi32>
      %add3A_1594 = arith.addi %xor3A_388, %add3A_1593 : vector<16xi32>
      %select_n3A_1595 = arith.select %lt3A_1591, %add3A_1594, %xor3A_388 : vector<16xi1>, vector<16xi32>
      %broadcast_in_dim3A_1596 = vector.shape_cast %select_n3A_1595 : vector<16xi32> to vector<16x1xi32>
      %gather3A_1597 = vector.shape_cast %broadcast_in_dim3A_1596 : vector<16x1xi32> to vector<16xi32>
      %gather3A_1598 = tpu.dynamic_gather %add3A_1318[%gather3A_1597] in [0] : vector<16xf32>, vector<16xi32> -> vector<16xf32>
      %add3A_1599 = arith.addf %add3A_1318, %gather3A_1598 : vector<16xf32>
      %lt3A_1600 = arith.constant 0 : i32
      %lt3A_1601 = vector.broadcast %lt3A_1600 : i32 to vector<16xi32>
      %lt3A_1602 = arith.cmpi slt, %xor3A_388, %lt3A_1601 : vector<16xi32>
      %add3A_1603 = arith.constant 16 : i32
      %add3A_1604 = vector.broadcast %add3A_1603 : i32 to vector<16xi32>
      %add3A_1605 = arith.addi %xor3A_388, %add3A_1604 : vector<16xi32>
      %select_n3A_1606 = arith.select %lt3A_1602, %add3A_1605, %xor3A_388 : vector<16xi1>, vector<16xi32>
      %broadcast_in_dim3A_1607 = vector.shape_cast %select_n3A_1606 : vector<16xi32> to vector<16x1xi32>
      %gather3A_1608 = vector.shape_cast %broadcast_in_dim3A_1607 : vector<16x1xi32> to vector<16xi32>
      %gather3A_1609 = tpu.dynamic_gather %add3A_1337[%gather3A_1608] in [0] : vector<16xf32>, vector<16xi32> -> vector<16xf32>
      %add3A_1610 = arith.addf %add3A_1337, %gather3A_1609 : vector<16xf32>
      %select_n3A_1611 = arith.select %eq3A_401, %add3A_1599, %add3A_1610 : vector<16xi1>, vector<16xf32>
      %lt3A_1612 = arith.constant 0 : i32
      %lt3A_1613 = vector.broadcast %lt3A_1612 : i32 to vector<16xi32>
      %lt3A_1614 = arith.cmpi slt, %xor3A_388, %lt3A_1613 : vector<16xi32>
      %add3A_1615 = arith.constant 16 : i32
      %add3A_1616 = vector.broadcast %add3A_1615 : i32 to vector<16xi32>
      %add3A_1617 = arith.addi %xor3A_388, %add3A_1616 : vector<16xi32>
      %select_n3A_1618 = arith.select %lt3A_1614, %add3A_1617, %xor3A_388 : vector<16xi1>, vector<16xi32>
      %broadcast_in_dim3A_1619 = vector.shape_cast %select_n3A_1618 : vector<16xi32> to vector<16x1xi32>
      %gather3A_1620 = vector.shape_cast %broadcast_in_dim3A_1619 : vector<16x1xi32> to vector<16xi32>
      %gather3A_1621 = tpu.dynamic_gather %add3A_1356[%gather3A_1620] in [0] : vector<16xf32>, vector<16xi32> -> vector<16xf32>
      %add3A_1622 = arith.addf %add3A_1356, %gather3A_1621 : vector<16xf32>
      %lt3A_1623 = arith.constant 0 : i32
      %lt3A_1624 = vector.broadcast %lt3A_1623 : i32 to vector<16xi32>
      %lt3A_1625 = arith.cmpi slt, %xor3A_388, %lt3A_1624 : vector<16xi32>
      %add3A_1626 = arith.constant 16 : i32
      %add3A_1627 = vector.broadcast %add3A_1626 : i32 to vector<16xi32>
      %add3A_1628 = arith.addi %xor3A_388, %add3A_1627 : vector<16xi32>
      %select_n3A_1629 = arith.select %lt3A_1625, %add3A_1628, %xor3A_388 : vector<16xi1>, vector<16xi32>
      %broadcast_in_dim3A_1630 = vector.shape_cast %select_n3A_1629 : vector<16xi32> to vector<16x1xi32>
      %gather3A_1631 = vector.shape_cast %broadcast_in_dim3A_1630 : vector<16x1xi32> to vector<16xi32>
      %gather3A_1632 = tpu.dynamic_gather %add3A_1375[%gather3A_1631] in [0] : vector<16xf32>, vector<16xi32> -> vector<16xf32>
      %add3A_1633 = arith.addf %add3A_1375, %gather3A_1632 : vector<16xf32>
      %select_n3A_1634 = arith.select %eq3A_401, %add3A_1622, %add3A_1633 : vector<16xi1>, vector<16xf32>
      %lt3A_1635 = arith.constant 0 : i32
      %lt3A_1636 = vector.broadcast %lt3A_1635 : i32 to vector<16xi32>
      %lt3A_1637 = arith.cmpi slt, %xor3A_388, %lt3A_1636 : vector<16xi32>
      %add3A_1638 = arith.constant 16 : i32
      %add3A_1639 = vector.broadcast %add3A_1638 : i32 to vector<16xi32>
      %add3A_1640 = arith.addi %xor3A_388, %add3A_1639 : vector<16xi32>
      %select_n3A_1641 = arith.select %lt3A_1637, %add3A_1640, %xor3A_388 : vector<16xi1>, vector<16xi32>
      %broadcast_in_dim3A_1642 = vector.shape_cast %select_n3A_1641 : vector<16xi32> to vector<16x1xi32>
      %gather3A_1643 = vector.shape_cast %broadcast_in_dim3A_1642 : vector<16x1xi32> to vector<16xi32>
      %gather3A_1644 = tpu.dynamic_gather %add3A_1394[%gather3A_1643] in [0] : vector<16xf32>, vector<16xi32> -> vector<16xf32>
      %add3A_1645 = arith.addf %add3A_1394, %gather3A_1644 : vector<16xf32>
      %lt3A_1646 = arith.constant 0 : i32
      %lt3A_1647 = vector.broadcast %lt3A_1646 : i32 to vector<16xi32>
      %lt3A_1648 = arith.cmpi slt, %xor3A_388, %lt3A_1647 : vector<16xi32>
      %add3A_1649 = arith.constant 16 : i32
      %add3A_1650 = vector.broadcast %add3A_1649 : i32 to vector<16xi32>
      %add3A_1651 = arith.addi %xor3A_388, %add3A_1650 : vector<16xi32>
      %select_n3A_1652 = arith.select %lt3A_1648, %add3A_1651, %xor3A_388 : vector<16xi1>, vector<16xi32>
      %broadcast_in_dim3A_1653 = vector.shape_cast %select_n3A_1652 : vector<16xi32> to vector<16x1xi32>
      %gather3A_1654 = vector.shape_cast %broadcast_in_dim3A_1653 : vector<16x1xi32> to vector<16xi32>
      %gather3A_1655 = tpu.dynamic_gather %add3A_1413[%gather3A_1654] in [0] : vector<16xf32>, vector<16xi32> -> vector<16xf32>
      %add3A_1656 = arith.addf %add3A_1413, %gather3A_1655 : vector<16xf32>
      %select_n3A_1657 = arith.select %eq3A_401, %add3A_1645, %add3A_1656 : vector<16xi1>, vector<16xf32>
      %lt3A_1658 = arith.constant 0 : i32
      %lt3A_1659 = vector.broadcast %lt3A_1658 : i32 to vector<16xi32>
      %lt3A_1660 = arith.cmpi slt, %xor3A_388, %lt3A_1659 : vector<16xi32>
      %add3A_1661 = arith.constant 16 : i32
      %add3A_1662 = vector.broadcast %add3A_1661 : i32 to vector<16xi32>
      %add3A_1663 = arith.addi %xor3A_388, %add3A_1662 : vector<16xi32>
      %select_n3A_1664 = arith.select %lt3A_1660, %add3A_1663, %xor3A_388 : vector<16xi1>, vector<16xi32>
      %broadcast_in_dim3A_1665 = vector.shape_cast %select_n3A_1664 : vector<16xi32> to vector<16x1xi32>
      %gather3A_1666 = vector.shape_cast %broadcast_in_dim3A_1665 : vector<16x1xi32> to vector<16xi32>
      %gather3A_1667 = tpu.dynamic_gather %add3A_1432[%gather3A_1666] in [0] : vector<16xf32>, vector<16xi32> -> vector<16xf32>
      %add3A_1668 = arith.addf %add3A_1432, %gather3A_1667 : vector<16xf32>
      %lt3A_1669 = arith.constant 0 : i32
      %lt3A_1670 = vector.broadcast %lt3A_1669 : i32 to vector<16xi32>
      %lt3A_1671 = arith.cmpi slt, %xor3A_388, %lt3A_1670 : vector<16xi32>
      %add3A_1672 = arith.constant 16 : i32
      %add3A_1673 = vector.broadcast %add3A_1672 : i32 to vector<16xi32>
      %add3A_1674 = arith.addi %xor3A_388, %add3A_1673 : vector<16xi32>
      %select_n3A_1675 = arith.select %lt3A_1671, %add3A_1674, %xor3A_388 : vector<16xi1>, vector<16xi32>
      %broadcast_in_dim3A_1676 = vector.shape_cast %select_n3A_1675 : vector<16xi32> to vector<16x1xi32>
      %gather3A_1677 = vector.shape_cast %broadcast_in_dim3A_1676 : vector<16x1xi32> to vector<16xi32>
      %gather3A_1678 = tpu.dynamic_gather %add3A_1451[%gather3A_1677] in [0] : vector<16xf32>, vector<16xi32> -> vector<16xf32>
      %add3A_1679 = arith.addf %add3A_1451, %gather3A_1678 : vector<16xf32>
      %select_n3A_1680 = arith.select %eq3A_401, %add3A_1668, %add3A_1679 : vector<16xi1>, vector<16xf32>
      %lt3A_1681 = arith.constant 0 : i32
      %lt3A_1682 = vector.broadcast %lt3A_1681 : i32 to vector<16xi32>
      %lt3A_1683 = arith.cmpi slt, %xor3A_388, %lt3A_1682 : vector<16xi32>
      %add3A_1684 = arith.constant 16 : i32
      %add3A_1685 = vector.broadcast %add3A_1684 : i32 to vector<16xi32>
      %add3A_1686 = arith.addi %xor3A_388, %add3A_1685 : vector<16xi32>
      %select_n3A_1687 = arith.select %lt3A_1683, %add3A_1686, %xor3A_388 : vector<16xi1>, vector<16xi32>
      %broadcast_in_dim3A_1688 = vector.shape_cast %select_n3A_1687 : vector<16xi32> to vector<16x1xi32>
      %gather3A_1689 = vector.shape_cast %broadcast_in_dim3A_1688 : vector<16x1xi32> to vector<16xi32>
      %gather3A_1690 = tpu.dynamic_gather %add3A_1470[%gather3A_1689] in [0] : vector<16xf32>, vector<16xi32> -> vector<16xf32>
      %add3A_1691 = arith.addf %add3A_1470, %gather3A_1690 : vector<16xf32>
      %lt3A_1692 = arith.constant 0 : i32
      %lt3A_1693 = vector.broadcast %lt3A_1692 : i32 to vector<16xi32>
      %lt3A_1694 = arith.cmpi slt, %xor3A_388, %lt3A_1693 : vector<16xi32>
      %add3A_1695 = arith.constant 16 : i32
      %add3A_1696 = vector.broadcast %add3A_1695 : i32 to vector<16xi32>
      %add3A_1697 = arith.addi %xor3A_388, %add3A_1696 : vector<16xi32>
      %select_n3A_1698 = arith.select %lt3A_1694, %add3A_1697, %xor3A_388 : vector<16xi1>, vector<16xi32>
      %broadcast_in_dim3A_1699 = vector.shape_cast %select_n3A_1698 : vector<16xi32> to vector<16x1xi32>
      %gather3A_1700 = vector.shape_cast %broadcast_in_dim3A_1699 : vector<16x1xi32> to vector<16xi32>
      %gather3A_1701 = tpu.dynamic_gather %add3A_1489[%gather3A_1700] in [0] : vector<16xf32>, vector<16xi32> -> vector<16xf32>
      %add3A_1702 = arith.addf %add3A_1489, %gather3A_1701 : vector<16xf32>
      %select_n3A_1703 = arith.select %eq3A_401, %add3A_1691, %add3A_1702 : vector<16xi1>, vector<16xf32>
      %lt3A_1704 = arith.constant 0 : i32
      %lt3A_1705 = vector.broadcast %lt3A_1704 : i32 to vector<16xi32>
      %lt3A_1706 = arith.cmpi slt, %xor3A_388, %lt3A_1705 : vector<16xi32>
      %add3A_1707 = arith.constant 16 : i32
      %add3A_1708 = vector.broadcast %add3A_1707 : i32 to vector<16xi32>
      %add3A_1709 = arith.addi %xor3A_388, %add3A_1708 : vector<16xi32>
      %select_n3A_1710 = arith.select %lt3A_1706, %add3A_1709, %xor3A_388 : vector<16xi1>, vector<16xi32>
      %broadcast_in_dim3A_1711 = vector.shape_cast %select_n3A_1710 : vector<16xi32> to vector<16x1xi32>
      %gather3A_1712 = vector.shape_cast %broadcast_in_dim3A_1711 : vector<16x1xi32> to vector<16xi32>
      %gather3A_1713 = tpu.dynamic_gather %add3A_1508[%gather3A_1712] in [0] : vector<16xf32>, vector<16xi32> -> vector<16xf32>
      %add3A_1714 = arith.addf %add3A_1508, %gather3A_1713 : vector<16xf32>
      %lt3A_1715 = arith.constant 0 : i32
      %lt3A_1716 = vector.broadcast %lt3A_1715 : i32 to vector<16xi32>
      %lt3A_1717 = arith.cmpi slt, %xor3A_388, %lt3A_1716 : vector<16xi32>
      %add3A_1718 = arith.constant 16 : i32
      %add3A_1719 = vector.broadcast %add3A_1718 : i32 to vector<16xi32>
      %add3A_1720 = arith.addi %xor3A_388, %add3A_1719 : vector<16xi32>
      %select_n3A_1721 = arith.select %lt3A_1717, %add3A_1720, %xor3A_388 : vector<16xi1>, vector<16xi32>
      %broadcast_in_dim3A_1722 = vector.shape_cast %select_n3A_1721 : vector<16xi32> to vector<16x1xi32>
      %gather3A_1723 = vector.shape_cast %broadcast_in_dim3A_1722 : vector<16x1xi32> to vector<16xi32>
      %gather3A_1724 = tpu.dynamic_gather %add3A_1527[%gather3A_1723] in [0] : vector<16xf32>, vector<16xi32> -> vector<16xf32>
      %add3A_1725 = arith.addf %add3A_1527, %gather3A_1724 : vector<16xf32>
      %select_n3A_1726 = arith.select %eq3A_401, %add3A_1714, %add3A_1725 : vector<16xi1>, vector<16xf32>
      %lt3A_1727 = arith.constant 0 : i32
      %lt3A_1728 = vector.broadcast %lt3A_1727 : i32 to vector<16xi32>
      %lt3A_1729 = arith.cmpi slt, %xor3A_388, %lt3A_1728 : vector<16xi32>
      %add3A_1730 = arith.constant 16 : i32
      %add3A_1731 = vector.broadcast %add3A_1730 : i32 to vector<16xi32>
      %add3A_1732 = arith.addi %xor3A_388, %add3A_1731 : vector<16xi32>
      %select_n3A_1733 = arith.select %lt3A_1729, %add3A_1732, %xor3A_388 : vector<16xi1>, vector<16xi32>
      %broadcast_in_dim3A_1734 = vector.shape_cast %select_n3A_1733 : vector<16xi32> to vector<16x1xi32>
      %gather3A_1735 = vector.shape_cast %broadcast_in_dim3A_1734 : vector<16x1xi32> to vector<16xi32>
      %gather3A_1736 = tpu.dynamic_gather %add3A_1546[%gather3A_1735] in [0] : vector<16xf32>, vector<16xi32> -> vector<16xf32>
      %add3A_1737 = arith.addf %add3A_1546, %gather3A_1736 : vector<16xf32>
      %lt3A_1738 = arith.constant 0 : i32
      %lt3A_1739 = vector.broadcast %lt3A_1738 : i32 to vector<16xi32>
      %lt3A_1740 = arith.cmpi slt, %xor3A_388, %lt3A_1739 : vector<16xi32>
      %add3A_1741 = arith.constant 16 : i32
      %add3A_1742 = vector.broadcast %add3A_1741 : i32 to vector<16xi32>
      %add3A_1743 = arith.addi %xor3A_388, %add3A_1742 : vector<16xi32>
      %select_n3A_1744 = arith.select %lt3A_1740, %add3A_1743, %xor3A_388 : vector<16xi1>, vector<16xi32>
      %broadcast_in_dim3A_1745 = vector.shape_cast %select_n3A_1744 : vector<16xi32> to vector<16x1xi32>
      %gather3A_1746 = vector.shape_cast %broadcast_in_dim3A_1745 : vector<16x1xi32> to vector<16xi32>
      %gather3A_1747 = tpu.dynamic_gather %add3A_1565[%gather3A_1746] in [0] : vector<16xf32>, vector<16xi32> -> vector<16xf32>
      %add3A_1748 = arith.addf %add3A_1565, %gather3A_1747 : vector<16xf32>
      %select_n3A_1749 = arith.select %eq3A_401, %add3A_1737, %add3A_1748 : vector<16xi1>, vector<16xf32>
      %lt3A_1750 = arith.constant 0 : i32
      %lt3A_1751 = vector.broadcast %lt3A_1750 : i32 to vector<16xi32>
      %lt3A_1752 = arith.cmpi slt, %xor3A_391, %lt3A_1751 : vector<16xi32>
      %add3A_1753 = arith.constant 16 : i32
      %add3A_1754 = vector.broadcast %add3A_1753 : i32 to vector<16xi32>
      %add3A_1755 = arith.addi %xor3A_391, %add3A_1754 : vector<16xi32>
      %select_n3A_1756 = arith.select %lt3A_1752, %add3A_1755, %xor3A_391 : vector<16xi1>, vector<16xi32>
      %broadcast_in_dim3A_1757 = vector.shape_cast %select_n3A_1756 : vector<16xi32> to vector<16x1xi32>
      %gather3A_1758 = vector.shape_cast %broadcast_in_dim3A_1757 : vector<16x1xi32> to vector<16xi32>
      %gather3A_1759 = tpu.dynamic_gather %select_n3A_1588[%gather3A_1758] in [0] : vector<16xf32>, vector<16xi32> -> vector<16xf32>
      %add3A_1760 = arith.addf %select_n3A_1588, %gather3A_1759 : vector<16xf32>
      %lt3A_1761 = arith.constant 0 : i32
      %lt3A_1762 = vector.broadcast %lt3A_1761 : i32 to vector<16xi32>
      %lt3A_1763 = arith.cmpi slt, %xor3A_391, %lt3A_1762 : vector<16xi32>
      %add3A_1764 = arith.constant 16 : i32
      %add3A_1765 = vector.broadcast %add3A_1764 : i32 to vector<16xi32>
      %add3A_1766 = arith.addi %xor3A_391, %add3A_1765 : vector<16xi32>
      %select_n3A_1767 = arith.select %lt3A_1763, %add3A_1766, %xor3A_391 : vector<16xi1>, vector<16xi32>
      %broadcast_in_dim3A_1768 = vector.shape_cast %select_n3A_1767 : vector<16xi32> to vector<16x1xi32>
      %gather3A_1769 = vector.shape_cast %broadcast_in_dim3A_1768 : vector<16x1xi32> to vector<16xi32>
      %gather3A_1770 = tpu.dynamic_gather %select_n3A_1611[%gather3A_1769] in [0] : vector<16xf32>, vector<16xi32> -> vector<16xf32>
      %add3A_1771 = arith.addf %select_n3A_1611, %gather3A_1770 : vector<16xf32>
      %select_n3A_1772 = arith.select %eq3A_407, %add3A_1760, %add3A_1771 : vector<16xi1>, vector<16xf32>
      %lt3A_1773 = arith.constant 0 : i32
      %lt3A_1774 = vector.broadcast %lt3A_1773 : i32 to vector<16xi32>
      %lt3A_1775 = arith.cmpi slt, %xor3A_391, %lt3A_1774 : vector<16xi32>
      %add3A_1776 = arith.constant 16 : i32
      %add3A_1777 = vector.broadcast %add3A_1776 : i32 to vector<16xi32>
      %add3A_1778 = arith.addi %xor3A_391, %add3A_1777 : vector<16xi32>
      %select_n3A_1779 = arith.select %lt3A_1775, %add3A_1778, %xor3A_391 : vector<16xi1>, vector<16xi32>
      %broadcast_in_dim3A_1780 = vector.shape_cast %select_n3A_1779 : vector<16xi32> to vector<16x1xi32>
      %gather3A_1781 = vector.shape_cast %broadcast_in_dim3A_1780 : vector<16x1xi32> to vector<16xi32>
      %gather3A_1782 = tpu.dynamic_gather %select_n3A_1634[%gather3A_1781] in [0] : vector<16xf32>, vector<16xi32> -> vector<16xf32>
      %add3A_1783 = arith.addf %select_n3A_1634, %gather3A_1782 : vector<16xf32>
      %lt3A_1784 = arith.constant 0 : i32
      %lt3A_1785 = vector.broadcast %lt3A_1784 : i32 to vector<16xi32>
      %lt3A_1786 = arith.cmpi slt, %xor3A_391, %lt3A_1785 : vector<16xi32>
      %add3A_1787 = arith.constant 16 : i32
      %add3A_1788 = vector.broadcast %add3A_1787 : i32 to vector<16xi32>
      %add3A_1789 = arith.addi %xor3A_391, %add3A_1788 : vector<16xi32>
      %select_n3A_1790 = arith.select %lt3A_1786, %add3A_1789, %xor3A_391 : vector<16xi1>, vector<16xi32>
      %broadcast_in_dim3A_1791 = vector.shape_cast %select_n3A_1790 : vector<16xi32> to vector<16x1xi32>
      %gather3A_1792 = vector.shape_cast %broadcast_in_dim3A_1791 : vector<16x1xi32> to vector<16xi32>
      %gather3A_1793 = tpu.dynamic_gather %select_n3A_1657[%gather3A_1792] in [0] : vector<16xf32>, vector<16xi32> -> vector<16xf32>
      %add3A_1794 = arith.addf %select_n3A_1657, %gather3A_1793 : vector<16xf32>
      %select_n3A_1795 = arith.select %eq3A_407, %add3A_1783, %add3A_1794 : vector<16xi1>, vector<16xf32>
      %lt3A_1796 = arith.constant 0 : i32
      %lt3A_1797 = vector.broadcast %lt3A_1796 : i32 to vector<16xi32>
      %lt3A_1798 = arith.cmpi slt, %xor3A_391, %lt3A_1797 : vector<16xi32>
      %add3A_1799 = arith.constant 16 : i32
      %add3A_1800 = vector.broadcast %add3A_1799 : i32 to vector<16xi32>
      %add3A_1801 = arith.addi %xor3A_391, %add3A_1800 : vector<16xi32>
      %select_n3A_1802 = arith.select %lt3A_1798, %add3A_1801, %xor3A_391 : vector<16xi1>, vector<16xi32>
      %broadcast_in_dim3A_1803 = vector.shape_cast %select_n3A_1802 : vector<16xi32> to vector<16x1xi32>
      %gather3A_1804 = vector.shape_cast %broadcast_in_dim3A_1803 : vector<16x1xi32> to vector<16xi32>
      %gather3A_1805 = tpu.dynamic_gather %select_n3A_1680[%gather3A_1804] in [0] : vector<16xf32>, vector<16xi32> -> vector<16xf32>
      %add3A_1806 = arith.addf %select_n3A_1680, %gather3A_1805 : vector<16xf32>
      %lt3A_1807 = arith.constant 0 : i32
      %lt3A_1808 = vector.broadcast %lt3A_1807 : i32 to vector<16xi32>
      %lt3A_1809 = arith.cmpi slt, %xor3A_391, %lt3A_1808 : vector<16xi32>
      %add3A_1810 = arith.constant 16 : i32
      %add3A_1811 = vector.broadcast %add3A_1810 : i32 to vector<16xi32>
      %add3A_1812 = arith.addi %xor3A_391, %add3A_1811 : vector<16xi32>
      %select_n3A_1813 = arith.select %lt3A_1809, %add3A_1812, %xor3A_391 : vector<16xi1>, vector<16xi32>
      %broadcast_in_dim3A_1814 = vector.shape_cast %select_n3A_1813 : vector<16xi32> to vector<16x1xi32>
      %gather3A_1815 = vector.shape_cast %broadcast_in_dim3A_1814 : vector<16x1xi32> to vector<16xi32>
      %gather3A_1816 = tpu.dynamic_gather %select_n3A_1703[%gather3A_1815] in [0] : vector<16xf32>, vector<16xi32> -> vector<16xf32>
      %add3A_1817 = arith.addf %select_n3A_1703, %gather3A_1816 : vector<16xf32>
      %select_n3A_1818 = arith.select %eq3A_407, %add3A_1806, %add3A_1817 : vector<16xi1>, vector<16xf32>
      %lt3A_1819 = arith.constant 0 : i32
      %lt3A_1820 = vector.broadcast %lt3A_1819 : i32 to vector<16xi32>
      %lt3A_1821 = arith.cmpi slt, %xor3A_391, %lt3A_1820 : vector<16xi32>
      %add3A_1822 = arith.constant 16 : i32
      %add3A_1823 = vector.broadcast %add3A_1822 : i32 to vector<16xi32>
      %add3A_1824 = arith.addi %xor3A_391, %add3A_1823 : vector<16xi32>
      %select_n3A_1825 = arith.select %lt3A_1821, %add3A_1824, %xor3A_391 : vector<16xi1>, vector<16xi32>
      %broadcast_in_dim3A_1826 = vector.shape_cast %select_n3A_1825 : vector<16xi32> to vector<16x1xi32>
      %gather3A_1827 = vector.shape_cast %broadcast_in_dim3A_1826 : vector<16x1xi32> to vector<16xi32>
      %gather3A_1828 = tpu.dynamic_gather %select_n3A_1726[%gather3A_1827] in [0] : vector<16xf32>, vector<16xi32> -> vector<16xf32>
      %add3A_1829 = arith.addf %select_n3A_1726, %gather3A_1828 : vector<16xf32>
      %lt3A_1830 = arith.constant 0 : i32
      %lt3A_1831 = vector.broadcast %lt3A_1830 : i32 to vector<16xi32>
      %lt3A_1832 = arith.cmpi slt, %xor3A_391, %lt3A_1831 : vector<16xi32>
      %add3A_1833 = arith.constant 16 : i32
      %add3A_1834 = vector.broadcast %add3A_1833 : i32 to vector<16xi32>
      %add3A_1835 = arith.addi %xor3A_391, %add3A_1834 : vector<16xi32>
      %select_n3A_1836 = arith.select %lt3A_1832, %add3A_1835, %xor3A_391 : vector<16xi1>, vector<16xi32>
      %broadcast_in_dim3A_1837 = vector.shape_cast %select_n3A_1836 : vector<16xi32> to vector<16x1xi32>
      %gather3A_1838 = vector.shape_cast %broadcast_in_dim3A_1837 : vector<16x1xi32> to vector<16xi32>
      %gather3A_1839 = tpu.dynamic_gather %select_n3A_1749[%gather3A_1838] in [0] : vector<16xf32>, vector<16xi32> -> vector<16xf32>
      %add3A_1840 = arith.addf %select_n3A_1749, %gather3A_1839 : vector<16xf32>
      %select_n3A_1841 = arith.select %eq3A_407, %add3A_1829, %add3A_1840 : vector<16xi1>, vector<16xf32>
      %lt3A_1842 = arith.constant 0 : i32
      %lt3A_1843 = vector.broadcast %lt3A_1842 : i32 to vector<16xi32>
      %lt3A_1844 = arith.cmpi slt, %xor3A_394, %lt3A_1843 : vector<16xi32>
      %add3A_1845 = arith.constant 16 : i32
      %add3A_1846 = vector.broadcast %add3A_1845 : i32 to vector<16xi32>
      %add3A_1847 = arith.addi %xor3A_394, %add3A_1846 : vector<16xi32>
      %select_n3A_1848 = arith.select %lt3A_1844, %add3A_1847, %xor3A_394 : vector<16xi1>, vector<16xi32>
      %broadcast_in_dim3A_1849 = vector.shape_cast %select_n3A_1848 : vector<16xi32> to vector<16x1xi32>
      %gather3A_1850 = vector.shape_cast %broadcast_in_dim3A_1849 : vector<16x1xi32> to vector<16xi32>
      %gather3A_1851 = tpu.dynamic_gather %select_n3A_1772[%gather3A_1850] in [0] : vector<16xf32>, vector<16xi32> -> vector<16xf32>
      %add3A_1852 = arith.addf %select_n3A_1772, %gather3A_1851 : vector<16xf32>
      %lt3A_1853 = arith.constant 0 : i32
      %lt3A_1854 = vector.broadcast %lt3A_1853 : i32 to vector<16xi32>
      %lt3A_1855 = arith.cmpi slt, %xor3A_394, %lt3A_1854 : vector<16xi32>
      %add3A_1856 = arith.constant 16 : i32
      %add3A_1857 = vector.broadcast %add3A_1856 : i32 to vector<16xi32>
      %add3A_1858 = arith.addi %xor3A_394, %add3A_1857 : vector<16xi32>
      %select_n3A_1859 = arith.select %lt3A_1855, %add3A_1858, %xor3A_394 : vector<16xi1>, vector<16xi32>
      %broadcast_in_dim3A_1860 = vector.shape_cast %select_n3A_1859 : vector<16xi32> to vector<16x1xi32>
      %gather3A_1861 = vector.shape_cast %broadcast_in_dim3A_1860 : vector<16x1xi32> to vector<16xi32>
      %gather3A_1862 = tpu.dynamic_gather %select_n3A_1795[%gather3A_1861] in [0] : vector<16xf32>, vector<16xi32> -> vector<16xf32>
      %add3A_1863 = arith.addf %select_n3A_1795, %gather3A_1862 : vector<16xf32>
      %select_n3A_1864 = arith.select %eq3A_413, %add3A_1852, %add3A_1863 : vector<16xi1>, vector<16xf32>
      %lt3A_1865 = arith.constant 0 : i32
      %lt3A_1866 = vector.broadcast %lt3A_1865 : i32 to vector<16xi32>
      %lt3A_1867 = arith.cmpi slt, %xor3A_394, %lt3A_1866 : vector<16xi32>
      %add3A_1868 = arith.constant 16 : i32
      %add3A_1869 = vector.broadcast %add3A_1868 : i32 to vector<16xi32>
      %add3A_1870 = arith.addi %xor3A_394, %add3A_1869 : vector<16xi32>
      %select_n3A_1871 = arith.select %lt3A_1867, %add3A_1870, %xor3A_394 : vector<16xi1>, vector<16xi32>
      %broadcast_in_dim3A_1872 = vector.shape_cast %select_n3A_1871 : vector<16xi32> to vector<16x1xi32>
      %gather3A_1873 = vector.shape_cast %broadcast_in_dim3A_1872 : vector<16x1xi32> to vector<16xi32>
      %gather3A_1874 = tpu.dynamic_gather %select_n3A_1818[%gather3A_1873] in [0] : vector<16xf32>, vector<16xi32> -> vector<16xf32>
      %add3A_1875 = arith.addf %select_n3A_1818, %gather3A_1874 : vector<16xf32>
      %lt3A_1876 = arith.constant 0 : i32
      %lt3A_1877 = vector.broadcast %lt3A_1876 : i32 to vector<16xi32>
      %lt3A_1878 = arith.cmpi slt, %xor3A_394, %lt3A_1877 : vector<16xi32>
      %add3A_1879 = arith.constant 16 : i32
      %add3A_1880 = vector.broadcast %add3A_1879 : i32 to vector<16xi32>
      %add3A_1881 = arith.addi %xor3A_394, %add3A_1880 : vector<16xi32>
      %select_n3A_1882 = arith.select %lt3A_1878, %add3A_1881, %xor3A_394 : vector<16xi1>, vector<16xi32>
      %broadcast_in_dim3A_1883 = vector.shape_cast %select_n3A_1882 : vector<16xi32> to vector<16x1xi32>
      %gather3A_1884 = vector.shape_cast %broadcast_in_dim3A_1883 : vector<16x1xi32> to vector<16xi32>
      %gather3A_1885 = tpu.dynamic_gather %select_n3A_1841[%gather3A_1884] in [0] : vector<16xf32>, vector<16xi32> -> vector<16xf32>
      %add3A_1886 = arith.addf %select_n3A_1841, %gather3A_1885 : vector<16xf32>
      %select_n3A_1887 = arith.select %eq3A_413, %add3A_1875, %add3A_1886 : vector<16xi1>, vector<16xf32>
      %lt3A_1888 = arith.constant 0 : i32
      %lt3A_1889 = vector.broadcast %lt3A_1888 : i32 to vector<16xi32>
      %lt3A_1890 = arith.cmpi slt, %xor3A_397, %lt3A_1889 : vector<16xi32>
      %add3A_1891 = arith.constant 16 : i32
      %add3A_1892 = vector.broadcast %add3A_1891 : i32 to vector<16xi32>
      %add3A_1893 = arith.addi %xor3A_397, %add3A_1892 : vector<16xi32>
      %select_n3A_1894 = arith.select %lt3A_1890, %add3A_1893, %xor3A_397 : vector<16xi1>, vector<16xi32>
      %broadcast_in_dim3A_1895 = vector.shape_cast %select_n3A_1894 : vector<16xi32> to vector<16x1xi32>
      %gather3A_1896 = vector.shape_cast %broadcast_in_dim3A_1895 : vector<16x1xi32> to vector<16xi32>
      %gather3A_1897 = tpu.dynamic_gather %select_n3A_1864[%gather3A_1896] in [0] : vector<16xf32>, vector<16xi32> -> vector<16xf32>
      %add3A_1898 = arith.addf %select_n3A_1864, %gather3A_1897 : vector<16xf32>
      %lt3A_1899 = arith.constant 0 : i32
      %lt3A_1900 = vector.broadcast %lt3A_1899 : i32 to vector<16xi32>
      %lt3A_1901 = arith.cmpi slt, %xor3A_397, %lt3A_1900 : vector<16xi32>
      %add3A_1902 = arith.constant 16 : i32
      %add3A_1903 = vector.broadcast %add3A_1902 : i32 to vector<16xi32>
      %add3A_1904 = arith.addi %xor3A_397, %add3A_1903 : vector<16xi32>
      %select_n3A_1905 = arith.select %lt3A_1901, %add3A_1904, %xor3A_397 : vector<16xi1>, vector<16xi32>
      %broadcast_in_dim3A_1906 = vector.shape_cast %select_n3A_1905 : vector<16xi32> to vector<16x1xi32>
      %gather3A_1907 = vector.shape_cast %broadcast_in_dim3A_1906 : vector<16x1xi32> to vector<16xi32>
      %gather3A_1908 = tpu.dynamic_gather %select_n3A_1887[%gather3A_1907] in [0] : vector<16xf32>, vector<16xi32> -> vector<16xf32>
      %add3A_1909 = arith.addf %select_n3A_1887, %gather3A_1908 : vector<16xf32>
      %select_n3A_1910 = arith.select %eq3A_419, %add3A_1898, %add3A_1909 : vector<16xi1>, vector<16xf32>
      %mul3A_1911 = arith.constant 16 : i32
      %mul3A_1912 = arith.muli %scan3A_425, %mul3A_1911 : i32
      %add3A_1913 = arith.constant 0 : i32
      %add3A_1914 = arith.addi %mul3A_1912, %add3A_1913 : i32
      %mul3A_1915 = arith.constant 5 : i32
      %mul3A_1916 = arith.muli %add3A_1914, %mul3A_1915 : i32
      %add3A_1917 = arith.constant 2 : i32
      %add3A_1918 = arith.addi %mul3A_1916, %add3A_1917 : i32
      %get3A_1919 = arith.index_cast %add3A_1918 : i32 to index
      %get3A_1920 = arith.constant 0 : index
      %get3A_1921 = tpu.vector_load %arg11[%get3A_1919, %get3A_1920] {strides = array<i32>} : memref<2560x32xf32, #tpu.memory_space<vmem>>, vector<1x16xf32>,
      %get3A_1922 = vector.shape_cast %get3A_1921 : vector<1x16xf32> to vector<16xf32>
      %get3A_1923 = arith.index_cast %add3A_1918 : i32 to index
      %get3A_1924 = arith.constant 16 : index
      %get3A_1925 = tpu.vector_load %arg11[%get3A_1923, %get3A_1924] {strides = array<i32>} : memref<2560x32xf32, #tpu.memory_space<vmem>>, vector<1x16xf32>,
      %get3A_1926 = vector.shape_cast %get3A_1925 : vector<1x16xf32> to vector<16xf32>
      %mul3A_1927 = arith.mulf %get3A_432, %get3A_1922 : vector<16xf32>
      %mul3A_1928 = arith.mulf %get3A_436, %get3A_1926 : vector<16xf32>
      %add3A_1929 = arith.addf %mul3A_1927, %mul3A_1928 : vector<16xf32>
      %mul3A_1930 = arith.constant 16 : i32
      %mul3A_1931 = arith.muli %scan3A_425, %mul3A_1930 : i32
      %add3A_1932 = arith.constant 1 : i32
      %add3A_1933 = arith.addi %mul3A_1931, %add3A_1932 : i32
      %mul3A_1934 = arith.constant 5 : i32
      %mul3A_1935 = arith.muli %add3A_1933, %mul3A_1934 : i32
      %add3A_1936 = arith.constant 2 : i32
      %add3A_1937 = arith.addi %mul3A_1935, %add3A_1936 : i32
      %get3A_1938 = arith.index_cast %add3A_1937 : i32 to index
      %get3A_1939 = arith.constant 0 : index
      %get3A_1940 = tpu.vector_load %arg11[%get3A_1938, %get3A_1939] {strides = array<i32>} : memref<2560x32xf32, #tpu.memory_space<vmem>>, vector<1x16xf32>,
      %get3A_1941 = vector.shape_cast %get3A_1940 : vector<1x16xf32> to vector<16xf32>
      %get3A_1942 = arith.index_cast %add3A_1937 : i32 to index
      %get3A_1943 = arith.constant 16 : index
      %get3A_1944 = tpu.vector_load %arg11[%get3A_1942, %get3A_1943] {strides = array<i32>} : memref<2560x32xf32, #tpu.memory_space<vmem>>, vector<1x16xf32>,
      %get3A_1945 = vector.shape_cast %get3A_1944 : vector<1x16xf32> to vector<16xf32>
      %mul3A_1946 = arith.mulf %get3A_444, %get3A_1941 : vector<16xf32>
      %mul3A_1947 = arith.mulf %get3A_448, %get3A_1945 : vector<16xf32>
      %add3A_1948 = arith.addf %mul3A_1946, %mul3A_1947 : vector<16xf32>
      %mul3A_1949 = arith.constant 16 : i32
      %mul3A_1950 = arith.muli %scan3A_425, %mul3A_1949 : i32
      %add3A_1951 = arith.constant 2 : i32
      %add3A_1952 = arith.addi %mul3A_1950, %add3A_1951 : i32
      %mul3A_1953 = arith.constant 5 : i32
      %mul3A_1954 = arith.muli %add3A_1952, %mul3A_1953 : i32
      %add3A_1955 = arith.constant 2 : i32
      %add3A_1956 = arith.addi %mul3A_1954, %add3A_1955 : i32
      %get3A_1957 = arith.index_cast %add3A_1956 : i32 to index
      %get3A_1958 = arith.constant 0 : index
      %get3A_1959 = tpu.vector_load %arg11[%get3A_1957, %get3A_1958] {strides = array<i32>} : memref<2560x32xf32, #tpu.memory_space<vmem>>, vector<1x16xf32>,
      %get3A_1960 = vector.shape_cast %get3A_1959 : vector<1x16xf32> to vector<16xf32>
      %get3A_1961 = arith.index_cast %add3A_1956 : i32 to index
      %get3A_1962 = arith.constant 16 : index
      %get3A_1963 = tpu.vector_load %arg11[%get3A_1961, %get3A_1962] {strides = array<i32>} : memref<2560x32xf32, #tpu.memory_space<vmem>>, vector<1x16xf32>,
      %get3A_1964 = vector.shape_cast %get3A_1963 : vector<1x16xf32> to vector<16xf32>
      %mul3A_1965 = arith.mulf %get3A_456, %get3A_1960 : vector<16xf32>
      %mul3A_1966 = arith.mulf %get3A_460, %get3A_1964 : vector<16xf32>
      %add3A_1967 = arith.addf %mul3A_1965, %mul3A_1966 : vector<16xf32>
      %mul3A_1968 = arith.constant 16 : i32
      %mul3A_1969 = arith.muli %scan3A_425, %mul3A_1968 : i32
      %add3A_1970 = arith.constant 3 : i32
      %add3A_1971 = arith.addi %mul3A_1969, %add3A_1970 : i32
      %mul3A_1972 = arith.constant 5 : i32
      %mul3A_1973 = arith.muli %add3A_1971, %mul3A_1972 : i32
      %add3A_1974 = arith.constant 2 : i32
      %add3A_1975 = arith.addi %mul3A_1973, %add3A_1974 : i32
      %get3A_1976 = arith.index_cast %add3A_1975 : i32 to index
      %get3A_1977 = arith.constant 0 : index
      %get3A_1978 = tpu.vector_load %arg11[%get3A_1976, %get3A_1977] {strides = array<i32>} : memref<2560x32xf32, #tpu.memory_space<vmem>>, vector<1x16xf32>,
      %get3A_1979 = vector.shape_cast %get3A_1978 : vector<1x16xf32> to vector<16xf32>
      %get3A_1980 = arith.index_cast %add3A_1975 : i32 to index
      %get3A_1981 = arith.constant 16 : index
      %get3A_1982 = tpu.vector_load %arg11[%get3A_1980, %get3A_1981] {strides = array<i32>} : memref<2560x32xf32, #tpu.memory_space<vmem>>, vector<1x16xf32>,
      %get3A_1983 = vector.shape_cast %get3A_1982 : vector<1x16xf32> to vector<16xf32>
      %mul3A_1984 = arith.mulf %get3A_468, %get3A_1979 : vector<16xf32>
      %mul3A_1985 = arith.mulf %get3A_472, %get3A_1983 : vector<16xf32>
      %add3A_1986 = arith.addf %mul3A_1984, %mul3A_1985 : vector<16xf32>
      %mul3A_1987 = arith.constant 16 : i32
      %mul3A_1988 = arith.muli %scan3A_425, %mul3A_1987 : i32
      %add3A_1989 = arith.constant 4 : i32
      %add3A_1990 = arith.addi %mul3A_1988, %add3A_1989 : i32
      %mul3A_1991 = arith.constant 5 : i32
      %mul3A_1992 = arith.muli %add3A_1990, %mul3A_1991 : i32
      %add3A_1993 = arith.constant 2 : i32
      %add3A_1994 = arith.addi %mul3A_1992, %add3A_1993 : i32
      %get3A_1995 = arith.index_cast %add3A_1994 : i32 to index
      %get3A_1996 = arith.constant 0 : index
      %get3A_1997 = tpu.vector_load %arg11[%get3A_1995, %get3A_1996] {strides = array<i32>} : memref<2560x32xf32, #tpu.memory_space<vmem>>, vector<1x16xf32>,
      %get3A_1998 = vector.shape_cast %get3A_1997 : vector<1x16xf32> to vector<16xf32>
      %get3A_1999 = arith.index_cast %add3A_1994 : i32 to index
      %get3A_2000 = arith.constant 16 : index
      %get3A_2001 = tpu.vector_load %arg11[%get3A_1999, %get3A_2000] {strides = array<i32>} : memref<2560x32xf32, #tpu.memory_space<vmem>>, vector<1x16xf32>,
      %get3A_2002 = vector.shape_cast %get3A_2001 : vector<1x16xf32> to vector<16xf32>
      %mul3A_2003 = arith.mulf %get3A_480, %get3A_1998 : vector<16xf32>
      %mul3A_2004 = arith.mulf %get3A_484, %get3A_2002 : vector<16xf32>
      %add3A_2005 = arith.addf %mul3A_2003, %mul3A_2004 : vector<16xf32>
      %mul3A_2006 = arith.constant 16 : i32
      %mul3A_2007 = arith.muli %scan3A_425, %mul3A_2006 : i32
      %add3A_2008 = arith.constant 5 : i32
      %add3A_2009 = arith.addi %mul3A_2007, %add3A_2008 : i32
      %mul3A_2010 = arith.constant 5 : i32
      %mul3A_2011 = arith.muli %add3A_2009, %mul3A_2010 : i32
      %add3A_2012 = arith.constant 2 : i32
      %add3A_2013 = arith.addi %mul3A_2011, %add3A_2012 : i32
      %get3A_2014 = arith.index_cast %add3A_2013 : i32 to index
      %get3A_2015 = arith.constant 0 : index
      %get3A_2016 = tpu.vector_load %arg11[%get3A_2014, %get3A_2015] {strides = array<i32>} : memref<2560x32xf32, #tpu.memory_space<vmem>>, vector<1x16xf32>,
      %get3A_2017 = vector.shape_cast %get3A_2016 : vector<1x16xf32> to vector<16xf32>
      %get3A_2018 = arith.index_cast %add3A_2013 : i32 to index
      %get3A_2019 = arith.constant 16 : index
      %get3A_2020 = tpu.vector_load %arg11[%get3A_2018, %get3A_2019] {strides = array<i32>} : memref<2560x32xf32, #tpu.memory_space<vmem>>, vector<1x16xf32>,
      %get3A_2021 = vector.shape_cast %get3A_2020 : vector<1x16xf32> to vector<16xf32>
      %mul3A_2022 = arith.mulf %get3A_492, %get3A_2017 : vector<16xf32>
      %mul3A_2023 = arith.mulf %get3A_496, %get3A_2021 : vector<16xf32>
      %add3A_2024 = arith.addf %mul3A_2022, %mul3A_2023 : vector<16xf32>
      %mul3A_2025 = arith.constant 16 : i32
      %mul3A_2026 = arith.muli %scan3A_425, %mul3A_2025 : i32
      %add3A_2027 = arith.constant 6 : i32
      %add3A_2028 = arith.addi %mul3A_2026, %add3A_2027 : i32
      %mul3A_2029 = arith.constant 5 : i32
      %mul3A_2030 = arith.muli %add3A_2028, %mul3A_2029 : i32
      %add3A_2031 = arith.constant 2 : i32
      %add3A_2032 = arith.addi %mul3A_2030, %add3A_2031 : i32
      %get3A_2033 = arith.index_cast %add3A_2032 : i32 to index
      %get3A_2034 = arith.constant 0 : index
      %get3A_2035 = tpu.vector_load %arg11[%get3A_2033, %get3A_2034] {strides = array<i32>} : memref<2560x32xf32, #tpu.memory_space<vmem>>, vector<1x16xf32>,
      %get3A_2036 = vector.shape_cast %get3A_2035 : vector<1x16xf32> to vector<16xf32>
      %get3A_2037 = arith.index_cast %add3A_2032 : i32 to index
      %get3A_2038 = arith.constant 16 : index
      %get3A_2039 = tpu.vector_load %arg11[%get3A_2037, %get3A_2038] {strides = array<i32>} : memref<2560x32xf32, #tpu.memory_space<vmem>>, vector<1x16xf32>,
      %get3A_2040 = vector.shape_cast %get3A_2039 : vector<1x16xf32> to vector<16xf32>
      %mul3A_2041 = arith.mulf %get3A_504, %get3A_2036 : vector<16xf32>
      %mul3A_2042 = arith.mulf %get3A_508, %get3A_2040 : vector<16xf32>
      %add3A_2043 = arith.addf %mul3A_2041, %mul3A_2042 : vector<16xf32>
      %mul3A_2044 = arith.constant 16 : i32
      %mul3A_2045 = arith.muli %scan3A_425, %mul3A_2044 : i32
      %add3A_2046 = arith.constant 7 : i32
      %add3A_2047 = arith.addi %mul3A_2045, %add3A_2046 : i32
      %mul3A_2048 = arith.constant 5 : i32
      %mul3A_2049 = arith.muli %add3A_2047, %mul3A_2048 : i32
      %add3A_2050 = arith.constant 2 : i32
      %add3A_2051 = arith.addi %mul3A_2049, %add3A_2050 : i32
      %get3A_2052 = arith.index_cast %add3A_2051 : i32 to index
      %get3A_2053 = arith.constant 0 : index
      %get3A_2054 = tpu.vector_load %arg11[%get3A_2052, %get3A_2053] {strides = array<i32>} : memref<2560x32xf32, #tpu.memory_space<vmem>>, vector<1x16xf32>,
      %get3A_2055 = vector.shape_cast %get3A_2054 : vector<1x16xf32> to vector<16xf32>
      %get3A_2056 = arith.index_cast %add3A_2051 : i32 to index
      %get3A_2057 = arith.constant 16 : index
      %get3A_2058 = tpu.vector_load %arg11[%get3A_2056, %get3A_2057] {strides = array<i32>} : memref<2560x32xf32, #tpu.memory_space<vmem>>, vector<1x16xf32>,
      %get3A_2059 = vector.shape_cast %get3A_2058 : vector<1x16xf32> to vector<16xf32>
      %mul3A_2060 = arith.mulf %get3A_516, %get3A_2055 : vector<16xf32>
      %mul3A_2061 = arith.mulf %get3A_520, %get3A_2059 : vector<16xf32>
      %add3A_2062 = arith.addf %mul3A_2060, %mul3A_2061 : vector<16xf32>
      %mul3A_2063 = arith.constant 16 : i32
      %mul3A_2064 = arith.muli %scan3A_425, %mul3A_2063 : i32
      %add3A_2065 = arith.constant 8 : i32
      %add3A_2066 = arith.addi %mul3A_2064, %add3A_2065 : i32
      %mul3A_2067 = arith.constant 5 : i32
      %mul3A_2068 = arith.muli %add3A_2066, %mul3A_2067 : i32
      %add3A_2069 = arith.constant 2 : i32
      %add3A_2070 = arith.addi %mul3A_2068, %add3A_2069 : i32
      %get3A_2071 = arith.index_cast %add3A_2070 : i32 to index
      %get3A_2072 = arith.constant 0 : index
      %get3A_2073 = tpu.vector_load %arg11[%get3A_2071, %get3A_2072] {strides = array<i32>} : memref<2560x32xf32, #tpu.memory_space<vmem>>, vector<1x16xf32>,
      %get3A_2074 = vector.shape_cast %get3A_2073 : vector<1x16xf32> to vector<16xf32>
      %get3A_2075 = arith.index_cast %add3A_2070 : i32 to index
      %get3A_2076 = arith.constant 16 : index
      %get3A_2077 = tpu.vector_load %arg11[%get3A_2075, %get3A_2076] {strides = array<i32>} : memref<2560x32xf32, #tpu.memory_space<vmem>>, vector<1x16xf32>,
      %get3A_2078 = vector.shape_cast %get3A_2077 : vector<1x16xf32> to vector<16xf32>
      %mul3A_2079 = arith.mulf %get3A_528, %get3A_2074 : vector<16xf32>
      %mul3A_2080 = arith.mulf %get3A_532, %get3A_2078 : vector<16xf32>
      %add3A_2081 = arith.addf %mul3A_2079, %mul3A_2080 : vector<16xf32>
      %mul3A_2082 = arith.constant 16 : i32
      %mul3A_2083 = arith.muli %scan3A_425, %mul3A_2082 : i32
      %add3A_2084 = arith.constant 9 : i32
      %add3A_2085 = arith.addi %mul3A_2083, %add3A_2084 : i32
      %mul3A_2086 = arith.constant 5 : i32
      %mul3A_2087 = arith.muli %add3A_2085, %mul3A_2086 : i32
      %add3A_2088 = arith.constant 2 : i32
      %add3A_2089 = arith.addi %mul3A_2087, %add3A_2088 : i32
      %get3A_2090 = arith.index_cast %add3A_2089 : i32 to index
      %get3A_2091 = arith.constant 0 : index
      %get3A_2092 = tpu.vector_load %arg11[%get3A_2090, %get3A_2091] {strides = array<i32>} : memref<2560x32xf32, #tpu.memory_space<vmem>>, vector<1x16xf32>,
      %get3A_2093 = vector.shape_cast %get3A_2092 : vector<1x16xf32> to vector<16xf32>
      %get3A_2094 = arith.index_cast %add3A_2089 : i32 to index
      %get3A_2095 = arith.constant 16 : index
      %get3A_2096 = tpu.vector_load %arg11[%get3A_2094, %get3A_2095] {strides = array<i32>} : memref<2560x32xf32, #tpu.memory_space<vmem>>, vector<1x16xf32>,
      %get3A_2097 = vector.shape_cast %get3A_2096 : vector<1x16xf32> to vector<16xf32>
      %mul3A_2098 = arith.mulf %get3A_540, %get3A_2093 : vector<16xf32>
      %mul3A_2099 = arith.mulf %get3A_544, %get3A_2097 : vector<16xf32>
      %add3A_2100 = arith.addf %mul3A_2098, %mul3A_2099 : vector<16xf32>
      %mul3A_2101 = arith.constant 16 : i32
      %mul3A_2102 = arith.muli %scan3A_425, %mul3A_2101 : i32
      %add3A_2103 = arith.constant 10 : i32
      %add3A_2104 = arith.addi %mul3A_2102, %add3A_2103 : i32
      %mul3A_2105 = arith.constant 5 : i32
      %mul3A_2106 = arith.muli %add3A_2104, %mul3A_2105 : i32
      %add3A_2107 = arith.constant 2 : i32
      %add3A_2108 = arith.addi %mul3A_2106, %add3A_2107 : i32
      %get3A_2109 = arith.index_cast %add3A_2108 : i32 to index
      %get3A_2110 = arith.constant 0 : index
      %get3A_2111 = tpu.vector_load %arg11[%get3A_2109, %get3A_2110] {strides = array<i32>} : memref<2560x32xf32, #tpu.memory_space<vmem>>, vector<1x16xf32>,
      %get3A_2112 = vector.shape_cast %get3A_2111 : vector<1x16xf32> to vector<16xf32>
      %get3A_2113 = arith.index_cast %add3A_2108 : i32 to index
      %get3A_2114 = arith.constant 16 : index
      %get3A_2115 = tpu.vector_load %arg11[%get3A_2113, %get3A_2114] {strides = array<i32>} : memref<2560x32xf32, #tpu.memory_space<vmem>>, vector<1x16xf32>,
      %get3A_2116 = vector.shape_cast %get3A_2115 : vector<1x16xf32> to vector<16xf32>
      %mul3A_2117 = arith.mulf %get3A_552, %get3A_2112 : vector<16xf32>
      %mul3A_2118 = arith.mulf %get3A_556, %get3A_2116 : vector<16xf32>
      %add3A_2119 = arith.addf %mul3A_2117, %mul3A_2118 : vector<16xf32>
      %mul3A_2120 = arith.constant 16 : i32
      %mul3A_2121 = arith.muli %scan3A_425, %mul3A_2120 : i32
      %add3A_2122 = arith.constant 11 : i32
      %add3A_2123 = arith.addi %mul3A_2121, %add3A_2122 : i32
      %mul3A_2124 = arith.constant 5 : i32
      %mul3A_2125 = arith.muli %add3A_2123, %mul3A_2124 : i32
      %add3A_2126 = arith.constant 2 : i32
      %add3A_2127 = arith.addi %mul3A_2125, %add3A_2126 : i32
      %get3A_2128 = arith.index_cast %add3A_2127 : i32 to index
      %get3A_2129 = arith.constant 0 : index
      %get3A_2130 = tpu.vector_load %arg11[%get3A_2128, %get3A_2129] {strides = array<i32>} : memref<2560x32xf32, #tpu.memory_space<vmem>>, vector<1x16xf32>,
      %get3A_2131 = vector.shape_cast %get3A_2130 : vector<1x16xf32> to vector<16xf32>
      %get3A_2132 = arith.index_cast %add3A_2127 : i32 to index
      %get3A_2133 = arith.constant 16 : index
      %get3A_2134 = tpu.vector_load %arg11[%get3A_2132, %get3A_2133] {strides = array<i32>} : memref<2560x32xf32, #tpu.memory_space<vmem>>, vector<1x16xf32>,
      %get3A_2135 = vector.shape_cast %get3A_2134 : vector<1x16xf32> to vector<16xf32>
      %mul3A_2136 = arith.mulf %get3A_564, %get3A_2131 : vector<16xf32>
      %mul3A_2137 = arith.mulf %get3A_568, %get3A_2135 : vector<16xf32>
      %add3A_2138 = arith.addf %mul3A_2136, %mul3A_2137 : vector<16xf32>
      %mul3A_2139 = arith.constant 16 : i32
      %mul3A_2140 = arith.muli %scan3A_425, %mul3A_2139 : i32
      %add3A_2141 = arith.constant 12 : i32
      %add3A_2142 = arith.addi %mul3A_2140, %add3A_2141 : i32
      %mul3A_2143 = arith.constant 5 : i32
      %mul3A_2144 = arith.muli %add3A_2142, %mul3A_2143 : i32
      %add3A_2145 = arith.constant 2 : i32
      %add3A_2146 = arith.addi %mul3A_2144, %add3A_2145 : i32
      %get3A_2147 = arith.index_cast %add3A_2146 : i32 to index
      %get3A_2148 = arith.constant 0 : index
      %get3A_2149 = tpu.vector_load %arg11[%get3A_2147, %get3A_2148] {strides = array<i32>} : memref<2560x32xf32, #tpu.memory_space<vmem>>, vector<1x16xf32>,
      %get3A_2150 = vector.shape_cast %get3A_2149 : vector<1x16xf32> to vector<16xf32>
      %get3A_2151 = arith.index_cast %add3A_2146 : i32 to index
      %get3A_2152 = arith.constant 16 : index
      %get3A_2153 = tpu.vector_load %arg11[%get3A_2151, %get3A_2152] {strides = array<i32>} : memref<2560x32xf32, #tpu.memory_space<vmem>>, vector<1x16xf32>,
      %get3A_2154 = vector.shape_cast %get3A_2153 : vector<1x16xf32> to vector<16xf32>
      %mul3A_2155 = arith.mulf %get3A_576, %get3A_2150 : vector<16xf32>
      %mul3A_2156 = arith.mulf %get3A_580, %get3A_2154 : vector<16xf32>
      %add3A_2157 = arith.addf %mul3A_2155, %mul3A_2156 : vector<16xf32>
      %mul3A_2158 = arith.constant 16 : i32
      %mul3A_2159 = arith.muli %scan3A_425, %mul3A_2158 : i32
      %add3A_2160 = arith.constant 13 : i32
      %add3A_2161 = arith.addi %mul3A_2159, %add3A_2160 : i32
      %mul3A_2162 = arith.constant 5 : i32
      %mul3A_2163 = arith.muli %add3A_2161, %mul3A_2162 : i32
      %add3A_2164 = arith.constant 2 : i32
      %add3A_2165 = arith.addi %mul3A_2163, %add3A_2164 : i32
      %get3A_2166 = arith.index_cast %add3A_2165 : i32 to index
      %get3A_2167 = arith.constant 0 : index
      %get3A_2168 = tpu.vector_load %arg11[%get3A_2166, %get3A_2167] {strides = array<i32>} : memref<2560x32xf32, #tpu.memory_space<vmem>>, vector<1x16xf32>,
      %get3A_2169 = vector.shape_cast %get3A_2168 : vector<1x16xf32> to vector<16xf32>
      %get3A_2170 = arith.index_cast %add3A_2165 : i32 to index
      %get3A_2171 = arith.constant 16 : index
      %get3A_2172 = tpu.vector_load %arg11[%get3A_2170, %get3A_2171] {strides = array<i32>} : memref<2560x32xf32, #tpu.memory_space<vmem>>, vector<1x16xf32>,
      %get3A_2173 = vector.shape_cast %get3A_2172 : vector<1x16xf32> to vector<16xf32>
      %mul3A_2174 = arith.mulf %get3A_588, %get3A_2169 : vector<16xf32>
      %mul3A_2175 = arith.mulf %get3A_592, %get3A_2173 : vector<16xf32>
      %add3A_2176 = arith.addf %mul3A_2174, %mul3A_2175 : vector<16xf32>
      %mul3A_2177 = arith.constant 16 : i32
      %mul3A_2178 = arith.muli %scan3A_425, %mul3A_2177 : i32
      %add3A_2179 = arith.constant 14 : i32
      %add3A_2180 = arith.addi %mul3A_2178, %add3A_2179 : i32
      %mul3A_2181 = arith.constant 5 : i32
      %mul3A_2182 = arith.muli %add3A_2180, %mul3A_2181 : i32
      %add3A_2183 = arith.constant 2 : i32
      %add3A_2184 = arith.addi %mul3A_2182, %add3A_2183 : i32
      %get3A_2185 = arith.index_cast %add3A_2184 : i32 to index
      %get3A_2186 = arith.constant 0 : index
      %get3A_2187 = tpu.vector_load %arg11[%get3A_2185, %get3A_2186] {strides = array<i32>} : memref<2560x32xf32, #tpu.memory_space<vmem>>, vector<1x16xf32>,
      %get3A_2188 = vector.shape_cast %get3A_2187 : vector<1x16xf32> to vector<16xf32>
      %get3A_2189 = arith.index_cast %add3A_2184 : i32 to index
      %get3A_2190 = arith.constant 16 : index
      %get3A_2191 = tpu.vector_load %arg11[%get3A_2189, %get3A_2190] {strides = array<i32>} : memref<2560x32xf32, #tpu.memory_space<vmem>>, vector<1x16xf32>,
      %get3A_2192 = vector.shape_cast %get3A_2191 : vector<1x16xf32> to vector<16xf32>
      %mul3A_2193 = arith.mulf %get3A_600, %get3A_2188 : vector<16xf32>
      %mul3A_2194 = arith.mulf %get3A_604, %get3A_2192 : vector<16xf32>
      %add3A_2195 = arith.addf %mul3A_2193, %mul3A_2194 : vector<16xf32>
      %mul3A_2196 = arith.constant 16 : i32
      %mul3A_2197 = arith.muli %scan3A_425, %mul3A_2196 : i32
      %add3A_2198 = arith.constant 15 : i32
      %add3A_2199 = arith.addi %mul3A_2197, %add3A_2198 : i32
      %mul3A_2200 = arith.constant 5 : i32
      %mul3A_2201 = arith.muli %add3A_2199, %mul3A_2200 : i32
      %add3A_2202 = arith.constant 2 : i32
      %add3A_2203 = arith.addi %mul3A_2201, %add3A_2202 : i32
      %get3A_2204 = arith.index_cast %add3A_2203 : i32 to index
      %get3A_2205 = arith.constant 0 : index
      %get3A_2206 = tpu.vector_load %arg11[%get3A_2204, %get3A_2205] {strides = array<i32>} : memref<2560x32xf32, #tpu.memory_space<vmem>>, vector<1x16xf32>,
      %get3A_2207 = vector.shape_cast %get3A_2206 : vector<1x16xf32> to vector<16xf32>
      %get3A_2208 = arith.index_cast %add3A_2203 : i32 to index
      %get3A_2209 = arith.constant 16 : index
      %get3A_2210 = tpu.vector_load %arg11[%get3A_2208, %get3A_2209] {strides = array<i32>} : memref<2560x32xf32, #tpu.memory_space<vmem>>, vector<1x16xf32>,
      %get3A_2211 = vector.shape_cast %get3A_2210 : vector<1x16xf32> to vector<16xf32>
      %mul3A_2212 = arith.mulf %get3A_612, %get3A_2207 : vector<16xf32>
      %mul3A_2213 = arith.mulf %get3A_616, %get3A_2211 : vector<16xf32>
      %add3A_2214 = arith.addf %mul3A_2212, %mul3A_2213 : vector<16xf32>
      %lt3A_2215 = arith.constant 0 : i32
      %lt3A_2216 = vector.broadcast %lt3A_2215 : i32 to vector<16xi32>
      %lt3A_2217 = arith.cmpi slt, %xor3A_388, %lt3A_2216 : vector<16xi32>
      %add3A_2218 = arith.constant 16 : i32
      %add3A_2219 = vector.broadcast %add3A_2218 : i32 to vector<16xi32>
      %add3A_2220 = arith.addi %xor3A_388, %add3A_2219 : vector<16xi32>
      %select_n3A_2221 = arith.select %lt3A_2217, %add3A_2220, %xor3A_388 : vector<16xi1>, vector<16xi32>
      %broadcast_in_dim3A_2222 = vector.shape_cast %select_n3A_2221 : vector<16xi32> to vector<16x1xi32>
      %gather3A_2223 = vector.shape_cast %broadcast_in_dim3A_2222 : vector<16x1xi32> to vector<16xi32>
      %gather3A_2224 = tpu.dynamic_gather %add3A_1929[%gather3A_2223] in [0] : vector<16xf32>, vector<16xi32> -> vector<16xf32>
      %add3A_2225 = arith.addf %add3A_1929, %gather3A_2224 : vector<16xf32>
      %lt3A_2226 = arith.constant 0 : i32
      %lt3A_2227 = vector.broadcast %lt3A_2226 : i32 to vector<16xi32>
      %lt3A_2228 = arith.cmpi slt, %xor3A_388, %lt3A_2227 : vector<16xi32>
      %add3A_2229 = arith.constant 16 : i32
      %add3A_2230 = vector.broadcast %add3A_2229 : i32 to vector<16xi32>
      %add3A_2231 = arith.addi %xor3A_388, %add3A_2230 : vector<16xi32>
      %select_n3A_2232 = arith.select %lt3A_2228, %add3A_2231, %xor3A_388 : vector<16xi1>, vector<16xi32>
      %broadcast_in_dim3A_2233 = vector.shape_cast %select_n3A_2232 : vector<16xi32> to vector<16x1xi32>
      %gather3A_2234 = vector.shape_cast %broadcast_in_dim3A_2233 : vector<16x1xi32> to vector<16xi32>
      %gather3A_2235 = tpu.dynamic_gather %add3A_1948[%gather3A_2234] in [0] : vector<16xf32>, vector<16xi32> -> vector<16xf32>
      %add3A_2236 = arith.addf %add3A_1948, %gather3A_2235 : vector<16xf32>
      %select_n3A_2237 = arith.select %eq3A_401, %add3A_2225, %add3A_2236 : vector<16xi1>, vector<16xf32>
      %lt3A_2238 = arith.constant 0 : i32
      %lt3A_2239 = vector.broadcast %lt3A_2238 : i32 to vector<16xi32>
      %lt3A_2240 = arith.cmpi slt, %xor3A_388, %lt3A_2239 : vector<16xi32>
      %add3A_2241 = arith.constant 16 : i32
      %add3A_2242 = vector.broadcast %add3A_2241 : i32 to vector<16xi32>
      %add3A_2243 = arith.addi %xor3A_388, %add3A_2242 : vector<16xi32>
      %select_n3A_2244 = arith.select %lt3A_2240, %add3A_2243, %xor3A_388 : vector<16xi1>, vector<16xi32>
      %broadcast_in_dim3A_2245 = vector.shape_cast %select_n3A_2244 : vector<16xi32> to vector<16x1xi32>
      %gather3A_2246 = vector.shape_cast %broadcast_in_dim3A_2245 : vector<16x1xi32> to vector<16xi32>
      %gather3A_2247 = tpu.dynamic_gather %add3A_1967[%gather3A_2246] in [0] : vector<16xf32>, vector<16xi32> -> vector<16xf32>
      %add3A_2248 = arith.addf %add3A_1967, %gather3A_2247 : vector<16xf32>
      %lt3A_2249 = arith.constant 0 : i32
      %lt3A_2250 = vector.broadcast %lt3A_2249 : i32 to vector<16xi32>
      %lt3A_2251 = arith.cmpi slt, %xor3A_388, %lt3A_2250 : vector<16xi32>
      %add3A_2252 = arith.constant 16 : i32
      %add3A_2253 = vector.broadcast %add3A_2252 : i32 to vector<16xi32>
      %add3A_2254 = arith.addi %xor3A_388, %add3A_2253 : vector<16xi32>
      %select_n3A_2255 = arith.select %lt3A_2251, %add3A_2254, %xor3A_388 : vector<16xi1>, vector<16xi32>
      %broadcast_in_dim3A_2256 = vector.shape_cast %select_n3A_2255 : vector<16xi32> to vector<16x1xi32>
      %gather3A_2257 = vector.shape_cast %broadcast_in_dim3A_2256 : vector<16x1xi32> to vector<16xi32>
      %gather3A_2258 = tpu.dynamic_gather %add3A_1986[%gather3A_2257] in [0] : vector<16xf32>, vector<16xi32> -> vector<16xf32>
      %add3A_2259 = arith.addf %add3A_1986, %gather3A_2258 : vector<16xf32>
      %select_n3A_2260 = arith.select %eq3A_401, %add3A_2248, %add3A_2259 : vector<16xi1>, vector<16xf32>
      %lt3A_2261 = arith.constant 0 : i32
      %lt3A_2262 = vector.broadcast %lt3A_2261 : i32 to vector<16xi32>
      %lt3A_2263 = arith.cmpi slt, %xor3A_388, %lt3A_2262 : vector<16xi32>
      %add3A_2264 = arith.constant 16 : i32
      %add3A_2265 = vector.broadcast %add3A_2264 : i32 to vector<16xi32>
      %add3A_2266 = arith.addi %xor3A_388, %add3A_2265 : vector<16xi32>
      %select_n3A_2267 = arith.select %lt3A_2263, %add3A_2266, %xor3A_388 : vector<16xi1>, vector<16xi32>
      %broadcast_in_dim3A_2268 = vector.shape_cast %select_n3A_2267 : vector<16xi32> to vector<16x1xi32>
      %gather3A_2269 = vector.shape_cast %broadcast_in_dim3A_2268 : vector<16x1xi32> to vector<16xi32>
      %gather3A_2270 = tpu.dynamic_gather %add3A_2005[%gather3A_2269] in [0] : vector<16xf32>, vector<16xi32> -> vector<16xf32>
      %add3A_2271 = arith.addf %add3A_2005, %gather3A_2270 : vector<16xf32>
      %lt3A_2272 = arith.constant 0 : i32
      %lt3A_2273 = vector.broadcast %lt3A_2272 : i32 to vector<16xi32>
      %lt3A_2274 = arith.cmpi slt, %xor3A_388, %lt3A_2273 : vector<16xi32>
      %add3A_2275 = arith.constant 16 : i32
      %add3A_2276 = vector.broadcast %add3A_2275 : i32 to vector<16xi32>
      %add3A_2277 = arith.addi %xor3A_388, %add3A_2276 : vector<16xi32>
      %select_n3A_2278 = arith.select %lt3A_2274, %add3A_2277, %xor3A_388 : vector<16xi1>, vector<16xi32>
      %broadcast_in_dim3A_2279 = vector.shape_cast %select_n3A_2278 : vector<16xi32> to vector<16x1xi32>
      %gather3A_2280 = vector.shape_cast %broadcast_in_dim3A_2279 : vector<16x1xi32> to vector<16xi32>
      %gather3A_2281 = tpu.dynamic_gather %add3A_2024[%gather3A_2280] in [0] : vector<16xf32>, vector<16xi32> -> vector<16xf32>
      %add3A_2282 = arith.addf %add3A_2024, %gather3A_2281 : vector<16xf32>
      %select_n3A_2283 = arith.select %eq3A_401, %add3A_2271, %add3A_2282 : vector<16xi1>, vector<16xf32>
      %lt3A_2284 = arith.constant 0 : i32
      %lt3A_2285 = vector.broadcast %lt3A_2284 : i32 to vector<16xi32>
      %lt3A_2286 = arith.cmpi slt, %xor3A_388, %lt3A_2285 : vector<16xi32>
      %add3A_2287 = arith.constant 16 : i32
      %add3A_2288 = vector.broadcast %add3A_2287 : i32 to vector<16xi32>
      %add3A_2289 = arith.addi %xor3A_388, %add3A_2288 : vector<16xi32>
      %select_n3A_2290 = arith.select %lt3A_2286, %add3A_2289, %xor3A_388 : vector<16xi1>, vector<16xi32>
      %broadcast_in_dim3A_2291 = vector.shape_cast %select_n3A_2290 : vector<16xi32> to vector<16x1xi32>
      %gather3A_2292 = vector.shape_cast %broadcast_in_dim3A_2291 : vector<16x1xi32> to vector<16xi32>
      %gather3A_2293 = tpu.dynamic_gather %add3A_2043[%gather3A_2292] in [0] : vector<16xf32>, vector<16xi32> -> vector<16xf32>
      %add3A_2294 = arith.addf %add3A_2043, %gather3A_2293 : vector<16xf32>
      %lt3A_2295 = arith.constant 0 : i32
      %lt3A_2296 = vector.broadcast %lt3A_2295 : i32 to vector<16xi32>
      %lt3A_2297 = arith.cmpi slt, %xor3A_388, %lt3A_2296 : vector<16xi32>
      %add3A_2298 = arith.constant 16 : i32
      %add3A_2299 = vector.broadcast %add3A_2298 : i32 to vector<16xi32>
      %add3A_2300 = arith.addi %xor3A_388, %add3A_2299 : vector<16xi32>
      %select_n3A_2301 = arith.select %lt3A_2297, %add3A_2300, %xor3A_388 : vector<16xi1>, vector<16xi32>
      %broadcast_in_dim3A_2302 = vector.shape_cast %select_n3A_2301 : vector<16xi32> to vector<16x1xi32>
      %gather3A_2303 = vector.shape_cast %broadcast_in_dim3A_2302 : vector<16x1xi32> to vector<16xi32>
      %gather3A_2304 = tpu.dynamic_gather %add3A_2062[%gather3A_2303] in [0] : vector<16xf32>, vector<16xi32> -> vector<16xf32>
      %add3A_2305 = arith.addf %add3A_2062, %gather3A_2304 : vector<16xf32>
      %select_n3A_2306 = arith.select %eq3A_401, %add3A_2294, %add3A_2305 : vector<16xi1>, vector<16xf32>
      %lt3A_2307 = arith.constant 0 : i32
      %lt3A_2308 = vector.broadcast %lt3A_2307 : i32 to vector<16xi32>
      %lt3A_2309 = arith.cmpi slt, %xor3A_388, %lt3A_2308 : vector<16xi32>
      %add3A_2310 = arith.constant 16 : i32
      %add3A_2311 = vector.broadcast %add3A_2310 : i32 to vector<16xi32>
      %add3A_2312 = arith.addi %xor3A_388, %add3A_2311 : vector<16xi32>
      %select_n3A_2313 = arith.select %lt3A_2309, %add3A_2312, %xor3A_388 : vector<16xi1>, vector<16xi32>
      %broadcast_in_dim3A_2314 = vector.shape_cast %select_n3A_2313 : vector<16xi32> to vector<16x1xi32>
      %gather3A_2315 = vector.shape_cast %broadcast_in_dim3A_2314 : vector<16x1xi32> to vector<16xi32>
      %gather3A_2316 = tpu.dynamic_gather %add3A_2081[%gather3A_2315] in [0] : vector<16xf32>, vector<16xi32> -> vector<16xf32>
      %add3A_2317 = arith.addf %add3A_2081, %gather3A_2316 : vector<16xf32>
      %lt3A_2318 = arith.constant 0 : i32
      %lt3A_2319 = vector.broadcast %lt3A_2318 : i32 to vector<16xi32>
      %lt3A_2320 = arith.cmpi slt, %xor3A_388, %lt3A_2319 : vector<16xi32>
      %add3A_2321 = arith.constant 16 : i32
      %add3A_2322 = vector.broadcast %add3A_2321 : i32 to vector<16xi32>
      %add3A_2323 = arith.addi %xor3A_388, %add3A_2322 : vector<16xi32>
      %select_n3A_2324 = arith.select %lt3A_2320, %add3A_2323, %xor3A_388 : vector<16xi1>, vector<16xi32>
      %broadcast_in_dim3A_2325 = vector.shape_cast %select_n3A_2324 : vector<16xi32> to vector<16x1xi32>
      %gather3A_2326 = vector.shape_cast %broadcast_in_dim3A_2325 : vector<16x1xi32> to vector<16xi32>
      %gather3A_2327 = tpu.dynamic_gather %add3A_2100[%gather3A_2326] in [0] : vector<16xf32>, vector<16xi32> -> vector<16xf32>
      %add3A_2328 = arith.addf %add3A_2100, %gather3A_2327 : vector<16xf32>
      %select_n3A_2329 = arith.select %eq3A_401, %add3A_2317, %add3A_2328 : vector<16xi1>, vector<16xf32>
      %lt3A_2330 = arith.constant 0 : i32
      %lt3A_2331 = vector.broadcast %lt3A_2330 : i32 to vector<16xi32>
      %lt3A_2332 = arith.cmpi slt, %xor3A_388, %lt3A_2331 : vector<16xi32>
      %add3A_2333 = arith.constant 16 : i32
      %add3A_2334 = vector.broadcast %add3A_2333 : i32 to vector<16xi32>
      %add3A_2335 = arith.addi %xor3A_388, %add3A_2334 : vector<16xi32>
      %select_n3A_2336 = arith.select %lt3A_2332, %add3A_2335, %xor3A_388 : vector<16xi1>, vector<16xi32>
      %broadcast_in_dim3A_2337 = vector.shape_cast %select_n3A_2336 : vector<16xi32> to vector<16x1xi32>
      %gather3A_2338 = vector.shape_cast %broadcast_in_dim3A_2337 : vector<16x1xi32> to vector<16xi32>
      %gather3A_2339 = tpu.dynamic_gather %add3A_2119[%gather3A_2338] in [0] : vector<16xf32>, vector<16xi32> -> vector<16xf32>
      %add3A_2340 = arith.addf %add3A_2119, %gather3A_2339 : vector<16xf32>
      %lt3A_2341 = arith.constant 0 : i32
      %lt3A_2342 = vector.broadcast %lt3A_2341 : i32 to vector<16xi32>
      %lt3A_2343 = arith.cmpi slt, %xor3A_388, %lt3A_2342 : vector<16xi32>
      %add3A_2344 = arith.constant 16 : i32
      %add3A_2345 = vector.broadcast %add3A_2344 : i32 to vector<16xi32>
      %add3A_2346 = arith.addi %xor3A_388, %add3A_2345 : vector<16xi32>
      %select_n3A_2347 = arith.select %lt3A_2343, %add3A_2346, %xor3A_388 : vector<16xi1>, vector<16xi32>
      %broadcast_in_dim3A_2348 = vector.shape_cast %select_n3A_2347 : vector<16xi32> to vector<16x1xi32>
      %gather3A_2349 = vector.shape_cast %broadcast_in_dim3A_2348 : vector<16x1xi32> to vector<16xi32>
      %gather3A_2350 = tpu.dynamic_gather %add3A_2138[%gather3A_2349] in [0] : vector<16xf32>, vector<16xi32> -> vector<16xf32>
      %add3A_2351 = arith.addf %add3A_2138, %gather3A_2350 : vector<16xf32>
      %select_n3A_2352 = arith.select %eq3A_401, %add3A_2340, %add3A_2351 : vector<16xi1>, vector<16xf32>
      %lt3A_2353 = arith.constant 0 : i32
      %lt3A_2354 = vector.broadcast %lt3A_2353 : i32 to vector<16xi32>
      %lt3A_2355 = arith.cmpi slt, %xor3A_388, %lt3A_2354 : vector<16xi32>
      %add3A_2356 = arith.constant 16 : i32
      %add3A_2357 = vector.broadcast %add3A_2356 : i32 to vector<16xi32>
      %add3A_2358 = arith.addi %xor3A_388, %add3A_2357 : vector<16xi32>
      %select_n3A_2359 = arith.select %lt3A_2355, %add3A_2358, %xor3A_388 : vector<16xi1>, vector<16xi32>
      %broadcast_in_dim3A_2360 = vector.shape_cast %select_n3A_2359 : vector<16xi32> to vector<16x1xi32>
      %gather3A_2361 = vector.shape_cast %broadcast_in_dim3A_2360 : vector<16x1xi32> to vector<16xi32>
      %gather3A_2362 = tpu.dynamic_gather %add3A_2157[%gather3A_2361] in [0] : vector<16xf32>, vector<16xi32> -> vector<16xf32>
      %add3A_2363 = arith.addf %add3A_2157, %gather3A_2362 : vector<16xf32>
      %lt3A_2364 = arith.constant 0 : i32
      %lt3A_2365 = vector.broadcast %lt3A_2364 : i32 to vector<16xi32>
      %lt3A_2366 = arith.cmpi slt, %xor3A_388, %lt3A_2365 : vector<16xi32>
      %add3A_2367 = arith.constant 16 : i32
      %add3A_2368 = vector.broadcast %add3A_2367 : i32 to vector<16xi32>
      %add3A_2369 = arith.addi %xor3A_388, %add3A_2368 : vector<16xi32>
      %select_n3A_2370 = arith.select %lt3A_2366, %add3A_2369, %xor3A_388 : vector<16xi1>, vector<16xi32>
      %broadcast_in_dim3A_2371 = vector.shape_cast %select_n3A_2370 : vector<16xi32> to vector<16x1xi32>
      %gather3A_2372 = vector.shape_cast %broadcast_in_dim3A_2371 : vector<16x1xi32> to vector<16xi32>
      %gather3A_2373 = tpu.dynamic_gather %add3A_2176[%gather3A_2372] in [0] : vector<16xf32>, vector<16xi32> -> vector<16xf32>
      %add3A_2374 = arith.addf %add3A_2176, %gather3A_2373 : vector<16xf32>
      %select_n3A_2375 = arith.select %eq3A_401, %add3A_2363, %add3A_2374 : vector<16xi1>, vector<16xf32>
      %lt3A_2376 = arith.constant 0 : i32
      %lt3A_2377 = vector.broadcast %lt3A_2376 : i32 to vector<16xi32>
      %lt3A_2378 = arith.cmpi slt, %xor3A_388, %lt3A_2377 : vector<16xi32>
      %add3A_2379 = arith.constant 16 : i32
      %add3A_2380 = vector.broadcast %add3A_2379 : i32 to vector<16xi32>
      %add3A_2381 = arith.addi %xor3A_388, %add3A_2380 : vector<16xi32>
      %select_n3A_2382 = arith.select %lt3A_2378, %add3A_2381, %xor3A_388 : vector<16xi1>, vector<16xi32>
      %broadcast_in_dim3A_2383 = vector.shape_cast %select_n3A_2382 : vector<16xi32> to vector<16x1xi32>
      %gather3A_2384 = vector.shape_cast %broadcast_in_dim3A_2383 : vector<16x1xi32> to vector<16xi32>
      %gather3A_2385 = tpu.dynamic_gather %add3A_2195[%gather3A_2384] in [0] : vector<16xf32>, vector<16xi32> -> vector<16xf32>
      %add3A_2386 = arith.addf %add3A_2195, %gather3A_2385 : vector<16xf32>
      %lt3A_2387 = arith.constant 0 : i32
      %lt3A_2388 = vector.broadcast %lt3A_2387 : i32 to vector<16xi32>
      %lt3A_2389 = arith.cmpi slt, %xor3A_388, %lt3A_2388 : vector<16xi32>
      %add3A_2390 = arith.constant 16 : i32
      %add3A_2391 = vector.broadcast %add3A_2390 : i32 to vector<16xi32>
      %add3A_2392 = arith.addi %xor3A_388, %add3A_2391 : vector<16xi32>
      %select_n3A_2393 = arith.select %lt3A_2389, %add3A_2392, %xor3A_388 : vector<16xi1>, vector<16xi32>
      %broadcast_in_dim3A_2394 = vector.shape_cast %select_n3A_2393 : vector<16xi32> to vector<16x1xi32>
      %gather3A_2395 = vector.shape_cast %broadcast_in_dim3A_2394 : vector<16x1xi32> to vector<16xi32>
      %gather3A_2396 = tpu.dynamic_gather %add3A_2214[%gather3A_2395] in [0] : vector<16xf32>, vector<16xi32> -> vector<16xf32>
      %add3A_2397 = arith.addf %add3A_2214, %gather3A_2396 : vector<16xf32>
      %select_n3A_2398 = arith.select %eq3A_401, %add3A_2386, %add3A_2397 : vector<16xi1>, vector<16xf32>
      %lt3A_2399 = arith.constant 0 : i32
      %lt3A_2400 = vector.broadcast %lt3A_2399 : i32 to vector<16xi32>
      %lt3A_2401 = arith.cmpi slt, %xor3A_391, %lt3A_2400 : vector<16xi32>
      %add3A_2402 = arith.constant 16 : i32
      %add3A_2403 = vector.broadcast %add3A_2402 : i32 to vector<16xi32>
      %add3A_2404 = arith.addi %xor3A_391, %add3A_2403 : vector<16xi32>
      %select_n3A_2405 = arith.select %lt3A_2401, %add3A_2404, %xor3A_391 : vector<16xi1>, vector<16xi32>
      %broadcast_in_dim3A_2406 = vector.shape_cast %select_n3A_2405 : vector<16xi32> to vector<16x1xi32>
      %gather3A_2407 = vector.shape_cast %broadcast_in_dim3A_2406 : vector<16x1xi32> to vector<16xi32>
      %gather3A_2408 = tpu.dynamic_gather %select_n3A_2237[%gather3A_2407] in [0] : vector<16xf32>, vector<16xi32> -> vector<16xf32>
      %add3A_2409 = arith.addf %select_n3A_2237, %gather3A_2408 : vector<16xf32>
      %lt3A_2410 = arith.constant 0 : i32
      %lt3A_2411 = vector.broadcast %lt3A_2410 : i32 to vector<16xi32>
      %lt3A_2412 = arith.cmpi slt, %xor3A_391, %lt3A_2411 : vector<16xi32>
      %add3A_2413 = arith.constant 16 : i32
      %add3A_2414 = vector.broadcast %add3A_2413 : i32 to vector<16xi32>
      %add3A_2415 = arith.addi %xor3A_391, %add3A_2414 : vector<16xi32>
      %select_n3A_2416 = arith.select %lt3A_2412, %add3A_2415, %xor3A_391 : vector<16xi1>, vector<16xi32>
      %broadcast_in_dim3A_2417 = vector.shape_cast %select_n3A_2416 : vector<16xi32> to vector<16x1xi32>
      %gather3A_2418 = vector.shape_cast %broadcast_in_dim3A_2417 : vector<16x1xi32> to vector<16xi32>
      %gather3A_2419 = tpu.dynamic_gather %select_n3A_2260[%gather3A_2418] in [0] : vector<16xf32>, vector<16xi32> -> vector<16xf32>
      %add3A_2420 = arith.addf %select_n3A_2260, %gather3A_2419 : vector<16xf32>
      %select_n3A_2421 = arith.select %eq3A_407, %add3A_2409, %add3A_2420 : vector<16xi1>, vector<16xf32>
      %lt3A_2422 = arith.constant 0 : i32
      %lt3A_2423 = vector.broadcast %lt3A_2422 : i32 to vector<16xi32>
      %lt3A_2424 = arith.cmpi slt, %xor3A_391, %lt3A_2423 : vector<16xi32>
      %add3A_2425 = arith.constant 16 : i32
      %add3A_2426 = vector.broadcast %add3A_2425 : i32 to vector<16xi32>
      %add3A_2427 = arith.addi %xor3A_391, %add3A_2426 : vector<16xi32>
      %select_n3A_2428 = arith.select %lt3A_2424, %add3A_2427, %xor3A_391 : vector<16xi1>, vector<16xi32>
      %broadcast_in_dim3A_2429 = vector.shape_cast %select_n3A_2428 : vector<16xi32> to vector<16x1xi32>
      %gather3A_2430 = vector.shape_cast %broadcast_in_dim3A_2429 : vector<16x1xi32> to vector<16xi32>
      %gather3A_2431 = tpu.dynamic_gather %select_n3A_2283[%gather3A_2430] in [0] : vector<16xf32>, vector<16xi32> -> vector<16xf32>
      %add3A_2432 = arith.addf %select_n3A_2283, %gather3A_2431 : vector<16xf32>
      %lt3A_2433 = arith.constant 0 : i32
      %lt3A_2434 = vector.broadcast %lt3A_2433 : i32 to vector<16xi32>
      %lt3A_2435 = arith.cmpi slt, %xor3A_391, %lt3A_2434 : vector<16xi32>
      %add3A_2436 = arith.constant 16 : i32
      %add3A_2437 = vector.broadcast %add3A_2436 : i32 to vector<16xi32>
      %add3A_2438 = arith.addi %xor3A_391, %add3A_2437 : vector<16xi32>
      %select_n3A_2439 = arith.select %lt3A_2435, %add3A_2438, %xor3A_391 : vector<16xi1>, vector<16xi32>
      %broadcast_in_dim3A_2440 = vector.shape_cast %select_n3A_2439 : vector<16xi32> to vector<16x1xi32>
      %gather3A_2441 = vector.shape_cast %broadcast_in_dim3A_2440 : vector<16x1xi32> to vector<16xi32>
      %gather3A_2442 = tpu.dynamic_gather %select_n3A_2306[%gather3A_2441] in [0] : vector<16xf32>, vector<16xi32> -> vector<16xf32>
      %add3A_2443 = arith.addf %select_n3A_2306, %gather3A_2442 : vector<16xf32>
      %select_n3A_2444 = arith.select %eq3A_407, %add3A_2432, %add3A_2443 : vector<16xi1>, vector<16xf32>
      %lt3A_2445 = arith.constant 0 : i32
      %lt3A_2446 = vector.broadcast %lt3A_2445 : i32 to vector<16xi32>
      %lt3A_2447 = arith.cmpi slt, %xor3A_391, %lt3A_2446 : vector<16xi32>
      %add3A_2448 = arith.constant 16 : i32
      %add3A_2449 = vector.broadcast %add3A_2448 : i32 to vector<16xi32>
      %add3A_2450 = arith.addi %xor3A_391, %add3A_2449 : vector<16xi32>
      %select_n3A_2451 = arith.select %lt3A_2447, %add3A_2450, %xor3A_391 : vector<16xi1>, vector<16xi32>
      %broadcast_in_dim3A_2452 = vector.shape_cast %select_n3A_2451 : vector<16xi32> to vector<16x1xi32>
      %gather3A_2453 = vector.shape_cast %broadcast_in_dim3A_2452 : vector<16x1xi32> to vector<16xi32>
      %gather3A_2454 = tpu.dynamic_gather %select_n3A_2329[%gather3A_2453] in [0] : vector<16xf32>, vector<16xi32> -> vector<16xf32>
      %add3A_2455 = arith.addf %select_n3A_2329, %gather3A_2454 : vector<16xf32>
      %lt3A_2456 = arith.constant 0 : i32
      %lt3A_2457 = vector.broadcast %lt3A_2456 : i32 to vector<16xi32>
      %lt3A_2458 = arith.cmpi slt, %xor3A_391, %lt3A_2457 : vector<16xi32>
      %add3A_2459 = arith.constant 16 : i32
      %add3A_2460 = vector.broadcast %add3A_2459 : i32 to vector<16xi32>
      %add3A_2461 = arith.addi %xor3A_391, %add3A_2460 : vector<16xi32>
      %select_n3A_2462 = arith.select %lt3A_2458, %add3A_2461, %xor3A_391 : vector<16xi1>, vector<16xi32>
      %broadcast_in_dim3A_2463 = vector.shape_cast %select_n3A_2462 : vector<16xi32> to vector<16x1xi32>
      %gather3A_2464 = vector.shape_cast %broadcast_in_dim3A_2463 : vector<16x1xi32> to vector<16xi32>
      %gather3A_2465 = tpu.dynamic_gather %select_n3A_2352[%gather3A_2464] in [0] : vector<16xf32>, vector<16xi32> -> vector<16xf32>
      %add3A_2466 = arith.addf %select_n3A_2352, %gather3A_2465 : vector<16xf32>
      %select_n3A_2467 = arith.select %eq3A_407, %add3A_2455, %add3A_2466 : vector<16xi1>, vector<16xf32>
      %lt3A_2468 = arith.constant 0 : i32
      %lt3A_2469 = vector.broadcast %lt3A_2468 : i32 to vector<16xi32>
      %lt3A_2470 = arith.cmpi slt, %xor3A_391, %lt3A_2469 : vector<16xi32>
      %add3A_2471 = arith.constant 16 : i32
      %add3A_2472 = vector.broadcast %add3A_2471 : i32 to vector<16xi32>
      %add3A_2473 = arith.addi %xor3A_391, %add3A_2472 : vector<16xi32>
      %select_n3A_2474 = arith.select %lt3A_2470, %add3A_2473, %xor3A_391 : vector<16xi1>, vector<16xi32>
      %broadcast_in_dim3A_2475 = vector.shape_cast %select_n3A_2474 : vector<16xi32> to vector<16x1xi32>
      %gather3A_2476 = vector.shape_cast %broadcast_in_dim3A_2475 : vector<16x1xi32> to vector<16xi32>
      %gather3A_2477 = tpu.dynamic_gather %select_n3A_2375[%gather3A_2476] in [0] : vector<16xf32>, vector<16xi32> -> vector<16xf32>
      %add3A_2478 = arith.addf %select_n3A_2375, %gather3A_2477 : vector<16xf32>
      %lt3A_2479 = arith.constant 0 : i32
      %lt3A_2480 = vector.broadcast %lt3A_2479 : i32 to vector<16xi32>
      %lt3A_2481 = arith.cmpi slt, %xor3A_391, %lt3A_2480 : vector<16xi32>
      %add3A_2482 = arith.constant 16 : i32
      %add3A_2483 = vector.broadcast %add3A_2482 : i32 to vector<16xi32>
      %add3A_2484 = arith.addi %xor3A_391, %add3A_2483 : vector<16xi32>
      %select_n3A_2485 = arith.select %lt3A_2481, %add3A_2484, %xor3A_391 : vector<16xi1>, vector<16xi32>
      %broadcast_in_dim3A_2486 = vector.shape_cast %select_n3A_2485 : vector<16xi32> to vector<16x1xi32>
      %gather3A_2487 = vector.shape_cast %broadcast_in_dim3A_2486 : vector<16x1xi32> to vector<16xi32>
      %gather3A_2488 = tpu.dynamic_gather %select_n3A_2398[%gather3A_2487] in [0] : vector<16xf32>, vector<16xi32> -> vector<16xf32>
      %add3A_2489 = arith.addf %select_n3A_2398, %gather3A_2488 : vector<16xf32>
      %select_n3A_2490 = arith.select %eq3A_407, %add3A_2478, %add3A_2489 : vector<16xi1>, vector<16xf32>
      %lt3A_2491 = arith.constant 0 : i32
      %lt3A_2492 = vector.broadcast %lt3A_2491 : i32 to vector<16xi32>
      %lt3A_2493 = arith.cmpi slt, %xor3A_394, %lt3A_2492 : vector<16xi32>
      %add3A_2494 = arith.constant 16 : i32
      %add3A_2495 = vector.broadcast %add3A_2494 : i32 to vector<16xi32>
      %add3A_2496 = arith.addi %xor3A_394, %add3A_2495 : vector<16xi32>
      %select_n3A_2497 = arith.select %lt3A_2493, %add3A_2496, %xor3A_394 : vector<16xi1>, vector<16xi32>
      %broadcast_in_dim3A_2498 = vector.shape_cast %select_n3A_2497 : vector<16xi32> to vector<16x1xi32>
      %gather3A_2499 = vector.shape_cast %broadcast_in_dim3A_2498 : vector<16x1xi32> to vector<16xi32>
      %gather3A_2500 = tpu.dynamic_gather %select_n3A_2421[%gather3A_2499] in [0] : vector<16xf32>, vector<16xi32> -> vector<16xf32>
      %add3A_2501 = arith.addf %select_n3A_2421, %gather3A_2500 : vector<16xf32>
      %lt3A_2502 = arith.constant 0 : i32
      %lt3A_2503 = vector.broadcast %lt3A_2502 : i32 to vector<16xi32>
      %lt3A_2504 = arith.cmpi slt, %xor3A_394, %lt3A_2503 : vector<16xi32>
      %add3A_2505 = arith.constant 16 : i32
      %add3A_2506 = vector.broadcast %add3A_2505 : i32 to vector<16xi32>
      %add3A_2507 = arith.addi %xor3A_394, %add3A_2506 : vector<16xi32>
      %select_n3A_2508 = arith.select %lt3A_2504, %add3A_2507, %xor3A_394 : vector<16xi1>, vector<16xi32>
      %broadcast_in_dim3A_2509 = vector.shape_cast %select_n3A_2508 : vector<16xi32> to vector<16x1xi32>
      %gather3A_2510 = vector.shape_cast %broadcast_in_dim3A_2509 : vector<16x1xi32> to vector<16xi32>
      %gather3A_2511 = tpu.dynamic_gather %select_n3A_2444[%gather3A_2510] in [0] : vector<16xf32>, vector<16xi32> -> vector<16xf32>
      %add3A_2512 = arith.addf %select_n3A_2444, %gather3A_2511 : vector<16xf32>
      %select_n3A_2513 = arith.select %eq3A_413, %add3A_2501, %add3A_2512 : vector<16xi1>, vector<16xf32>
      %lt3A_2514 = arith.constant 0 : i32
      %lt3A_2515 = vector.broadcast %lt3A_2514 : i32 to vector<16xi32>
      %lt3A_2516 = arith.cmpi slt, %xor3A_394, %lt3A_2515 : vector<16xi32>
      %add3A_2517 = arith.constant 16 : i32
      %add3A_2518 = vector.broadcast %add3A_2517 : i32 to vector<16xi32>
      %add3A_2519 = arith.addi %xor3A_394, %add3A_2518 : vector<16xi32>
      %select_n3A_2520 = arith.select %lt3A_2516, %add3A_2519, %xor3A_394 : vector<16xi1>, vector<16xi32>
      %broadcast_in_dim3A_2521 = vector.shape_cast %select_n3A_2520 : vector<16xi32> to vector<16x1xi32>
      %gather3A_2522 = vector.shape_cast %broadcast_in_dim3A_2521 : vector<16x1xi32> to vector<16xi32>
      %gather3A_2523 = tpu.dynamic_gather %select_n3A_2467[%gather3A_2522] in [0] : vector<16xf32>, vector<16xi32> -> vector<16xf32>
      %add3A_2524 = arith.addf %select_n3A_2467, %gather3A_2523 : vector<16xf32>
      %lt3A_2525 = arith.constant 0 : i32
      %lt3A_2526 = vector.broadcast %lt3A_2525 : i32 to vector<16xi32>
      %lt3A_2527 = arith.cmpi slt, %xor3A_394, %lt3A_2526 : vector<16xi32>
      %add3A_2528 = arith.constant 16 : i32
      %add3A_2529 = vector.broadcast %add3A_2528 : i32 to vector<16xi32>
      %add3A_2530 = arith.addi %xor3A_394, %add3A_2529 : vector<16xi32>
      %select_n3A_2531 = arith.select %lt3A_2527, %add3A_2530, %xor3A_394 : vector<16xi1>, vector<16xi32>
      %broadcast_in_dim3A_2532 = vector.shape_cast %select_n3A_2531 : vector<16xi32> to vector<16x1xi32>
      %gather3A_2533 = vector.shape_cast %broadcast_in_dim3A_2532 : vector<16x1xi32> to vector<16xi32>
      %gather3A_2534 = tpu.dynamic_gather %select_n3A_2490[%gather3A_2533] in [0] : vector<16xf32>, vector<16xi32> -> vector<16xf32>
      %add3A_2535 = arith.addf %select_n3A_2490, %gather3A_2534 : vector<16xf32>
      %select_n3A_2536 = arith.select %eq3A_413, %add3A_2524, %add3A_2535 : vector<16xi1>, vector<16xf32>
      %lt3A_2537 = arith.constant 0 : i32
      %lt3A_2538 = vector.broadcast %lt3A_2537 : i32 to vector<16xi32>
      %lt3A_2539 = arith.cmpi slt, %xor3A_397, %lt3A_2538 : vector<16xi32>
      %add3A_2540 = arith.constant 16 : i32
      %add3A_2541 = vector.broadcast %add3A_2540 : i32 to vector<16xi32>
      %add3A_2542 = arith.addi %xor3A_397, %add3A_2541 : vector<16xi32>
      %select_n3A_2543 = arith.select %lt3A_2539, %add3A_2542, %xor3A_397 : vector<16xi1>, vector<16xi32>
      %broadcast_in_dim3A_2544 = vector.shape_cast %select_n3A_2543 : vector<16xi32> to vector<16x1xi32>
      %gather3A_2545 = vector.shape_cast %broadcast_in_dim3A_2544 : vector<16x1xi32> to vector<16xi32>
      %gather3A_2546 = tpu.dynamic_gather %select_n3A_2513[%gather3A_2545] in [0] : vector<16xf32>, vector<16xi32> -> vector<16xf32>
      %add3A_2547 = arith.addf %select_n3A_2513, %gather3A_2546 : vector<16xf32>
      %lt3A_2548 = arith.constant 0 : i32
      %lt3A_2549 = vector.broadcast %lt3A_2548 : i32 to vector<16xi32>
      %lt3A_2550 = arith.cmpi slt, %xor3A_397, %lt3A_2549 : vector<16xi32>
      %add3A_2551 = arith.constant 16 : i32
      %add3A_2552 = vector.broadcast %add3A_2551 : i32 to vector<16xi32>
      %add3A_2553 = arith.addi %xor3A_397, %add3A_2552 : vector<16xi32>
      %select_n3A_2554 = arith.select %lt3A_2550, %add3A_2553, %xor3A_397 : vector<16xi1>, vector<16xi32>
      %broadcast_in_dim3A_2555 = vector.shape_cast %select_n3A_2554 : vector<16xi32> to vector<16x1xi32>
      %gather3A_2556 = vector.shape_cast %broadcast_in_dim3A_2555 : vector<16x1xi32> to vector<16xi32>
      %gather3A_2557 = tpu.dynamic_gather %select_n3A_2536[%gather3A_2556] in [0] : vector<16xf32>, vector<16xi32> -> vector<16xf32>
      %add3A_2558 = arith.addf %select_n3A_2536, %gather3A_2557 : vector<16xf32>
      %select_n3A_2559 = arith.select %eq3A_419, %add3A_2547, %add3A_2558 : vector<16xi1>, vector<16xf32>
      %mul3A_2560 = arith.constant 16 : i32
      %mul3A_2561 = arith.muli %scan3A_425, %mul3A_2560 : i32
      %add3A_2562 = arith.constant 0 : i32
      %add3A_2563 = arith.addi %mul3A_2561, %add3A_2562 : i32
      %mul3A_2564 = arith.constant 5 : i32
      %mul3A_2565 = arith.muli %add3A_2563, %mul3A_2564 : i32
      %add3A_2566 = arith.constant 3 : i32
      %add3A_2567 = arith.addi %mul3A_2565, %add3A_2566 : i32
      %get3A_2568 = arith.index_cast %add3A_2567 : i32 to index
      %get3A_2569 = arith.constant 0 : index
      %get3A_2570 = tpu.vector_load %arg11[%get3A_2568, %get3A_2569] {strides = array<i32>} : memref<2560x32xf32, #tpu.memory_space<vmem>>, vector<1x16xf32>,
      %get3A_2571 = vector.shape_cast %get3A_2570 : vector<1x16xf32> to vector<16xf32>
      %get3A_2572 = arith.index_cast %add3A_2567 : i32 to index
      %get3A_2573 = arith.constant 16 : index
      %get3A_2574 = tpu.vector_load %arg11[%get3A_2572, %get3A_2573] {strides = array<i32>} : memref<2560x32xf32, #tpu.memory_space<vmem>>, vector<1x16xf32>,
      %get3A_2575 = vector.shape_cast %get3A_2574 : vector<1x16xf32> to vector<16xf32>
      %mul3A_2576 = arith.mulf %get3A_432, %get3A_2571 : vector<16xf32>
      %mul3A_2577 = arith.mulf %get3A_436, %get3A_2575 : vector<16xf32>
      %add3A_2578 = arith.addf %mul3A_2576, %mul3A_2577 : vector<16xf32>
      %mul3A_2579 = arith.constant 16 : i32
      %mul3A_2580 = arith.muli %scan3A_425, %mul3A_2579 : i32
      %add3A_2581 = arith.constant 1 : i32
      %add3A_2582 = arith.addi %mul3A_2580, %add3A_2581 : i32
      %mul3A_2583 = arith.constant 5 : i32
      %mul3A_2584 = arith.muli %add3A_2582, %mul3A_2583 : i32
      %add3A_2585 = arith.constant 3 : i32
      %add3A_2586 = arith.addi %mul3A_2584, %add3A_2585 : i32
      %get3A_2587 = arith.index_cast %add3A_2586 : i32 to index
      %get3A_2588 = arith.constant 0 : index
      %get3A_2589 = tpu.vector_load %arg11[%get3A_2587, %get3A_2588] {strides = array<i32>} : memref<2560x32xf32, #tpu.memory_space<vmem>>, vector<1x16xf32>,
      %get3A_2590 = vector.shape_cast %get3A_2589 : vector<1x16xf32> to vector<16xf32>
      %get3A_2591 = arith.index_cast %add3A_2586 : i32 to index
      %get3A_2592 = arith.constant 16 : index
      %get3A_2593 = tpu.vector_load %arg11[%get3A_2591, %get3A_2592] {strides = array<i32>} : memref<2560x32xf32, #tpu.memory_space<vmem>>, vector<1x16xf32>,
      %get3A_2594 = vector.shape_cast %get3A_2593 : vector<1x16xf32> to vector<16xf32>
      %mul3A_2595 = arith.mulf %get3A_444, %get3A_2590 : vector<16xf32>
      %mul3A_2596 = arith.mulf %get3A_448, %get3A_2594 : vector<16xf32>
      %add3A_2597 = arith.addf %mul3A_2595, %mul3A_2596 : vector<16xf32>
      %mul3A_2598 = arith.constant 16 : i32
      %mul3A_2599 = arith.muli %scan3A_425, %mul3A_2598 : i32
      %add3A_2600 = arith.constant 2 : i32
      %add3A_2601 = arith.addi %mul3A_2599, %add3A_2600 : i32
      %mul3A_2602 = arith.constant 5 : i32
      %mul3A_2603 = arith.muli %add3A_2601, %mul3A_2602 : i32
      %add3A_2604 = arith.constant 3 : i32
      %add3A_2605 = arith.addi %mul3A_2603, %add3A_2604 : i32
      %get3A_2606 = arith.index_cast %add3A_2605 : i32 to index
      %get3A_2607 = arith.constant 0 : index
      %get3A_2608 = tpu.vector_load %arg11[%get3A_2606, %get3A_2607] {strides = array<i32>} : memref<2560x32xf32, #tpu.memory_space<vmem>>, vector<1x16xf32>,
      %get3A_2609 = vector.shape_cast %get3A_2608 : vector<1x16xf32> to vector<16xf32>
      %get3A_2610 = arith.index_cast %add3A_2605 : i32 to index
      %get3A_2611 = arith.constant 16 : index
      %get3A_2612 = tpu.vector_load %arg11[%get3A_2610, %get3A_2611] {strides = array<i32>} : memref<2560x32xf32, #tpu.memory_space<vmem>>, vector<1x16xf32>,
      %get3A_2613 = vector.shape_cast %get3A_2612 : vector<1x16xf32> to vector<16xf32>
      %mul3A_2614 = arith.mulf %get3A_456, %get3A_2609 : vector<16xf32>
      %mul3A_2615 = arith.mulf %get3A_460, %get3A_2613 : vector<16xf32>
      %add3A_2616 = arith.addf %mul3A_2614, %mul3A_2615 : vector<16xf32>
      %mul3A_2617 = arith.constant 16 : i32
      %mul3A_2618 = arith.muli %scan3A_425, %mul3A_2617 : i32
      %add3A_2619 = arith.constant 3 : i32
      %add3A_2620 = arith.addi %mul3A_2618, %add3A_2619 : i32
      %mul3A_2621 = arith.constant 5 : i32
      %mul3A_2622 = arith.muli %add3A_2620, %mul3A_2621 : i32
      %add3A_2623 = arith.constant 3 : i32
      %add3A_2624 = arith.addi %mul3A_2622, %add3A_2623 : i32
      %get3A_2625 = arith.index_cast %add3A_2624 : i32 to index
      %get3A_2626 = arith.constant 0 : index
      %get3A_2627 = tpu.vector_load %arg11[%get3A_2625, %get3A_2626] {strides = array<i32>} : memref<2560x32xf32, #tpu.memory_space<vmem>>, vector<1x16xf32>,
      %get3A_2628 = vector.shape_cast %get3A_2627 : vector<1x16xf32> to vector<16xf32>
      %get3A_2629 = arith.index_cast %add3A_2624 : i32 to index
      %get3A_2630 = arith.constant 16 : index
      %get3A_2631 = tpu.vector_load %arg11[%get3A_2629, %get3A_2630] {strides = array<i32>} : memref<2560x32xf32, #tpu.memory_space<vmem>>, vector<1x16xf32>,
      %get3A_2632 = vector.shape_cast %get3A_2631 : vector<1x16xf32> to vector<16xf32>
      %mul3A_2633 = arith.mulf %get3A_468, %get3A_2628 : vector<16xf32>
      %mul3A_2634 = arith.mulf %get3A_472, %get3A_2632 : vector<16xf32>
      %add3A_2635 = arith.addf %mul3A_2633, %mul3A_2634 : vector<16xf32>
      %mul3A_2636 = arith.constant 16 : i32
      %mul3A_2637 = arith.muli %scan3A_425, %mul3A_2636 : i32
      %add3A_2638 = arith.constant 4 : i32
      %add3A_2639 = arith.addi %mul3A_2637, %add3A_2638 : i32
      %mul3A_2640 = arith.constant 5 : i32
      %mul3A_2641 = arith.muli %add3A_2639, %mul3A_2640 : i32
      %add3A_2642 = arith.constant 3 : i32
      %add3A_2643 = arith.addi %mul3A_2641, %add3A_2642 : i32
      %get3A_2644 = arith.index_cast %add3A_2643 : i32 to index
      %get3A_2645 = arith.constant 0 : index
      %get3A_2646 = tpu.vector_load %arg11[%get3A_2644, %get3A_2645] {strides = array<i32>} : memref<2560x32xf32, #tpu.memory_space<vmem>>, vector<1x16xf32>,
      %get3A_2647 = vector.shape_cast %get3A_2646 : vector<1x16xf32> to vector<16xf32>
      %get3A_2648 = arith.index_cast %add3A_2643 : i32 to index
      %get3A_2649 = arith.constant 16 : index
      %get3A_2650 = tpu.vector_load %arg11[%get3A_2648, %get3A_2649] {strides = array<i32>} : memref<2560x32xf32, #tpu.memory_space<vmem>>, vector<1x16xf32>,
      %get3A_2651 = vector.shape_cast %get3A_2650 : vector<1x16xf32> to vector<16xf32>
      %mul3A_2652 = arith.mulf %get3A_480, %get3A_2647 : vector<16xf32>
      %mul3A_2653 = arith.mulf %get3A_484, %get3A_2651 : vector<16xf32>
      %add3A_2654 = arith.addf %mul3A_2652, %mul3A_2653 : vector<16xf32>
      %mul3A_2655 = arith.constant 16 : i32
      %mul3A_2656 = arith.muli %scan3A_425, %mul3A_2655 : i32
      %add3A_2657 = arith.constant 5 : i32
      %add3A_2658 = arith.addi %mul3A_2656, %add3A_2657 : i32
      %mul3A_2659 = arith.constant 5 : i32
      %mul3A_2660 = arith.muli %add3A_2658, %mul3A_2659 : i32
      %add3A_2661 = arith.constant 3 : i32
      %add3A_2662 = arith.addi %mul3A_2660, %add3A_2661 : i32
      %get3A_2663 = arith.index_cast %add3A_2662 : i32 to index
      %get3A_2664 = arith.constant 0 : index
      %get3A_2665 = tpu.vector_load %arg11[%get3A_2663, %get3A_2664] {strides = array<i32>} : memref<2560x32xf32, #tpu.memory_space<vmem>>, vector<1x16xf32>,
      %get3A_2666 = vector.shape_cast %get3A_2665 : vector<1x16xf32> to vector<16xf32>
      %get3A_2667 = arith.index_cast %add3A_2662 : i32 to index
      %get3A_2668 = arith.constant 16 : index
      %get3A_2669 = tpu.vector_load %arg11[%get3A_2667, %get3A_2668] {strides = array<i32>} : memref<2560x32xf32, #tpu.memory_space<vmem>>, vector<1x16xf32>,
      %get3A_2670 = vector.shape_cast %get3A_2669 : vector<1x16xf32> to vector<16xf32>
      %mul3A_2671 = arith.mulf %get3A_492, %get3A_2666 : vector<16xf32>
      %mul3A_2672 = arith.mulf %get3A_496, %get3A_2670 : vector<16xf32>
      %add3A_2673 = arith.addf %mul3A_2671, %mul3A_2672 : vector<16xf32>
      %mul3A_2674 = arith.constant 16 : i32
      %mul3A_2675 = arith.muli %scan3A_425, %mul3A_2674 : i32
      %add3A_2676 = arith.constant 6 : i32
      %add3A_2677 = arith.addi %mul3A_2675, %add3A_2676 : i32
      %mul3A_2678 = arith.constant 5 : i32
      %mul3A_2679 = arith.muli %add3A_2677, %mul3A_2678 : i32
      %add3A_2680 = arith.constant 3 : i32
      %add3A_2681 = arith.addi %mul3A_2679, %add3A_2680 : i32
      %get3A_2682 = arith.index_cast %add3A_2681 : i32 to index
      %get3A_2683 = arith.constant 0 : index
      %get3A_2684 = tpu.vector_load %arg11[%get3A_2682, %get3A_2683] {strides = array<i32>} : memref<2560x32xf32, #tpu.memory_space<vmem>>, vector<1x16xf32>,
      %get3A_2685 = vector.shape_cast %get3A_2684 : vector<1x16xf32> to vector<16xf32>
      %get3A_2686 = arith.index_cast %add3A_2681 : i32 to index
      %get3A_2687 = arith.constant 16 : index
      %get3A_2688 = tpu.vector_load %arg11[%get3A_2686, %get3A_2687] {strides = array<i32>} : memref<2560x32xf32, #tpu.memory_space<vmem>>, vector<1x16xf32>,
      %get3A_2689 = vector.shape_cast %get3A_2688 : vector<1x16xf32> to vector<16xf32>
      %mul3A_2690 = arith.mulf %get3A_504, %get3A_2685 : vector<16xf32>
      %mul3A_2691 = arith.mulf %get3A_508, %get3A_2689 : vector<16xf32>
      %add3A_2692 = arith.addf %mul3A_2690, %mul3A_2691 : vector<16xf32>
      %mul3A_2693 = arith.constant 16 : i32
      %mul3A_2694 = arith.muli %scan3A_425, %mul3A_2693 : i32
      %add3A_2695 = arith.constant 7 : i32
      %add3A_2696 = arith.addi %mul3A_2694, %add3A_2695 : i32
      %mul3A_2697 = arith.constant 5 : i32
      %mul3A_2698 = arith.muli %add3A_2696, %mul3A_2697 : i32
      %add3A_2699 = arith.constant 3 : i32
      %add3A_2700 = arith.addi %mul3A_2698, %add3A_2699 : i32
      %get3A_2701 = arith.index_cast %add3A_2700 : i32 to index
      %get3A_2702 = arith.constant 0 : index
      %get3A_2703 = tpu.vector_load %arg11[%get3A_2701, %get3A_2702] {strides = array<i32>} : memref<2560x32xf32, #tpu.memory_space<vmem>>, vector<1x16xf32>,
      %get3A_2704 = vector.shape_cast %get3A_2703 : vector<1x16xf32> to vector<16xf32>
      %get3A_2705 = arith.index_cast %add3A_2700 : i32 to index
      %get3A_2706 = arith.constant 16 : index
      %get3A_2707 = tpu.vector_load %arg11[%get3A_2705, %get3A_2706] {strides = array<i32>} : memref<2560x32xf32, #tpu.memory_space<vmem>>, vector<1x16xf32>,
      %get3A_2708 = vector.shape_cast %get3A_2707 : vector<1x16xf32> to vector<16xf32>
      %mul3A_2709 = arith.mulf %get3A_516, %get3A_2704 : vector<16xf32>
      %mul3A_2710 = arith.mulf %get3A_520, %get3A_2708 : vector<16xf32>
      %add3A_2711 = arith.addf %mul3A_2709, %mul3A_2710 : vector<16xf32>
      %mul3A_2712 = arith.constant 16 : i32
      %mul3A_2713 = arith.muli %scan3A_425, %mul3A_2712 : i32
      %add3A_2714 = arith.constant 8 : i32
      %add3A_2715 = arith.addi %mul3A_2713, %add3A_2714 : i32
      %mul3A_2716 = arith.constant 5 : i32
      %mul3A_2717 = arith.muli %add3A_2715, %mul3A_2716 : i32
      %add3A_2718 = arith.constant 3 : i32
      %add3A_2719 = arith.addi %mul3A_2717, %add3A_2718 : i32
      %get3A_2720 = arith.index_cast %add3A_2719 : i32 to index
      %get3A_2721 = arith.constant 0 : index
      %get3A_2722 = tpu.vector_load %arg11[%get3A_2720, %get3A_2721] {strides = array<i32>} : memref<2560x32xf32, #tpu.memory_space<vmem>>, vector<1x16xf32>,
      %get3A_2723 = vector.shape_cast %get3A_2722 : vector<1x16xf32> to vector<16xf32>
      %get3A_2724 = arith.index_cast %add3A_2719 : i32 to index
      %get3A_2725 = arith.constant 16 : index
      %get3A_2726 = tpu.vector_load %arg11[%get3A_2724, %get3A_2725] {strides = array<i32>} : memref<2560x32xf32, #tpu.memory_space<vmem>>, vector<1x16xf32>,
      %get3A_2727 = vector.shape_cast %get3A_2726 : vector<1x16xf32> to vector<16xf32>
      %mul3A_2728 = arith.mulf %get3A_528, %get3A_2723 : vector<16xf32>
      %mul3A_2729 = arith.mulf %get3A_532, %get3A_2727 : vector<16xf32>
      %add3A_2730 = arith.addf %mul3A_2728, %mul3A_2729 : vector<16xf32>
      %mul3A_2731 = arith.constant 16 : i32
      %mul3A_2732 = arith.muli %scan3A_425, %mul3A_2731 : i32
      %add3A_2733 = arith.constant 9 : i32
      %add3A_2734 = arith.addi %mul3A_2732, %add3A_2733 : i32
      %mul3A_2735 = arith.constant 5 : i32
      %mul3A_2736 = arith.muli %add3A_2734, %mul3A_2735 : i32
      %add3A_2737 = arith.constant 3 : i32
      %add3A_2738 = arith.addi %mul3A_2736, %add3A_2737 : i32
      %get3A_2739 = arith.index_cast %add3A_2738 : i32 to index
      %get3A_2740 = arith.constant 0 : index
      %get3A_2741 = tpu.vector_load %arg11[%get3A_2739, %get3A_2740] {strides = array<i32>} : memref<2560x32xf32, #tpu.memory_space<vmem>>, vector<1x16xf32>,
      %get3A_2742 = vector.shape_cast %get3A_2741 : vector<1x16xf32> to vector<16xf32>
      %get3A_2743 = arith.index_cast %add3A_2738 : i32 to index
      %get3A_2744 = arith.constant 16 : index
      %get3A_2745 = tpu.vector_load %arg11[%get3A_2743, %get3A_2744] {strides = array<i32>} : memref<2560x32xf32, #tpu.memory_space<vmem>>, vector<1x16xf32>,
      %get3A_2746 = vector.shape_cast %get3A_2745 : vector<1x16xf32> to vector<16xf32>
      %mul3A_2747 = arith.mulf %get3A_540, %get3A_2742 : vector<16xf32>
      %mul3A_2748 = arith.mulf %get3A_544, %get3A_2746 : vector<16xf32>
      %add3A_2749 = arith.addf %mul3A_2747, %mul3A_2748 : vector<16xf32>
      %mul3A_2750 = arith.constant 16 : i32
      %mul3A_2751 = arith.muli %scan3A_425, %mul3A_2750 : i32
      %add3A_2752 = arith.constant 10 : i32
      %add3A_2753 = arith.addi %mul3A_2751, %add3A_2752 : i32
      %mul3A_2754 = arith.constant 5 : i32
      %mul3A_2755 = arith.muli %add3A_2753, %mul3A_2754 : i32
      %add3A_2756 = arith.constant 3 : i32
      %add3A_2757 = arith.addi %mul3A_2755, %add3A_2756 : i32
      %get3A_2758 = arith.index_cast %add3A_2757 : i32 to index
      %get3A_2759 = arith.constant 0 : index
      %get3A_2760 = tpu.vector_load %arg11[%get3A_2758, %get3A_2759] {strides = array<i32>} : memref<2560x32xf32, #tpu.memory_space<vmem>>, vector<1x16xf32>,
      %get3A_2761 = vector.shape_cast %get3A_2760 : vector<1x16xf32> to vector<16xf32>
      %get3A_2762 = arith.index_cast %add3A_2757 : i32 to index
      %get3A_2763 = arith.constant 16 : index
      %get3A_2764 = tpu.vector_load %arg11[%get3A_2762, %get3A_2763] {strides = array<i32>} : memref<2560x32xf32, #tpu.memory_space<vmem>>, vector<1x16xf32>,
      %get3A_2765 = vector.shape_cast %get3A_2764 : vector<1x16xf32> to vector<16xf32>
      %mul3A_2766 = arith.mulf %get3A_552, %get3A_2761 : vector<16xf32>
      %mul3A_2767 = arith.mulf %get3A_556, %get3A_2765 : vector<16xf32>
      %add3A_2768 = arith.addf %mul3A_2766, %mul3A_2767 : vector<16xf32>
      %mul3A_2769 = arith.constant 16 : i32
      %mul3A_2770 = arith.muli %scan3A_425, %mul3A_2769 : i32
      %add3A_2771 = arith.constant 11 : i32
      %add3A_2772 = arith.addi %mul3A_2770, %add3A_2771 : i32
      %mul3A_2773 = arith.constant 5 : i32
      %mul3A_2774 = arith.muli %add3A_2772, %mul3A_2773 : i32
      %add3A_2775 = arith.constant 3 : i32
      %add3A_2776 = arith.addi %mul3A_2774, %add3A_2775 : i32
      %get3A_2777 = arith.index_cast %add3A_2776 : i32 to index
      %get3A_2778 = arith.constant 0 : index
      %get3A_2779 = tpu.vector_load %arg11[%get3A_2777, %get3A_2778] {strides = array<i32>} : memref<2560x32xf32, #tpu.memory_space<vmem>>, vector<1x16xf32>,
      %get3A_2780 = vector.shape_cast %get3A_2779 : vector<1x16xf32> to vector<16xf32>
      %get3A_2781 = arith.index_cast %add3A_2776 : i32 to index
      %get3A_2782 = arith.constant 16 : index
      %get3A_2783 = tpu.vector_load %arg11[%get3A_2781, %get3A_2782] {strides = array<i32>} : memref<2560x32xf32, #tpu.memory_space<vmem>>, vector<1x16xf32>,
      %get3A_2784 = vector.shape_cast %get3A_2783 : vector<1x16xf32> to vector<16xf32>
      %mul3A_2785 = arith.mulf %get3A_564, %get3A_2780 : vector<16xf32>
      %mul3A_2786 = arith.mulf %get3A_568, %get3A_2784 : vector<16xf32>
      %add3A_2787 = arith.addf %mul3A_2785, %mul3A_2786 : vector<16xf32>
      %mul3A_2788 = arith.constant 16 : i32
      %mul3A_2789 = arith.muli %scan3A_425, %mul3A_2788 : i32
      %add3A_2790 = arith.constant 12 : i32
      %add3A_2791 = arith.addi %mul3A_2789, %add3A_2790 : i32
      %mul3A_2792 = arith.constant 5 : i32
      %mul3A_2793 = arith.muli %add3A_2791, %mul3A_2792 : i32
      %add3A_2794 = arith.constant 3 : i32
      %add3A_2795 = arith.addi %mul3A_2793, %add3A_2794 : i32
      %get3A_2796 = arith.index_cast %add3A_2795 : i32 to index
      %get3A_2797 = arith.constant 0 : index
      %get3A_2798 = tpu.vector_load %arg11[%get3A_2796, %get3A_2797] {strides = array<i32>} : memref<2560x32xf32, #tpu.memory_space<vmem>>, vector<1x16xf32>,
      %get3A_2799 = vector.shape_cast %get3A_2798 : vector<1x16xf32> to vector<16xf32>
      %get3A_2800 = arith.index_cast %add3A_2795 : i32 to index
      %get3A_2801 = arith.constant 16 : index
      %get3A_2802 = tpu.vector_load %arg11[%get3A_2800, %get3A_2801] {strides = array<i32>} : memref<2560x32xf32, #tpu.memory_space<vmem>>, vector<1x16xf32>,
      %get3A_2803 = vector.shape_cast %get3A_2802 : vector<1x16xf32> to vector<16xf32>
      %mul3A_2804 = arith.mulf %get3A_576, %get3A_2799 : vector<16xf32>
      %mul3A_2805 = arith.mulf %get3A_580, %get3A_2803 : vector<16xf32>
      %add3A_2806 = arith.addf %mul3A_2804, %mul3A_2805 : vector<16xf32>
      %mul3A_2807 = arith.constant 16 : i32
      %mul3A_2808 = arith.muli %scan3A_425, %mul3A_2807 : i32
      %add3A_2809 = arith.constant 13 : i32
      %add3A_2810 = arith.addi %mul3A_2808, %add3A_2809 : i32
      %mul3A_2811 = arith.constant 5 : i32
      %mul3A_2812 = arith.muli %add3A_2810, %mul3A_2811 : i32
      %add3A_2813 = arith.constant 3 : i32
      %add3A_2814 = arith.addi %mul3A_2812, %add3A_2813 : i32
      %get3A_2815 = arith.index_cast %add3A_2814 : i32 to index
      %get3A_2816 = arith.constant 0 : index
      %get3A_2817 = tpu.vector_load %arg11[%get3A_2815, %get3A_2816] {strides = array<i32>} : memref<2560x32xf32, #tpu.memory_space<vmem>>, vector<1x16xf32>,
      %get3A_2818 = vector.shape_cast %get3A_2817 : vector<1x16xf32> to vector<16xf32>
      %get3A_2819 = arith.index_cast %add3A_2814 : i32 to index
      %get3A_2820 = arith.constant 16 : index
      %get3A_2821 = tpu.vector_load %arg11[%get3A_2819, %get3A_2820] {strides = array<i32>} : memref<2560x32xf32, #tpu.memory_space<vmem>>, vector<1x16xf32>,
      %get3A_2822 = vector.shape_cast %get3A_2821 : vector<1x16xf32> to vector<16xf32>
      %mul3A_2823 = arith.mulf %get3A_588, %get3A_2818 : vector<16xf32>
      %mul3A_2824 = arith.mulf %get3A_592, %get3A_2822 : vector<16xf32>
      %add3A_2825 = arith.addf %mul3A_2823, %mul3A_2824 : vector<16xf32>
      %mul3A_2826 = arith.constant 16 : i32
      %mul3A_2827 = arith.muli %scan3A_425, %mul3A_2826 : i32
      %add3A_2828 = arith.constant 14 : i32
      %add3A_2829 = arith.addi %mul3A_2827, %add3A_2828 : i32
      %mul3A_2830 = arith.constant 5 : i32
      %mul3A_2831 = arith.muli %add3A_2829, %mul3A_2830 : i32
      %add3A_2832 = arith.constant 3 : i32
      %add3A_2833 = arith.addi %mul3A_2831, %add3A_2832 : i32
      %get3A_2834 = arith.index_cast %add3A_2833 : i32 to index
      %get3A_2835 = arith.constant 0 : index
      %get3A_2836 = tpu.vector_load %arg11[%get3A_2834, %get3A_2835] {strides = array<i32>} : memref<2560x32xf32, #tpu.memory_space<vmem>>, vector<1x16xf32>,
      %get3A_2837 = vector.shape_cast %get3A_2836 : vector<1x16xf32> to vector<16xf32>
      %get3A_2838 = arith.index_cast %add3A_2833 : i32 to index
      %get3A_2839 = arith.constant 16 : index
      %get3A_2840 = tpu.vector_load %arg11[%get3A_2838, %get3A_2839] {strides = array<i32>} : memref<2560x32xf32, #tpu.memory_space<vmem>>, vector<1x16xf32>,
      %get3A_2841 = vector.shape_cast %get3A_2840 : vector<1x16xf32> to vector<16xf32>
      %mul3A_2842 = arith.mulf %get3A_600, %get3A_2837 : vector<16xf32>
      %mul3A_2843 = arith.mulf %get3A_604, %get3A_2841 : vector<16xf32>
      %add3A_2844 = arith.addf %mul3A_2842, %mul3A_2843 : vector<16xf32>
      %mul3A_2845 = arith.constant 16 : i32
      %mul3A_2846 = arith.muli %scan3A_425, %mul3A_2845 : i32
      %add3A_2847 = arith.constant 15 : i32
      %add3A_2848 = arith.addi %mul3A_2846, %add3A_2847 : i32
      %mul3A_2849 = arith.constant 5 : i32
      %mul3A_2850 = arith.muli %add3A_2848, %mul3A_2849 : i32
      %add3A_2851 = arith.constant 3 : i32
      %add3A_2852 = arith.addi %mul3A_2850, %add3A_2851 : i32
      %get3A_2853 = arith.index_cast %add3A_2852 : i32 to index
      %get3A_2854 = arith.constant 0 : index
      %get3A_2855 = tpu.vector_load %arg11[%get3A_2853, %get3A_2854] {strides = array<i32>} : memref<2560x32xf32, #tpu.memory_space<vmem>>, vector<1x16xf32>,
      %get3A_2856 = vector.shape_cast %get3A_2855 : vector<1x16xf32> to vector<16xf32>
      %get3A_2857 = arith.index_cast %add3A_2852 : i32 to index
      %get3A_2858 = arith.constant 16 : index
      %get3A_2859 = tpu.vector_load %arg11[%get3A_2857, %get3A_2858] {strides = array<i32>} : memref<2560x32xf32, #tpu.memory_space<vmem>>, vector<1x16xf32>,
      %get3A_2860 = vector.shape_cast %get3A_2859 : vector<1x16xf32> to vector<16xf32>
      %mul3A_2861 = arith.mulf %get3A_612, %get3A_2856 : vector<16xf32>
      %mul3A_2862 = arith.mulf %get3A_616, %get3A_2860 : vector<16xf32>
      %add3A_2863 = arith.addf %mul3A_2861, %mul3A_2862 : vector<16xf32>
      %lt3A_2864 = arith.constant 0 : i32
      %lt3A_2865 = vector.broadcast %lt3A_2864 : i32 to vector<16xi32>
      %lt3A_2866 = arith.cmpi slt, %xor3A_388, %lt3A_2865 : vector<16xi32>
      %add3A_2867 = arith.constant 16 : i32
      %add3A_2868 = vector.broadcast %add3A_2867 : i32 to vector<16xi32>
      %add3A_2869 = arith.addi %xor3A_388, %add3A_2868 : vector<16xi32>
      %select_n3A_2870 = arith.select %lt3A_2866, %add3A_2869, %xor3A_388 : vector<16xi1>, vector<16xi32>
      %broadcast_in_dim3A_2871 = vector.shape_cast %select_n3A_2870 : vector<16xi32> to vector<16x1xi32>
      %gather3A_2872 = vector.shape_cast %broadcast_in_dim3A_2871 : vector<16x1xi32> to vector<16xi32>
      %gather3A_2873 = tpu.dynamic_gather %add3A_2578[%gather3A_2872] in [0] : vector<16xf32>, vector<16xi32> -> vector<16xf32>
      %add3A_2874 = arith.addf %add3A_2578, %gather3A_2873 : vector<16xf32>
      %lt3A_2875 = arith.constant 0 : i32
      %lt3A_2876 = vector.broadcast %lt3A_2875 : i32 to vector<16xi32>
      %lt3A_2877 = arith.cmpi slt, %xor3A_388, %lt3A_2876 : vector<16xi32>
      %add3A_2878 = arith.constant 16 : i32
      %add3A_2879 = vector.broadcast %add3A_2878 : i32 to vector<16xi32>
      %add3A_2880 = arith.addi %xor3A_388, %add3A_2879 : vector<16xi32>
      %select_n3A_2881 = arith.select %lt3A_2877, %add3A_2880, %xor3A_388 : vector<16xi1>, vector<16xi32>
      %broadcast_in_dim3A_2882 = vector.shape_cast %select_n3A_2881 : vector<16xi32> to vector<16x1xi32>
      %gather3A_2883 = vector.shape_cast %broadcast_in_dim3A_2882 : vector<16x1xi32> to vector<16xi32>
      %gather3A_2884 = tpu.dynamic_gather %add3A_2597[%gather3A_2883] in [0] : vector<16xf32>, vector<16xi32> -> vector<16xf32>
      %add3A_2885 = arith.addf %add3A_2597, %gather3A_2884 : vector<16xf32>
      %select_n3A_2886 = arith.select %eq3A_401, %add3A_2874, %add3A_2885 : vector<16xi1>, vector<16xf32>
      %lt3A_2887 = arith.constant 0 : i32
      %lt3A_2888 = vector.broadcast %lt3A_2887 : i32 to vector<16xi32>
      %lt3A_2889 = arith.cmpi slt, %xor3A_388, %lt3A_2888 : vector<16xi32>
      %add3A_2890 = arith.constant 16 : i32
      %add3A_2891 = vector.broadcast %add3A_2890 : i32 to vector<16xi32>
      %add3A_2892 = arith.addi %xor3A_388, %add3A_2891 : vector<16xi32>
      %select_n3A_2893 = arith.select %lt3A_2889, %add3A_2892, %xor3A_388 : vector<16xi1>, vector<16xi32>
      %broadcast_in_dim3A_2894 = vector.shape_cast %select_n3A_2893 : vector<16xi32> to vector<16x1xi32>
      %gather3A_2895 = vector.shape_cast %broadcast_in_dim3A_2894 : vector<16x1xi32> to vector<16xi32>
      %gather3A_2896 = tpu.dynamic_gather %add3A_2616[%gather3A_2895] in [0] : vector<16xf32>, vector<16xi32> -> vector<16xf32>
      %add3A_2897 = arith.addf %add3A_2616, %gather3A_2896 : vector<16xf32>
      %lt3A_2898 = arith.constant 0 : i32
      %lt3A_2899 = vector.broadcast %lt3A_2898 : i32 to vector<16xi32>
      %lt3A_2900 = arith.cmpi slt, %xor3A_388, %lt3A_2899 : vector<16xi32>
      %add3A_2901 = arith.constant 16 : i32
      %add3A_2902 = vector.broadcast %add3A_2901 : i32 to vector<16xi32>
      %add3A_2903 = arith.addi %xor3A_388, %add3A_2902 : vector<16xi32>
      %select_n3A_2904 = arith.select %lt3A_2900, %add3A_2903, %xor3A_388 : vector<16xi1>, vector<16xi32>
      %broadcast_in_dim3A_2905 = vector.shape_cast %select_n3A_2904 : vector<16xi32> to vector<16x1xi32>
      %gather3A_2906 = vector.shape_cast %broadcast_in_dim3A_2905 : vector<16x1xi32> to vector<16xi32>
      %gather3A_2907 = tpu.dynamic_gather %add3A_2635[%gather3A_2906] in [0] : vector<16xf32>, vector<16xi32> -> vector<16xf32>
      %add3A_2908 = arith.addf %add3A_2635, %gather3A_2907 : vector<16xf32>
      %select_n3A_2909 = arith.select %eq3A_401, %add3A_2897, %add3A_2908 : vector<16xi1>, vector<16xf32>
      %lt3A_2910 = arith.constant 0 : i32
      %lt3A_2911 = vector.broadcast %lt3A_2910 : i32 to vector<16xi32>
      %lt3A_2912 = arith.cmpi slt, %xor3A_388, %lt3A_2911 : vector<16xi32>
      %add3A_2913 = arith.constant 16 : i32
      %add3A_2914 = vector.broadcast %add3A_2913 : i32 to vector<16xi32>
      %add3A_2915 = arith.addi %xor3A_388, %add3A_2914 : vector<16xi32>
      %select_n3A_2916 = arith.select %lt3A_2912, %add3A_2915, %xor3A_388 : vector<16xi1>, vector<16xi32>
      %broadcast_in_dim3A_2917 = vector.shape_cast %select_n3A_2916 : vector<16xi32> to vector<16x1xi32>
      %gather3A_2918 = vector.shape_cast %broadcast_in_dim3A_2917 : vector<16x1xi32> to vector<16xi32>
      %gather3A_2919 = tpu.dynamic_gather %add3A_2654[%gather3A_2918] in [0] : vector<16xf32>, vector<16xi32> -> vector<16xf32>
      %add3A_2920 = arith.addf %add3A_2654, %gather3A_2919 : vector<16xf32>
      %lt3A_2921 = arith.constant 0 : i32
      %lt3A_2922 = vector.broadcast %lt3A_2921 : i32 to vector<16xi32>
      %lt3A_2923 = arith.cmpi slt, %xor3A_388, %lt3A_2922 : vector<16xi32>
      %add3A_2924 = arith.constant 16 : i32
      %add3A_2925 = vector.broadcast %add3A_2924 : i32 to vector<16xi32>
      %add3A_2926 = arith.addi %xor3A_388, %add3A_2925 : vector<16xi32>
      %select_n3A_2927 = arith.select %lt3A_2923, %add3A_2926, %xor3A_388 : vector<16xi1>, vector<16xi32>
      %broadcast_in_dim3A_2928 = vector.shape_cast %select_n3A_2927 : vector<16xi32> to vector<16x1xi32>
      %gather3A_2929 = vector.shape_cast %broadcast_in_dim3A_2928 : vector<16x1xi32> to vector<16xi32>
      %gather3A_2930 = tpu.dynamic_gather %add3A_2673[%gather3A_2929] in [0] : vector<16xf32>, vector<16xi32> -> vector<16xf32>
      %add3A_2931 = arith.addf %add3A_2673, %gather3A_2930 : vector<16xf32>
      %select_n3A_2932 = arith.select %eq3A_401, %add3A_2920, %add3A_2931 : vector<16xi1>, vector<16xf32>
      %lt3A_2933 = arith.constant 0 : i32
      %lt3A_2934 = vector.broadcast %lt3A_2933 : i32 to vector<16xi32>
      %lt3A_2935 = arith.cmpi slt, %xor3A_388, %lt3A_2934 : vector<16xi32>
      %add3A_2936 = arith.constant 16 : i32
      %add3A_2937 = vector.broadcast %add3A_2936 : i32 to vector<16xi32>
      %add3A_2938 = arith.addi %xor3A_388, %add3A_2937 : vector<16xi32>
      %select_n3A_2939 = arith.select %lt3A_2935, %add3A_2938, %xor3A_388 : vector<16xi1>, vector<16xi32>
      %broadcast_in_dim3A_2940 = vector.shape_cast %select_n3A_2939 : vector<16xi32> to vector<16x1xi32>
      %gather3A_2941 = vector.shape_cast %broadcast_in_dim3A_2940 : vector<16x1xi32> to vector<16xi32>
      %gather3A_2942 = tpu.dynamic_gather %add3A_2692[%gather3A_2941] in [0] : vector<16xf32>, vector<16xi32> -> vector<16xf32>
      %add3A_2943 = arith.addf %add3A_2692, %gather3A_2942 : vector<16xf32>
      %lt3A_2944 = arith.constant 0 : i32
      %lt3A_2945 = vector.broadcast %lt3A_2944 : i32 to vector<16xi32>
      %lt3A_2946 = arith.cmpi slt, %xor3A_388, %lt3A_2945 : vector<16xi32>
      %add3A_2947 = arith.constant 16 : i32
      %add3A_2948 = vector.broadcast %add3A_2947 : i32 to vector<16xi32>
      %add3A_2949 = arith.addi %xor3A_388, %add3A_2948 : vector<16xi32>
      %select_n3A_2950 = arith.select %lt3A_2946, %add3A_2949, %xor3A_388 : vector<16xi1>, vector<16xi32>
      %broadcast_in_dim3A_2951 = vector.shape_cast %select_n3A_2950 : vector<16xi32> to vector<16x1xi32>
      %gather3A_2952 = vector.shape_cast %broadcast_in_dim3A_2951 : vector<16x1xi32> to vector<16xi32>
      %gather3A_2953 = tpu.dynamic_gather %add3A_2711[%gather3A_2952] in [0] : vector<16xf32>, vector<16xi32> -> vector<16xf32>
      %add3A_2954 = arith.addf %add3A_2711, %gather3A_2953 : vector<16xf32>
      %select_n3A_2955 = arith.select %eq3A_401, %add3A_2943, %add3A_2954 : vector<16xi1>, vector<16xf32>
      %lt3A_2956 = arith.constant 0 : i32
      %lt3A_2957 = vector.broadcast %lt3A_2956 : i32 to vector<16xi32>
      %lt3A_2958 = arith.cmpi slt, %xor3A_388, %lt3A_2957 : vector<16xi32>
      %add3A_2959 = arith.constant 16 : i32
      %add3A_2960 = vector.broadcast %add3A_2959 : i32 to vector<16xi32>
      %add3A_2961 = arith.addi %xor3A_388, %add3A_2960 : vector<16xi32>
      %select_n3A_2962 = arith.select %lt3A_2958, %add3A_2961, %xor3A_388 : vector<16xi1>, vector<16xi32>
      %broadcast_in_dim3A_2963 = vector.shape_cast %select_n3A_2962 : vector<16xi32> to vector<16x1xi32>
      %gather3A_2964 = vector.shape_cast %broadcast_in_dim3A_2963 : vector<16x1xi32> to vector<16xi32>
      %gather3A_2965 = tpu.dynamic_gather %add3A_2730[%gather3A_2964] in [0] : vector<16xf32>, vector<16xi32> -> vector<16xf32>
      %add3A_2966 = arith.addf %add3A_2730, %gather3A_2965 : vector<16xf32>
      %lt3A_2967 = arith.constant 0 : i32
      %lt3A_2968 = vector.broadcast %lt3A_2967 : i32 to vector<16xi32>
      %lt3A_2969 = arith.cmpi slt, %xor3A_388, %lt3A_2968 : vector<16xi32>
      %add3A_2970 = arith.constant 16 : i32
      %add3A_2971 = vector.broadcast %add3A_2970 : i32 to vector<16xi32>
      %add3A_2972 = arith.addi %xor3A_388, %add3A_2971 : vector<16xi32>
      %select_n3A_2973 = arith.select %lt3A_2969, %add3A_2972, %xor3A_388 : vector<16xi1>, vector<16xi32>
      %broadcast_in_dim3A_2974 = vector.shape_cast %select_n3A_2973 : vector<16xi32> to vector<16x1xi32>
      %gather3A_2975 = vector.shape_cast %broadcast_in_dim3A_2974 : vector<16x1xi32> to vector<16xi32>
      %gather3A_2976 = tpu.dynamic_gather %add3A_2749[%gather3A_2975] in [0] : vector<16xf32>, vector<16xi32> -> vector<16xf32>
      %add3A_2977 = arith.addf %add3A_2749, %gather3A_2976 : vector<16xf32>
      %select_n3A_2978 = arith.select %eq3A_401, %add3A_2966, %add3A_2977 : vector<16xi1>, vector<16xf32>
      %lt3A_2979 = arith.constant 0 : i32
      %lt3A_2980 = vector.broadcast %lt3A_2979 : i32 to vector<16xi32>
      %lt3A_2981 = arith.cmpi slt, %xor3A_388, %lt3A_2980 : vector<16xi32>
      %add3A_2982 = arith.constant 16 : i32
      %add3A_2983 = vector.broadcast %add3A_2982 : i32 to vector<16xi32>
      %add3A_2984 = arith.addi %xor3A_388, %add3A_2983 : vector<16xi32>
      %select_n3A_2985 = arith.select %lt3A_2981, %add3A_2984, %xor3A_388 : vector<16xi1>, vector<16xi32>
      %broadcast_in_dim3A_2986 = vector.shape_cast %select_n3A_2985 : vector<16xi32> to vector<16x1xi32>
      %gather3A_2987 = vector.shape_cast %broadcast_in_dim3A_2986 : vector<16x1xi32> to vector<16xi32>
      %gather3A_2988 = tpu.dynamic_gather %add3A_2768[%gather3A_2987] in [0] : vector<16xf32>, vector<16xi32> -> vector<16xf32>
      %add3A_2989 = arith.addf %add3A_2768, %gather3A_2988 : vector<16xf32>
      %lt3A_2990 = arith.constant 0 : i32
      %lt3A_2991 = vector.broadcast %lt3A_2990 : i32 to vector<16xi32>
      %lt3A_2992 = arith.cmpi slt, %xor3A_388, %lt3A_2991 : vector<16xi32>
      %add3A_2993 = arith.constant 16 : i32
      %add3A_2994 = vector.broadcast %add3A_2993 : i32 to vector<16xi32>
      %add3A_2995 = arith.addi %xor3A_388, %add3A_2994 : vector<16xi32>
      %select_n3A_2996 = arith.select %lt3A_2992, %add3A_2995, %xor3A_388 : vector<16xi1>, vector<16xi32>
      %broadcast_in_dim3A_2997 = vector.shape_cast %select_n3A_2996 : vector<16xi32> to vector<16x1xi32>
      %gather3A_2998 = vector.shape_cast %broadcast_in_dim3A_2997 : vector<16x1xi32> to vector<16xi32>
      %gather3A_2999 = tpu.dynamic_gather %add3A_2787[%gather3A_2998] in [0] : vector<16xf32>, vector<16xi32> -> vector<16xf32>
      %add3A_3000 = arith.addf %add3A_2787, %gather3A_2999 : vector<16xf32>
      %select_n3A_3001 = arith.select %eq3A_401, %add3A_2989, %add3A_3000 : vector<16xi1>, vector<16xf32>
      %lt3A_3002 = arith.constant 0 : i32
      %lt3A_3003 = vector.broadcast %lt3A_3002 : i32 to vector<16xi32>
      %lt3A_3004 = arith.cmpi slt, %xor3A_388, %lt3A_3003 : vector<16xi32>
      %add3A_3005 = arith.constant 16 : i32
      %add3A_3006 = vector.broadcast %add3A_3005 : i32 to vector<16xi32>
      %add3A_3007 = arith.addi %xor3A_388, %add3A_3006 : vector<16xi32>
      %select_n3A_3008 = arith.select %lt3A_3004, %add3A_3007, %xor3A_388 : vector<16xi1>, vector<16xi32>
      %broadcast_in_dim3A_3009 = vector.shape_cast %select_n3A_3008 : vector<16xi32> to vector<16x1xi32>
      %gather3A_3010 = vector.shape_cast %broadcast_in_dim3A_3009 : vector<16x1xi32> to vector<16xi32>
      %gather3A_3011 = tpu.dynamic_gather %add3A_2806[%gather3A_3010] in [0] : vector<16xf32>, vector<16xi32> -> vector<16xf32>
      %add3A_3012 = arith.addf %add3A_2806, %gather3A_3011 : vector<16xf32>
      %lt3A_3013 = arith.constant 0 : i32
      %lt3A_3014 = vector.broadcast %lt3A_3013 : i32 to vector<16xi32>
      %lt3A_3015 = arith.cmpi slt, %xor3A_388, %lt3A_3014 : vector<16xi32>
      %add3A_3016 = arith.constant 16 : i32
      %add3A_3017 = vector.broadcast %add3A_3016 : i32 to vector<16xi32>
      %add3A_3018 = arith.addi %xor3A_388, %add3A_3017 : vector<16xi32>
      %select_n3A_3019 = arith.select %lt3A_3015, %add3A_3018, %xor3A_388 : vector<16xi1>, vector<16xi32>
      %broadcast_in_dim3A_3020 = vector.shape_cast %select_n3A_3019 : vector<16xi32> to vector<16x1xi32>
      %gather3A_3021 = vector.shape_cast %broadcast_in_dim3A_3020 : vector<16x1xi32> to vector<16xi32>
      %gather3A_3022 = tpu.dynamic_gather %add3A_2825[%gather3A_3021] in [0] : vector<16xf32>, vector<16xi32> -> vector<16xf32>
      %add3A_3023 = arith.addf %add3A_2825, %gather3A_3022 : vector<16xf32>
      %select_n3A_3024 = arith.select %eq3A_401, %add3A_3012, %add3A_3023 : vector<16xi1>, vector<16xf32>
      %lt3A_3025 = arith.constant 0 : i32
      %lt3A_3026 = vector.broadcast %lt3A_3025 : i32 to vector<16xi32>
      %lt3A_3027 = arith.cmpi slt, %xor3A_388, %lt3A_3026 : vector<16xi32>
      %add3A_3028 = arith.constant 16 : i32
      %add3A_3029 = vector.broadcast %add3A_3028 : i32 to vector<16xi32>
      %add3A_3030 = arith.addi %xor3A_388, %add3A_3029 : vector<16xi32>
      %select_n3A_3031 = arith.select %lt3A_3027, %add3A_3030, %xor3A_388 : vector<16xi1>, vector<16xi32>
      %broadcast_in_dim3A_3032 = vector.shape_cast %select_n3A_3031 : vector<16xi32> to vector<16x1xi32>
      %gather3A_3033 = vector.shape_cast %broadcast_in_dim3A_3032 : vector<16x1xi32> to vector<16xi32>
      %gather3A_3034 = tpu.dynamic_gather %add3A_2844[%gather3A_3033] in [0] : vector<16xf32>, vector<16xi32> -> vector<16xf32>
      %add3A_3035 = arith.addf %add3A_2844, %gather3A_3034 : vector<16xf32>
      %lt3A_3036 = arith.constant 0 : i32
      %lt3A_3037 = vector.broadcast %lt3A_3036 : i32 to vector<16xi32>
      %lt3A_3038 = arith.cmpi slt, %xor3A_388, %lt3A_3037 : vector<16xi32>
      %add3A_3039 = arith.constant 16 : i32
      %add3A_3040 = vector.broadcast %add3A_3039 : i32 to vector<16xi32>
      %add3A_3041 = arith.addi %xor3A_388, %add3A_3040 : vector<16xi32>
      %select_n3A_3042 = arith.select %lt3A_3038, %add3A_3041, %xor3A_388 : vector<16xi1>, vector<16xi32>
      %broadcast_in_dim3A_3043 = vector.shape_cast %select_n3A_3042 : vector<16xi32> to vector<16x1xi32>
      %gather3A_3044 = vector.shape_cast %broadcast_in_dim3A_3043 : vector<16x1xi32> to vector<16xi32>
      %gather3A_3045 = tpu.dynamic_gather %add3A_2863[%gather3A_3044] in [0] : vector<16xf32>, vector<16xi32> -> vector<16xf32>
      %add3A_3046 = arith.addf %add3A_2863, %gather3A_3045 : vector<16xf32>
      %select_n3A_3047 = arith.select %eq3A_401, %add3A_3035, %add3A_3046 : vector<16xi1>, vector<16xf32>
      %lt3A_3048 = arith.constant 0 : i32
      %lt3A_3049 = vector.broadcast %lt3A_3048 : i32 to vector<16xi32>
      %lt3A_3050 = arith.cmpi slt, %xor3A_391, %lt3A_3049 : vector<16xi32>
      %add3A_3051 = arith.constant 16 : i32
      %add3A_3052 = vector.broadcast %add3A_3051 : i32 to vector<16xi32>
      %add3A_3053 = arith.addi %xor3A_391, %add3A_3052 : vector<16xi32>
      %select_n3A_3054 = arith.select %lt3A_3050, %add3A_3053, %xor3A_391 : vector<16xi1>, vector<16xi32>
      %broadcast_in_dim3A_3055 = vector.shape_cast %select_n3A_3054 : vector<16xi32> to vector<16x1xi32>
      %gather3A_3056 = vector.shape_cast %broadcast_in_dim3A_3055 : vector<16x1xi32> to vector<16xi32>
      %gather3A_3057 = tpu.dynamic_gather %select_n3A_2886[%gather3A_3056] in [0] : vector<16xf32>, vector<16xi32> -> vector<16xf32>
      %add3A_3058 = arith.addf %select_n3A_2886, %gather3A_3057 : vector<16xf32>
      %lt3A_3059 = arith.constant 0 : i32
      %lt3A_3060 = vector.broadcast %lt3A_3059 : i32 to vector<16xi32>
      %lt3A_3061 = arith.cmpi slt, %xor3A_391, %lt3A_3060 : vector<16xi32>
      %add3A_3062 = arith.constant 16 : i32
      %add3A_3063 = vector.broadcast %add3A_3062 : i32 to vector<16xi32>
      %add3A_3064 = arith.addi %xor3A_391, %add3A_3063 : vector<16xi32>
      %select_n3A_3065 = arith.select %lt3A_3061, %add3A_3064, %xor3A_391 : vector<16xi1>, vector<16xi32>
      %broadcast_in_dim3A_3066 = vector.shape_cast %select_n3A_3065 : vector<16xi32> to vector<16x1xi32>
      %gather3A_3067 = vector.shape_cast %broadcast_in_dim3A_3066 : vector<16x1xi32> to vector<16xi32>
      %gather3A_3068 = tpu.dynamic_gather %select_n3A_2909[%gather3A_3067] in [0] : vector<16xf32>, vector<16xi32> -> vector<16xf32>
      %add3A_3069 = arith.addf %select_n3A_2909, %gather3A_3068 : vector<16xf32>
      %select_n3A_3070 = arith.select %eq3A_407, %add3A_3058, %add3A_3069 : vector<16xi1>, vector<16xf32>
      %lt3A_3071 = arith.constant 0 : i32
      %lt3A_3072 = vector.broadcast %lt3A_3071 : i32 to vector<16xi32>
      %lt3A_3073 = arith.cmpi slt, %xor3A_391, %lt3A_3072 : vector<16xi32>
      %add3A_3074 = arith.constant 16 : i32
      %add3A_3075 = vector.broadcast %add3A_3074 : i32 to vector<16xi32>
      %add3A_3076 = arith.addi %xor3A_391, %add3A_3075 : vector<16xi32>
      %select_n3A_3077 = arith.select %lt3A_3073, %add3A_3076, %xor3A_391 : vector<16xi1>, vector<16xi32>
      %broadcast_in_dim3A_3078 = vector.shape_cast %select_n3A_3077 : vector<16xi32> to vector<16x1xi32>
      %gather3A_3079 = vector.shape_cast %broadcast_in_dim3A_3078 : vector<16x1xi32> to vector<16xi32>
      %gather3A_3080 = tpu.dynamic_gather %select_n3A_2932[%gather3A_3079] in [0] : vector<16xf32>, vector<16xi32> -> vector<16xf32>
      %add3A_3081 = arith.addf %select_n3A_2932, %gather3A_3080 : vector<16xf32>
      %lt3A_3082 = arith.constant 0 : i32
      %lt3A_3083 = vector.broadcast %lt3A_3082 : i32 to vector<16xi32>
      %lt3A_3084 = arith.cmpi slt, %xor3A_391, %lt3A_3083 : vector<16xi32>
      %add3A_3085 = arith.constant 16 : i32
      %add3A_3086 = vector.broadcast %add3A_3085 : i32 to vector<16xi32>
      %add3A_3087 = arith.addi %xor3A_391, %add3A_3086 : vector<16xi32>
      %select_n3A_3088 = arith.select %lt3A_3084, %add3A_3087, %xor3A_391 : vector<16xi1>, vector<16xi32>
      %broadcast_in_dim3A_3089 = vector.shape_cast %select_n3A_3088 : vector<16xi32> to vector<16x1xi32>
      %gather3A_3090 = vector.shape_cast %broadcast_in_dim3A_3089 : vector<16x1xi32> to vector<16xi32>
      %gather3A_3091 = tpu.dynamic_gather %select_n3A_2955[%gather3A_3090] in [0] : vector<16xf32>, vector<16xi32> -> vector<16xf32>
      %add3A_3092 = arith.addf %select_n3A_2955, %gather3A_3091 : vector<16xf32>
      %select_n3A_3093 = arith.select %eq3A_407, %add3A_3081, %add3A_3092 : vector<16xi1>, vector<16xf32>
      %lt3A_3094 = arith.constant 0 : i32
      %lt3A_3095 = vector.broadcast %lt3A_3094 : i32 to vector<16xi32>
      %lt3A_3096 = arith.cmpi slt, %xor3A_391, %lt3A_3095 : vector<16xi32>
      %add3A_3097 = arith.constant 16 : i32
      %add3A_3098 = vector.broadcast %add3A_3097 : i32 to vector<16xi32>
      %add3A_3099 = arith.addi %xor3A_391, %add3A_3098 : vector<16xi32>
      %select_n3A_3100 = arith.select %lt3A_3096, %add3A_3099, %xor3A_391 : vector<16xi1>, vector<16xi32>
      %broadcast_in_dim3A_3101 = vector.shape_cast %select_n3A_3100 : vector<16xi32> to vector<16x1xi32>
      %gather3A_3102 = vector.shape_cast %broadcast_in_dim3A_3101 : vector<16x1xi32> to vector<16xi32>
      %gather3A_3103 = tpu.dynamic_gather %select_n3A_2978[%gather3A_3102] in [0] : vector<16xf32>, vector<16xi32> -> vector<16xf32>
      %add3A_3104 = arith.addf %select_n3A_2978, %gather3A_3103 : vector<16xf32>
      %lt3A_3105 = arith.constant 0 : i32
      %lt3A_3106 = vector.broadcast %lt3A_3105 : i32 to vector<16xi32>
      %lt3A_3107 = arith.cmpi slt, %xor3A_391, %lt3A_3106 : vector<16xi32>
      %add3A_3108 = arith.constant 16 : i32
      %add3A_3109 = vector.broadcast %add3A_3108 : i32 to vector<16xi32>
      %add3A_3110 = arith.addi %xor3A_391, %add3A_3109 : vector<16xi32>
      %select_n3A_3111 = arith.select %lt3A_3107, %add3A_3110, %xor3A_391 : vector<16xi1>, vector<16xi32>
      %broadcast_in_dim3A_3112 = vector.shape_cast %select_n3A_3111 : vector<16xi32> to vector<16x1xi32>
      %gather3A_3113 = vector.shape_cast %broadcast_in_dim3A_3112 : vector<16x1xi32> to vector<16xi32>
      %gather3A_3114 = tpu.dynamic_gather %select_n3A_3001[%gather3A_3113] in [0] : vector<16xf32>, vector<16xi32> -> vector<16xf32>
      %add3A_3115 = arith.addf %select_n3A_3001, %gather3A_3114 : vector<16xf32>
      %select_n3A_3116 = arith.select %eq3A_407, %add3A_3104, %add3A_3115 : vector<16xi1>, vector<16xf32>
      %lt3A_3117 = arith.constant 0 : i32
      %lt3A_3118 = vector.broadcast %lt3A_3117 : i32 to vector<16xi32>
      %lt3A_3119 = arith.cmpi slt, %xor3A_391, %lt3A_3118 : vector<16xi32>
      %add3A_3120 = arith.constant 16 : i32
      %add3A_3121 = vector.broadcast %add3A_3120 : i32 to vector<16xi32>
      %add3A_3122 = arith.addi %xor3A_391, %add3A_3121 : vector<16xi32>
      %select_n3A_3123 = arith.select %lt3A_3119, %add3A_3122, %xor3A_391 : vector<16xi1>, vector<16xi32>
      %broadcast_in_dim3A_3124 = vector.shape_cast %select_n3A_3123 : vector<16xi32> to vector<16x1xi32>
      %gather3A_3125 = vector.shape_cast %broadcast_in_dim3A_3124 : vector<16x1xi32> to vector<16xi32>
      %gather3A_3126 = tpu.dynamic_gather %select_n3A_3024[%gather3A_3125] in [0] : vector<16xf32>, vector<16xi32> -> vector<16xf32>
      %add3A_3127 = arith.addf %select_n3A_3024, %gather3A_3126 : vector<16xf32>
      %lt3A_3128 = arith.constant 0 : i32
      %lt3A_3129 = vector.broadcast %lt3A_3128 : i32 to vector<16xi32>
      %lt3A_3130 = arith.cmpi slt, %xor3A_391, %lt3A_3129 : vector<16xi32>
      %add3A_3131 = arith.constant 16 : i32
      %add3A_3132 = vector.broadcast %add3A_3131 : i32 to vector<16xi32>
      %add3A_3133 = arith.addi %xor3A_391, %add3A_3132 : vector<16xi32>
      %select_n3A_3134 = arith.select %lt3A_3130, %add3A_3133, %xor3A_391 : vector<16xi1>, vector<16xi32>
      %broadcast_in_dim3A_3135 = vector.shape_cast %select_n3A_3134 : vector<16xi32> to vector<16x1xi32>
      %gather3A_3136 = vector.shape_cast %broadcast_in_dim3A_3135 : vector<16x1xi32> to vector<16xi32>
      %gather3A_3137 = tpu.dynamic_gather %select_n3A_3047[%gather3A_3136] in [0] : vector<16xf32>, vector<16xi32> -> vector<16xf32>
      %add3A_3138 = arith.addf %select_n3A_3047, %gather3A_3137 : vector<16xf32>
      %select_n3A_3139 = arith.select %eq3A_407, %add3A_3127, %add3A_3138 : vector<16xi1>, vector<16xf32>
      %lt3A_3140 = arith.constant 0 : i32
      %lt3A_3141 = vector.broadcast %lt3A_3140 : i32 to vector<16xi32>
      %lt3A_3142 = arith.cmpi slt, %xor3A_394, %lt3A_3141 : vector<16xi32>
      %add3A_3143 = arith.constant 16 : i32
      %add3A_3144 = vector.broadcast %add3A_3143 : i32 to vector<16xi32>
      %add3A_3145 = arith.addi %xor3A_394, %add3A_3144 : vector<16xi32>
      %select_n3A_3146 = arith.select %lt3A_3142, %add3A_3145, %xor3A_394 : vector<16xi1>, vector<16xi32>
      %broadcast_in_dim3A_3147 = vector.shape_cast %select_n3A_3146 : vector<16xi32> to vector<16x1xi32>
      %gather3A_3148 = vector.shape_cast %broadcast_in_dim3A_3147 : vector<16x1xi32> to vector<16xi32>
      %gather3A_3149 = tpu.dynamic_gather %select_n3A_3070[%gather3A_3148] in [0] : vector<16xf32>, vector<16xi32> -> vector<16xf32>
      %add3A_3150 = arith.addf %select_n3A_3070, %gather3A_3149 : vector<16xf32>
      %lt3A_3151 = arith.constant 0 : i32
      %lt3A_3152 = vector.broadcast %lt3A_3151 : i32 to vector<16xi32>
      %lt3A_3153 = arith.cmpi slt, %xor3A_394, %lt3A_3152 : vector<16xi32>
      %add3A_3154 = arith.constant 16 : i32
      %add3A_3155 = vector.broadcast %add3A_3154 : i32 to vector<16xi32>
      %add3A_3156 = arith.addi %xor3A_394, %add3A_3155 : vector<16xi32>
      %select_n3A_3157 = arith.select %lt3A_3153, %add3A_3156, %xor3A_394 : vector<16xi1>, vector<16xi32>
      %broadcast_in_dim3A_3158 = vector.shape_cast %select_n3A_3157 : vector<16xi32> to vector<16x1xi32>
      %gather3A_3159 = vector.shape_cast %broadcast_in_dim3A_3158 : vector<16x1xi32> to vector<16xi32>
      %gather3A_3160 = tpu.dynamic_gather %select_n3A_3093[%gather3A_3159] in [0] : vector<16xf32>, vector<16xi32> -> vector<16xf32>
      %add3A_3161 = arith.addf %select_n3A_3093, %gather3A_3160 : vector<16xf32>
      %select_n3A_3162 = arith.select %eq3A_413, %add3A_3150, %add3A_3161 : vector<16xi1>, vector<16xf32>
      %lt3A_3163 = arith.constant 0 : i32
      %lt3A_3164 = vector.broadcast %lt3A_3163 : i32 to vector<16xi32>
      %lt3A_3165 = arith.cmpi slt, %xor3A_394, %lt3A_3164 : vector<16xi32>
      %add3A_3166 = arith.constant 16 : i32
      %add3A_3167 = vector.broadcast %add3A_3166 : i32 to vector<16xi32>
      %add3A_3168 = arith.addi %xor3A_394, %add3A_3167 : vector<16xi32>
      %select_n3A_3169 = arith.select %lt3A_3165, %add3A_3168, %xor3A_394 : vector<16xi1>, vector<16xi32>
      %broadcast_in_dim3A_3170 = vector.shape_cast %select_n3A_3169 : vector<16xi32> to vector<16x1xi32>
      %gather3A_3171 = vector.shape_cast %broadcast_in_dim3A_3170 : vector<16x1xi32> to vector<16xi32>
      %gather3A_3172 = tpu.dynamic_gather %select_n3A_3116[%gather3A_3171] in [0] : vector<16xf32>, vector<16xi32> -> vector<16xf32>
      %add3A_3173 = arith.addf %select_n3A_3116, %gather3A_3172 : vector<16xf32>
      %lt3A_3174 = arith.constant 0 : i32
      %lt3A_3175 = vector.broadcast %lt3A_3174 : i32 to vector<16xi32>
      %lt3A_3176 = arith.cmpi slt, %xor3A_394, %lt3A_3175 : vector<16xi32>
      %add3A_3177 = arith.constant 16 : i32
      %add3A_3178 = vector.broadcast %add3A_3177 : i32 to vector<16xi32>
      %add3A_3179 = arith.addi %xor3A_394, %add3A_3178 : vector<16xi32>
      %select_n3A_3180 = arith.select %lt3A_3176, %add3A_3179, %xor3A_394 : vector<16xi1>, vector<16xi32>
      %broadcast_in_dim3A_3181 = vector.shape_cast %select_n3A_3180 : vector<16xi32> to vector<16x1xi32>
      %gather3A_3182 = vector.shape_cast %broadcast_in_dim3A_3181 : vector<16x1xi32> to vector<16xi32>
      %gather3A_3183 = tpu.dynamic_gather %select_n3A_3139[%gather3A_3182] in [0] : vector<16xf32>, vector<16xi32> -> vector<16xf32>
      %add3A_3184 = arith.addf %select_n3A_3139, %gather3A_3183 : vector<16xf32>
      %select_n3A_3185 = arith.select %eq3A_413, %add3A_3173, %add3A_3184 : vector<16xi1>, vector<16xf32>
      %lt3A_3186 = arith.constant 0 : i32
      %lt3A_3187 = vector.broadcast %lt3A_3186 : i32 to vector<16xi32>
      %lt3A_3188 = arith.cmpi slt, %xor3A_397, %lt3A_3187 : vector<16xi32>
      %add3A_3189 = arith.constant 16 : i32
      %add3A_3190 = vector.broadcast %add3A_3189 : i32 to vector<16xi32>
      %add3A_3191 = arith.addi %xor3A_397, %add3A_3190 : vector<16xi32>
      %select_n3A_3192 = arith.select %lt3A_3188, %add3A_3191, %xor3A_397 : vector<16xi1>, vector<16xi32>
      %broadcast_in_dim3A_3193 = vector.shape_cast %select_n3A_3192 : vector<16xi32> to vector<16x1xi32>
      %gather3A_3194 = vector.shape_cast %broadcast_in_dim3A_3193 : vector<16x1xi32> to vector<16xi32>
      %gather3A_3195 = tpu.dynamic_gather %select_n3A_3162[%gather3A_3194] in [0] : vector<16xf32>, vector<16xi32> -> vector<16xf32>
      %add3A_3196 = arith.addf %select_n3A_3162, %gather3A_3195 : vector<16xf32>
      %lt3A_3197 = arith.constant 0 : i32
      %lt3A_3198 = vector.broadcast %lt3A_3197 : i32 to vector<16xi32>
      %lt3A_3199 = arith.cmpi slt, %xor3A_397, %lt3A_3198 : vector<16xi32>
      %add3A_3200 = arith.constant 16 : i32
      %add3A_3201 = vector.broadcast %add3A_3200 : i32 to vector<16xi32>
      %add3A_3202 = arith.addi %xor3A_397, %add3A_3201 : vector<16xi32>
      %select_n3A_3203 = arith.select %lt3A_3199, %add3A_3202, %xor3A_397 : vector<16xi1>, vector<16xi32>
      %broadcast_in_dim3A_3204 = vector.shape_cast %select_n3A_3203 : vector<16xi32> to vector<16x1xi32>
      %gather3A_3205 = vector.shape_cast %broadcast_in_dim3A_3204 : vector<16x1xi32> to vector<16xi32>
      %gather3A_3206 = tpu.dynamic_gather %select_n3A_3185[%gather3A_3205] in [0] : vector<16xf32>, vector<16xi32> -> vector<16xf32>
      %add3A_3207 = arith.addf %select_n3A_3185, %gather3A_3206 : vector<16xf32>
      %select_n3A_3208 = arith.select %eq3A_419, %add3A_3196, %add3A_3207 : vector<16xi1>, vector<16xf32>
      %mul3A_3209 = arith.constant 16 : i32
      %mul3A_3210 = arith.muli %scan3A_425, %mul3A_3209 : i32
      %add3A_3211 = arith.constant 0 : i32
      %add3A_3212 = arith.addi %mul3A_3210, %add3A_3211 : i32
      %mul3A_3213 = arith.constant 5 : i32
      %mul3A_3214 = arith.muli %add3A_3212, %mul3A_3213 : i32
      %add3A_3215 = arith.constant 4 : i32
      %add3A_3216 = arith.addi %mul3A_3214, %add3A_3215 : i32
      %get3A_3217 = arith.index_cast %add3A_3216 : i32 to index
      %get3A_3218 = arith.constant 0 : index
      %get3A_3219 = tpu.vector_load %arg11[%get3A_3217, %get3A_3218] {strides = array<i32>} : memref<2560x32xf32, #tpu.memory_space<vmem>>, vector<1x16xf32>,
      %get3A_3220 = vector.shape_cast %get3A_3219 : vector<1x16xf32> to vector<16xf32>
      %get3A_3221 = arith.index_cast %add3A_3216 : i32 to index
      %get3A_3222 = arith.constant 16 : index
      %get3A_3223 = tpu.vector_load %arg11[%get3A_3221, %get3A_3222] {strides = array<i32>} : memref<2560x32xf32, #tpu.memory_space<vmem>>, vector<1x16xf32>,
      %get3A_3224 = vector.shape_cast %get3A_3223 : vector<1x16xf32> to vector<16xf32>
      %mul3A_3225 = arith.mulf %get3A_432, %get3A_3220 : vector<16xf32>
      %mul3A_3226 = arith.mulf %get3A_436, %get3A_3224 : vector<16xf32>
      %add3A_3227 = arith.addf %mul3A_3225, %mul3A_3226 : vector<16xf32>
      %mul3A_3228 = arith.constant 16 : i32
      %mul3A_3229 = arith.muli %scan3A_425, %mul3A_3228 : i32
      %add3A_3230 = arith.constant 1 : i32
      %add3A_3231 = arith.addi %mul3A_3229, %add3A_3230 : i32
      %mul3A_3232 = arith.constant 5 : i32
      %mul3A_3233 = arith.muli %add3A_3231, %mul3A_3232 : i32
      %add3A_3234 = arith.constant 4 : i32
      %add3A_3235 = arith.addi %mul3A_3233, %add3A_3234 : i32
      %get3A_3236 = arith.index_cast %add3A_3235 : i32 to index
      %get3A_3237 = arith.constant 0 : index
      %get3A_3238 = tpu.vector_load %arg11[%get3A_3236, %get3A_3237] {strides = array<i32>} : memref<2560x32xf32, #tpu.memory_space<vmem>>, vector<1x16xf32>,
      %get3A_3239 = vector.shape_cast %get3A_3238 : vector<1x16xf32> to vector<16xf32>
      %get3A_3240 = arith.index_cast %add3A_3235 : i32 to index
      %get3A_3241 = arith.constant 16 : index
      %get3A_3242 = tpu.vector_load %arg11[%get3A_3240, %get3A_3241] {strides = array<i32>} : memref<2560x32xf32, #tpu.memory_space<vmem>>, vector<1x16xf32>,
      %get3A_3243 = vector.shape_cast %get3A_3242 : vector<1x16xf32> to vector<16xf32>
      %mul3A_3244 = arith.mulf %get3A_444, %get3A_3239 : vector<16xf32>
      %mul3A_3245 = arith.mulf %get3A_448, %get3A_3243 : vector<16xf32>
      %add3A_3246 = arith.addf %mul3A_3244, %mul3A_3245 : vector<16xf32>
      %mul3A_3247 = arith.constant 16 : i32
      %mul3A_3248 = arith.muli %scan3A_425, %mul3A_3247 : i32
      %add3A_3249 = arith.constant 2 : i32
      %add3A_3250 = arith.addi %mul3A_3248, %add3A_3249 : i32
      %mul3A_3251 = arith.constant 5 : i32
      %mul3A_3252 = arith.muli %add3A_3250, %mul3A_3251 : i32
      %add3A_3253 = arith.constant 4 : i32
      %add3A_3254 = arith.addi %mul3A_3252, %add3A_3253 : i32
      %get3A_3255 = arith.index_cast %add3A_3254 : i32 to index
      %get3A_3256 = arith.constant 0 : index
      %get3A_3257 = tpu.vector_load %arg11[%get3A_3255, %get3A_3256] {strides = array<i32>} : memref<2560x32xf32, #tpu.memory_space<vmem>>, vector<1x16xf32>,
      %get3A_3258 = vector.shape_cast %get3A_3257 : vector<1x16xf32> to vector<16xf32>
      %get3A_3259 = arith.index_cast %add3A_3254 : i32 to index
      %get3A_3260 = arith.constant 16 : index
      %get3A_3261 = tpu.vector_load %arg11[%get3A_3259, %get3A_3260] {strides = array<i32>} : memref<2560x32xf32, #tpu.memory_space<vmem>>, vector<1x16xf32>,
      %get3A_3262 = vector.shape_cast %get3A_3261 : vector<1x16xf32> to vector<16xf32>
      %mul3A_3263 = arith.mulf %get3A_456, %get3A_3258 : vector<16xf32>
      %mul3A_3264 = arith.mulf %get3A_460, %get3A_3262 : vector<16xf32>
      %add3A_3265 = arith.addf %mul3A_3263, %mul3A_3264 : vector<16xf32>
      %mul3A_3266 = arith.constant 16 : i32
      %mul3A_3267 = arith.muli %scan3A_425, %mul3A_3266 : i32
      %add3A_3268 = arith.constant 3 : i32
      %add3A_3269 = arith.addi %mul3A_3267, %add3A_3268 : i32
      %mul3A_3270 = arith.constant 5 : i32
      %mul3A_3271 = arith.muli %add3A_3269, %mul3A_3270 : i32
      %add3A_3272 = arith.constant 4 : i32
      %add3A_3273 = arith.addi %mul3A_3271, %add3A_3272 : i32
      %get3A_3274 = arith.index_cast %add3A_3273 : i32 to index
      %get3A_3275 = arith.constant 0 : index
      %get3A_3276 = tpu.vector_load %arg11[%get3A_3274, %get3A_3275] {strides = array<i32>} : memref<2560x32xf32, #tpu.memory_space<vmem>>, vector<1x16xf32>,
      %get3A_3277 = vector.shape_cast %get3A_3276 : vector<1x16xf32> to vector<16xf32>
      %get3A_3278 = arith.index_cast %add3A_3273 : i32 to index
      %get3A_3279 = arith.constant 16 : index
      %get3A_3280 = tpu.vector_load %arg11[%get3A_3278, %get3A_3279] {strides = array<i32>} : memref<2560x32xf32, #tpu.memory_space<vmem>>, vector<1x16xf32>,
      %get3A_3281 = vector.shape_cast %get3A_3280 : vector<1x16xf32> to vector<16xf32>
      %mul3A_3282 = arith.mulf %get3A_468, %get3A_3277 : vector<16xf32>
      %mul3A_3283 = arith.mulf %get3A_472, %get3A_3281 : vector<16xf32>
      %add3A_3284 = arith.addf %mul3A_3282, %mul3A_3283 : vector<16xf32>
      %mul3A_3285 = arith.constant 16 : i32
      %mul3A_3286 = arith.muli %scan3A_425, %mul3A_3285 : i32
      %add3A_3287 = arith.constant 4 : i32
      %add3A_3288 = arith.addi %mul3A_3286, %add3A_3287 : i32
      %mul3A_3289 = arith.constant 5 : i32
      %mul3A_3290 = arith.muli %add3A_3288, %mul3A_3289 : i32
      %add3A_3291 = arith.constant 4 : i32
      %add3A_3292 = arith.addi %mul3A_3290, %add3A_3291 : i32
      %get3A_3293 = arith.index_cast %add3A_3292 : i32 to index
      %get3A_3294 = arith.constant 0 : index
      %get3A_3295 = tpu.vector_load %arg11[%get3A_3293, %get3A_3294] {strides = array<i32>} : memref<2560x32xf32, #tpu.memory_space<vmem>>, vector<1x16xf32>,
      %get3A_3296 = vector.shape_cast %get3A_3295 : vector<1x16xf32> to vector<16xf32>
      %get3A_3297 = arith.index_cast %add3A_3292 : i32 to index
      %get3A_3298 = arith.constant 16 : index
      %get3A_3299 = tpu.vector_load %arg11[%get3A_3297, %get3A_3298] {strides = array<i32>} : memref<2560x32xf32, #tpu.memory_space<vmem>>, vector<1x16xf32>,
      %get3A_3300 = vector.shape_cast %get3A_3299 : vector<1x16xf32> to vector<16xf32>
      %mul3A_3301 = arith.mulf %get3A_480, %get3A_3296 : vector<16xf32>
      %mul3A_3302 = arith.mulf %get3A_484, %get3A_3300 : vector<16xf32>
      %add3A_3303 = arith.addf %mul3A_3301, %mul3A_3302 : vector<16xf32>
      %mul3A_3304 = arith.constant 16 : i32
      %mul3A_3305 = arith.muli %scan3A_425, %mul3A_3304 : i32
      %add3A_3306 = arith.constant 5 : i32
      %add3A_3307 = arith.addi %mul3A_3305, %add3A_3306 : i32
      %mul3A_3308 = arith.constant 5 : i32
      %mul3A_3309 = arith.muli %add3A_3307, %mul3A_3308 : i32
      %add3A_3310 = arith.constant 4 : i32
      %add3A_3311 = arith.addi %mul3A_3309, %add3A_3310 : i32
      %get3A_3312 = arith.index_cast %add3A_3311 : i32 to index
      %get3A_3313 = arith.constant 0 : index
      %get3A_3314 = tpu.vector_load %arg11[%get3A_3312, %get3A_3313] {strides = array<i32>} : memref<2560x32xf32, #tpu.memory_space<vmem>>, vector<1x16xf32>,
      %get3A_3315 = vector.shape_cast %get3A_3314 : vector<1x16xf32> to vector<16xf32>
      %get3A_3316 = arith.index_cast %add3A_3311 : i32 to index
      %get3A_3317 = arith.constant 16 : index
      %get3A_3318 = tpu.vector_load %arg11[%get3A_3316, %get3A_3317] {strides = array<i32>} : memref<2560x32xf32, #tpu.memory_space<vmem>>, vector<1x16xf32>,
      %get3A_3319 = vector.shape_cast %get3A_3318 : vector<1x16xf32> to vector<16xf32>
      %mul3A_3320 = arith.mulf %get3A_492, %get3A_3315 : vector<16xf32>
      %mul3A_3321 = arith.mulf %get3A_496, %get3A_3319 : vector<16xf32>
      %add3A_3322 = arith.addf %mul3A_3320, %mul3A_3321 : vector<16xf32>
      %mul3A_3323 = arith.constant 16 : i32
      %mul3A_3324 = arith.muli %scan3A_425, %mul3A_3323 : i32
      %add3A_3325 = arith.constant 6 : i32
      %add3A_3326 = arith.addi %mul3A_3324, %add3A_3325 : i32
      %mul3A_3327 = arith.constant 5 : i32
      %mul3A_3328 = arith.muli %add3A_3326, %mul3A_3327 : i32
      %add3A_3329 = arith.constant 4 : i32
      %add3A_3330 = arith.addi %mul3A_3328, %add3A_3329 : i32
      %get3A_3331 = arith.index_cast %add3A_3330 : i32 to index
      %get3A_3332 = arith.constant 0 : index
      %get3A_3333 = tpu.vector_load %arg11[%get3A_3331, %get3A_3332] {strides = array<i32>} : memref<2560x32xf32, #tpu.memory_space<vmem>>, vector<1x16xf32>,
      %get3A_3334 = vector.shape_cast %get3A_3333 : vector<1x16xf32> to vector<16xf32>
      %get3A_3335 = arith.index_cast %add3A_3330 : i32 to index
      %get3A_3336 = arith.constant 16 : index
      %get3A_3337 = tpu.vector_load %arg11[%get3A_3335, %get3A_3336] {strides = array<i32>} : memref<2560x32xf32, #tpu.memory_space<vmem>>, vector<1x16xf32>,
      %get3A_3338 = vector.shape_cast %get3A_3337 : vector<1x16xf32> to vector<16xf32>
      %mul3A_3339 = arith.mulf %get3A_504, %get3A_3334 : vector<16xf32>
      %mul3A_3340 = arith.mulf %get3A_508, %get3A_3338 : vector<16xf32>
      %add3A_3341 = arith.addf %mul3A_3339, %mul3A_3340 : vector<16xf32>
      %mul3A_3342 = arith.constant 16 : i32
      %mul3A_3343 = arith.muli %scan3A_425, %mul3A_3342 : i32
      %add3A_3344 = arith.constant 7 : i32
      %add3A_3345 = arith.addi %mul3A_3343, %add3A_3344 : i32
      %mul3A_3346 = arith.constant 5 : i32
      %mul3A_3347 = arith.muli %add3A_3345, %mul3A_3346 : i32
      %add3A_3348 = arith.constant 4 : i32
      %add3A_3349 = arith.addi %mul3A_3347, %add3A_3348 : i32
      %get3A_3350 = arith.index_cast %add3A_3349 : i32 to index
      %get3A_3351 = arith.constant 0 : index
      %get3A_3352 = tpu.vector_load %arg11[%get3A_3350, %get3A_3351] {strides = array<i32>} : memref<2560x32xf32, #tpu.memory_space<vmem>>, vector<1x16xf32>,
      %get3A_3353 = vector.shape_cast %get3A_3352 : vector<1x16xf32> to vector<16xf32>
      %get3A_3354 = arith.index_cast %add3A_3349 : i32 to index
      %get3A_3355 = arith.constant 16 : index
      %get3A_3356 = tpu.vector_load %arg11[%get3A_3354, %get3A_3355] {strides = array<i32>} : memref<2560x32xf32, #tpu.memory_space<vmem>>, vector<1x16xf32>,
      %get3A_3357 = vector.shape_cast %get3A_3356 : vector<1x16xf32> to vector<16xf32>
      %mul3A_3358 = arith.mulf %get3A_516, %get3A_3353 : vector<16xf32>
      %mul3A_3359 = arith.mulf %get3A_520, %get3A_3357 : vector<16xf32>
      %add3A_3360 = arith.addf %mul3A_3358, %mul3A_3359 : vector<16xf32>
      %mul3A_3361 = arith.constant 16 : i32
      %mul3A_3362 = arith.muli %scan3A_425, %mul3A_3361 : i32
      %add3A_3363 = arith.constant 8 : i32
      %add3A_3364 = arith.addi %mul3A_3362, %add3A_3363 : i32
      %mul3A_3365 = arith.constant 5 : i32
      %mul3A_3366 = arith.muli %add3A_3364, %mul3A_3365 : i32
      %add3A_3367 = arith.constant 4 : i32
      %add3A_3368 = arith.addi %mul3A_3366, %add3A_3367 : i32
      %get3A_3369 = arith.index_cast %add3A_3368 : i32 to index
      %get3A_3370 = arith.constant 0 : index
      %get3A_3371 = tpu.vector_load %arg11[%get3A_3369, %get3A_3370] {strides = array<i32>} : memref<2560x32xf32, #tpu.memory_space<vmem>>, vector<1x16xf32>,
      %get3A_3372 = vector.shape_cast %get3A_3371 : vector<1x16xf32> to vector<16xf32>
      %get3A_3373 = arith.index_cast %add3A_3368 : i32 to index
      %get3A_3374 = arith.constant 16 : index
      %get3A_3375 = tpu.vector_load %arg11[%get3A_3373, %get3A_3374] {strides = array<i32>} : memref<2560x32xf32, #tpu.memory_space<vmem>>, vector<1x16xf32>,
      %get3A_3376 = vector.shape_cast %get3A_3375 : vector<1x16xf32> to vector<16xf32>
      %mul3A_3377 = arith.mulf %get3A_528, %get3A_3372 : vector<16xf32>
      %mul3A_3378 = arith.mulf %get3A_532, %get3A_3376 : vector<16xf32>
      %add3A_3379 = arith.addf %mul3A_3377, %mul3A_3378 : vector<16xf32>
      %mul3A_3380 = arith.constant 16 : i32
      %mul3A_3381 = arith.muli %scan3A_425, %mul3A_3380 : i32
      %add3A_3382 = arith.constant 9 : i32
      %add3A_3383 = arith.addi %mul3A_3381, %add3A_3382 : i32
      %mul3A_3384 = arith.constant 5 : i32
      %mul3A_3385 = arith.muli %add3A_3383, %mul3A_3384 : i32
      %add3A_3386 = arith.constant 4 : i32
      %add3A_3387 = arith.addi %mul3A_3385, %add3A_3386 : i32
      %get3A_3388 = arith.index_cast %add3A_3387 : i32 to index
      %get3A_3389 = arith.constant 0 : index
      %get3A_3390 = tpu.vector_load %arg11[%get3A_3388, %get3A_3389] {strides = array<i32>} : memref<2560x32xf32, #tpu.memory_space<vmem>>, vector<1x16xf32>,
      %get3A_3391 = vector.shape_cast %get3A_3390 : vector<1x16xf32> to vector<16xf32>
      %get3A_3392 = arith.index_cast %add3A_3387 : i32 to index
      %get3A_3393 = arith.constant 16 : index
      %get3A_3394 = tpu.vector_load %arg11[%get3A_3392, %get3A_3393] {strides = array<i32>} : memref<2560x32xf32, #tpu.memory_space<vmem>>, vector<1x16xf32>,
      %get3A_3395 = vector.shape_cast %get3A_3394 : vector<1x16xf32> to vector<16xf32>
      %mul3A_3396 = arith.mulf %get3A_540, %get3A_3391 : vector<16xf32>
      %mul3A_3397 = arith.mulf %get3A_544, %get3A_3395 : vector<16xf32>
      %add3A_3398 = arith.addf %mul3A_3396, %mul3A_3397 : vector<16xf32>
      %mul3A_3399 = arith.constant 16 : i32
      %mul3A_3400 = arith.muli %scan3A_425, %mul3A_3399 : i32
      %add3A_3401 = arith.constant 10 : i32
      %add3A_3402 = arith.addi %mul3A_3400, %add3A_3401 : i32
      %mul3A_3403 = arith.constant 5 : i32
      %mul3A_3404 = arith.muli %add3A_3402, %mul3A_3403 : i32
      %add3A_3405 = arith.constant 4 : i32
      %add3A_3406 = arith.addi %mul3A_3404, %add3A_3405 : i32
      %get3A_3407 = arith.index_cast %add3A_3406 : i32 to index
      %get3A_3408 = arith.constant 0 : index
      %get3A_3409 = tpu.vector_load %arg11[%get3A_3407, %get3A_3408] {strides = array<i32>} : memref<2560x32xf32, #tpu.memory_space<vmem>>, vector<1x16xf32>,
      %get3A_3410 = vector.shape_cast %get3A_3409 : vector<1x16xf32> to vector<16xf32>
      %get3A_3411 = arith.index_cast %add3A_3406 : i32 to index
      %get3A_3412 = arith.constant 16 : index
      %get3A_3413 = tpu.vector_load %arg11[%get3A_3411, %get3A_3412] {strides = array<i32>} : memref<2560x32xf32, #tpu.memory_space<vmem>>, vector<1x16xf32>,
      %get3A_3414 = vector.shape_cast %get3A_3413 : vector<1x16xf32> to vector<16xf32>
      %mul3A_3415 = arith.mulf %get3A_552, %get3A_3410 : vector<16xf32>
      %mul3A_3416 = arith.mulf %get3A_556, %get3A_3414 : vector<16xf32>
      %add3A_3417 = arith.addf %mul3A_3415, %mul3A_3416 : vector<16xf32>
      %mul3A_3418 = arith.constant 16 : i32
      %mul3A_3419 = arith.muli %scan3A_425, %mul3A_3418 : i32
      %add3A_3420 = arith.constant 11 : i32
      %add3A_3421 = arith.addi %mul3A_3419, %add3A_3420 : i32
      %mul3A_3422 = arith.constant 5 : i32
      %mul3A_3423 = arith.muli %add3A_3421, %mul3A_3422 : i32
      %add3A_3424 = arith.constant 4 : i32
      %add3A_3425 = arith.addi %mul3A_3423, %add3A_3424 : i32
      %get3A_3426 = arith.index_cast %add3A_3425 : i32 to index
      %get3A_3427 = arith.constant 0 : index
      %get3A_3428 = tpu.vector_load %arg11[%get3A_3426, %get3A_3427] {strides = array<i32>} : memref<2560x32xf32, #tpu.memory_space<vmem>>, vector<1x16xf32>,
      %get3A_3429 = vector.shape_cast %get3A_3428 : vector<1x16xf32> to vector<16xf32>
      %get3A_3430 = arith.index_cast %add3A_3425 : i32 to index
      %get3A_3431 = arith.constant 16 : index
      %get3A_3432 = tpu.vector_load %arg11[%get3A_3430, %get3A_3431] {strides = array<i32>} : memref<2560x32xf32, #tpu.memory_space<vmem>>, vector<1x16xf32>,
      %get3A_3433 = vector.shape_cast %get3A_3432 : vector<1x16xf32> to vector<16xf32>
      %mul3A_3434 = arith.mulf %get3A_564, %get3A_3429 : vector<16xf32>
      %mul3A_3435 = arith.mulf %get3A_568, %get3A_3433 : vector<16xf32>
      %add3A_3436 = arith.addf %mul3A_3434, %mul3A_3435 : vector<16xf32>
      %mul3A_3437 = arith.constant 16 : i32
      %mul3A_3438 = arith.muli %scan3A_425, %mul3A_3437 : i32
      %add3A_3439 = arith.constant 12 : i32
      %add3A_3440 = arith.addi %mul3A_3438, %add3A_3439 : i32
      %mul3A_3441 = arith.constant 5 : i32
      %mul3A_3442 = arith.muli %add3A_3440, %mul3A_3441 : i32
      %add3A_3443 = arith.constant 4 : i32
      %add3A_3444 = arith.addi %mul3A_3442, %add3A_3443 : i32
      %get3A_3445 = arith.index_cast %add3A_3444 : i32 to index
      %get3A_3446 = arith.constant 0 : index
      %get3A_3447 = tpu.vector_load %arg11[%get3A_3445, %get3A_3446] {strides = array<i32>} : memref<2560x32xf32, #tpu.memory_space<vmem>>, vector<1x16xf32>,
      %get3A_3448 = vector.shape_cast %get3A_3447 : vector<1x16xf32> to vector<16xf32>
      %get3A_3449 = arith.index_cast %add3A_3444 : i32 to index
      %get3A_3450 = arith.constant 16 : index
      %get3A_3451 = tpu.vector_load %arg11[%get3A_3449, %get3A_3450] {strides = array<i32>} : memref<2560x32xf32, #tpu.memory_space<vmem>>, vector<1x16xf32>,
      %get3A_3452 = vector.shape_cast %get3A_3451 : vector<1x16xf32> to vector<16xf32>
      %mul3A_3453 = arith.mulf %get3A_576, %get3A_3448 : vector<16xf32>
      %mul3A_3454 = arith.mulf %get3A_580, %get3A_3452 : vector<16xf32>
      %add3A_3455 = arith.addf %mul3A_3453, %mul3A_3454 : vector<16xf32>
      %mul3A_3456 = arith.constant 16 : i32
      %mul3A_3457 = arith.muli %scan3A_425, %mul3A_3456 : i32
      %add3A_3458 = arith.constant 13 : i32
      %add3A_3459 = arith.addi %mul3A_3457, %add3A_3458 : i32
      %mul3A_3460 = arith.constant 5 : i32
      %mul3A_3461 = arith.muli %add3A_3459, %mul3A_3460 : i32
      %add3A_3462 = arith.constant 4 : i32
      %add3A_3463 = arith.addi %mul3A_3461, %add3A_3462 : i32
      %get3A_3464 = arith.index_cast %add3A_3463 : i32 to index
      %get3A_3465 = arith.constant 0 : index
      %get3A_3466 = tpu.vector_load %arg11[%get3A_3464, %get3A_3465] {strides = array<i32>} : memref<2560x32xf32, #tpu.memory_space<vmem>>, vector<1x16xf32>,
      %get3A_3467 = vector.shape_cast %get3A_3466 : vector<1x16xf32> to vector<16xf32>
      %get3A_3468 = arith.index_cast %add3A_3463 : i32 to index
      %get3A_3469 = arith.constant 16 : index
      %get3A_3470 = tpu.vector_load %arg11[%get3A_3468, %get3A_3469] {strides = array<i32>} : memref<2560x32xf32, #tpu.memory_space<vmem>>, vector<1x16xf32>,
      %get3A_3471 = vector.shape_cast %get3A_3470 : vector<1x16xf32> to vector<16xf32>
      %mul3A_3472 = arith.mulf %get3A_588, %get3A_3467 : vector<16xf32>
      %mul3A_3473 = arith.mulf %get3A_592, %get3A_3471 : vector<16xf32>
      %add3A_3474 = arith.addf %mul3A_3472, %mul3A_3473 : vector<16xf32>
      %mul3A_3475 = arith.constant 16 : i32
      %mul3A_3476 = arith.muli %scan3A_425, %mul3A_3475 : i32
      %add3A_3477 = arith.constant 14 : i32
      %add3A_3478 = arith.addi %mul3A_3476, %add3A_3477 : i32
      %mul3A_3479 = arith.constant 5 : i32
      %mul3A_3480 = arith.muli %add3A_3478, %mul3A_3479 : i32
      %add3A_3481 = arith.constant 4 : i32
      %add3A_3482 = arith.addi %mul3A_3480, %add3A_3481 : i32
      %get3A_3483 = arith.index_cast %add3A_3482 : i32 to index
      %get3A_3484 = arith.constant 0 : index
      %get3A_3485 = tpu.vector_load %arg11[%get3A_3483, %get3A_3484] {strides = array<i32>} : memref<2560x32xf32, #tpu.memory_space<vmem>>, vector<1x16xf32>,
      %get3A_3486 = vector.shape_cast %get3A_3485 : vector<1x16xf32> to vector<16xf32>
      %get3A_3487 = arith.index_cast %add3A_3482 : i32 to index
      %get3A_3488 = arith.constant 16 : index
      %get3A_3489 = tpu.vector_load %arg11[%get3A_3487, %get3A_3488] {strides = array<i32>} : memref<2560x32xf32, #tpu.memory_space<vmem>>, vector<1x16xf32>,
      %get3A_3490 = vector.shape_cast %get3A_3489 : vector<1x16xf32> to vector<16xf32>
      %mul3A_3491 = arith.mulf %get3A_600, %get3A_3486 : vector<16xf32>
      %mul3A_3492 = arith.mulf %get3A_604, %get3A_3490 : vector<16xf32>
      %add3A_3493 = arith.addf %mul3A_3491, %mul3A_3492 : vector<16xf32>
      %mul3A_3494 = arith.constant 16 : i32
      %mul3A_3495 = arith.muli %scan3A_425, %mul3A_3494 : i32
      %add3A_3496 = arith.constant 15 : i32
      %add3A_3497 = arith.addi %mul3A_3495, %add3A_3496 : i32
      %mul3A_3498 = arith.constant 5 : i32
      %mul3A_3499 = arith.muli %add3A_3497, %mul3A_3498 : i32
      %add3A_3500 = arith.constant 4 : i32
      %add3A_3501 = arith.addi %mul3A_3499, %add3A_3500 : i32
      %get3A_3502 = arith.index_cast %add3A_3501 : i32 to index
      %get3A_3503 = arith.constant 0 : index
      %get3A_3504 = tpu.vector_load %arg11[%get3A_3502, %get3A_3503] {strides = array<i32>} : memref<2560x32xf32, #tpu.memory_space<vmem>>, vector<1x16xf32>,
      %get3A_3505 = vector.shape_cast %get3A_3504 : vector<1x16xf32> to vector<16xf32>
      %get3A_3506 = arith.index_cast %add3A_3501 : i32 to index
      %get3A_3507 = arith.constant 16 : index
      %get3A_3508 = tpu.vector_load %arg11[%get3A_3506, %get3A_3507] {strides = array<i32>} : memref<2560x32xf32, #tpu.memory_space<vmem>>, vector<1x16xf32>,
      %get3A_3509 = vector.shape_cast %get3A_3508 : vector<1x16xf32> to vector<16xf32>
      %mul3A_3510 = arith.mulf %get3A_612, %get3A_3505 : vector<16xf32>
      %mul3A_3511 = arith.mulf %get3A_616, %get3A_3509 : vector<16xf32>
      %add3A_3512 = arith.addf %mul3A_3510, %mul3A_3511 : vector<16xf32>
      %lt3A_3513 = arith.constant 0 : i32
      %lt3A_3514 = vector.broadcast %lt3A_3513 : i32 to vector<16xi32>
      %lt3A_3515 = arith.cmpi slt, %xor3A_388, %lt3A_3514 : vector<16xi32>
      %add3A_3516 = arith.constant 16 : i32
      %add3A_3517 = vector.broadcast %add3A_3516 : i32 to vector<16xi32>
      %add3A_3518 = arith.addi %xor3A_388, %add3A_3517 : vector<16xi32>
      %select_n3A_3519 = arith.select %lt3A_3515, %add3A_3518, %xor3A_388 : vector<16xi1>, vector<16xi32>
      %broadcast_in_dim3A_3520 = vector.shape_cast %select_n3A_3519 : vector<16xi32> to vector<16x1xi32>
      %gather3A_3521 = vector.shape_cast %broadcast_in_dim3A_3520 : vector<16x1xi32> to vector<16xi32>
      %gather3A_3522 = tpu.dynamic_gather %add3A_3227[%gather3A_3521] in [0] : vector<16xf32>, vector<16xi32> -> vector<16xf32>
      %add3A_3523 = arith.addf %add3A_3227, %gather3A_3522 : vector<16xf32>
      %lt3A_3524 = arith.constant 0 : i32
      %lt3A_3525 = vector.broadcast %lt3A_3524 : i32 to vector<16xi32>
      %lt3A_3526 = arith.cmpi slt, %xor3A_388, %lt3A_3525 : vector<16xi32>
      %add3A_3527 = arith.constant 16 : i32
      %add3A_3528 = vector.broadcast %add3A_3527 : i32 to vector<16xi32>
      %add3A_3529 = arith.addi %xor3A_388, %add3A_3528 : vector<16xi32>
      %select_n3A_3530 = arith.select %lt3A_3526, %add3A_3529, %xor3A_388 : vector<16xi1>, vector<16xi32>
      %broadcast_in_dim3A_3531 = vector.shape_cast %select_n3A_3530 : vector<16xi32> to vector<16x1xi32>
      %gather3A_3532 = vector.shape_cast %broadcast_in_dim3A_3531 : vector<16x1xi32> to vector<16xi32>
      %gather3A_3533 = tpu.dynamic_gather %add3A_3246[%gather3A_3532] in [0] : vector<16xf32>, vector<16xi32> -> vector<16xf32>
      %add3A_3534 = arith.addf %add3A_3246, %gather3A_3533 : vector<16xf32>
      %select_n3A_3535 = arith.select %eq3A_401, %add3A_3523, %add3A_3534 : vector<16xi1>, vector<16xf32>
      %lt3A_3536 = arith.constant 0 : i32
      %lt3A_3537 = vector.broadcast %lt3A_3536 : i32 to vector<16xi32>
      %lt3A_3538 = arith.cmpi slt, %xor3A_388, %lt3A_3537 : vector<16xi32>
      %add3A_3539 = arith.constant 16 : i32
      %add3A_3540 = vector.broadcast %add3A_3539 : i32 to vector<16xi32>
      %add3A_3541 = arith.addi %xor3A_388, %add3A_3540 : vector<16xi32>
      %select_n3A_3542 = arith.select %lt3A_3538, %add3A_3541, %xor3A_388 : vector<16xi1>, vector<16xi32>
      %broadcast_in_dim3A_3543 = vector.shape_cast %select_n3A_3542 : vector<16xi32> to vector<16x1xi32>
      %gather3A_3544 = vector.shape_cast %broadcast_in_dim3A_3543 : vector<16x1xi32> to vector<16xi32>
      %gather3A_3545 = tpu.dynamic_gather %add3A_3265[%gather3A_3544] in [0] : vector<16xf32>, vector<16xi32> -> vector<16xf32>
      %add3A_3546 = arith.addf %add3A_3265, %gather3A_3545 : vector<16xf32>
      %lt3A_3547 = arith.constant 0 : i32
      %lt3A_3548 = vector.broadcast %lt3A_3547 : i32 to vector<16xi32>
      %lt3A_3549 = arith.cmpi slt, %xor3A_388, %lt3A_3548 : vector<16xi32>
      %add3A_3550 = arith.constant 16 : i32
      %add3A_3551 = vector.broadcast %add3A_3550 : i32 to vector<16xi32>
      %add3A_3552 = arith.addi %xor3A_388, %add3A_3551 : vector<16xi32>
      %select_n3A_3553 = arith.select %lt3A_3549, %add3A_3552, %xor3A_388 : vector<16xi1>, vector<16xi32>
      %broadcast_in_dim3A_3554 = vector.shape_cast %select_n3A_3553 : vector<16xi32> to vector<16x1xi32>
      %gather3A_3555 = vector.shape_cast %broadcast_in_dim3A_3554 : vector<16x1xi32> to vector<16xi32>
      %gather3A_3556 = tpu.dynamic_gather %add3A_3284[%gather3A_3555] in [0] : vector<16xf32>, vector<16xi32> -> vector<16xf32>
      %add3A_3557 = arith.addf %add3A_3284, %gather3A_3556 : vector<16xf32>
      %select_n3A_3558 = arith.select %eq3A_401, %add3A_3546, %add3A_3557 : vector<16xi1>, vector<16xf32>
      %lt3A_3559 = arith.constant 0 : i32
      %lt3A_3560 = vector.broadcast %lt3A_3559 : i32 to vector<16xi32>
      %lt3A_3561 = arith.cmpi slt, %xor3A_388, %lt3A_3560 : vector<16xi32>
      %add3A_3562 = arith.constant 16 : i32
      %add3A_3563 = vector.broadcast %add3A_3562 : i32 to vector<16xi32>
      %add3A_3564 = arith.addi %xor3A_388, %add3A_3563 : vector<16xi32>
      %select_n3A_3565 = arith.select %lt3A_3561, %add3A_3564, %xor3A_388 : vector<16xi1>, vector<16xi32>
      %broadcast_in_dim3A_3566 = vector.shape_cast %select_n3A_3565 : vector<16xi32> to vector<16x1xi32>
      %gather3A_3567 = vector.shape_cast %broadcast_in_dim3A_3566 : vector<16x1xi32> to vector<16xi32>
      %gather3A_3568 = tpu.dynamic_gather %add3A_3303[%gather3A_3567] in [0] : vector<16xf32>, vector<16xi32> -> vector<16xf32>
      %add3A_3569 = arith.addf %add3A_3303, %gather3A_3568 : vector<16xf32>
      %lt3A_3570 = arith.constant 0 : i32
      %lt3A_3571 = vector.broadcast %lt3A_3570 : i32 to vector<16xi32>
      %lt3A_3572 = arith.cmpi slt, %xor3A_388, %lt3A_3571 : vector<16xi32>
      %add3A_3573 = arith.constant 16 : i32
      %add3A_3574 = vector.broadcast %add3A_3573 : i32 to vector<16xi32>
      %add3A_3575 = arith.addi %xor3A_388, %add3A_3574 : vector<16xi32>
      %select_n3A_3576 = arith.select %lt3A_3572, %add3A_3575, %xor3A_388 : vector<16xi1>, vector<16xi32>
      %broadcast_in_dim3A_3577 = vector.shape_cast %select_n3A_3576 : vector<16xi32> to vector<16x1xi32>
      %gather3A_3578 = vector.shape_cast %broadcast_in_dim3A_3577 : vector<16x1xi32> to vector<16xi32>
      %gather3A_3579 = tpu.dynamic_gather %add3A_3322[%gather3A_3578] in [0] : vector<16xf32>, vector<16xi32> -> vector<16xf32>
      %add3A_3580 = arith.addf %add3A_3322, %gather3A_3579 : vector<16xf32>
      %select_n3A_3581 = arith.select %eq3A_401, %add3A_3569, %add3A_3580 : vector<16xi1>, vector<16xf32>
      %lt3A_3582 = arith.constant 0 : i32
      %lt3A_3583 = vector.broadcast %lt3A_3582 : i32 to vector<16xi32>
      %lt3A_3584 = arith.cmpi slt, %xor3A_388, %lt3A_3583 : vector<16xi32>
      %add3A_3585 = arith.constant 16 : i32
      %add3A_3586 = vector.broadcast %add3A_3585 : i32 to vector<16xi32>
      %add3A_3587 = arith.addi %xor3A_388, %add3A_3586 : vector<16xi32>
      %select_n3A_3588 = arith.select %lt3A_3584, %add3A_3587, %xor3A_388 : vector<16xi1>, vector<16xi32>
      %broadcast_in_dim3A_3589 = vector.shape_cast %select_n3A_3588 : vector<16xi32> to vector<16x1xi32>
      %gather3A_3590 = vector.shape_cast %broadcast_in_dim3A_3589 : vector<16x1xi32> to vector<16xi32>
      %gather3A_3591 = tpu.dynamic_gather %add3A_3341[%gather3A_3590] in [0] : vector<16xf32>, vector<16xi32> -> vector<16xf32>
      %add3A_3592 = arith.addf %add3A_3341, %gather3A_3591 : vector<16xf32>
      %lt3A_3593 = arith.constant 0 : i32
      %lt3A_3594 = vector.broadcast %lt3A_3593 : i32 to vector<16xi32>
      %lt3A_3595 = arith.cmpi slt, %xor3A_388, %lt3A_3594 : vector<16xi32>
      %add3A_3596 = arith.constant 16 : i32
      %add3A_3597 = vector.broadcast %add3A_3596 : i32 to vector<16xi32>
      %add3A_3598 = arith.addi %xor3A_388, %add3A_3597 : vector<16xi32>
      %select_n3A_3599 = arith.select %lt3A_3595, %add3A_3598, %xor3A_388 : vector<16xi1>, vector<16xi32>
      %broadcast_in_dim3A_3600 = vector.shape_cast %select_n3A_3599 : vector<16xi32> to vector<16x1xi32>
      %gather3A_3601 = vector.shape_cast %broadcast_in_dim3A_3600 : vector<16x1xi32> to vector<16xi32>
      %gather3A_3602 = tpu.dynamic_gather %add3A_3360[%gather3A_3601] in [0] : vector<16xf32>, vector<16xi32> -> vector<16xf32>
      %add3A_3603 = arith.addf %add3A_3360, %gather3A_3602 : vector<16xf32>
      %select_n3A_3604 = arith.select %eq3A_401, %add3A_3592, %add3A_3603 : vector<16xi1>, vector<16xf32>
      %lt3A_3605 = arith.constant 0 : i32
      %lt3A_3606 = vector.broadcast %lt3A_3605 : i32 to vector<16xi32>
      %lt3A_3607 = arith.cmpi slt, %xor3A_388, %lt3A_3606 : vector<16xi32>
      %add3A_3608 = arith.constant 16 : i32
      %add3A_3609 = vector.broadcast %add3A_3608 : i32 to vector<16xi32>
      %add3A_3610 = arith.addi %xor3A_388, %add3A_3609 : vector<16xi32>
      %select_n3A_3611 = arith.select %lt3A_3607, %add3A_3610, %xor3A_388 : vector<16xi1>, vector<16xi32>
      %broadcast_in_dim3A_3612 = vector.shape_cast %select_n3A_3611 : vector<16xi32> to vector<16x1xi32>
      %gather3A_3613 = vector.shape_cast %broadcast_in_dim3A_3612 : vector<16x1xi32> to vector<16xi32>
      %gather3A_3614 = tpu.dynamic_gather %add3A_3379[%gather3A_3613] in [0] : vector<16xf32>, vector<16xi32> -> vector<16xf32>
      %add3A_3615 = arith.addf %add3A_3379, %gather3A_3614 : vector<16xf32>
      %lt3A_3616 = arith.constant 0 : i32
      %lt3A_3617 = vector.broadcast %lt3A_3616 : i32 to vector<16xi32>
      %lt3A_3618 = arith.cmpi slt, %xor3A_388, %lt3A_3617 : vector<16xi32>
      %add3A_3619 = arith.constant 16 : i32
      %add3A_3620 = vector.broadcast %add3A_3619 : i32 to vector<16xi32>
      %add3A_3621 = arith.addi %xor3A_388, %add3A_3620 : vector<16xi32>
      %select_n3A_3622 = arith.select %lt3A_3618, %add3A_3621, %xor3A_388 : vector<16xi1>, vector<16xi32>
      %broadcast_in_dim3A_3623 = vector.shape_cast %select_n3A_3622 : vector<16xi32> to vector<16x1xi32>
      %gather3A_3624 = vector.shape_cast %broadcast_in_dim3A_3623 : vector<16x1xi32> to vector<16xi32>
      %gather3A_3625 = tpu.dynamic_gather %add3A_3398[%gather3A_3624] in [0] : vector<16xf32>, vector<16xi32> -> vector<16xf32>
      %add3A_3626 = arith.addf %add3A_3398, %gather3A_3625 : vector<16xf32>
      %select_n3A_3627 = arith.select %eq3A_401, %add3A_3615, %add3A_3626 : vector<16xi1>, vector<16xf32>
      %lt3A_3628 = arith.constant 0 : i32
      %lt3A_3629 = vector.broadcast %lt3A_3628 : i32 to vector<16xi32>
      %lt3A_3630 = arith.cmpi slt, %xor3A_388, %lt3A_3629 : vector<16xi32>
      %add3A_3631 = arith.constant 16 : i32
      %add3A_3632 = vector.broadcast %add3A_3631 : i32 to vector<16xi32>
      %add3A_3633 = arith.addi %xor3A_388, %add3A_3632 : vector<16xi32>
      %select_n3A_3634 = arith.select %lt3A_3630, %add3A_3633, %xor3A_388 : vector<16xi1>, vector<16xi32>
      %broadcast_in_dim3A_3635 = vector.shape_cast %select_n3A_3634 : vector<16xi32> to vector<16x1xi32>
      %gather3A_3636 = vector.shape_cast %broadcast_in_dim3A_3635 : vector<16x1xi32> to vector<16xi32>
      %gather3A_3637 = tpu.dynamic_gather %add3A_3417[%gather3A_3636] in [0] : vector<16xf32>, vector<16xi32> -> vector<16xf32>
      %add3A_3638 = arith.addf %add3A_3417, %gather3A_3637 : vector<16xf32>
      %lt3A_3639 = arith.constant 0 : i32
      %lt3A_3640 = vector.broadcast %lt3A_3639 : i32 to vector<16xi32>
      %lt3A_3641 = arith.cmpi slt, %xor3A_388, %lt3A_3640 : vector<16xi32>
      %add3A_3642 = arith.constant 16 : i32
      %add3A_3643 = vector.broadcast %add3A_3642 : i32 to vector<16xi32>
      %add3A_3644 = arith.addi %xor3A_388, %add3A_3643 : vector<16xi32>
      %select_n3A_3645 = arith.select %lt3A_3641, %add3A_3644, %xor3A_388 : vector<16xi1>, vector<16xi32>
      %broadcast_in_dim3A_3646 = vector.shape_cast %select_n3A_3645 : vector<16xi32> to vector<16x1xi32>
      %gather3A_3647 = vector.shape_cast %broadcast_in_dim3A_3646 : vector<16x1xi32> to vector<16xi32>
      %gather3A_3648 = tpu.dynamic_gather %add3A_3436[%gather3A_3647] in [0] : vector<16xf32>, vector<16xi32> -> vector<16xf32>
      %add3A_3649 = arith.addf %add3A_3436, %gather3A_3648 : vector<16xf32>
      %select_n3A_3650 = arith.select %eq3A_401, %add3A_3638, %add3A_3649 : vector<16xi1>, vector<16xf32>
      %lt3A_3651 = arith.constant 0 : i32
      %lt3A_3652 = vector.broadcast %lt3A_3651 : i32 to vector<16xi32>
      %lt3A_3653 = arith.cmpi slt, %xor3A_388, %lt3A_3652 : vector<16xi32>
      %add3A_3654 = arith.constant 16 : i32
      %add3A_3655 = vector.broadcast %add3A_3654 : i32 to vector<16xi32>
      %add3A_3656 = arith.addi %xor3A_388, %add3A_3655 : vector<16xi32>
      %select_n3A_3657 = arith.select %lt3A_3653, %add3A_3656, %xor3A_388 : vector<16xi1>, vector<16xi32>
      %broadcast_in_dim3A_3658 = vector.shape_cast %select_n3A_3657 : vector<16xi32> to vector<16x1xi32>
      %gather3A_3659 = vector.shape_cast %broadcast_in_dim3A_3658 : vector<16x1xi32> to vector<16xi32>
      %gather3A_3660 = tpu.dynamic_gather %add3A_3455[%gather3A_3659] in [0] : vector<16xf32>, vector<16xi32> -> vector<16xf32>
      %add3A_3661 = arith.addf %add3A_3455, %gather3A_3660 : vector<16xf32>
      %lt3A_3662 = arith.constant 0 : i32
      %lt3A_3663 = vector.broadcast %lt3A_3662 : i32 to vector<16xi32>
      %lt3A_3664 = arith.cmpi slt, %xor3A_388, %lt3A_3663 : vector<16xi32>
      %add3A_3665 = arith.constant 16 : i32
      %add3A_3666 = vector.broadcast %add3A_3665 : i32 to vector<16xi32>
      %add3A_3667 = arith.addi %xor3A_388, %add3A_3666 : vector<16xi32>
      %select_n3A_3668 = arith.select %lt3A_3664, %add3A_3667, %xor3A_388 : vector<16xi1>, vector<16xi32>
      %broadcast_in_dim3A_3669 = vector.shape_cast %select_n3A_3668 : vector<16xi32> to vector<16x1xi32>
      %gather3A_3670 = vector.shape_cast %broadcast_in_dim3A_3669 : vector<16x1xi32> to vector<16xi32>
      %gather3A_3671 = tpu.dynamic_gather %add3A_3474[%gather3A_3670] in [0] : vector<16xf32>, vector<16xi32> -> vector<16xf32>
      %add3A_3672 = arith.addf %add3A_3474, %gather3A_3671 : vector<16xf32>
      %select_n3A_3673 = arith.select %eq3A_401, %add3A_3661, %add3A_3672 : vector<16xi1>, vector<16xf32>
      %lt3A_3674 = arith.constant 0 : i32
      %lt3A_3675 = vector.broadcast %lt3A_3674 : i32 to vector<16xi32>
      %lt3A_3676 = arith.cmpi slt, %xor3A_388, %lt3A_3675 : vector<16xi32>
      %add3A_3677 = arith.constant 16 : i32
      %add3A_3678 = vector.broadcast %add3A_3677 : i32 to vector<16xi32>
      %add3A_3679 = arith.addi %xor3A_388, %add3A_3678 : vector<16xi32>
      %select_n3A_3680 = arith.select %lt3A_3676, %add3A_3679, %xor3A_388 : vector<16xi1>, vector<16xi32>
      %broadcast_in_dim3A_3681 = vector.shape_cast %select_n3A_3680 : vector<16xi32> to vector<16x1xi32>
      %gather3A_3682 = vector.shape_cast %broadcast_in_dim3A_3681 : vector<16x1xi32> to vector<16xi32>
      %gather3A_3683 = tpu.dynamic_gather %add3A_3493[%gather3A_3682] in [0] : vector<16xf32>, vector<16xi32> -> vector<16xf32>
      %add3A_3684 = arith.addf %add3A_3493, %gather3A_3683 : vector<16xf32>
      %lt3A_3685 = arith.constant 0 : i32
      %lt3A_3686 = vector.broadcast %lt3A_3685 : i32 to vector<16xi32>
      %lt3A_3687 = arith.cmpi slt, %xor3A_388, %lt3A_3686 : vector<16xi32>
      %add3A_3688 = arith.constant 16 : i32
      %add3A_3689 = vector.broadcast %add3A_3688 : i32 to vector<16xi32>
      %add3A_3690 = arith.addi %xor3A_388, %add3A_3689 : vector<16xi32>
      %select_n3A_3691 = arith.select %lt3A_3687, %add3A_3690, %xor3A_388 : vector<16xi1>, vector<16xi32>
      %broadcast_in_dim3A_3692 = vector.shape_cast %select_n3A_3691 : vector<16xi32> to vector<16x1xi32>
      %gather3A_3693 = vector.shape_cast %broadcast_in_dim3A_3692 : vector<16x1xi32> to vector<16xi32>
      %gather3A_3694 = tpu.dynamic_gather %add3A_3512[%gather3A_3693] in [0] : vector<16xf32>, vector<16xi32> -> vector<16xf32>
      %add3A_3695 = arith.addf %add3A_3512, %gather3A_3694 : vector<16xf32>
      %select_n3A_3696 = arith.select %eq3A_401, %add3A_3684, %add3A_3695 : vector<16xi1>, vector<16xf32>
      %lt3A_3697 = arith.constant 0 : i32
      %lt3A_3698 = vector.broadcast %lt3A_3697 : i32 to vector<16xi32>
      %lt3A_3699 = arith.cmpi slt, %xor3A_391, %lt3A_3698 : vector<16xi32>
      %add3A_3700 = arith.constant 16 : i32
      %add3A_3701 = vector.broadcast %add3A_3700 : i32 to vector<16xi32>
      %add3A_3702 = arith.addi %xor3A_391, %add3A_3701 : vector<16xi32>
      %select_n3A_3703 = arith.select %lt3A_3699, %add3A_3702, %xor3A_391 : vector<16xi1>, vector<16xi32>
      %broadcast_in_dim3A_3704 = vector.shape_cast %select_n3A_3703 : vector<16xi32> to vector<16x1xi32>
      %gather3A_3705 = vector.shape_cast %broadcast_in_dim3A_3704 : vector<16x1xi32> to vector<16xi32>
      %gather3A_3706 = tpu.dynamic_gather %select_n3A_3535[%gather3A_3705] in [0] : vector<16xf32>, vector<16xi32> -> vector<16xf32>
      %add3A_3707 = arith.addf %select_n3A_3535, %gather3A_3706 : vector<16xf32>
      %lt3A_3708 = arith.constant 0 : i32
      %lt3A_3709 = vector.broadcast %lt3A_3708 : i32 to vector<16xi32>
      %lt3A_3710 = arith.cmpi slt, %xor3A_391, %lt3A_3709 : vector<16xi32>
      %add3A_3711 = arith.constant 16 : i32
      %add3A_3712 = vector.broadcast %add3A_3711 : i32 to vector<16xi32>
      %add3A_3713 = arith.addi %xor3A_391, %add3A_3712 : vector<16xi32>
      %select_n3A_3714 = arith.select %lt3A_3710, %add3A_3713, %xor3A_391 : vector<16xi1>, vector<16xi32>
      %broadcast_in_dim3A_3715 = vector.shape_cast %select_n3A_3714 : vector<16xi32> to vector<16x1xi32>
      %gather3A_3716 = vector.shape_cast %broadcast_in_dim3A_3715 : vector<16x1xi32> to vector<16xi32>
      %gather3A_3717 = tpu.dynamic_gather %select_n3A_3558[%gather3A_3716] in [0] : vector<16xf32>, vector<16xi32> -> vector<16xf32>
      %add3A_3718 = arith.addf %select_n3A_3558, %gather3A_3717 : vector<16xf32>
      %select_n3A_3719 = arith.select %eq3A_407, %add3A_3707, %add3A_3718 : vector<16xi1>, vector<16xf32>
      %lt3A_3720 = arith.constant 0 : i32
      %lt3A_3721 = vector.broadcast %lt3A_3720 : i32 to vector<16xi32>
      %lt3A_3722 = arith.cmpi slt, %xor3A_391, %lt3A_3721 : vector<16xi32>
      %add3A_3723 = arith.constant 16 : i32
      %add3A_3724 = vector.broadcast %add3A_3723 : i32 to vector<16xi32>
      %add3A_3725 = arith.addi %xor3A_391, %add3A_3724 : vector<16xi32>
      %select_n3A_3726 = arith.select %lt3A_3722, %add3A_3725, %xor3A_391 : vector<16xi1>, vector<16xi32>
      %broadcast_in_dim3A_3727 = vector.shape_cast %select_n3A_3726 : vector<16xi32> to vector<16x1xi32>
      %gather3A_3728 = vector.shape_cast %broadcast_in_dim3A_3727 : vector<16x1xi32> to vector<16xi32>
      %gather3A_3729 = tpu.dynamic_gather %select_n3A_3581[%gather3A_3728] in [0] : vector<16xf32>, vector<16xi32> -> vector<16xf32>
      %add3A_3730 = arith.addf %select_n3A_3581, %gather3A_3729 : vector<16xf32>
      %lt3A_3731 = arith.constant 0 : i32
      %lt3A_3732 = vector.broadcast %lt3A_3731 : i32 to vector<16xi32>
      %lt3A_3733 = arith.cmpi slt, %xor3A_391, %lt3A_3732 : vector<16xi32>
      %add3A_3734 = arith.constant 16 : i32
      %add3A_3735 = vector.broadcast %add3A_3734 : i32 to vector<16xi32>
      %add3A_3736 = arith.addi %xor3A_391, %add3A_3735 : vector<16xi32>
      %select_n3A_3737 = arith.select %lt3A_3733, %add3A_3736, %xor3A_391 : vector<16xi1>, vector<16xi32>
      %broadcast_in_dim3A_3738 = vector.shape_cast %select_n3A_3737 : vector<16xi32> to vector<16x1xi32>
      %gather3A_3739 = vector.shape_cast %broadcast_in_dim3A_3738 : vector<16x1xi32> to vector<16xi32>
      %gather3A_3740 = tpu.dynamic_gather %select_n3A_3604[%gather3A_3739] in [0] : vector<16xf32>, vector<16xi32> -> vector<16xf32>
      %add3A_3741 = arith.addf %select_n3A_3604, %gather3A_3740 : vector<16xf32>
      %select_n3A_3742 = arith.select %eq3A_407, %add3A_3730, %add3A_3741 : vector<16xi1>, vector<16xf32>
      %lt3A_3743 = arith.constant 0 : i32
      %lt3A_3744 = vector.broadcast %lt3A_3743 : i32 to vector<16xi32>
      %lt3A_3745 = arith.cmpi slt, %xor3A_391, %lt3A_3744 : vector<16xi32>
      %add3A_3746 = arith.constant 16 : i32
      %add3A_3747 = vector.broadcast %add3A_3746 : i32 to vector<16xi32>
      %add3A_3748 = arith.addi %xor3A_391, %add3A_3747 : vector<16xi32>
      %select_n3A_3749 = arith.select %lt3A_3745, %add3A_3748, %xor3A_391 : vector<16xi1>, vector<16xi32>
      %broadcast_in_dim3A_3750 = vector.shape_cast %select_n3A_3749 : vector<16xi32> to vector<16x1xi32>
      %gather3A_3751 = vector.shape_cast %broadcast_in_dim3A_3750 : vector<16x1xi32> to vector<16xi32>
      %gather3A_3752 = tpu.dynamic_gather %select_n3A_3627[%gather3A_3751] in [0] : vector<16xf32>, vector<16xi32> -> vector<16xf32>
      %add3A_3753 = arith.addf %select_n3A_3627, %gather3A_3752 : vector<16xf32>
      %lt3A_3754 = arith.constant 0 : i32
      %lt3A_3755 = vector.broadcast %lt3A_3754 : i32 to vector<16xi32>
      %lt3A_3756 = arith.cmpi slt, %xor3A_391, %lt3A_3755 : vector<16xi32>
      %add3A_3757 = arith.constant 16 : i32
      %add3A_3758 = vector.broadcast %add3A_3757 : i32 to vector<16xi32>
      %add3A_3759 = arith.addi %xor3A_391, %add3A_3758 : vector<16xi32>
      %select_n3A_3760 = arith.select %lt3A_3756, %add3A_3759, %xor3A_391 : vector<16xi1>, vector<16xi32>
      %broadcast_in_dim3A_3761 = vector.shape_cast %select_n3A_3760 : vector<16xi32> to vector<16x1xi32>
      %gather3A_3762 = vector.shape_cast %broadcast_in_dim3A_3761 : vector<16x1xi32> to vector<16xi32>
      %gather3A_3763 = tpu.dynamic_gather %select_n3A_3650[%gather3A_3762] in [0] : vector<16xf32>, vector<16xi32> -> vector<16xf32>
      %add3A_3764 = arith.addf %select_n3A_3650, %gather3A_3763 : vector<16xf32>
      %select_n3A_3765 = arith.select %eq3A_407, %add3A_3753, %add3A_3764 : vector<16xi1>, vector<16xf32>
      %lt3A_3766 = arith.constant 0 : i32
      %lt3A_3767 = vector.broadcast %lt3A_3766 : i32 to vector<16xi32>
      %lt3A_3768 = arith.cmpi slt, %xor3A_391, %lt3A_3767 : vector<16xi32>
      %add3A_3769 = arith.constant 16 : i32
      %add3A_3770 = vector.broadcast %add3A_3769 : i32 to vector<16xi32>
      %add3A_3771 = arith.addi %xor3A_391, %add3A_3770 : vector<16xi32>
      %select_n3A_3772 = arith.select %lt3A_3768, %add3A_3771, %xor3A_391 : vector<16xi1>, vector<16xi32>
      %broadcast_in_dim3A_3773 = vector.shape_cast %select_n3A_3772 : vector<16xi32> to vector<16x1xi32>
      %gather3A_3774 = vector.shape_cast %broadcast_in_dim3A_3773 : vector<16x1xi32> to vector<16xi32>
      %gather3A_3775 = tpu.dynamic_gather %select_n3A_3673[%gather3A_3774] in [0] : vector<16xf32>, vector<16xi32> -> vector<16xf32>
      %add3A_3776 = arith.addf %select_n3A_3673, %gather3A_3775 : vector<16xf32>
      %lt3A_3777 = arith.constant 0 : i32
      %lt3A_3778 = vector.broadcast %lt3A_3777 : i32 to vector<16xi32>
      %lt3A_3779 = arith.cmpi slt, %xor3A_391, %lt3A_3778 : vector<16xi32>
      %add3A_3780 = arith.constant 16 : i32
      %add3A_3781 = vector.broadcast %add3A_3780 : i32 to vector<16xi32>
      %add3A_3782 = arith.addi %xor3A_391, %add3A_3781 : vector<16xi32>
      %select_n3A_3783 = arith.select %lt3A_3779, %add3A_3782, %xor3A_391 : vector<16xi1>, vector<16xi32>
      %broadcast_in_dim3A_3784 = vector.shape_cast %select_n3A_3783 : vector<16xi32> to vector<16x1xi32>
      %gather3A_3785 = vector.shape_cast %broadcast_in_dim3A_3784 : vector<16x1xi32> to vector<16xi32>
      %gather3A_3786 = tpu.dynamic_gather %select_n3A_3696[%gather3A_3785] in [0] : vector<16xf32>, vector<16xi32> -> vector<16xf32>
      %add3A_3787 = arith.addf %select_n3A_3696, %gather3A_3786 : vector<16xf32>
      %select_n3A_3788 = arith.select %eq3A_407, %add3A_3776, %add3A_3787 : vector<16xi1>, vector<16xf32>
      %lt3A_3789 = arith.constant 0 : i32
      %lt3A_3790 = vector.broadcast %lt3A_3789 : i32 to vector<16xi32>
      %lt3A_3791 = arith.cmpi slt, %xor3A_394, %lt3A_3790 : vector<16xi32>
      %add3A_3792 = arith.constant 16 : i32
      %add3A_3793 = vector.broadcast %add3A_3792 : i32 to vector<16xi32>
      %add3A_3794 = arith.addi %xor3A_394, %add3A_3793 : vector<16xi32>
      %select_n3A_3795 = arith.select %lt3A_3791, %add3A_3794, %xor3A_394 : vector<16xi1>, vector<16xi32>
      %broadcast_in_dim3A_3796 = vector.shape_cast %select_n3A_3795 : vector<16xi32> to vector<16x1xi32>
      %gather3A_3797 = vector.shape_cast %broadcast_in_dim3A_3796 : vector<16x1xi32> to vector<16xi32>
      %gather3A_3798 = tpu.dynamic_gather %select_n3A_3719[%gather3A_3797] in [0] : vector<16xf32>, vector<16xi32> -> vector<16xf32>
      %add3A_3799 = arith.addf %select_n3A_3719, %gather3A_3798 : vector<16xf32>
      %lt3A_3800 = arith.constant 0 : i32
      %lt3A_3801 = vector.broadcast %lt3A_3800 : i32 to vector<16xi32>
      %lt3A_3802 = arith.cmpi slt, %xor3A_394, %lt3A_3801 : vector<16xi32>
      %add3A_3803 = arith.constant 16 : i32
      %add3A_3804 = vector.broadcast %add3A_3803 : i32 to vector<16xi32>
      %add3A_3805 = arith.addi %xor3A_394, %add3A_3804 : vector<16xi32>
      %select_n3A_3806 = arith.select %lt3A_3802, %add3A_3805, %xor3A_394 : vector<16xi1>, vector<16xi32>
      %broadcast_in_dim3A_3807 = vector.shape_cast %select_n3A_3806 : vector<16xi32> to vector<16x1xi32>
      %gather3A_3808 = vector.shape_cast %broadcast_in_dim3A_3807 : vector<16x1xi32> to vector<16xi32>
      %gather3A_3809 = tpu.dynamic_gather %select_n3A_3742[%gather3A_3808] in [0] : vector<16xf32>, vector<16xi32> -> vector<16xf32>
      %add3A_3810 = arith.addf %select_n3A_3742, %gather3A_3809 : vector<16xf32>
      %select_n3A_3811 = arith.select %eq3A_413, %add3A_3799, %add3A_3810 : vector<16xi1>, vector<16xf32>
      %lt3A_3812 = arith.constant 0 : i32
      %lt3A_3813 = vector.broadcast %lt3A_3812 : i32 to vector<16xi32>
      %lt3A_3814 = arith.cmpi slt, %xor3A_394, %lt3A_3813 : vector<16xi32>
      %add3A_3815 = arith.constant 16 : i32
      %add3A_3816 = vector.broadcast %add3A_3815 : i32 to vector<16xi32>
      %add3A_3817 = arith.addi %xor3A_394, %add3A_3816 : vector<16xi32>
      %select_n3A_3818 = arith.select %lt3A_3814, %add3A_3817, %xor3A_394 : vector<16xi1>, vector<16xi32>
      %broadcast_in_dim3A_3819 = vector.shape_cast %select_n3A_3818 : vector<16xi32> to vector<16x1xi32>
      %gather3A_3820 = vector.shape_cast %broadcast_in_dim3A_3819 : vector<16x1xi32> to vector<16xi32>
      %gather3A_3821 = tpu.dynamic_gather %select_n3A_3765[%gather3A_3820] in [0] : vector<16xf32>, vector<16xi32> -> vector<16xf32>
      %add3A_3822 = arith.addf %select_n3A_3765, %gather3A_3821 : vector<16xf32>
      %lt3A_3823 = arith.constant 0 : i32
      %lt3A_3824 = vector.broadcast %lt3A_3823 : i32 to vector<16xi32>
      %lt3A_3825 = arith.cmpi slt, %xor3A_394, %lt3A_3824 : vector<16xi32>
      %add3A_3826 = arith.constant 16 : i32
      %add3A_3827 = vector.broadcast %add3A_3826 : i32 to vector<16xi32>
      %add3A_3828 = arith.addi %xor3A_394, %add3A_3827 : vector<16xi32>
      %select_n3A_3829 = arith.select %lt3A_3825, %add3A_3828, %xor3A_394 : vector<16xi1>, vector<16xi32>
      %broadcast_in_dim3A_3830 = vector.shape_cast %select_n3A_3829 : vector<16xi32> to vector<16x1xi32>
      %gather3A_3831 = vector.shape_cast %broadcast_in_dim3A_3830 : vector<16x1xi32> to vector<16xi32>
      %gather3A_3832 = tpu.dynamic_gather %select_n3A_3788[%gather3A_3831] in [0] : vector<16xf32>, vector<16xi32> -> vector<16xf32>
      %add3A_3833 = arith.addf %select_n3A_3788, %gather3A_3832 : vector<16xf32>
      %select_n3A_3834 = arith.select %eq3A_413, %add3A_3822, %add3A_3833 : vector<16xi1>, vector<16xf32>
      %lt3A_3835 = arith.constant 0 : i32
      %lt3A_3836 = vector.broadcast %lt3A_3835 : i32 to vector<16xi32>
      %lt3A_3837 = arith.cmpi slt, %xor3A_397, %lt3A_3836 : vector<16xi32>
      %add3A_3838 = arith.constant 16 : i32
      %add3A_3839 = vector.broadcast %add3A_3838 : i32 to vector<16xi32>
      %add3A_3840 = arith.addi %xor3A_397, %add3A_3839 : vector<16xi32>
      %select_n3A_3841 = arith.select %lt3A_3837, %add3A_3840, %xor3A_397 : vector<16xi1>, vector<16xi32>
      %broadcast_in_dim3A_3842 = vector.shape_cast %select_n3A_3841 : vector<16xi32> to vector<16x1xi32>
      %gather3A_3843 = vector.shape_cast %broadcast_in_dim3A_3842 : vector<16x1xi32> to vector<16xi32>
      %gather3A_3844 = tpu.dynamic_gather %select_n3A_3811[%gather3A_3843] in [0] : vector<16xf32>, vector<16xi32> -> vector<16xf32>
      %add3A_3845 = arith.addf %select_n3A_3811, %gather3A_3844 : vector<16xf32>
      %lt3A_3846 = arith.constant 0 : i32
      %lt3A_3847 = vector.broadcast %lt3A_3846 : i32 to vector<16xi32>
      %lt3A_3848 = arith.cmpi slt, %xor3A_397, %lt3A_3847 : vector<16xi32>
      %add3A_3849 = arith.constant 16 : i32
      %add3A_3850 = vector.broadcast %add3A_3849 : i32 to vector<16xi32>
      %add3A_3851 = arith.addi %xor3A_397, %add3A_3850 : vector<16xi32>
      %select_n3A_3852 = arith.select %lt3A_3848, %add3A_3851, %xor3A_397 : vector<16xi1>, vector<16xi32>
      %broadcast_in_dim3A_3853 = vector.shape_cast %select_n3A_3852 : vector<16xi32> to vector<16x1xi32>
      %gather3A_3854 = vector.shape_cast %broadcast_in_dim3A_3853 : vector<16x1xi32> to vector<16xi32>
      %gather3A_3855 = tpu.dynamic_gather %select_n3A_3834[%gather3A_3854] in [0] : vector<16xf32>, vector<16xi32> -> vector<16xf32>
      %add3A_3856 = arith.addf %select_n3A_3834, %gather3A_3855 : vector<16xf32>
      %select_n3A_3857 = arith.select %eq3A_419, %add3A_3845, %add3A_3856 : vector<16xi1>, vector<16xf32>
      %exp3A = math.exp %select_n3A_1261 : vector<16xf32>
      %exp3A_3858 = math.exp %select_n3A_1910 : vector<16xf32>
      %add3A_3859 = arith.addf %exp3A, %exp3A_3858 : vector<16xf32>
      %exp3A_3860 = math.exp %select_n3A_2559 : vector<16xf32>
      %add3A_3861 = arith.addf %add3A_3859, %exp3A_3860 : vector<16xf32>
      %exp3A_3862 = math.exp %select_n3A_3208 : vector<16xf32>
      %add3A_3863 = arith.addf %add3A_3861, %exp3A_3862 : vector<16xf32>
      %exp3A_3864 = math.exp %select_n3A_3857 : vector<16xf32>
      %add3A_3865 = arith.addf %add3A_3863, %exp3A_3864 : vector<16xf32>
      %mul3A_3866 = arith.constant 16 : i32
      %mul3A_3867 = arith.muli %scan3A_425, %mul3A_3866 : i32
      %swap3A = arith.index_cast %mul3A_3867 : i32 to index
      %swap3A_3868 = tpu.vector_load %arg12[%swap3A] {strides = array<i32>} : memref<512xf32, #tpu.memory_space<vmem>>, vector<16xf32>,
      %swap3A_3869 = vector.shape_cast %swap3A_3868 : vector<16xf32> to vector<16xf32>
      %swap3A_3870 = vector.shape_cast %add3A_3865 : vector<16xf32> to vector<16xf32>
      tpu.vector_store %arg12[%swap3A], %swap3A_3870 {strides = array<i32>} : memref<512xf32, #tpu.memory_space<vmem>>, vector<16xf32>,
      %mul3A_3871 = arith.constant 16 : i32
      %mul3A_3872 = arith.muli %scan3A_425, %mul3A_3871 : i32
      %swap3A_3873 = arith.index_cast %mul3A_3872 : i32 to index
      %swap3A_3874 = tpu.vector_load %arg13[%swap3A_3873] {strides = array<i32>} : memref<512xf32, #tpu.memory_space<vmem>>, vector<16xf32>,
      %swap3A_3875 = vector.shape_cast %swap3A_3874 : vector<16xf32> to vector<16xf32>
      %swap3A_3876 = vector.shape_cast %select_n3A_1261 : vector<16xf32> to vector<16xf32>
      tpu.vector_store %arg13[%swap3A_3873], %swap3A_3876 {strides = array<i32>} : memref<512xf32, #tpu.memory_space<vmem>>, vector<16xf32>,
    }
    %scan3A_424 = arith.constant 32 : i32
    "tpu.region"() ({
      %run_scoped3A = tpu.sem_alloc : memref<!tpu.dma_semaphore, #tpu.memory_space<semaphore_mem>>
      %dma_start3A_425 = tpu.memref_slice %arg6[%mul3A_2] : memref<16384xf32, #tpu.memory_space<hbm>> -> memref<512xf32, #tpu.memory_space<hbm>>
      %dma_start3A_426 = tpu.memref_slice %arg6[%mul3A_2] : memref<16384xf32, #tpu.memory_space<hbm>> -> memref<512xf32, #tpu.memory_space<hbm>>
      tpu.enqueue_dma source(%arg12 : memref<512xf32, #tpu.memory_space<vmem>>) target(%dma_start3A_426 : memref<512xf32, #tpu.memory_space<hbm>>) target_semaphore(%run_scoped3A : memref<!tpu.dma_semaphore, #tpu.memory_space<semaphore_mem>>)
      %dma_wait3A_427 = tpu.memref_slice %arg6[%mul3A_2] : memref<16384xf32, #tpu.memory_space<hbm>> -> memref<512xf32, #tpu.memory_space<hbm>>
      %dma_wait3A_428 = tpu.memref_slice %arg6[%mul3A_2] : memref<16384xf32, #tpu.memory_space<hbm>> -> memref<512xf32, #tpu.memory_space<hbm>>
      tpu.wait_dma2 semaphore(%run_scoped3A : memref<!tpu.dma_semaphore, #tpu.memory_space<semaphore_mem>>) src(%arg12 : memref<512xf32, #tpu.memory_space<vmem>>) dst(%dma_wait3A_428 : memref<512xf32, #tpu.memory_space<hbm>>)
      tpu.yield
    }) : () -> ()
    "tpu.region"() ({
      %run_scoped3A = tpu.sem_alloc : memref<!tpu.dma_semaphore, #tpu.memory_space<semaphore_mem>>
      %dma_start3A_425 = tpu.memref_slice %arg7[%mul3A_2] : memref<16384xf32, #tpu.memory_space<hbm>> -> memref<512xf32, #tpu.memory_space<hbm>>
      %dma_start3A_426 = tpu.memref_slice %arg7[%mul3A_2] : memref<16384xf32, #tpu.memory_space<hbm>> -> memref<512xf32, #tpu.memory_space<hbm>>
      tpu.enqueue_dma source(%arg13 : memref<512xf32, #tpu.memory_space<vmem>>) target(%dma_start3A_426 : memref<512xf32, #tpu.memory_space<hbm>>) target_semaphore(%run_scoped3A : memref<!tpu.dma_semaphore, #tpu.memory_space<semaphore_mem>>)
      %dma_wait3A_427 = tpu.memref_slice %arg7[%mul3A_2] : memref<16384xf32, #tpu.memory_space<hbm>> -> memref<512xf32, #tpu.memory_space<hbm>>
      %dma_wait3A_428 = tpu.memref_slice %arg7[%mul3A_2] : memref<16384xf32, #tpu.memory_space<hbm>> -> memref<512xf32, #tpu.memory_space<hbm>>
      tpu.wait_dma2 semaphore(%run_scoped3A : memref<!tpu.dma_semaphore, #tpu.memory_space<semaphore_mem>>) src(%arg13 : memref<512xf32, #tpu.memory_space<vmem>>) dst(%dma_wait3A_428 : memref<512xf32, #tpu.memory_space<hbm>>)
      tpu.yield
    }) : () -> ()
    return
  }
}

module attributes {stable_mosaic.version = 14 : i64} {
  func.func @_tc_loss_body(%arg0: memref<128x128xf32, #tpu.memory_space<vmem>>, %arg1: memref<128x128xf32, #tpu.memory_space<vmem>>, %arg2: memref<1x1xf32, #tpu.memory_space<smem>>) attributes {dimension_semantics = [], scalar_prefetch = 0 : i64, scratch_operands = 0 : i64, tpu.core_type = #tpu.core_type<tc>} {
    %get3A = arith.constant 0 : index
    %get3A_0 = arith.constant 0 : index
    %get3A_1 = vector.load %arg0[%get3A, %get3A_0] : memref<128x128xf32, #tpu.memory_space<vmem>>, vector<128x128xf32>
    %log3A = math.log %get3A_1 : vector<128x128xf32>
    %reduce_sum3A = vector.shape_cast %log3A : vector<128x128xf32> to vector<1x128x128xf32>
    %reduce_sum3A_2 = arith.constant dense<0.000000e+00> : vector<1xf32>
    %reduce_sum3A_3 = vector.multi_reduction <add>, %reduce_sum3A, %reduce_sum3A_2 [1, 2] : vector<1x128x128xf32> to vector<1xf32>
    %reduce_sum3A_4 = vector.shape_cast %reduce_sum3A_3 : vector<1xf32> to vector<1x1x1xf32>
    %reduce_sum3A_5 = vector.extract %reduce_sum3A_4[0, 0, 0] : f32 from vector<1x1x1xf32>
    %get3A_6 = arith.constant 0 : index
    %get3A_7 = arith.constant 0 : index
    %get3A_8 = vector.load %arg1[%get3A_6, %get3A_7] : memref<128x128xf32, #tpu.memory_space<vmem>>, vector<128x128xf32>
    %reduce_sum3A_9 = vector.shape_cast %get3A_8 : vector<128x128xf32> to vector<1x128x128xf32>
    %reduce_sum3A_10 = arith.constant dense<0.000000e+00> : vector<1xf32>
    %reduce_sum3A_11 = vector.multi_reduction <add>, %reduce_sum3A_9, %reduce_sum3A_10 [1, 2] : vector<1x128x128xf32> to vector<1xf32>
    %reduce_sum3A_12 = vector.shape_cast %reduce_sum3A_11 : vector<1xf32> to vector<1x1x1xf32>
    %reduce_sum3A_13 = vector.extract %reduce_sum3A_12[0, 0, 0] : f32 from vector<1x1x1xf32>
    %sub3A = arith.subf %reduce_sum3A_5, %reduce_sum3A_13 : f32
    %div3A = arith.constant 1.638400e+04 : f32
    %div3A_14 = arith.divf %sub3A, %div3A : f32
    %swap3A = arith.constant 0 : index
    %swap3A_15 = arith.constant 0 : index
    %swap3A_16 = memref.load %arg2[%swap3A, %swap3A_15] : memref<1x1xf32, #tpu.memory_space<smem>>
    memref.store %div3A_14, %arg2[%swap3A, %swap3A_15] : memref<1x1xf32, #tpu.memory_space<smem>>
    return
  }
}

</mosaic_0001>

<sc_bundles>
// kernel: kernel.4.cloned.1.call-start
scs
__scs_entry_jumppad:
0x0: {  	(pc) =	sbr.rel $0x88, $3  }
0x1: {  	(tag) =	ssettag $0x0;
	lr =	simm.s32 $0x1  }
0x2: {  	[smem:$0x3F9C] =	sst lr;
	_ =	strace $0xD0000000  }
0x3: {  	_ = 	snop  }
0x4: {  	_ = 	snop  }
0x5: {  	_ = 	snop  }
0x6: {  	_ = 	snop  }
0x7: {  	_ = 	snop  }
__scs_overlays_trampoline_lowered:
0x8: {  	[smem:$0x3FAB] =	sst s0  }
0x9: {  	[smem:$0x3FAC] =	sst s1  }
0xa: {  	[smem:$0x3FAD] =	sst s2  }
0xb: {  	[smem:$0x3FAE] =	sst s3  }
0xc: {  	[smem:$0x3FAF] =	sst s4  }
0xd: {  	[smem:$0x3FB0] =	sst s5  }
0xe: {  	[smem:$0x3FB1] =	sst s6  }
0xf: {  	[smem:$0x3FB2] =	sst s7  }
0x10: {  	[smem:$0x3FB3] =	sst s8  }
0x11: {  	[smem:$0x3FB4] =	sst s9;
	s0 =	simm.s32 @!p0 $0x0  }
0x12: {  	s1 =	sld [smem:$0x3F9A];
	s0 =	simm.s32 @p0 $0x1  }
0x13: {  	[smem:$0x3FB5] =	sst s0;
	s0 =	simm.s32 @!p1 $0x0  }
0x14: {  	s2 =	sld [smem:$0x3F99];
	s0 =	simm.s32 @p1 $0x1  }
0x15: {  	[smem:$0x3FB6] =	sst s0;
	s0 =	simm.s32 @!p2 $0x0  }
0x16: {  	s3 =	sld [smem:$0x3FDB];
	s0 =	simm.s32 @p2 $0x1  }
0x17: {  	s4 =	simm.s32 $0x1BF5;
	[smem:$0x3FB8] =	sst s0  }
0x18: {  	s0 =	sld [smem:$0x3F9B];
	_ =	swait.ge [sflag:s4], $0x0  }
0x19: {  	s7 =	sld [smem:$0x3F9C]  }
0x1a: {  	s8 =	sadd.s32 $0xFFFFE003, lr  }
0x1b: {  	s9 =	sadd.s32 $0xFFFFFEF7, lr;
	s5 =	simm.s32 $0xFFFFFFFF;
	p2 =	slt.u32 s8, $0xFFFFF086  }
0x1c: {  	p1 =	slt.u32 s9, $0xF7A;
	s5 =	simm.s32 @!p2 $0x0  }
0x1d: {  	s5 =	simm.s32 @p1 $0x1;
	p0 =	seq.s32 s7, s2  }
0x1e: {  	s7 =	smul.u32 @!p0 $0xF7A, s2;
	p2 =	seq.s32 @!p0 s5, $0x0  }
0x1f: {  	s9 =	smul.u32 $0xF7A, s1;
	s8 =	simm.s32 @!p0 $0x1BF5;
	p2 =	por !p2, p0  }
0x20: {  	[sflag:s8] =	ssyncset.s32 @!p0 $0xFFFFF086;
	s6 =	sadd.s32 @!p0 s3, s7;
	s7 =	simm.s32 @!p0 $0x108  }
0x21: {  	s3 =	sadd.s32 s3, s9;
	s6 =	sadd.s32 @!p0 $0x88, s6;
	s7 =	simm.s32 @p2 $0x1082  }
0x22: {  	[simem:s7], [sflag:s8] =	dma.local @!p0 [hbm:s6], $0xF7A  }
0x23: {  	s9 =	sor.u32 $0xD0000000, s2;
	s6 =	simm.s32 $0x108;
	_ =	swait.ge @!p0 [sflag:s8], $0x0  }
0x24: {  	s3 =	sadd.s32 $0x88, s3;
	s6 =	simm.s32 @!p1 $0x1082;
	[sflag:s4] =	ssyncset.s32 $0xFFFFF086  }
0x25: {  	[simem:s6], [sflag:s4] =	dma.local [hbm:s3], $0xF7A  }
0x26: {  	[smem:$0x3F9C] =	sst s1;
	(tag) =	ssettag s2;
	_ =	strace s9  }
0x27: {  	s1 =	sld [smem:$0x3FAC]  }
0x28: {  	s2 =	sld [smem:$0x3FAD]  }
0x29: {  	s4 =	sld [smem:$0x3FAF]  }
0x2a: {  	p0 =	seq.s32 s5, $0x0;
	s5 =	sld [smem:$0x3FB0]  }
0x2b: {  	s6 =	sld [smem:$0x3FB1]  }
0x2c: {  	s7 =	sld [smem:$0x3FB2]  }
0x2d: {  	s3 =	simm.s32 $0x108;
	s8 =	sld [smem:$0x3FB3]  }
0x2e: {  	s3 =	simm.s32 @!p0 $0x1082;
	s9 =	sld [smem:$0x3FB4]  }
0x2f: {  	lr =	sadd.s32 s0, s3;
	s0 =	sld [smem:$0x3FAB]  }
0x30: {  	s3 =	sld [smem:$0x3FAE]  }
0x31: {  	[smem:$0x3FB7] =	sst s10  }
0x32: {  	s10 =	sld [smem:$0x3FB5];
	_ =	sdelay $0x3  }
0x33: {  	p0 =	seq.s32 s10, $0x1;
	s10 =	sld [smem:$0x3FB7];
	_ =	sdelay $0x3  }
0x34: {  	[smem:$0x3FB7] =	sst s10  }
0x35: {  	s10 =	sld [smem:$0x3FB6];
	_ =	sdelay $0x3  }
0x36: {  	p1 =	seq.s32 s10, $0x1;
	s10 =	sld [smem:$0x3FB7];
	_ =	sdelay $0x3  }
0x37: {  	[smem:$0x3FB7] =	sst s10  }
0x38: {  	s10 =	sld [smem:$0x3FB8]  }
0x39: {  	_ = 	snop;
	(pc) =	sbr.ind lr, $3  }
0x3a: {  	_ = 	snop  }
0x3b: {  	_ = 	snop  }
0x3c: {  	p2 =	seq.s32 s10, $0x1;
	s10 =	sld [smem:$0x3FB7]  }
0x3d: {  	_ =	shalt  }
0x3e: {  	_ =	shalt  }
0x3f: {  	_ =	shalt  }
0x40: {  	_ =	shalt  }
0x41: {  	_ =	shalt  }
0x42: {  	_ =	shalt  }
0x43: {  	_ =	shalt  }
0x44: {  	_ =	shalt  }
0x45: {  	_ =	shalt  }
0x46: {  	_ =	shalt  }
0x47: {  	_ =	shalt  }
0x48: {  	_ =	shalt  }
0x49: {  	_ =	shalt  }
0x4a: {  	_ =	shalt  }
0x4b: {  	_ =	shalt  }
0x4c: {  	_ =	shalt  }
0x4d: {  	_ =	shalt  }
0x4e: {  	_ =	shalt  }
0x4f: {  	_ =	shalt  }
0x50: {  	_ =	shalt  }
0x51: {  	_ =	shalt  }
0x52: {  	_ =	shalt  }
0x53: {  	_ =	shalt  }
0x54: {  	_ =	shalt  }
0x55: {  	_ =	shalt  }
0x56: {  	_ =	shalt  }
0x57: {  	_ =	shalt  }
0x58: {  	_ =	shalt  }
0x59: {  	_ =	shalt  }
0x5a: {  	_ =	shalt  }
0x5b: {  	_ =	shalt  }
0x5c: {  	_ =	shalt  }
0x5d: {  	_ =	shalt  }
0x5e: {  	_ =	shalt  }
0x5f: {  	_ =	shalt  }
0x60: {  	_ =	shalt  }
0x61: {  	_ =	shalt  }
0x62: {  	_ =	shalt  }
0x63: {  	_ =	shalt  }
0x64: {  	_ =	shalt  }
0x65: {  	_ =	shalt  }
0x66: {  	_ =	shalt  }
0x67: {  	_ =	shalt  }
0x68: {  	_ =	shalt  }
0x69: {  	_ =	shalt  }
0x6a: {  	_ =	shalt  }
0x6b: {  	_ =	shalt  }
0x6c: {  	_ =	shalt  }
0x6d: {  	_ =	shalt  }
0x6e: {  	_ =	shalt  }
0x6f: {  	_ =	shalt  }
0x70: {  	_ =	shalt  }
0x71: {  	_ =	shalt  }
0x72: {  	_ =	shalt  }
0x73: {  	_ =	shalt  }
0x74: {  	_ =	shalt  }
0x75: {  	_ =	shalt  }
0x76: {  	_ =	shalt  }
0x77: {  	_ =	shalt  }
0x78: {  	_ =	shalt  }
0x79: {  	_ =	shalt  }
0x7a: {  	_ =	shalt  }
0x7b: {  	_ =	shalt  }
0x7c: {  	_ =	shalt  }
0x7d: {  	_ =	shalt  }
0x7e: {  	_ =	shalt  }
0x7f: {  	_ =	shalt  }
0x80: {  	_ =	shalt  }
0x81: {  	_ =	shalt  }
0x82: {  	_ =	shalt  }
0x83: {  	_ =	shalt  }
0x84: {  	_ =	shalt  }
0x85: {  	_ =	shalt  }
0x86: {  	_ =	shalt  }
0x87: {  	_ =	shalt  }
.Lfunc_end0:
.L_simem_size_0:
called_computation_lowered:
.L_overlay_start_0:
0x88: {  	s2 =	sld [smem:$0x3FD9]  }
0x89: {  	s3 =	sld [smem:$0x3FFE];
	_ =	sdelay $0x1  }
0x8a: {  	s1 =	srdreg.scid  }
0x8b: {  	s0 =	sand.u32 $0x1, s1  }
0x8c: {  	s17 =	sshll.u32 s0, $0xA;
	s2 =	sadd.s32 s3, s2  }
0x8d: {  	s2 =	sadd.s32 s2, s17  }
0x8e: {  	[smem:$0x3FC3] =	sst s2  }
0x8f: {  	_ = 	snop  }
0x90: {  	s2 =	sld [smem:$0x3FC9];
	(tm) =	ssettm $0x1  }
0x91: {  	s18 =	sld [smem:$0x3FFB];
	_ =	sdelay $0x3  }
0x92: {  	_ =	strace s18  }
0x93: {  	s3 =	sld [smem:$0x3FFC];
	_ =	sdelay $0x3  }
0x94: {  	_ =	strace s3  }
0x95: {  	s3 =	sld [smem:$0x3FFD];
	_ =	sdelay $0x3  }
0x96: {  	_ =	strace s3  }
0x97: {  	_ =	strace $0x8FFFFFFF  }
0x98: {  	s19 =	sld [smem:$0x3FDB];
	_ =	sdelay $0x1  }
0x99: {  	s4 =	simm.s32 $_scs_section_size  }
0x9a: {  	s5 =	simm.s32 $_size__tile_overlayer_lowered;
	s6 =	simm.s32 $_tile_overlayer_lowered  }
0x9b: {  	s22 =	simm.s32 $0x1BFF;
	s21 =	sshll.u32 s6, $0x1;
	s3 =	sadd.s32 s4, s19  }
0x9c: {  	s7 =	simm.s32 $0x0;
	s20 =	sshll.u32 s5, $0x1;
	s5 =	sadd.s32 s21, s3  }
0x9d: {  	[timem:s7], [sflag:s22] =	dma.local [hbm:s5], s20  }
0x9e: {  	_ =	swait.ge [sflag:s22], s20  }
0x9f: {  	s4 =	ssub.s32 $0x0, s20;
	[sflag:s22] =	ssyncset.done $0x0  }
0xa0: {  	[sflag:s22] =	ssyncadd.s32 s4;
	_ =	sdelay $0x1  }
0xa1: {  	s23 =	simm.s32 $0x1B8B  }
0xa2: {  	_ =	swait.ge [sflag:s23], $0x1  }
0xa3: {  	[sflag:s23] =	ssyncset.done $0x0  }
0xa4: {  	s25 =	simm.s32 $0x1B8E;
	s24 =	sld [smem:$0x3FFE];
	[sflag:s23] =	ssyncadd.s32 $0xFFFFFFFF  }
0xa5: {  	s26 =	simm.s32 $execute0_lowered;
	[smem:$0x3FD2] =	sst s25  }
0xa6: {  	s5 =	sshll.u32 s26, $0x1;
	_ =	strace $0x80000046;
	[dreg:$0x1] =	wrdreg $0xFFFFFFFF  }
0xa7: {  	s28 =	simm.s32 $_size_execute0_lowered;
	s3 =	sadd.s32 s3, s5;
	[dreg:$0x0] =	wrdreg $0x0  }
0xa8: {  	s5 =	sshll.u32 s28, $0x1;
	[dreg:$0x2] =	wrdreg s3  }
0xa9: {  	[dreg:$0x3] =	wrdreg s5  }
0xaa: {  	[dreg:$0x4] =	wrdreg $0xC0  }
0xab: {  	_ =	task [dreg:s7], $0x5FFFF  }
0xac: {  	[dreg:$0x1] =	wrdreg $0xFFFFFFFF  }
0xad: {  	[dreg:$0x0] =	wrdreg $0x60  }
0xae: {  	[dreg:$0x2] =	wrdreg s2  }
0xaf: {  	[dreg:$0x3] =	wrdreg s24  }
0xb0: {  	[dreg:$0x4] =	wrdreg $0x9  }
0xb1: {  	_ =	task.clear_ibuf [dreg:s7], $0x5FFFF;
	_ =	strace $0x90000046  }
0xb2: {  	s29 =	simm.s32 $0x9;
	_ =	strace $0x80000048  }
0xb3: {  	_ =	swait.ge [sflag:s29], $0x1  }
0xb4: {  	[sflag:s29] =	ssyncadd.s32 $0xFFFFFFFF  }
0xb5: {  	_ =	strace $0x90000048  }
0xb6: {  	_ =	sfence  }
0xb7: {  	s30 =	sld [smem:$0x0];
	_ =	sdelay $0x2  }
0xb8: {  	s31 =	sshll.u32 s1, $0xD;
	s1 =	sshrl.u32 s1, $0x2  }
0xb9: {  	s3 =	sand.u32 $0x4000, s31;
	s1 =	sadd.s32 s1, s30  }
0xba: {  	s0 =	sor.u32 s3, s0;
	s1 =	sshll.u32 s1, $0x11  }
0xbb: {  	s0 =	sor.u32 s1, s0  }
0xbc: {  	s0 =	sadd.s32 $0x8F2B, s0  }
0xbd: {  	[sflag:s0] =	ssyncadd.remote.s32 $0x1  }
0xbe: {  	_ =	sfence.sel $0xFFFF  }
0xbf: {  	[dreg:$0x0] =	wrdreg $0xFFFFFFFF;
	(pc) =	sbr.abs _section_cstart, $3  }
0xc0: {  	[dreg:$0x1] =	wrdreg $0xFFFFFFFF  }
0xc1: {  	_ =	task.clear_ibuf [dreg:s7], $0x2FFFF;
	_ =	strace $0x9FFFFFFF  }
0xc2: {  	(tm) =	ssettm $0x7FFFFFFF  }
0xc3: {  	_ =	shalt  }
tec
execute0_lowered:
.L_overlay_start_1:
0x0: {  	(tag) =	ssettag $0x1  }
0x1: {  	vm0 =	vcmask $0xB08  }
0x2: {  	vm1 =	vcmask $0x300;
	v0 =	vimm.s32 $0xEFCDAB89;
	v1 =	vimm.s32 $0x67452301  }
0x3: {  	v2 =	vimm.s32 $0xDCFE98BA;
	v3 =	vimm.s32 $0x54761032;
	vm2 =	vcmask $0x700  }
0x4: {  	v4 =	vimm.s32 $0xFEDCBA98;
	v5 =	vimm.s32 $0x76543210;
	vm0 =	vmor vm1, vm0  }
0x5: {  	vm1 =	vcmask $0x1310;
	v0 =	vunpack.c.l.s4.s8 v0;
	v1 =	vunpack.c.l.s4.s8 v1  }
0x6: {  	s0 =	srdreg.scid;
	s1 =	rddreg [dreg:$0x0];
	v2 =	vunpack.c.l.s4.s8 v2;
	vm0 =	vmor vm0, vm1;
	vm1 =	vcmask $0x1B18  }
0x7: {  	s2 =	stileid.u32;
	s5 =	rddreg [dreg:$0x1];
	v3 =	vunpack.c.l.s4.s8 v3;
	vm0 =	vmor vm0, vm1;
	vm1 =	vcmask $0x2320  }
0x8: {  	s10 =	simm.s32 $0x2;
	s11 =	simm.s32 $0x200;
	s26 =	simm.s32 $0x900;
	v0 =	vunpack.c.0.s8.s32 v0;
	v1 =	vunpack.c.0.s8.s32 v1;
	v2 =	vunpack.c.0.s8.s32 v2  }
0x9: {  	s28 =	simm.s32 $0x12C00;
	s29 =	simm.s32 $0x980;
	s30 =	simm.s32 $0x13C00;
	v3 =	vunpack.c.0.s8.s32 v3;
	vm0 =	vmor vm0, vm1;
	vm1 =	vcmask $0x2B28  }
0xa: {  	s31 =	simm.s32 $0xA00;
	s13 =	simm.s32 $0x15C00;
	s14 =	simm.s32 $0xB00;
	v4 =	vunpack.c.l.s4.s8 v4;
	vm0 =	vmor vm0, vm1;
	v0 =	vcombine.low v1, v0  }
0xb: {  	s12 =	simm.s32 $0x80;
	s15 =	simm.s32 $0x16C00;
	s16 =	simm.s32 $0xB80;
	v1 =	vcombine.low v3, v2;
	v2 =	vimm.s32 $0xBA98FEDC;
	v3 =	vimm.s32 $0x32107654  }
0xc: {  	s17 =	simm.s32 $0x17C00;
	s18 =	simm.s32 $0x1;
	s19 =	simm.s32 $0x18C00;
	vm1 =	vcmask $0x3330;
	v2 =	vunpack.c.l.s4.s8 v2;
	v3 =	vunpack.c.l.s4.s8 v3  }
0xd: {  	s20 =	simm.s32 $0x18E00;
	s0 =	sand.u32 $0x1, s0;
	s2 =	sshll.u32 s2, $0x1;
	v5 =	vunpack.c.l.s4.s8 v5;
	v4 =	vunpack.c.0.s8.s32 v4;
	vm0 =	vmor vm0, vm1  }
0xe: {  	s21 =	simm.s32 $0x0;
	s4 =	sor.u32 s0, s2;
	s2 =	simm.s32 $0x0;
	vm1 =	vcmask $0x3B38;
	v2 =	vunpack.c.0.s8.s32 v2;
	v3 =	vunpack.c.0.s8.s32 v3  }
0xf: {  	vm3 =	vcmask $0xF00;
	s0 =	ssub.s32 $0x2, s0;
	s3 =	smul.u32 $0x140, s4;
	[smem:$0x7FF] =	sst s2;
	v4 =	vand.u32 $0xF, v4;
	vm0 =	vmor vm0, vm1  }
0x10: {  	s7 =	sshll.u32 s4, $0x6;
	s8 =	sshrl.u32 s0, $0x1;
	s4 =	sadd.s32 $0xF43400, s5;
	vm1 =	vcmask $0x1710;
	v2 =	vcombine.low v3, v2;
	v3 =	vunpack.c.0.s8.s32 v5  }
0x11: {  	_ =	strace $0x80000047;
	s9 =	sadd.s32 s7, s5;
	s0 =	ssub.s32 s0, s8;
	v0 =	vand.u32 $0xF, v0;
	vm1 =	vmor vm2, vm1;
	vm2 =	vcmask $0x2720  }
0x12: {  	s6 =	sadd.s32 s3, s5;
	s3 =	sadd.s32 $0x1313E00, s5;
	s5 =	sadd.s32 s1, s7;
	vm1 =	vmor vm1, vm2;
	vm2 =	vcmask $0x3730;
	v10 =	vcombine.low v4, v3  }
0x13: {  	s7 =	sadd.s32 $0x3800, s9;
	s8 =	sadd.s32 $0x4000, s9;
	s9 =	smax.u32 s0, $0x1;
	v1 =	vand.u32 $0xF, v1;
	vm1 =	vmor vm1, vm2;
	vm2 =	vcmask $0x2F20  }
0x14: {  	s1 =	simm.s32 $0x14C00;
	s0 =	simm.s32 $0xA80;
	s6 =	sadd.s32 $0x1000, s6;
	vm2 =	vmor vm3, vm2;
	vm3 =	vmmov $0xff;
	v2 =	vand.u32 $0xF, v2;
	[tilespmem:$0x1FFF0] =	vst v10  }
.LBB2_1:
0x15: {  	[tilespmem:s2], [sflag:$0x2] =	stream.linear.gather [hbm4b:s5+s2], $0x200, $0x38;
	[tilespmem:$0x19000] =	vst v63  }
0x16: {  	_ =	swait.ge [sflag:s10], $0x200  }
0x17: {  	[sflag:s10] =	ssyncset.done $0x0  }
0x18: {  	[sflag:s10] =	ssyncadd.s32 $0xFFFFFE00  }
0x19: {  	[tilespmem:s11], [sflag:$0x2] =	stream.linear.gather [hbm4b:s6+s2], $0xA00, $0x38;
	[tilespmem:$0x19000] =	vst v63  }
0x1a: {  	_ =	swait.ge [sflag:s10], $0xA00  }
0x1b: {  	[sflag:s10] =	ssyncset.done $0x0  }
0x1c: {  	s22 =	simm.s32 $0xC00;
	[sflag:s10] =	ssyncadd.s32 $0xFFFFF600  }
0x1d: {  	[tilespmem:s22], [sflag:$0x1] =	stream.indirect.gather [hbm4b:s3+s12], $0x20, s2, s12, $0xb8;
	[tilespmem:$0x19000] =	vst v63  }
0x1e: {  	s24 =	simm.s32 $0x1C00  }
0x1f: {  	[tilespmem:s24], [sflag:$0x1] =	stream.indirect.gather [hbm4b:s3+s12], $0x20, s12, s12, $0xb8;
	[tilespmem:$0x19000] =	vst v63  }
0x20: {  	s25 =	simm.s32 $0x2C00;
	s23 =	simm.s32 $0x100  }
0x21: {  	[tilespmem:s25], [sflag:$0x1] =	stream.indirect.gather [hbm4b:s3+s12], $0x20, s23, s12, $0xb8;
	[tilespmem:$0x19000] =	vst v63  }
0x22: {  	s24 =	simm.s32 $0x180;
	s25 =	simm.s32 $0x3C00  }
0x23: {  	[tilespmem:s25], [sflag:$0x1] =	stream.indirect.gather [hbm4b:s3+s12], $0x20, s24, s12, $0xb8;
	[tilespmem:$0x19000] =	vst v63  }
0x24: {  	s23 =	simm.s32 $0x4C00  }
0x25: {  	[tilespmem:s23], [sflag:$0x1] =	stream.indirect.gather [hbm4b:s4+s12], $0x20, s11, s12, $0xb8;
	[tilespmem:$0x19000] =	vst v63  }
0x26: {  	s24 =	simm.s32 $0x280;
	s25 =	simm.s32 $0x5C00  }
0x27: {  	[tilespmem:s25], [sflag:$0x1] =	stream.indirect.gather [hbm4b:s4+s12], $0x20, s24, s12, $0xb8;
	[tilespmem:$0x19000] =	vst v63  }
0x28: {  	s24 =	simm.s32 $0x300;
	s25 =	simm.s32 $0x6C00  }
0x29: {  	[tilespmem:s25], [sflag:$0x1] =	stream.indirect.gather [hbm4b:s4+s12], $0x20, s24, s12, $0xb8;
	[tilespmem:$0x19000] =	vst v63  }
0x2a: {  	s24 =	simm.s32 $0x380;
	s25 =	simm.s32 $0x7C00  }
0x2b: {  	[tilespmem:s25], [sflag:$0x1] =	stream.indirect.gather [hbm4b:s4+s12], $0x20, s24, s12, $0xb8;
	[tilespmem:$0x19000] =	vst v63  }
0x2c: {  	s24 =	simm.s32 $0x400;
	s25 =	simm.s32 $0x8C00  }
0x2d: {  	[tilespmem:s25], [sflag:$0x1] =	stream.indirect.gather [hbm4b:s4+s12], $0x20, s24, s12, $0xb8;
	[tilespmem:$0x19000] =	vst v63  }
0x2e: {  	s24 =	simm.s32 $0x480;
	s25 =	simm.s32 $0x9C00  }
0x2f: {  	[tilespmem:s25], [sflag:$0x1] =	stream.indirect.gather [hbm4b:s4+s12], $0x20, s24, s12, $0xb8;
	[tilespmem:$0x19000] =	vst v63  }
0x30: {  	s24 =	simm.s32 $0x500;
	s25 =	simm.s32 $0xAC00  }
0x31: {  	[tilespmem:s25], [sflag:$0x1] =	stream.indirect.gather [hbm4b:s4+s12], $0x20, s24, s12, $0xb8;
	[tilespmem:$0x19000] =	vst v63  }
0x32: {  	s24 =	simm.s32 $0x580;
	s25 =	simm.s32 $0xBC00  }
0x33: {  	[tilespmem:s25], [sflag:$0x1] =	stream.indirect.gather [hbm4b:s4+s12], $0x20, s24, s12, $0xb8;
	[tilespmem:$0x19000] =	vst v63  }
0x34: {  	s24 =	simm.s32 $0x600;
	s25 =	simm.s32 $0xCC00  }
0x35: {  	[tilespmem:s25], [sflag:$0x1] =	stream.indirect.gather [hbm4b:s4+s12], $0x20, s24, s12, $0xb8;
	[tilespmem:$0x19000] =	vst v63  }
0x36: {  	s24 =	simm.s32 $0x680;
	s25 =	simm.s32 $0xDC00  }
0x37: {  	[tilespmem:s25], [sflag:$0x1] =	stream.indirect.gather [hbm4b:s4+s12], $0x20, s24, s12, $0xb8;
	[tilespmem:$0x19000] =	vst v63  }
0x38: {  	s24 =	simm.s32 $0x700;
	s25 =	simm.s32 $0xEC00  }
0x39: {  	[tilespmem:s25], [sflag:$0x1] =	stream.indirect.gather [hbm4b:s4+s12], $0x20, s24, s12, $0xb8;
	[tilespmem:$0x19000] =	vst v63  }
0x3a: {  	s24 =	simm.s32 $0x780;
	s25 =	simm.s32 $0xFC00  }
0x3b: {  	[tilespmem:s25], [sflag:$0x1] =	stream.indirect.gather [hbm4b:s4+s12], $0x20, s24, s12, $0xb8;
	[tilespmem:$0x19000] =	vst v63  }
0x3c: {  	s24 =	simm.s32 $0x800;
	s25 =	simm.s32 $0x10C00  }
0x3d: {  	[tilespmem:s25], [sflag:$0x1] =	stream.indirect.gather [hbm4b:s4+s12], $0x20, s24, s12, $0xb8;
	[tilespmem:$0x19000] =	vst v63  }
0x3e: {  	s24 =	simm.s32 $0x880;
	s25 =	simm.s32 $0x11C00  }
0x3f: {  	[tilespmem:s25], [sflag:$0x1] =	stream.indirect.gather [hbm4b:s4+s12], $0x20, s24, s12, $0xb8;
	[tilespmem:$0x19000] =	vst v63  }
0x40: {  	_ = 	snop  }
0x41: {  	[tilespmem:s28], [sflag:$0x1] =	stream.indirect.gather [hbm4b:s4+s12], $0x20, s26, s12, $0xb8;
	[tilespmem:$0x19000] =	vst v63  }
0x42: {  	_ = 	snop  }
0x43: {  	[tilespmem:s30], [sflag:$0x1] =	stream.indirect.gather [hbm4b:s4+s12], $0x20, s29, s12, $0xb8;
	[tilespmem:$0x19000] =	vst v63  }
0x44: {  	_ = 	snop  }
0x45: {  	[tilespmem:s1], [sflag:$0x1] =	stream.indirect.gather [hbm4b:s4+s12], $0x20, s31, s12, $0xb8;
	[tilespmem:$0x19000] =	vst v63  }
0x46: {  	_ = 	snop  }
0x47: {  	[tilespmem:s13], [sflag:$0x1] =	stream.indirect.gather [hbm4b:s4+s12], $0x20, s0, s12, $0xb8;
	[tilespmem:$0x19000] =	vst v63  }
0x48: {  	_ = 	snop  }
0x49: {  	[tilespmem:s15], [sflag:$0x1] =	stream.indirect.gather [hbm4b:s4+s12], $0x20, s14, s12, $0xb8;
	[tilespmem:$0x19000] =	vst v63  }
0x4a: {  	_ = 	snop  }
0x4b: {  	[tilespmem:s17], [sflag:$0x1] =	stream.indirect.gather [hbm4b:s4+s12], $0x20, s16, s12, $0xb8;
	[tilespmem:$0x19000] =	vst v63  }
0x4c: {  	_ =	swait.ge [sflag:s18], $0x1000  }
0x4d: {  	[sflag:s18] =	ssyncset.done $0x0  }
0x4e: {  	[sflag:s18] =	ssyncadd.s32 $0xFFFFF000  }
0x4f: {  	_ =	swait.ge [sflag:s18], $0x1000  }
0x50: {  	[sflag:s18] =	ssyncset.done $0x0  }
0x51: {  	[sflag:s18] =	ssyncadd.s32 $0xFFFFF000  }
0x52: {  	_ =	swait.ge [sflag:s18], $0x1000  }
0x53: {  	[sflag:s18] =	ssyncset.done $0x0  }
0x54: {  	[sflag:s18] =	ssyncadd.s32 $0xFFFFF000  }
0x55: {  	_ =	swait.ge [sflag:s18], $0x1000  }
0x56: {  	[sflag:s18] =	ssyncset.done $0x0  }
0x57: {  	[sflag:s18] =	ssyncadd.s32 $0xFFFFF000  }
0x58: {  	_ =	swait.ge [sflag:s18], $0x1000  }
0x59: {  	[sflag:s18] =	ssyncset.done $0x0  }
0x5a: {  	[sflag:s18] =	ssyncadd.s32 $0xFFFFF000  }
0x5b: {  	_ =	swait.ge [sflag:s18], $0x1000  }
0x5c: {  	[sflag:s18] =	ssyncset.done $0x0  }
0x5d: {  	[sflag:s18] =	ssyncadd.s32 $0xFFFFF000  }
0x5e: {  	_ =	swait.ge [sflag:s18], $0x1000  }
0x5f: {  	[sflag:s18] =	ssyncset.done $0x0  }
0x60: {  	[sflag:s18] =	ssyncadd.s32 $0xFFFFF000  }
0x61: {  	_ =	swait.ge [sflag:s18], $0x1000  }
0x62: {  	[sflag:s18] =	ssyncset.done $0x0  }
0x63: {  	[sflag:s18] =	ssyncadd.s32 $0xFFFFF000  }
0x64: {  	_ =	swait.ge [sflag:s18], $0x1000  }
0x65: {  	[sflag:s18] =	ssyncset.done $0x0  }
0x66: {  	[sflag:s18] =	ssyncadd.s32 $0xFFFFF000  }
0x67: {  	_ =	swait.ge [sflag:s18], $0x1000  }
0x68: {  	[sflag:s18] =	ssyncset.done $0x0  }
0x69: {  	[sflag:s18] =	ssyncadd.s32 $0xFFFFF000  }
0x6a: {  	_ =	swait.ge [sflag:s18], $0x1000  }
0x6b: {  	[sflag:s18] =	ssyncset.done $0x0  }
0x6c: {  	[sflag:s18] =	ssyncadd.s32 $0xFFFFF000  }
0x6d: {  	_ =	swait.ge [sflag:s18], $0x1000  }
0x6e: {  	[sflag:s18] =	ssyncset.done $0x0  }
0x6f: {  	[sflag:s18] =	ssyncadd.s32 $0xFFFFF000  }
0x70: {  	_ =	swait.ge [sflag:s18], $0x1000  }
0x71: {  	[sflag:s18] =	ssyncset.done $0x0  }
0x72: {  	[sflag:s18] =	ssyncadd.s32 $0xFFFFF000  }
0x73: {  	_ =	swait.ge [sflag:s18], $0x1000  }
0x74: {  	[sflag:s18] =	ssyncset.done $0x0  }
0x75: {  	[sflag:s18] =	ssyncadd.s32 $0xFFFFF000  }
0x76: {  	_ =	swait.ge [sflag:s18], $0x1000  }
0x77: {  	[sflag:s18] =	ssyncset.done $0x0  }
0x78: {  	[sflag:s18] =	ssyncadd.s32 $0xFFFFF000  }
0x79: {  	_ =	swait.ge [sflag:s18], $0x1000  }
0x7a: {  	[sflag:s18] =	ssyncset.done $0x0  }
0x7b: {  	[sflag:s18] =	ssyncadd.s32 $0xFFFFF000  }
0x7c: {  	_ =	swait.ge [sflag:s18], $0x1000  }
0x7d: {  	[sflag:s18] =	ssyncset.done $0x0  }
0x7e: {  	[sflag:s18] =	ssyncadd.s32 $0xFFFFF000  }
0x7f: {  	_ =	swait.ge [sflag:s18], $0x1000  }
0x80: {  	[sflag:s18] =	ssyncset.done $0x0  }
0x81: {  	[sflag:s18] =	ssyncadd.s32 $0xFFFFF000  }
0x82: {  	_ =	swait.ge [sflag:s18], $0x1000  }
0x83: {  	[sflag:s18] =	ssyncset.done $0x0  }
0x84: {  	[sflag:s18] =	ssyncadd.s32 $0xFFFFF000  }
0x85: {  	_ =	swait.ge [sflag:s18], $0x1000  }
0x86: {  	[sflag:s18] =	ssyncset.done $0x0  }
0x87: {  	[sflag:s18] =	ssyncadd.s32 $0xFFFFF000  }
0x88: {  	_ =	swait.ge [sflag:s18], $0x1000  }
0x89: {  	[sflag:s18] =	ssyncset.done $0x0  }
0x8a: {  	[sflag:s18] =	ssyncadd.s32 $0xFFFFF000  }
0x8b: {  	_ =	swait.ge [sflag:s18], $0x1000  }
0x8c: {  	[sflag:s18] =	ssyncset.done $0x0  }
0x8d: {  	[sflag:s18] =	ssyncadd.s32 $0xFFFFF000  }
0x8e: {  	_ =	swait.ge [sflag:s18], $0x1000  }
0x8f: {  	[sflag:s18] =	ssyncset.done $0x0  }
0x90: {  	[sflag:s18] =	ssyncadd.s32 $0xFFFFF000  }
0x91: {  	_ =	swait.ge [sflag:s18], $0x1000  }
0x92: {  	s22 =	simm.s32 $0xD00;
	[sflag:s18] =	ssyncset.done $0x0  }
0x93: {  	s23 =	simm.s32 $0x5100;
	s24 =	simm.s32 $0x0;
	[sflag:s18] =	ssyncadd.s32 $0xFFFFF000  }
.LBB2_2:
0x94: {  	v62 =	vld [tilespmem:s22+$0xFFFFFF00]  }
0x95: {  	v34 =	vld [tilespmem:s22+$0xFFFFFF10]  }
0x96: {  	v33 =	vld [tilespmem:s22+$0xFFFFFF20]  }
0x97: {  	v32 =	vld [tilespmem:s22+$0xFFFFFF30]  }
0x98: {  	v30 =	vld [tilespmem:s22+$0xFFFFFF40]  }
0x99: {  	v31 =	vld [tilespmem:s22+$0xFFFFFF50]  }
0x9a: {  	v28 =	vld [tilespmem:s22+$0xFFFFFF60]  }
0x9b: {  	v29 =	vld [tilespmem:s22+$0xFFFFFF70]  }
0x9c: {  	v26 =	vld [tilespmem:s22+$0xFFFFFF80]  }
0x9d: {  	v27 =	vld [tilespmem:s22+$0xFFFFFF90]  }
0x9e: {  	v63 =	vld [tilespmem:s22+$0xFFFFFFA0]  }
0x9f: {  	v25 =	vld [tilespmem:s22+$0xFFFFFFB0]  }
0xa0: {  	v22 =	vld [tilespmem:s22+$0xFFFFFFC0]  }
0xa1: {  	v23 =	vld [tilespmem:s22+$0xFFFFFFD0]  }
0xa2: {  	v20 =	vld [tilespmem:s22+$0xFFFFFFE0]  }
0xa3: {  	v21 =	vld [tilespmem:s22+$0xFFFFFFF0]  }
0xa4: {  	v18 =	vld [tilespmem:s22+$0x0]  }
0xa5: {  	v19 =	vld [tilespmem:s22+$0x10]  }
0xa6: {  	v16 =	vld [tilespmem:s22+$0x20]  }
0xa7: {  	v17 =	vld [tilespmem:s22+$0x30]  }
0xa8: {  	v14 =	vld [tilespmem:s22+$0x40]  }
0xa9: {  	v15 =	vld [tilespmem:s22+$0x50]  }
0xaa: {  	v12 =	vld [tilespmem:s22+$0x60]  }
0xab: {  	v13 =	vld [tilespmem:s22+$0x70]  }
0xac: {  	v9 =	vld [tilespmem:s22+$0x80]  }
0xad: {  	v11 =	vld [tilespmem:s22+$0x90]  }
0xae: {  	v7 =	vld [tilespmem:s22+$0xA0]  }
0xaf: {  	v8 =	vld [tilespmem:s22+$0xB0]  }
0xb0: {  	v36 =	vld [tilespmem:s23+$0xFFFFFB00]  }
0xb1: {  	v37 =	vld [tilespmem:s23+$0xFFFFFB10]  }
0xb2: {  	v38 =	vld [tilespmem:s23+$0xFFFFFBA0]  }
0xb3: {  	v39 =	vld [tilespmem:s23+$0xFFFFFBB0]  }
0xb4: {  	v40 =	vld [tilespmem:s23+$0xFFFFFC40]  }
0xb5: {  	v41 =	vld [tilespmem:s23+$0xFFFFFC50]  }
0xb6: {  	v42 =	vld [tilespmem:s23+$0xFFFFFCE0]  }
0xb7: {  	v43 =	vld [tilespmem:s23+$0xFFFFFCF0]  }
0xb8: {  	v44 =	vld [tilespmem:s23+$0xFFFFFD80]  }
0xb9: {  	v45 =	vld [tilespmem:s23+$0xFFFFFD90]  }
0xba: {  	v46 =	vld [tilespmem:s23+$0xFFFFFE20]  }
0xbb: {  	v47 =	vld [tilespmem:s23+$0xFFFFFE30]  }
0xbc: {  	v48 =	vld [tilespmem:s23+$0xFFFFFEC0]  }
0xbd: {  	v49 =	vld [tilespmem:s23+$0xFFFFFED0]  }
0xbe: {  	v50 =	vld [tilespmem:s23+$0xFFFFFF60]  }
0xbf: {  	v51 =	vld [tilespmem:s23+$0xFFFFFF70]  }
0xc0: {  	v52 =	vld [tilespmem:s23+$0x0]  }
0xc1: {  	v53 =	vld [tilespmem:s23+$0x10];
	v36 =	vmul.f32 v36, v62;
	v37 =	vmul.f32 v37, v34  }
0xc2: {  	v54 =	vld [tilespmem:s23+$0xA0];
	v38 =	vmul.f32 v38, v33;
	v39 =	vmul.f32 v39, v32  }
0xc3: {  	v55 =	vld [tilespmem:s23+$0xB0];
	v40 =	vmul.f32 v40, v30;
	v41 =	vmul.f32 v41, v31  }
0xc4: {  	v56 =	vld [tilespmem:s23+$0x140];
	v24 =	vmul.f32 v43, v29;
	v35 =	vmul.f32 v45, v27  }
0xc5: {  	v57 =	vld [tilespmem:s23+$0x150];
	v60 =	vmul.f32 v46, v63;
	v61 =	vmul.f32 v47, v25;
	v36 =	vadd.f32 v37, v36  }
0xc6: {  	v58 =	vld [tilespmem:s23+$0x1E0];
	v37 =	vmul.f32 v42, v28;
	v38 =	vadd.f32 v39, v38;
	v39 =	vmul.f32 v44, v26  }
0xc7: {  	v59 =	vld [tilespmem:s23+$0x1F0];
	v40 =	vadd.f32 v41, v40;
	v42 =	vmul.f32 v48, v22;
	v48 =	vmul.f32 v49, v23  }
0xc8: {  	v5 =	vld [tilespmem:s22+$0xC0];
	v44 =	vmul.f32 v50, v20;
	v41 =	vadd.f32 v61, v60;
	v60 =	vmul.f32 v52, v18  }
0xc9: {  	v43 =	vld [tilespmem:s23+$0x280];
	v61 =	vmul.f32 v53, v19;
	v50 =	vmul.f32 v56, v14;
	v39 =	vadd.f32 v35, v39  }
0xca: {  	v45 =	vld [tilespmem:s23+$0x290];
	v35 =	vmul.f32 v51, v21;
	v42 =	vadd.f32 v48, v42;
	v48 =	vmul.f32 v54, v16  }
0xcb: {  	[tilespmem:$0x1FF20] =	vst v19;
	v47 =	vld [tilespmem:s23+$0x320];
	v19 =	vmov v17;
	v54 =	vmul.f32 v55, v17;
	v17 =	vmul.f32 v57, v15  }
0xcc: {  	v6 =	vld [tilespmem:s22+$0xD0];
	v46 =	vadd.f32 v61, v60;
	v60 =	vmul.f32 v58, v12;
	v61 =	vmul.f32 v59, v13  }
0xcd: {  	v49 =	vld [tilespmem:s23+$0x330];
	v57 =	vperm.xlane v36, v0;
	v58 =	vperm.xlane v38, v0  }
0xce: {  	v53 =	vld [tilespmem:s23+$0x3D0];
	v37 =	vadd.f32 v24, v37;
	v59 =	vperm.xlane v40, v0;
	v43 =	vmul.f32 v43, v9  }
0xcf: {  	v3 =	vld [tilespmem:s22+$0xE0];
	v45 =	vmul.f32 v45, v11;
	v44 =	vadd.f32 v35, v44;
	v48 =	vadd.f32 v54, v48  }
0xd0: {  	v4 =	vld [tilespmem:s22+$0xF0];
	v47 =	vmul.f32 v47, v7;
	v50 =	vadd.f32 v17, v50;
	v52 =	vadd.f32 v61, v60  }
0xd1: {  	v51 =	vld [tilespmem:s23+$0x3C0];
	v36 =	vadd.f32 v57, v36;
	v38 =	vadd.f32 v58, v38;
	v60 =	vperm.xlane v37, v0  }
0xd2: {  	v55 =	vld [tilespmem:s23+$0x460];
	v40 =	vadd.f32 v59, v40;
	v61 =	vperm.xlane v39, v0;
	v58 =	vperm.xlane v46, v0  }
0xd3: {  	v35 =	vld [tilespmem:s23+$0x470];
	v49 =	vmul.f32 v49, v8;
	v53 =	vmul.f32 v53, v6;
	v43 =	vadd.f32 v45, v43  }
0xd4: {  	v37 =	vadd.f32 v60, v37;
	v57 =	vperm.xlane v44, v0;
	v39 =	vadd.f32 v61, v39  }
0xd5: {  	v54 =	vld [tilespmem:s23+$0xFFFFFD00];
	v36 =	vsel vm0, v36, v38;
	v59 =	vperm.xlane v48, v0;
	v60 =	vperm.xlane v50, v0  }
0xd6: {  	v38 =	vadd.f32 v58, v46;
	v61 =	vperm.xlane v52, v0;
	v51 =	vmul.f32 v51, v5  }
0xd7: {  	v56 =	vld [tilespmem:s23+$0xFFFFFD10];
	v17 =	vmul.f32 v55, v3;
	v47 =	vadd.f32 v49, v47;
	v44 =	vadd.f32 v57, v44  }
0xd8: {  	[tilespmem:$0x1FED0] =	vst v22;
	v37 =	vsel vm0, v40, v37;
	v40 =	vld [tilespmem:s23+$0xFFFFFBC0];
	v46 =	vadd.f32 v60, v50;
	v35 =	vmul.f32 v35, v4  }
0xd9: {  	[tilespmem:$0x1FF10] =	vst v18;
	v50 =	vadd.f32 v61, v52;
	v52 =	vperm.xlane v36, v1;
	v51 =	vadd.f32 v53, v51;
	v53 =	vld [tilespmem:s23+$0xFFFFFB20]  }
0xda: {  	[tilespmem:$0x1FE10] =	vst v62;
	v58 =	vld [tilespmem:s23+$0xD0];
	v54 =	vmul.f32 v54, v28;
	v45 =	vadd.f32 v35, v17;
	v17 =	vperm.xlane v41, v0  }
0xdb: {  	v24 =	vmovc v22;
	v49 =	vld [tilespmem:s23+$0xFFFFFB30];
	v36 =	vadd.f32 v52, v36;
	v46 =	vsel vm0, v46, v50;
	v35 =	vperm.xlane v42, v0  }
0xdc: {  	v22 =	vmovc v18;
	v50 =	vld [tilespmem:s23+$0xFFFFFEE0];
	v60 =	vperm.xlane v51, v0;
	v41 =	vadd.f32 v17, v41;
	v17 =	vperm.xlane v43, v0  }
0xdd: {  	v18 =	vmovc v14;
	v55 =	vld [tilespmem:s23+$0xFFFFFC60];
	v42 =	vadd.f32 v35, v42;
	v35 =	vperm.xlane v47, v0;
	v61 =	vperm.xlane v45, v0  }
0xde: {  	v14 =	vmovc v12;
	v57 =	vld [tilespmem:s23+$0xFFFFFC70];
	v51 =	vadd.f32 v60, v51;
	v40 =	vmul.f32 v40, v33;
	v53 =	vmul.f32 v53, v62  }
0xdf: {  	v12 =	vmovc v9;
	v52 =	vld [tilespmem:s23+$0xFFFFFF80];
	v39 =	vsel vm0, v39, v41;
	v41 =	vsel vm0, v42, v44;
	v42 =	vadd.f32 v59, v48  }
0xe0: {  	v9 =	vmovc v62;
	v62 =	vld [tilespmem:s23+$0x160];
	v43 =	vadd.f32 v17, v43;
	v47 =	vadd.f32 v35, v47;
	v17 =	vperm.xlane v37, v1  }
0xe1: {  	v44 =	vld [tilespmem:s23+$0xFFFFFBD0];
	v45 =	vadd.f32 v61, v45;
	v50 =	vmul.f32 v50, v24;
	v35 =	vperm.xlane v39, v1  }
0xe2: {  	v59 =	vld [tilespmem:s23+$0xFFFFFDA0];
	v60 =	vperm.xlane v41, v1;
	v38 =	vsel vm0, v38, v42;
	v37 =	vadd.f32 v17, v37  }
0xe3: {  	v61 =	vld [tilespmem:s23+$0xFFFFFDB0];
	v43 =	vsel vm0, v43, v47;
	v45 =	vsel vm0, v51, v45;
	v17 =	vperm.xlane v46, v1  }
0xe4: {  	v48 =	vld [tilespmem:s23+$0xFFFFFE50];
	v39 =	vadd.f32 v35, v39;
	v41 =	vadd.f32 v60, v41;
	v60 =	vperm.xlane v38, v1  }
0xe5: {  	v24 =	vld [tilespmem:$0x1FF20];
	v47 =	vperm.xlane v43, v1;
	v51 =	vperm.xlane v45, v1;
	v36 =	vsel vm1, v36, v37  }
0xe6: {  	v42 =	vld [tilespmem:s23+$0xFFFFFE40];
	v37 =	vsel vm1, v39, v41;
	v38 =	vadd.f32 v60, v38;
	v39 =	vadd.f32 v17, v46  }
0xe7: {  	v41 =	vld [tilespmem:s23+$0xFFFFFEF0];
	v35 =	vperm.xlane v36, v2;
	v17 =	vperm.xlane v37, v2  }
0xe8: {  	[tilespmem:$0x1FF80] =	vst v13;
	v60 =	vld [tilespmem:s23+$0xFFFFFF90];
	v43 =	vadd.f32 v47, v43;
	v45 =	vadd.f32 v51, v45;
	v38 =	vsel vm1, v38, v39  }
0xe9: {  	v13 =	vmovc v11;
	v47 =	vld [tilespmem:s23+$0x20];
	v36 =	vadd.f32 v35, v36;
	v37 =	vadd.f32 v17, v37;
	v35 =	vperm.xlane v38, v2  }
0xea: {  	v11 =	vmovc v7;
	v52 =	vmul.f32 v52, v20;
	v46 =	vld [tilespmem:s23+$0xC0];
	v44 =	vmul.f32 v44, v32;
	v43 =	vsel vm1, v43, v45  }
0xeb: {  	v7 =	vmovc v3;
	v51 =	vld [tilespmem:s23+$0x200];
	v36 =	vsel vm2, v36, v37;
	v37 =	vperm.xlane v43, v2;
	v3 =	vadd.f32 v35, v38  }
0xec: {  	v48 =	vmul.f32 v48, v25;
	v39 =	vld [tilespmem:s23+$0x30];
	v40 =	vadd.f32 v44, v40;
	v42 =	vmul.f32 v42, v63  }
0xed: {  	v17 =	vmul.f32 v49, v34;
	v49 =	vld [tilespmem:s23+$0x170];
	v38 =	vperm.xlane v36, v10;
	[tilespmem:$0x1FDF0] =	vst v3;
	v3 =	vadd.f32 v37, v43  }
0xee: {  	v42 =	vadd.f32 v48, v42;
	v35 =	vmul.f32 v55, v30;
	v55 =	vld [tilespmem:s23+$0x210];
	v41 =	vmul.f32 v41, v23  }
0xef: {  	v37 =	vmul.f32 v56, v29;
	v56 =	vld [tilespmem:s23+$0x350];
	[tilespmem:$0x1FE00] =	vst v3;
	v3 =	vadd.f32 v38, v36;
	v36 =	vmul.f32 v57, v31  }
0xf0: {  	v47 =	vmul.f32 v47, v22;
	v46 =	vmul.f32 v46, v16;
	v41 =	vadd.f32 v41, v50;
	v50 =	vld [tilespmem:s23+$0x3F0]  }
0xf1: {  	v44 =	vadd.f32 v37, v54;
	v54 =	vld [tilespmem:s23+$0x340];
	v45 =	vadd.f32 v36, v35;
	v35 =	vmul.f32 v60, v21  }
0xf2: {  	v43 =	vadd.f32 v17, v53;
	v17 =	vmul.f32 v61, v27;
	v39 =	vmul.f32 v39, v24;
	v57 =	vld [tilespmem:s23+$0x2A0]  }
0xf3: {  	v38 =	vmul.f32 v59, v26;
	[tilespmem:$0x1FE40] =	vst v3;
	v3 =	vld [tilespmem:s23+$0xFFFFFD30];
	v48 =	vadd.f32 v35, v52;
	v52 =	vmul.f32 v58, v19  }
0xf4: {  	v22 =	vmovc v19;
	v35 =	vmul.f32 v62, v18;
	v19 =	vmov v18;
	v62 =	vmul.f32 v49, v15;
	v18 =	vld [tilespmem:$0x1FF80]  }
0xf5: {  	v10 =	vmovc v63;
	v63 =	vmul.f32 v51, v14;
	v59 =	vld [tilespmem:s23+$0x2B0];
	v39 =	vadd.f32 v39, v47;
	v53 =	vadd.f32 v17, v38  }
0xf6: {  	v60 =	vld [tilespmem:s23+$0x3E0];
	v54 =	vmul.f32 v54, v11;
	v47 =	vadd.f32 v62, v35;
	v62 =	vmul.f32 v56, v8  }
0xf7: {  	v61 =	vld [tilespmem:s23+$0x480];
	v50 =	vmul.f32 v50, v6;
	v46 =	vadd.f32 v52, v46;
	v52 =	vmul.f32 v57, v12  }
0xf8: {  	v57 =	vld [tilespmem:s23+$0x490];
	v3 =	vmul.f32 v3, v29;
	v51 =	vadd.f32 v62, v54;
	v54 =	vperm.xlane v43, v0  }
0xf9: {  	v17 =	vmovc v16;
	v38 =	vmov v14;
	v62 =	vperm.xlane v53, v0;
	v14 =	vmul.f32 v55, v18  }
0xfa: {  	v37 =	vmovc v12;
	v16 =	vmovc v13;
	v55 =	vmul.f32 v59, v13;
	v13 =	vmov v6;
	v6 =	vperm.xlane v45, v0  }
0xfb: {  	v36 =	vmovc v5;
	v43 =	vadd.f32 v54, v43;
	v49 =	vadd.f32 v14, v63;
	v63 =	vmul.f32 v60, v5  }
0xfc: {  	v58 =	vld [tilespmem:s23+$0xFFFFFC90];
	v35 =	vmovc v11;
	v52 =	vadd.f32 v55, v52;
	v55 =	vmul.f32 v61, v7;
	v5 =	vperm.xlane v40, v0  }
0xfd: {  	v56 =	vld [tilespmem:s23+$0xFFFFFBE0];
	v11 =	vmovc v7;
	v53 =	vadd.f32 v62, v53;
	v7 =	vperm.xlane v44, v0;
	v57 =	vmul.f32 v57, v4  }
0xfe: {  	v12 =	vmovc v4;
	v59 =	vld [tilespmem:s23+$0xFFFFFBF0];
	v45 =	vadd.f32 v6, v45;
	v4 =	vperm.xlane v41, v0;
	v61 =	vperm.xlane v46, v0  }
0xff: {  	v54 =	vld [tilespmem:s23+$0xFFFFFB50];
	v6 =	vperm.xlane v47, v0;
	v50 =	vadd.f32 v50, v63;
	v40 =	vadd.f32 v5, v40  }
0x100: {  	v62 =	vld [tilespmem:s23+$0xFFFFFD20];
	v44 =	vadd.f32 v7, v44;
	v55 =	vadd.f32 v57, v55;
	v63 =	vperm.xlane v42, v0  }
0x101: {  	v60 =	vld [tilespmem:s23+$0xFFFFFB40];
	v5 =	vperm.xlane v48, v0;
	v41 =	vadd.f32 v4, v41;
	v7 =	vperm.xlane v49, v0  }
0x102: {  	v47 =	vadd.f32 v6, v47;
	v4 =	vperm.xlane v51, v0;
	v57 =	vld [tilespmem:s23+$0xFFFFFE60];
	v40 =	vsel vm0, v43, v40  }
0x103: {  	v43 =	vsel vm0, v45, v44;
	v45 =	vld [tilespmem:s23+$0xFFFFFC80];
	v42 =	vadd.f32 v63, v42;
	v48 =	vadd.f32 v5, v48  }
0x104: {  	[tilespmem:$0x1FE20] =	vst v34;
	v44 =	vperm.xlane v39, v0;
	v5 =	vadd.f32 v61, v46;
	v46 =	vld [tilespmem:s23+$0xFFFFFDC0];
	v6 =	vadd.f32 v7, v49  }
0x105: {  	[tilespmem:$0x1FE30] =	vst v33;
	v49 =	vld [tilespmem:s23+$0xFFFFFDD0];
	v7 =	vperm.xlane v52, v0;
	v51 =	vadd.f32 v4, v51;
	v54 =	vmul.f32 v54, v34  }
0x106: {  	[tilespmem:$0x1FE80] =	vst v29;
	v63 =	vld [tilespmem:s23+$0xFFFFFE70];
	v60 =	vmul.f32 v60, v9;
	v42 =	vsel vm0, v53, v42;
	v39 =	vadd.f32 v44, v39  }
0x107: {  	[tilespmem:$0x1FE90] =	vst v26;
	v61 =	vld [tilespmem:s23+$0xFFFFFF10];
	v41 =	vsel vm0, v41, v48;
	v47 =	vsel vm0, v47, v6;
	v6 =	vperm.xlane v55, v0  }
0x108: {  	[tilespmem:$0x1FEA0] =	vst v27;
	v9 =	vld [tilespmem:s23+$0x190];
	v44 =	vadd.f32 v7, v52;
	v7 =	vperm.xlane v40, v1;
	v52 =	vperm.xlane v42, v1  }
0x109: {  	[tilespmem:$0x1FE50] =	vst v30;
	v53 =	vld [tilespmem:s23+$0xFFFFFF00];
	v4 =	vperm.xlane v41, v1;
	v39 =	vsel vm0, v39, v5;
	v5 =	vperm.xlane v50, v0  }
0x10a: {  	[tilespmem:$0x1FE60] =	vst v31;
	v54 =	vadd.f32 v54, v60;
	v60 =	vld [tilespmem:s23+$0x360];
	v40 =	vadd.f32 v7, v40;
	v44 =	vsel vm0, v44, v51  }
0x10b: {  	[tilespmem:$0x1FE70] =	vst v28;
	v7 =	vld [tilespmem:s23+$0xFFFFFFB0];
	v48 =	vadd.f32 v5, v50;
	v50 =	vadd.f32 v6, v55;
	v55 =	vperm.xlane v43, v1  }
0x10c: {  	[tilespmem:$0x1FEC0] =	vst v25;
	v51 =	vld [tilespmem:s23+$0x40];
	v42 =	vadd.f32 v52, v42;
	v4 =	vadd.f32 v4, v41;
	v6 =	vperm.xlane v47, v1  }
0x10d: {  	[tilespmem:$0x1FEE0] =	vst v23;
	v46 =	vmul.f32 v46, v26;
	v5 =	vld [tilespmem:s23+$0xFFFFFFA0];
	v43 =	vadd.f32 v55, v43;
	v55 =	vperm.xlane v39, v1  }
0x10e: {  	[tilespmem:$0x1FEF0] =	vst v20;
	v49 =	vmul.f32 v49, v27;
	v29 =	vmul.f32 v61, v23;
	v6 =	vadd.f32 v6, v47;
	v47 =	vld [tilespmem:s23+$0x50]  }
0x10f: {  	[tilespmem:$0x1FF00] =	vst v21;
	v27 =	vld [tilespmem:$0x1FED0];
	v9 =	vmul.f32 v9, v15;
	v4 =	vsel vm1, v42, v4;
	v39 =	vadd.f32 v55, v39  }
0x110: {  	[tilespmem:$0x1FF60] =	vst v15;
	v41 =	vsel vm0, v48, v50;
	v50 =	vld [tilespmem:s23+$0xF0];
	v40 =	vsel vm1, v40, v43;
	v55 =	vperm.xlane v44, v1  }
0x111: {  	[tilespmem:$0x1FF30] =	vst v17;
	v61 =	vld [tilespmem:s23+$0x370];
	v48 =	vperm.xlane v40, v2;
	v6 =	vsel vm1, v39, v6;
	v39 =	vperm.xlane v41, v1  }
0x112: {  	[tilespmem:$0x1FF70] =	vst v38;
	v43 =	vld [tilespmem:s23+$0xE0];
	v5 =	vmul.f32 v5, v20;
	v42 =	vadd.f32 v55, v44;
	v44 =	vperm.xlane v4, v2  }
0x113: {  	v14 =	vmovc v8;
	v55 =	vld [tilespmem:s23+$0x180];
	v52 =	vperm.xlane v6, v2;
	v47 =	vmul.f32 v47, v24;
	v8 =	vadd.f32 v39, v41  }
0x114: {  	v34 =	vmovc v31;
	v39 =	vadd.f32 v48, v40;
	v48 =	vmul.f32 v56, v33;
	v56 =	vmul.f32 v59, v32;
	v59 =	vld [tilespmem:s23+$0x220]  }
0x115: {  	v26 =	vmovc v21;
	v50 =	vmul.f32 v50, v22;
	v41 =	vadd.f32 v44, v4;
	v4 =	vmul.f32 v45, v30;
	v45 =	vld [tilespmem:s23+$0x230]  }
0x116: {  	v46 =	vadd.f32 v49, v46;
	v33 =	vmovc v30;
	v44 =	vmul.f32 v58, v31;
	v58 =	vld [tilespmem:s23+$0x2D0];
	v30 =	vmul.f32 v7, v21  }
0x117: {  	v31 =	vmovc v28;
	v7 =	vld [tilespmem:s23+$0x400];
	v40 =	vadd.f32 v52, v6;
	v6 =	vmul.f32 v62, v28;
	v43 =	vmul.f32 v43, v17  }
0x118: {  	v28 =	vmovc v23;
	v23 =	vld [tilespmem:$0x1FF10];
	v48 =	vadd.f32 v56, v48;
	v56 =	vmul.f32 v57, v10;
	v57 =	vmul.f32 v63, v25  }
0x119: {  	v21 =	vmovc v17;
	v52 =	vld [tilespmem:s23+$0x2C0];
	v4 =	vadd.f32 v44, v4;
	v44 =	vmul.f32 v53, v27;
	v5 =	vadd.f32 v30, v5  }
0x11a: {  	v17 =	vmovc v38;
	v3 =	vadd.f32 v3, v6;
	v53 =	vmul.f32 v55, v19;
	v6 =	vmul.f32 v59, v38  }
0x11b: {  	v63 =	vmovc v25;
	v55 =	vld [tilespmem:s23+$0x4B0];
	v43 =	vadd.f32 v50, v43;
	v45 =	vmul.f32 v45, v18;
	v30 =	vmul.f32 v58, v16  }
0x11c: {  	v25 =	vmovc v20;
	v56 =	vadd.f32 v57, v56;
	v38 =	vmul.f32 v61, v14;
	v7 =	vmul.f32 v7, v36  }
0x11d: {  	v20 =	vmovc v15;
	v57 =	vld [tilespmem:s23+$0x4A0];
	v44 =	vadd.f32 v29, v44;
	v61 =	vperm.xlane v48, v0;
	v62 =	vmul.f32 v51, v23  }
0x11e: {  	v15 =	vmovc v37;
	v9 =	vadd.f32 v9, v53;
	v29 =	vmul.f32 v52, v37;
	v37 =	vmul.f32 v60, v35  }
0x11f: {  	v60 =	vperm.xlane v54, v0;
	v6 =	vadd.f32 v45, v6;
	v48 =	vadd.f32 v61, v48  }
0x120: {  	v59 =	vmul.f32 v55, v12;
	v49 =	vadd.f32 v30, v29;
	v29 =	vperm.xlane v4, v0  }
0x121: {  	v51 =	vld [tilespmem:s23+$0x410];
	v50 =	vadd.f32 v38, v37;
	v30 =	vperm.xlane v3, v0;
	v37 =	vperm.xlane v56, v0  }
0x122: {  	v52 =	vadd.f32 v60, v54;
	v60 =	vperm.xlane v9, v0;
	v57 =	vmul.f32 v57, v11  }
0x123: {  	v47 =	vadd.f32 v47, v62;
	v61 =	vperm.xlane v6, v0;
	v62 =	vmovc v35;
	v35 =	vperm.xlane v46, v0  }
0x124: {  	v4 =	vadd.f32 v29, v4;
	v3 =	vadd.f32 v30, v3;
	v48 =	vsel vm0, v52, v48  }
0x125: {  	v53 =	vld [tilespmem:s23+$0xFFFFFB70];
	v38 =	vadd.f32 v37, v56;
	v56 =	vperm.xlane v44, v0;
	v58 =	vperm.xlane v47, v0  }
0x126: {  	v55 =	vld [tilespmem:s23+$0xFFFFFC00];
	v9 =	vadd.f32 v60, v9;
	v30 =	vperm.xlane v50, v0;
	v51 =	vmul.f32 v51, v13  }
0x127: {  	v54 =	vld [tilespmem:s23+$0x2F0];
	v45 =	vadd.f32 v59, v57;
	v57 =	vperm.xlane v5, v0;
	v6 =	vadd.f32 v61, v6  }
0x128: {  	v52 =	vld [tilespmem:s23+$0xFFFFFB60];
	v46 =	vadd.f32 v35, v46;
	v3 =	vsel vm0, v4, v3;
	v4 =	vadd.f32 v56, v44  }
0x129: {  	v59 =	vperm.xlane v43, v0;
	v47 =	vadd.f32 v58, v47;
	v58 =	vadd.f32 v30, v50;
	v56 =	vld [tilespmem:s23+$0xFFFFFDF0]  }
0x12a: {  	v29 =	vperm.xlane v49, v0;
	v7 =	vadd.f32 v51, v7;
	v5 =	vadd.f32 v57, v5;
	v57 =	vld [tilespmem:s23+$0xFFFFFC10]  }
0x12b: {  	v43 =	vadd.f32 v59, v43;
	v37 =	vperm.xlane v45, v0;
	v6 =	vsel vm0, v9, v6;
	v51 =	vld [tilespmem:s23+$0xFFFFFD40]  }
0x12c: {  	v59 =	vperm.xlane v3, v1;
	v46 =	vsel vm0, v46, v38;
	v38 =	vadd.f32 v29, v49;
	v49 =	vld [tilespmem:s23+$0xFFFFFCA0]  }
0x12d: {  	v9 =	vperm.xlane v48, v1;
	v30 =	vperm.xlane v6, v1;
	v43 =	vsel vm0, v47, v43;
	v47 =	vld [tilespmem:s23+$0xFFFFFCB0]  }
0x12e: {  	v35 =	vperm.xlane v7, v0;
	v4 =	vsel vm0, v4, v5;
	v3 =	vadd.f32 v59, v3;
	v59 =	vld [tilespmem:s23+$0xFFFFFE80]  }
0x12f: {  	v45 =	vadd.f32 v37, v45;
	v60 =	vperm.xlane v46, v1;
	v9 =	vadd.f32 v9, v48;
	v48 =	vld [tilespmem:s23+$0xFFFFFF20]  }
0x130: {  	v5 =	vsel vm0, v38, v58;
	v61 =	vperm.xlane v4, v1;
	v29 =	vperm.xlane v43, v1;
	v58 =	vld [tilespmem:s23+$0xFFFFFFD0]  }
0x131: {  	v7 =	vadd.f32 v35, v7;
	v44 =	vadd.f32 v60, v46;
	v3 =	vsel vm1, v9, v3;
	v9 =	vld [tilespmem:s23+$0xFFFFFF30]  }
0x132: {  	v4 =	vadd.f32 v61, v4;
	v38 =	vadd.f32 v29, v43;
	v43 =	vld [tilespmem:s23+$0xFFFFFE90]  }
0x133: {  	v6 =	vadd.f32 v30, v6;
	v7 =	vsel vm0, v7, v45;
	v45 =	vld [tilespmem:s23+$0xFFFFFD50]  }
0x134: {  	v4 =	vsel vm1, v44, v4;
	v44 =	vld [tilespmem:s23+$0xFFFFFFC0]  }
0x135: {  	v35 =	vperm.xlane v5, v1;
	v37 =	vperm.xlane v7, v1;
	v6 =	vsel vm1, v38, v6;
	v38 =	vld [tilespmem:$0x1FE00]  }
0x136: {  	v47 =	vmul.f32 v47, v34;
	v34 =	vld [tilespmem:$0x1FEA0];
	v61 =	vperm.xlane v6, v2  }
0x137: {  	v5 =	vadd.f32 v35, v5;
	v7 =	vadd.f32 v37, v7;
	v37 =	vld [tilespmem:$0x1FDF0]  }
0x138: {  	v8 =	vsel vm1, v42, v8;
	v42 =	vperm.xlane v4, v2;
	v6 =	vadd.f32 v61, v6;
	v61 =	vld [tilespmem:$0x1FFF0]  }
0x139: {  	v60 =	vperm.xlane v8, v2;
	v9 =	vmul.f32 v9, v28;
	v28 =	vld [tilespmem:s23+$0x390];
	v5 =	vsel vm1, v5, v7  }
0x13a: {  	v4 =	vadd.f32 v42, v4;
	v42 =	vld [tilespmem:s23+$0x100];
	v7 =	vperm.xlane v3, v2;
	v35 =	vperm.xlane v5, v2  }
0x13b: {  	v8 =	vadd.f32 v60, v8;
	v43 =	vmul.f32 v43, v63;
	v63 =	vld [tilespmem:s23+$0x4C0]  }
0x13c: {  	v3 =	vadd.f32 v7, v3;
	v7 =	vld [tilespmem:s23+$0x60];
	v60 =	vsel vm2, v37, v38;
	v5 =	vadd.f32 v35, v5  }
0x13d: {  	v38 =	vsel vm2, v39, v41;
	v41 =	vld [tilespmem:s23+$0x70];
	v29 =	vperm.xlane v60, v61  }
0x13e: {  	v3 =	vsel vm2, v3, v4;
	v4 =	vsel vm2, v6, v5;
	v5 =	vld [tilespmem:s23+$0x110]  }
0x13f: {  	v27 =	vmul.f32 v48, v27;
	v8 =	vsel vm2, v40, v8;
	v6 =	vadd.f32 v29, v60;
	v60 =	vld [tilespmem:s23+$0x1A0]  }
0x140: {  	v30 =	vperm.xlane v38, v61;
	v46 =	vperm.xlane v8, v61;
	v29 =	vld [tilespmem:$0x1FE20]  }
0x141: {  	v37 =	vperm.xlane v3, v61;
	v39 =	vperm.xlane v4, v61;
	v61 =	vld [tilespmem:s23+$0x1B0]  }
0x142: {  	v44 =	vmul.f32 v44, v25;
	v48 =	vmul.f32 v28, v14;
	v35 =	vadd.f32 v30, v38;
	v30 =	vld [tilespmem:$0x1FE30]  }
0x143: {  	v42 =	vmul.f32 v42, v21;
	v8 =	vadd.f32 v46, v8;
	v38 =	vmul.f32 v57, v32;
	v57 =	vld [tilespmem:$0x1FE80]  }
0x144: {  	v46 =	vmul.f32 v63, v11;
	v63 =	vmovc v11;
	v11 =	vld [tilespmem:$0x1FE40];
	v3 =	vadd.f32 v37, v3;
	v37 =	vmul.f32 v56, v34  }
0x145: {  	v56 =	vld [tilespmem:s23+$0x380];
	v7 =	vmul.f32 v7, v23;
	v4 =	vadd.f32 v39, v4;
	v39 =	vmul.f32 v51, v31  }
0x146: {  	v23 =	vld [tilespmem:s23+$0x4D0];
	[tilespmem:$0x1FFA0] =	vst v35;
	v31 =	vmul.f32 v58, v26;
	v41 =	vmul.f32 v41, v24  }
0x147: {  	v9 =	vadd.f32 v9, v27;
	v35 =	vld [tilespmem:$0x1FE10];
	v26 =	vmul.f32 v54, v16;
	[tilespmem:$0x1FFC0] =	vst v3;
	v3 =	vmul.f32 v49, v33  }
0x148: {  	v51 =	vld [tilespmem:s23+$0x2E0];
	v5 =	vmul.f32 v5, v22;
	v44 =	vadd.f32 v31, v44;
	v53 =	vmul.f32 v53, v29  }
0x149: {  	[tilespmem:$0x1FFB0] =	vst v8;
	v49 =	vld [tilespmem:s23+$0x250];
	v7 =	vadd.f32 v41, v7;
	v8 =	vmul.f32 v55, v30;
	v45 =	vmul.f32 v45, v57  }
0x14a: {  	[tilespmem:$0x1FF40] =	vst v22;
	v55 =	vld [tilespmem:s23+$0x240];
	v3 =	vadd.f32 v47, v3;
	v21 =	vmul.f32 v60, v19;
	v22 =	vmul.f32 v61, v20  }
0x14b: {  	v50 =	vld [tilespmem:s23+$0xFFFFFDE0];
	v6 =	vsel vm3, v11, v6;
	v27 =	vmul.f32 v56, v62;
	v31 =	vmul.f32 v23, v12  }
0x14c: {  	v33 =	vld [tilespmem:$0x1FE90];
	v5 =	vadd.f32 v5, v42;
	v23 =	vperm.xlane v44, v0;
	v52 =	vmul.f32 v52, v35  }
0x14d: {  	v34 =	vld [tilespmem:s23+$0x430];
	[tilespmem:$0x1FFD0] =	vst v4;
	v8 =	vadd.f32 v38, v8;
	v38 =	vmul.f32 v59, v10;
	v4 =	vadd.f32 v45, v39  }
0x14e: {  	v25 =	vmul.f32 v51, v15;
	v47 =	vadd.f32 v22, v21;
	v60 =	vperm.xlane v3, v0  }
0x14f: {  	v11 =	vld [tilespmem:$0x1FE60];
	v49 =	vmul.f32 v49, v18;
	v42 =	vadd.f32 v48, v27;
	v24 =	vmul.f32 v55, v17  }
0x150: {  	v22 =	vperm.xlane v9, v0;
	v46 =	vadd.f32 v31, v46;
	v52 =	vadd.f32 v53, v52;
	v55 =	vld [tilespmem:s23+$0xFFFFFCD0]  }
0x151: {  	v50 =	vmul.f32 v50, v33;
	v43 =	vadd.f32 v43, v38;
	v45 =	vadd.f32 v49, v24  }
0x152: {  	v53 =	vmul.f32 v34, v13;
	v41 =	vadd.f32 v26, v25;
	v59 =	vperm.xlane v8, v0  }
0x153: {  	v33 =	vld [tilespmem:s23+$0x420];
	v61 =	vperm.xlane v4, v0;
	v3 =	vadd.f32 v60, v3;
	v38 =	vmovc v14;
	v14 =	vperm.xlane v45, v0  }
0x154: {  	v39 =	vmovc v15;
	v15 =	vld [tilespmem:s23+$0xFFFFFD70];
	v25 =	vperm.xlane v5, v0;
	v26 =	vperm.xlane v47, v0;
	v50 =	vadd.f32 v37, v50  }
0x155: {  	[tilespmem:$0x1FEB0] =	vst v10;
	v17 =	vperm.xlane v46, v0;
	v45 =	vadd.f32 v14, v45;
	v14 =	vmul.f32 v55, v11;
	v11 =	vld [tilespmem:$0x1FE80]  }
0x156: {  	v10 =	vmovc v12;
	v8 =	vadd.f32 v59, v8;
	v12 =	vperm.xlane v43, v0;
	v4 =	vadd.f32 v61, v4  }
0x157: {  	v37 =	vmovc v62;
	v5 =	vadd.f32 v25, v5;
	v62 =	vperm.xlane v50, v0;
	v24 =	vperm.xlane v7, v0  }
0x158: {  	v28 =	vmul.f32 v33, v36;
	v3 =	vsel vm0, v3, v4;
	v4 =	vadd.f32 v22, v9  }
0x159: {  	v33 =	vperm.xlane v52, v0;
	v9 =	vadd.f32 v23, v44;
	v44 =	vadd.f32 v26, v47;
	v26 =	vld [tilespmem:s23+$0xFFFFFE00]  }
0x15a: {  	v43 =	vadd.f32 v12, v43;
	v21 =	vadd.f32 v62, v50;
	v15 =	vmul.f32 v15, v11;
	v11 =	vld [tilespmem:$0x1FE90]  }
0x15b: {  	v25 =	vperm.xlane v42, v0;
	v34 =	vadd.f32 v53, v28;
	v48 =	vadd.f32 v33, v52  }
0x15c: {  	v46 =	vadd.f32 v17, v46;
	v7 =	vadd.f32 v24, v7;
	v22 =	vperm.xlane v3, v1  }
0x15d: {  	v40 =	vmovc v16;
	v43 =	vsel vm0, v21, v43;
	v8 =	vsel vm0, v48, v8;
	v16 =	vperm.xlane v34, v0  }
0x15e: {  	v60 =	vld [tilespmem:s23+$0xFFFFFE10];
	v5 =	vsel vm0, v7, v5;
	v3 =	vadd.f32 v22, v3;
	v21 =	vperm.xlane v8, v1  }
0x15f: {  	[tilespmem:$0x1FF50] =	vst v19;
	v44 =	vsel vm0, v44, v45;
	v19 =	vadd.f32 v16, v34;
	v16 =	vmul.f32 v26, v11;
	v11 =	vld [tilespmem:$0x1FEA0]  }
0x160: {  	v28 =	vperm.xlane v5, v1;
	v31 =	vperm.xlane v44, v1;
	v8 =	vadd.f32 v21, v8  }
0x161: {  	v18 =	vadd.f32 v25, v42;
	v24 =	vperm.xlane v41, v0;
	v17 =	vperm.xlane v43, v1  }
0x162: {  	v5 =	vadd.f32 v28, v5;
	v3 =	vsel vm1, v8, v3;
	v8 =	vadd.f32 v31, v44  }
0x163: {  	v42 =	vld [tilespmem:s23+$0xFFFFFEA0];
	v4 =	vsel vm0, v4, v9;
	v9 =	vadd.f32 v24, v41;
	v41 =	vadd.f32 v17, v43  }
0x164: {  	v5 =	vsel vm1, v5, v8;
	v8 =	vperm.xlane v3, v2;
	v17 =	vmul.f32 v60, v11;
	v11 =	vld [tilespmem:$0x1FEB0];
	_ =	sdelay $0x1  }
0x165: {  	v20 =	vld [tilespmem:s23+$0xFFFFFEB0];
	v3 =	vadd.f32 v8, v3;
	v8 =	vperm.xlane v5, v2  }
0x166: {  	v52 =	vld [tilespmem:s23+$0xFFFFFCC0]  }
0x167: {  	v5 =	vadd.f32 v8, v5;
	v8 =	vld [tilespmem:$0x1FE50]  }
0x168: {  	v50 =	vmul.f32 v42, v11;
	v11 =	vld [tilespmem:$0x1FEC0];
	_ =	sdelay $0x2  }
0x169: {  	v54 =	vld [tilespmem:s23+$0xFFFFFB80]  }
0x16a: {  	v23 =	vld [tilespmem:s23+$0xFFFFFF40]  }
0x16b: {  	v8 =	vmul.f32 v52, v8;
	v52 =	vmul.f32 v20, v11;
	v11 =	vld [tilespmem:$0x1FED0];
	_ =	sdelay $0x3  }
0x16c: {  	v7 =	vsel vm0, v19, v46;
	v46 =	vld [tilespmem:s23+$0xFFFFFF50]  }
0x16d: {  	v35 =	vmul.f32 v54, v35;
	v54 =	vmul.f32 v23, v11;
	v11 =	vld [tilespmem:$0x1FEE0];
	_ =	sdelay $0x3  }
0x16e: {  	v19 =	vld [tilespmem:s23+$0xFFFFFFE0]  }
0x16f: {  	v55 =	vmul.f32 v46, v11;
	v11 =	vld [tilespmem:$0x1FEF0];
	_ =	sdelay $0x3  }
0x170: {  	v59 =	vld [tilespmem:s23+$0xFFFFFFF0]  }
0x171: {  	v57 =	vmul.f32 v19, v11;
	v11 =	vld [tilespmem:$0x1FF00];
	_ =	sdelay $0x3  }
0x172: {  	v62 =	vld [tilespmem:s23+$0x80]  }
0x173: {  	v58 =	vmul.f32 v59, v11;
	v11 =	vld [tilespmem:$0x1FF10];
	_ =	sdelay $0x3  }
0x174: {  	v43 =	vld [tilespmem:s23+$0x90]  }
0x175: {  	v9 =	vsel vm0, v9, v18;
	v18 =	vperm.xlane v4, v1;
	v60 =	vmul.f32 v62, v11;
	v11 =	vld [tilespmem:$0x1FF20];
	_ =	sdelay $0x1  }
0x176: {  	[tilespmem:$0x1FFE0] =	vst v6;
	v6 =	vld [tilespmem:s23+$0xFFFFFC20];
	v4 =	vadd.f32 v18, v4  }
0x177: {  	v56 =	vld [tilespmem:s23+$0x3B0]  }
0x178: {  	v4 =	vsel vm1, v41, v4;
	v41 =	vld [tilespmem:s23+$0x120]  }
0x179: {  	v61 =	vmul.f32 v43, v11;
	v11 =	vld [tilespmem:$0x1FF30]  }
0x17a: {  	v27 =	vld [tilespmem:s23+$0xFFFFFD60];
	v33 =	vperm.xlane v9, v1;
	v34 =	vperm.xlane v7, v1  }
0x17b: {  	[tilespmem:$0x1FF90] =	vst v36;
	v36 =	vmov v13;
	v13 =	vld [tilespmem:s23+$0xFFFFFB90]  }
0x17c: {  	v49 =	vld [tilespmem:s23+$0xFFFFFC30];
	v9 =	vadd.f32 v33, v9;
	v7 =	vadd.f32 v34, v7  }
0x17d: {  	v44 =	vld [tilespmem:s23+$0x130]  }
0x17e: {  	v7 =	vsel vm1, v9, v7;
	v9 =	vperm.xlane v4, v2;
	v42 =	vmul.f32 v41, v11;
	v11 =	vld [tilespmem:$0x1FF40]  }
0x17f: {  	v53 =	vld [tilespmem:s23+$0x3A0]  }
0x180: {  	v12 =	vmul.f32 v13, v29;
	v13 =	vld [tilespmem:s23+$0x1C0];
	v4 =	vadd.f32 v9, v4;
	v9 =	vperm.xlane v7, v2  }
0x181: {  	v29 =	vld [tilespmem:s23+$0x300]  }
0x182: {  	v7 =	vadd.f32 v9, v7;
	v9 =	vld [tilespmem:$0x1FE70]  }
0x183: {  	v43 =	vmul.f32 v44, v11;
	v11 =	vld [tilespmem:$0x1FF50]  }
0x184: {  	v53 =	vmul.f32 v53, v37;
	v33 =	vld [tilespmem:s23+$0x1D0];
	v22 =	vadd.f32 v55, v54;
	v54 =	vmul.f32 v56, v38  }
0x185: {  	v6 =	vmul.f32 v6, v30;
	v34 =	vadd.f32 v12, v35;
	v55 =	vld [tilespmem:$0x1FF90]  }
0x186: {  	v32 =	vmul.f32 v49, v32;
	v26 =	vadd.f32 v17, v16;
	v17 =	vadd.f32 v54, v53;
	v59 =	vld [tilespmem:s23+$0x440]  }
0x187: {  	v9 =	vmul.f32 v27, v9;
	v24 =	vadd.f32 v52, v50;
	v52 =	vmul.f32 v29, v39;
	v62 =	vld [tilespmem:s23+$0x450]  }
0x188: {  	v6 =	vadd.f32 v32, v6;
	v39 =	vperm.xlane v17, v0;
	v46 =	vmul.f32 v13, v11;
	v11 =	vld [tilespmem:$0x1FF60]  }
0x189: {  	v48 =	vld [tilespmem:s23+$0x4F0];
	v8 =	vadd.f32 v14, v8;
	v20 =	vadd.f32 v58, v57;
	v57 =	vperm.xlane v34, v0  }
0x18a: {  	v9 =	vadd.f32 v15, v9;
	v17 =	vadd.f32 v39, v17  }
0x18b: {  	v49 =	vld [tilespmem:s23+$0x260];
	v58 =	vperm.xlane v6, v0;
	v19 =	vadd.f32 v57, v34;
	v15 =	vmul.f32 v59, v55  }
0x18c: {  	v59 =	vperm.xlane v8, v0;
	v18 =	vadd.f32 v61, v60;
	v60 =	vperm.xlane v9, v0;
	v44 =	vld [tilespmem:s23+$0x4E0]  }
0x18d: {  	v6 =	vadd.f32 v58, v6;
	v27 =	vmul.f32 v62, v36;
	v47 =	vmul.f32 v33, v11;
	v11 =	vld [tilespmem:$0x1FF70]  }
0x18e: {  	v23 =	vmul.f32 v48, v10;
	v8 =	vadd.f32 v59, v8;
	v9 =	vadd.f32 v60, v9  }
0x18f: {  	v6 =	vsel vm0, v19, v6;
	v62 =	vperm.xlane v24, v0;
	v15 =	vadd.f32 v27, v15  }
0x190: {  	v31 =	vld [tilespmem:s23+$0x270];
	v34 =	vperm.xlane v18, v0;
	v8 =	vsel vm0, v8, v9;
	v9 =	vperm.xlane v22, v0  }
0x191: {  	v35 =	vld [tilespmem:s23+$0x310];
	v16 =	vadd.f32 v43, v42;
	v42 =	vperm.xlane v6, v1;
	v43 =	vperm.xlane v8, v1  }
0x192: {  	v32 =	vadd.f32 v62, v24;
	v56 =	vmul.f32 v44, v63;
	v50 =	vmul.f32 v49, v11;
	v11 =	vld [tilespmem:$0x1FF80]  }
0x193: {  	v18 =	vadd.f32 v34, v18;
	v6 =	vadd.f32 v42, v6;
	v33 =	vperm.xlane v20, v0  }
0x194: {  	v3 =	vsel vm2, v3, v4;
	v8 =	vadd.f32 v43, v8;
	v13 =	vadd.f32 v23, v56  }
0x195: {  	v61 =	vperm.xlane v26, v0;
	v9 =	vadd.f32 v9, v22;
	v20 =	vadd.f32 v33, v20  }
0x196: {  	v6 =	vsel vm1, v6, v8;
	v41 =	vperm.xlane v13, v0;
	v14 =	vadd.f32 v47, v46  }
0x197: {  	v9 =	vsel vm0, v9, v20;
	v51 =	vmul.f32 v31, v11;
	v11 =	vmul.f32 v35, v40  }
0x198: {  	v13 =	vadd.f32 v41, v13;
	v36 =	vperm.xlane v14, v0;
	v45 =	vperm.xlane v9, v1  }
0x199: {  	v35 =	vperm.xlane v16, v0;
	v12 =	vadd.f32 v51, v50;
	v11 =	vadd.f32 v11, v52  }
0x19a: {  	v14 =	vadd.f32 v36, v14;
	v31 =	vadd.f32 v61, v26;
	v40 =	vperm.xlane v15, v0  }
0x19b: {  	v10 =	vld [tilespmem:$0x1FFA0];
	v16 =	vadd.f32 v35, v16;
	v37 =	vperm.xlane v12, v0;
	v38 =	vperm.xlane v11, v0  }
0x19c: {  	v63 =	vld [tilespmem:$0x1FFB0];
	v9 =	vadd.f32 v45, v9;
	v19 =	vsel vm0, v31, v32;
	v15 =	vadd.f32 v40, v15  }
0x19d: {  	v16 =	vsel vm0, v18, v16;
	v12 =	vadd.f32 v37, v12;
	v11 =	vadd.f32 v38, v11  }
0x19e: {  	v29 =	vld [tilespmem:$0x1FFF0];
	v44 =	vperm.xlane v19, v1;
	v13 =	vsel vm0, v15, v13;
	v46 =	vperm.xlane v16, v1  }
0x19f: {  	v49 =	vperm.xlane v13, v1;
	v12 =	vsel vm0, v14, v12;
	v11 =	vsel vm0, v11, v17  }
0x1a0: {  	v15 =	vadd.f32 v44, v19;
	v47 =	vperm.xlane v12, v1;
	v48 =	vperm.xlane v11, v1  }
0x1a1: {  	v55 =	vld [tilespmem:$0x1FFD0];
	v28 =	vsel vm3, v10, v63;
	v50 =	vadd.f32 v46, v16;
	v13 =	vadd.f32 v49, v13  }
0x1a2: {  	v10 =	vld [tilespmem:$0x1FFC0];
	v8 =	vsel vm1, v15, v9;
	v12 =	vadd.f32 v47, v12;
	v11 =	vadd.f32 v48, v11  }
0x1a3: {  	v57 =	vld [tilespmem:$0x1FFE0];
	v51 =	vperm.xlane v3, v29;
	v52 =	vperm.xlane v8, v2  }
0x1a4: {  	v4 =	vsel vm1, v50, v12;
	v9 =	vsel vm1, v11, v13;
	v11 =	vperm.xlane v6, v2  }
0x1a5: {  	v3 =	vadd.f32 v51, v3;
	v53 =	vperm.xlane v4, v2;
	v54 =	vperm.xlane v9, v2  }
0x1a6: {  	v5 =	vsel vm2, v5, v7;
	v8 =	vadd.f32 v52, v8;
	v6 =	vadd.f32 v11, v6  }
0x1a7: {  	v15 =	vsel vm3, v10, v55;
	v4 =	vadd.f32 v53, v4;
	v56 =	vadd.f32 v54, v9  }
0x1a8: {  	v9 =	vperm.xlane v5, v29;
	v6 =	vsel vm2, v6, v8;
	v8 =	vmul.f32 $1.442695020e+00, v57  }
0x1a9: {  	v11 =	vmul.f32 $1.442695020e+00, v28;
	v4 =	vsel vm2, v4, v56;
	v58 =	vperm.xlane v6, v29  }
0x1aa: {  	v5 =	vadd.f32 v9, v5;
	v9 =	vperm.xlane v4, v29;
	(erf) = vpow2.f32 v8  }
0x1ab: {  	v8 =	vmul.f32 $1.442695020e+00, v15;
	(erf) = vpow2.f32 v11  }
0x1ac: {  	v3 =	vsel vm3, v3, v5;
	v59 =	vadd.f32 v58, v6;
	v4 =	vadd.f32 v9, v4  }
0x1ad: {  	(erf) = vpow2.f32 v8;
	v3 =	vmul.f32 $1.442695020e+00, v3  }
0x1ae: {  	v4 =	vsel vm3, v59, v4  }
0x1af: {  	(erf) = vpow2.f32 v3;
	v3 =	vmul.f32 $1.442695020e+00, v4;
	_ =	sdelay $0x1  }
0x1b0: {  	(erf) = vpow2.f32 v3;
	_ =	sdelay $0x1  }
0x1b1: {  	v3 =	vpop (erf)  }
0x1b2: {  	v60 =	vpop (erf)  }
0x1b3: {  	v3 =	vadd.f32 v60, v3  }
0x1b4: {  	v61 =	vpop (erf)  }
0x1b5: {  	v3 =	vadd.f32 v61, v3  }
0x1b6: {  	p0 =	sne.s32 s24, $0x7C0;
	v62 =	vpop (erf)  }
.Ltmp0:
0x1b7: {  	v3 =	vadd.f32 v62, v3;
	(pc) =	sbr.rel @p0 .LBB2_2-.Ltmp0, $4  }
0x1b8: {  	v63 =	vpop (erf)  }
0x1b9: {  	s25 =	sshra.s32 s24, $0x2;
	v3 =	vadd.f32 v63, v3  }
0x1ba: {  	[tilespmem:s25+$0x18E00] =	vst v57  }
0x1bb: {  	s22 =	sadd.s32 $0x200, s22;
	s24 =	sadd.s32 $0x40, s24;
	s23 =	sadd.s32 $0xA00, s23;
	v10 =	vmov v29;
	[tilespmem:s25+$0x18C00] =	vst v3  }
0x1bc: {  	[hbm4b:s7+s2] =	stream.linear.scatter [tilespmem:s19], [sflag:$0x2], $0x200, $0x38;
	[tilespmem:$0x19000] =	vst v63  }
0x1bd: {  	s21 =	sadd.s32 $0x1, s21;
	_ =	swait.ge [sflag:s10], $0x200  }
0x1be: {  	p0 =	sne.s32 s21, s9;
	[sflag:s10] =	ssyncset.done $0x0  }
.Ltmp1:
0x1bf: {  	[sflag:s10] =	ssyncadd.s32 $0xFFFFFE00;
	(pc) =	sbr.rel @p0 .LBB2_1-.Ltmp1, $4  }
0x1c0: {  	[hbm4b:s8+s2] =	stream.linear.scatter [tilespmem:s20], [sflag:$0x2], $0x200, $0x38;
	[tilespmem:$0x19000] =	vst v63  }
0x1c1: {  	_ =	swait.ge [sflag:s10], $0x200  }
0x1c2: {  	[sflag:s10] =	ssyncset.done $0x0  }
0x1c3: {  	[sflag:s10] =	ssyncadd.s32 $0xFFFFFE00  }
0x1c4: {  	_ =	sfence.sel $0x180000  }
0x1c5: {  	[bflag:$0x0] =	sbarrier.arrive $0xFFFF  }
0x1c6: {  	_ =	strace $0x90000047  }
0x1c7: {  	s0 =	stileid.u32;
	[bflag:$0x2] =	sbarrier.arrive $0xFFFF  }
0x1c8: {  	p0 =	sne.s32 s0, $0x0;
	s0 =	rddreg [dreg:$0x2]  }
0x1c9: {  	s0 =	sadd.s32 @!p0 $0x100000, s0  }
0x1ca: {  	[sflag:s0] =	ssyncadd.tile.s32 @!p0 $0x1;
	_ =	shalt  }
.Lfunc_end2:
_tile_overlayer_lowered:
.L_overlay_start_2:
0x1cb: {  	(tag) =	ssettag $0x2  }
0x1cc: {  	s0 =	rddreg [dreg:$0x0];
	s2 =	stileid.u32  }
0x1cd: {  	s1 =	rddreg [dreg:$0x1];
	p0 =	sne.s32 s2, $0x0  }
0x1ce: {  	s3 =	rddreg [dreg:$0x2];
	[bflag:$0x3] =	sbarrier.arrive $0xFFFF;
	s2 =	simm.s32 @!p0 $0x1C02  }
0x1cf: {  	[timem:s3], [sflag:s2] =	dma.local @!p0 [hbm:s0], s1  }
0x1d0: {  	s0 =	simm.s32 @!p0 $0x2  }
0x1d1: {  	_ =	swait.ge @!p0 [sflag:s0], s1  }
0x1d2: {  	s1 =	ssub.s32 @!p0 $0x0, s1;
	[sflag:s0] =	ssyncset.done @!p0 $0x0  }
0x1d3: {  	[sflag:s0] =	ssyncadd.s32 @!p0 s1  }
0x1d4: {  	[bflag:$0x3] =	sbarrier.arrive $0xFFFF  }
0x1d5: {  	_ =	shalt  }

</sc_bundles>
